<compile_context>
chip_gen: v7x
topology: tpu7x:2x2x1
jax: 0.10.2.dev20260603
libtpu: 0.0.44.dev20260713+nightly
codegen_flags: <defaults>
</compile_context>

<pallas_src>
import functools

import jax
import jax.numpy as jnp
from jax import lax
from jax.experimental import pallas as pl
from jax.experimental.pallas import tpu as pltpu
from jax.experimental.pallas import tpu_sc as plsc

N = 10000
NP = 10240
E = 160000
NT = 16
CH = 80
B = 125
RPT = NP // NT

_f32 = jnp.float32
_mesh = plsc.VectorSubcoreMesh(core_axis_name="c", subcore_axis_name="s")



NBUF = 8
SLACK = 2


def _agg_pipeline(c, s, PE, NE, T, idx_s, idx_d, rows, acc, gsems, ssems):
    row0 = s * CH

    @pl.when(c == 0)
    def _():
        pltpu.sync_copy(PE.at[0, pl.ds(row0, CH)], idx_s)
        pltpu.sync_copy(PE.at[1, pl.ds(row0, CH)], idx_d)

    @pl.when(c == 1)
    def _():
        pltpu.sync_copy(NE.at[0, pl.ds(row0, CH)], idx_s)
        pltpu.sync_copy(NE.at[1, pl.ds(row0, CH)], idx_d)

    plsc.subcore_barrier()

    for b in range(NBUF):
        pltpu.async_copy(T.at[idx_s.at[b]], rows.at[b], gsems.at[b])

    def group(g, carry):
        for b in range(NBUF):
            j = g * NBUF + b
            pltpu.make_async_copy(T.at[idx_s.at[j]], rows.at[b],
                                  gsems.at[b]).wait()
            pltpu.async_copy(rows.at[b], acc.at[idx_d.at[j]], ssems.at[b],
                             add=True)
            r = j + NBUF - SLACK
            rb = (b + NBUF - SLACK) % NBUF

            @pl.when((r >= NBUF) & (r < CH))
            def _():
                pltpu.make_async_copy(rows.at[rb], acc.at[idx_d.at[0]],
                                      ssems.at[rb]).wait()
                pltpu.async_copy(T.at[idx_s.at[r]], rows.at[rb], gsems.at[rb])

        return carry

    lax.fori_loop(0, CH // NBUF, group, 0)
    for b in range(NBUF):
        pltpu.make_async_copy(rows.at[b], acc.at[idx_d.at[0]],
                              ssems.at[b]).wait()


def _sc_counts_body(PE, NE, Z8, ONES, outC, idx_d, ones_v, accc, osem):
    c = lax.axis_index("c")
    s = lax.axis_index("s")
    row0 = s * CH

    @pl.when(c == 0)
    def _():
        pltpu.sync_copy(PE.at[1, pl.ds(row0, CH)], idx_d)

    @pl.when(c == 1)
    def _():
        pltpu.sync_copy(NE.at[1, pl.ds(row0, CH)], idx_d)

    pltpu.sync_copy(ONES, ones_v)
    r0 = s * RPT
    pltpu.sync_copy(Z8.at[pl.ds(r0, RPT)], accc.at[pl.ds(r0, RPT)])
    plsc.subcore_barrier()

    def fire(j, carry):
        pltpu.async_copy(ones_v, accc.at[idx_d.at[j]], osem, add=True)
        return carry

    lax.fori_loop(0, CH, fire, 0)

    def drain(j, carry):
        pltpu.make_async_copy(ones_v, accc.at[idx_d.at[0]], osem).wait()
        return carry

    lax.fori_loop(0, CH, drain, 0)
    plsc.subcore_barrier()
    o0 = c * NP + r0
    pltpu.sync_copy(accc.at[pl.ds(r0, RPT)], outC.at[pl.ds(o0, RPT)])


_sc_counts = functools.partial(
    pl.kernel,
    out_type=jax.ShapeDtypeStruct((2 * NP, 8), _f32),
    mesh=_mesh,
    scratch_types=(pltpu.VMEM((CH, B), jnp.int32),
                   pltpu.VMEM((B, 8), _f32),
                   pltpu.VMEM_SHARED((NP, 8), _f32),
                   pltpu.SemaphoreType.DMA),
    compiler_params=pltpu.CompilerParams(use_tc_tiling_on_sc=False),
)(_sc_counts_body)


def _sc_agg32_body(PE, NE, T, Z32, CNT, outS, idx_s, idx_d, rows, acc,
                   gsems, ssems):
    del CNT
    c = lax.axis_index("c")
    s = lax.axis_index("s")
    r0 = s * RPT
    pltpu.sync_copy(Z32.at[pl.ds(r0, RPT)], acc.at[pl.ds(r0, RPT)])
    _agg_pipeline(c, s, PE, NE, T, idx_s, idx_d, rows, acc, gsems, ssems)
    plsc.subcore_barrier()
    o0 = c * NP + r0
    pltpu.sync_copy(acc.at[pl.ds(r0, RPT)], outS.at[pl.ds(o0, RPT)])


_sc_layer1 = functools.partial(
    pl.kernel,
    out_type=jax.ShapeDtypeStruct((2 * NP, 32), _f32),
    mesh=_mesh,
    scratch_types=(pltpu.VMEM((CH, B), jnp.int32),
                   pltpu.VMEM((CH, B), jnp.int32),
                   pltpu.VMEM((NBUF, B, 32), _f32),
                   pltpu.VMEM_SHARED((NP, 32), _f32),
                   pltpu.SemaphoreType.DMA((NBUF,)),
                   pltpu.SemaphoreType.DMA((NBUF,))),
    compiler_params=pltpu.CompilerParams(use_tc_tiling_on_sc=False),
)(_sc_agg32_body)


def _sc_agg_body(PE, NE, T, Z64, outS, idx_s, idx_d, rows, acc, gsems, ssems):
    c = lax.axis_index("c")
    s = lax.axis_index("s")
    r0 = s * RPT
    pltpu.sync_copy(Z64.at[pl.ds(r0, RPT)], acc.at[pl.ds(r0, RPT)])
    _agg_pipeline(c, s, PE, NE, T, idx_s, idx_d, rows, acc, gsems, ssems)
    plsc.subcore_barrier()
    o0 = c * NP + r0
    pltpu.sync_copy(acc.at[pl.ds(r0, RPT)], outS.at[pl.ds(o0, RPT)])


_sc_layer2 = functools.partial(
    pl.kernel,
    out_type=jax.ShapeDtypeStruct((2 * NP, 64), _f32),
    mesh=_mesh,
    scratch_types=(pltpu.VMEM((CH, B), jnp.int32),
                   pltpu.VMEM((CH, B), jnp.int32),
                   pltpu.VMEM((NBUF, B, 64), _f32),
                   pltpu.VMEM_SHARED((NP, 64), _f32),
                   pltpu.SemaphoreType.DMA((NBUF,)),
                   pltpu.SemaphoreType.DMA((NBUF,))),
    compiler_params=pltpu.CompilerParams(use_tc_tiling_on_sc=False),
)(_sc_agg_body)



def _tc1_body(x_ref, w_ref, b_ref, t_ref, r_ref):
    m = jnp.dot(x_ref[...], w_ref[...], preferred_element_type=_f32)
    t_ref[...] = m[:, 0:64]
    r_ref[...] = m[:, 64:128] + b_ref[...]


def _tc2_body(s1_ref, c_ref, r1_ref, w_ref, b_ref, u_ref, r2_ref):
    cp = jnp.maximum(c_ref[0:N, 0:1], 1.0)
    cn = jnp.maximum(c_ref[NP:NP + N, 0:1], 1.0)
    zp = jnp.maximum(r1_ref[:, 0:32] + s1_ref[0:N, :] / cp, 0.0)
    zn = jnp.maximum(r1_ref[:, 32:64] + s1_ref[NP:NP + N, :] / cn, 0.0)
    z = jnp.concatenate([zp, zn], axis=1)
    m = jnp.dot(z, w_ref[...], preferred_element_type=_f32)
    u_ref[...] = m[:, 0:128]
    r2_ref[...] = m[:, 128:192] + b_ref[...]


def _tc3_body(s2_ref, c_ref, r2_ref, out_ref):
    cp = jnp.maximum(c_ref[0:N, 0:1], 1.0)
    cn = jnp.maximum(c_ref[NP:NP + N, 0:1], 1.0)
    ap = s2_ref[0:N, :] / cp
    an = s2_ref[NP:NP + N, :] / cn
    val = jnp.maximum(r2_ref[...] + ap + an, 0.0)
    out_ref[...] = val.T



def kernel(x, pos_edge_index, neg_edge_index,
           c1_Wpl, c1_Wpr, c1_bpr, c1_Wnl, c1_Wnr, c1_bnr,
           c2_Wpl, c2_Wpr, c2_bpr, c2_Wnl, c2_Wnr, c2_bnr):
    w1 = jnp.concatenate([c1_Wpl.T, c1_Wnl.T, c1_Wpr.T, c1_Wnr.T], axis=1)
    b1 = jnp.concatenate([c1_bpr, c1_bnr]).reshape(1, 64)
    zero = jnp.zeros((32, 32), _f32)
    w2 = jnp.concatenate([
        jnp.concatenate([c2_Wpl[:, :32].T, zero, zero, c2_Wnl[:, 32:].T,
                         c2_Wpr.T, zero], axis=1),
        jnp.concatenate([zero, c2_Wnl[:, :32].T, c2_Wpl[:, 32:].T, zero,
                         zero, c2_Wnr.T], axis=1),
    ], axis=0)
    b2 = jnp.concatenate([c2_bpr, c2_bnr]).reshape(1, 64)

    scale = jnp.array([2, 1], jnp.int32).reshape(2, 1, 1)
    pe = pos_edge_index.reshape(2, NT * CH, B) * scale
    ne = (neg_edge_index.reshape(2, NT * CH, B) * scale
          + jnp.array([1, 0], jnp.int32).reshape(2, 1, 1))

    z32 = jnp.zeros((NP, 32), _f32)
    z8 = jnp.zeros((NP, 8), _f32)
    z64 = jnp.zeros((NP, 64), _f32)
    ones = jnp.ones((B, 8), _f32)

    cnt = _sc_counts(pe, ne, z8, ones)

    t1, r1 = pl.pallas_call(
        _tc1_body,
        out_shape=[jax.ShapeDtypeStruct((N, 64), _f32),
                   jax.ShapeDtypeStruct((N, 64), _f32)],
    )(x, w1, b1)

    s1 = _sc_layer1(pe, ne, t1.reshape(2 * N, 32), z32, cnt)

    u, r2 = pl.pallas_call(
        _tc2_body,
        out_shape=[jax.ShapeDtypeStruct((N, 128), _f32),
                   jax.ShapeDtypeStruct((N, 64), _f32)],
    )(s1, cnt, r1, w2, b2)

    s2 = _sc_layer2(pe, ne, u.reshape(2 * N, 64), z64)

    out_t = pl.pallas_call(
        _tc3_body,
        out_shape=jax.ShapeDtypeStruct((64, N), _f32),
    )(s2, cnt, r2)
    return out_t.T

# --- scband reference (transcript-rebuilt; emitter-appended) ---
"""Pipeline reference for scband-signed-gcn-75204877353504 (READ-ONLY COPY).

The authoritative reference and input builder live on the scoring server;
editing this copy changes nothing except your own understanding.
"""

import jax, jax.numpy as jnp
import numpy as np

N = 10000
D_IN = 128
HID = 64
H2 = HID // 2
E = 160000


def _mean_aggr(x_src, src, dst, num_nodes):
    # mean aggregation: out[dst] = mean over edges of x_src[src]
    msgs = jnp.take(x_src, src, axis=0)
    summed = jax.ops.segment_sum(msgs, dst, num_segments=num_nodes)
    cnt = jax.ops.segment_sum(jnp.ones((src.shape[0],), x_src.dtype), dst, num_segments=num_nodes)
    return summed / jnp.clip(cnt, 1.0, None)[:, None]


def _signed_conv_first(x, pe, ne, Wpl, Wpr, bpr, Wnl, Wnr, bnr):
    n = x.shape[0]
    agg_pos = _mean_aggr(x, pe[0], pe[1], n)
    out_pos = agg_pos @ Wpl.T + (x @ Wpr.T + bpr)
    agg_neg = _mean_aggr(x, ne[0], ne[1], n)
    out_neg = agg_neg @ Wnl.T + (x @ Wnr.T + bnr)
    return jnp.concatenate([out_pos, out_neg], axis=-1)


def _signed_conv_deep(z, pe, ne, f_in, Wpl, Wpr, bpr, Wnl, Wnr, bnr):
    n = z.shape[0]
    zp = z[:, :f_in]
    zn = z[:, f_in:]
    out_pos1 = _mean_aggr(zp, pe[0], pe[1], n)
    out_pos2 = _mean_aggr(zn, ne[0], ne[1], n)
    out_pos = jnp.concatenate([out_pos1, out_pos2], axis=-1) @ Wpl.T + (zp @ Wpr.T + bpr)
    out_neg1 = _mean_aggr(zn, pe[0], pe[1], n)
    out_neg2 = _mean_aggr(zp, ne[0], ne[1], n)
    out_neg = jnp.concatenate([out_neg1, out_neg2], axis=-1) @ Wnl.T + (zn @ Wnr.T + bnr)
    return jnp.concatenate([out_pos, out_neg], axis=-1)


def setup_inputs(seed: int = 0) -> dict:
    key = jax.random.key(seed)
    ks = jax.random.split(key, 16)
    s = 0.05
    inp = {}
    inp["x"] = jax.random.normal(ks[0], (N, D_IN), dtype=jnp.float32)
    inp["pos_edge_index"] = jax.random.randint(ks[1], (2, E), 0, N, dtype=jnp.int32)
    inp["neg_edge_index"] = jax.random.randint(ks[2], (2, E), 0, N, dtype=jnp.int32)
    # conv1 (first_aggr=True): in=D_IN, out=H2
    inp["c1_Wpl"] = jax.random.normal(ks[3], (H2, D_IN), dtype=jnp.float32) * s
    inp["c1_Wpr"] = jax.random.normal(ks[4], (H2, D_IN), dtype=jnp.float32) * s
    inp["c1_bpr"] = jnp.zeros((H2,), dtype=jnp.float32)
    inp["c1_Wnl"] = jax.random.normal(ks[5], (H2, D_IN), dtype=jnp.float32) * s
    inp["c1_Wnr"] = jax.random.normal(ks[6], (H2, D_IN), dtype=jnp.float32) * s
    inp["c1_bnr"] = jnp.zeros((H2,), dtype=jnp.float32)
    # conv2 (first_aggr=False): in=H2, out=H2; lin_*_l takes 2*H2 inputs
    inp["c2_Wpl"] = jax.random.normal(ks[7], (H2, 2 * H2), dtype=jnp.float32) * s
    inp["c2_Wpr"] = jax.random.normal(ks[8], (H2, H2), dtype=jnp.float32) * s
    inp["c2_bpr"] = jnp.zeros((H2,), dtype=jnp.float32)
    inp["c2_Wnl"] = jax.random.normal(ks[9], (H2, 2 * H2), dtype=jnp.float32) * s
    inp["c2_Wnr"] = jax.random.normal(ks[10], (H2, H2), dtype=jnp.float32) * s
    inp["c2_bnr"] = jnp.zeros((H2,), dtype=jnp.float32)
    return inp


def reference(x, pos_edge_index, neg_edge_index,
              c1_Wpl, c1_Wpr, c1_bpr, c1_Wnl, c1_Wnr, c1_bnr,
              c2_Wpl, c2_Wpr, c2_bpr, c2_Wnl, c2_Wnr, c2_bnr):
    z = jax.nn.relu(_signed_conv_first(x, pos_edge_index, neg_edge_index,
                                       c1_Wpl, c1_Wpr, c1_bpr, c1_Wnl, c1_Wnr, c1_bnr))
    z = jax.nn.relu(_signed_conv_deep(z, pos_edge_index, neg_edge_index, H2,
                                      c2_Wpl, c2_Wpr, c2_bpr, c2_Wnl, c2_Wnr, c2_bnr))
    return z

if __name__ == "__main__":
    import jax
    _d = setup_inputs()
    print(jax.jit(kernel)(*tuple(_d.values())))

</pallas_src>

<mosaic_0001>
#map = affine_map<(d0, d1) -> (0, 0, 0)>
#map1 = affine_map<(d0, d1) -> (0, 0)>
module attributes {stable_mosaic.version = 14 : i64} {
  func.func @_sc_counts_body(%arg0: i32, %arg1: i32, %arg2: memref<2x1280x125xi32, #tpu.memory_space<hbm>>, %arg3: memref<2x1280x125xi32, #tpu.memory_space<hbm>>, %arg4: memref<10240x8xf32, #tpu.memory_space<hbm>>, %arg5: memref<125x8xf32, #tpu.memory_space<hbm>>, %arg6: memref<20480x8xf32, #tpu.memory_space<hbm>>, %arg7: memref<80x125xi32, #tpu.memory_space<vmem>>, %arg8: memref<125x8xf32, #tpu.memory_space<vmem>>, %arg9: memref<10240x8xf32, #tpu.memory_space<vmem_shared>>, %arg10: memref<!tpu.dma_semaphore, #tpu.memory_space<semaphore_mem>>) attributes {dimension_semantics = [#tpu.dimension_semantics<core_parallel>, #tpu.dimension_semantics<subcore_parallel>], iteration_bounds = array<i64: 2, 16>, scalar_prefetch = 0 : i64, scratch_operands = 4 : i64, tpu.core_type = #tpu.core_type<sc_vector_subcore>, window_params = [{transform_indices = #map}, {transform_indices = #map}, {transform_indices = #map1}, {transform_indices = #map1}, {transform_indices = #map1}]} {
    %mul3A = arith.constant 80 : i32
    %mul3A_0 = arith.muli %arg1, %mul3A : i32
    %eq3A = arith.constant 0 : i32
    %eq3A_1 = arith.cmpi eq, %arg0, %eq3A : i32
    %convert_element_type3A = arith.extui %eq3A_1 : i1 to i32
    %cond3A = arith.constant 0 : i32
    %cond3A_2 = arith.cmpi ne, %convert_element_type3A, %cond3A : i32
    scf.if %cond3A_2 {
      %run_scoped3A = arith.constant 1 : i32
      "tpu.region"() ({
        %run_scoped3A_24 = tpu.sem_alloc : memref<!tpu.dma_semaphore, #tpu.memory_space<semaphore_mem>>
        %dma_start3A = arith.constant 0 : i32
        %dma_start3A_25 = tpu.memref_slice %arg2[%run_scoped3A, %mul3A_0, %dma_start3A] : memref<2x1280x125xi32, #tpu.memory_space<hbm>> -> memref<1x80x125xi32, #tpu.memory_space<hbm>>
        %dma_start3A_26 = tpu.memref_squeeze %dma_start3A_25 : memref<1x80x125xi32, #tpu.memory_space<hbm>> -> memref<80x125xi32, #tpu.memory_space<hbm>>
        %dma_start3A_27 = arith.constant 0 : i32
        %dma_start3A_28 = tpu.memref_slice %arg2[%run_scoped3A, %mul3A_0, %dma_start3A_27] : memref<2x1280x125xi32, #tpu.memory_space<hbm>> -> memref<1x80x125xi32, #tpu.memory_space<hbm>>
        %dma_start3A_29 = tpu.memref_squeeze %dma_start3A_28 : memref<1x80x125xi32, #tpu.memory_space<hbm>> -> memref<80x125xi32, #tpu.memory_space<hbm>>
        tpu.enqueue_dma source(%dma_start3A_29 : memref<80x125xi32, #tpu.memory_space<hbm>>) target(%arg7 : memref<80x125xi32, #tpu.memory_space<vmem>>) target_semaphore(%run_scoped3A_24 : memref<!tpu.dma_semaphore, #tpu.memory_space<semaphore_mem>>)
        %dma_wait3A = arith.constant 0 : i32
        %dma_wait3A_30 = tpu.memref_slice %arg2[%run_scoped3A, %mul3A_0, %dma_wait3A] : memref<2x1280x125xi32, #tpu.memory_space<hbm>> -> memref<1x80x125xi32, #tpu.memory_space<hbm>>
        %dma_wait3A_31 = tpu.memref_squeeze %dma_wait3A_30 : memref<1x80x125xi32, #tpu.memory_space<hbm>> -> memref<80x125xi32, #tpu.memory_space<hbm>>
        %dma_wait3A_32 = arith.constant 0 : i32
        %dma_wait3A_33 = tpu.memref_slice %arg2[%run_scoped3A, %mul3A_0, %dma_wait3A_32] : memref<2x1280x125xi32, #tpu.memory_space<hbm>> -> memref<1x80x125xi32, #tpu.memory_space<hbm>>
        %dma_wait3A_34 = tpu.memref_squeeze %dma_wait3A_33 : memref<1x80x125xi32, #tpu.memory_space<hbm>> -> memref<80x125xi32, #tpu.memory_space<hbm>>
        tpu.wait_dma2 semaphore(%run_scoped3A_24 : memref<!tpu.dma_semaphore, #tpu.memory_space<semaphore_mem>>) src(%dma_wait3A_34 : memref<80x125xi32, #tpu.memory_space<hbm>>) dst(%arg7 : memref<80x125xi32, #tpu.memory_space<vmem>>)
        tpu.yield
      }) : () -> ()
    } else {
    }
    %eq3A_3 = arith.constant 1 : i32
    %eq3A_4 = arith.cmpi eq, %arg0, %eq3A_3 : i32
    %convert_element_type3A_5 = arith.extui %eq3A_4 : i1 to i32
    %cond3A_6 = arith.constant 0 : i32
    %cond3A_7 = arith.cmpi ne, %convert_element_type3A_5, %cond3A_6 : i32
    scf.if %cond3A_7 {
      %run_scoped3A = arith.constant 1 : i32
      "tpu.region"() ({
        %run_scoped3A_24 = tpu.sem_alloc : memref<!tpu.dma_semaphore, #tpu.memory_space<semaphore_mem>>
        %dma_start3A = arith.constant 0 : i32
        %dma_start3A_25 = tpu.memref_slice %arg3[%run_scoped3A, %mul3A_0, %dma_start3A] : memref<2x1280x125xi32, #tpu.memory_space<hbm>> -> memref<1x80x125xi32, #tpu.memory_space<hbm>>
        %dma_start3A_26 = tpu.memref_squeeze %dma_start3A_25 : memref<1x80x125xi32, #tpu.memory_space<hbm>> -> memref<80x125xi32, #tpu.memory_space<hbm>>
        %dma_start3A_27 = arith.constant 0 : i32
        %dma_start3A_28 = tpu.memref_slice %arg3[%run_scoped3A, %mul3A_0, %dma_start3A_27] : memref<2x1280x125xi32, #tpu.memory_space<hbm>> -> memref<1x80x125xi32, #tpu.memory_space<hbm>>
        %dma_start3A_29 = tpu.memref_squeeze %dma_start3A_28 : memref<1x80x125xi32, #tpu.memory_space<hbm>> -> memref<80x125xi32, #tpu.memory_space<hbm>>
        tpu.enqueue_dma source(%dma_start3A_29 : memref<80x125xi32, #tpu.memory_space<hbm>>) target(%arg7 : memref<80x125xi32, #tpu.memory_space<vmem>>) target_semaphore(%run_scoped3A_24 : memref<!tpu.dma_semaphore, #tpu.memory_space<semaphore_mem>>)
        %dma_wait3A = arith.constant 0 : i32
        %dma_wait3A_30 = tpu.memref_slice %arg3[%run_scoped3A, %mul3A_0, %dma_wait3A] : memref<2x1280x125xi32, #tpu.memory_space<hbm>> -> memref<1x80x125xi32, #tpu.memory_space<hbm>>
        %dma_wait3A_31 = tpu.memref_squeeze %dma_wait3A_30 : memref<1x80x125xi32, #tpu.memory_space<hbm>> -> memref<80x125xi32, #tpu.memory_space<hbm>>
        %dma_wait3A_32 = arith.constant 0 : i32
        %dma_wait3A_33 = tpu.memref_slice %arg3[%run_scoped3A, %mul3A_0, %dma_wait3A_32] : memref<2x1280x125xi32, #tpu.memory_space<hbm>> -> memref<1x80x125xi32, #tpu.memory_space<hbm>>
        %dma_wait3A_34 = tpu.memref_squeeze %dma_wait3A_33 : memref<1x80x125xi32, #tpu.memory_space<hbm>> -> memref<80x125xi32, #tpu.memory_space<hbm>>
        tpu.wait_dma2 semaphore(%run_scoped3A_24 : memref<!tpu.dma_semaphore, #tpu.memory_space<semaphore_mem>>) src(%dma_wait3A_34 : memref<80x125xi32, #tpu.memory_space<hbm>>) dst(%arg7 : memref<80x125xi32, #tpu.memory_space<vmem>>)
        tpu.yield
      }) : () -> ()
    } else {
    }
    "tpu.region"() ({
      %run_scoped3A = tpu.sem_alloc : memref<!tpu.dma_semaphore, #tpu.memory_space<semaphore_mem>>
      tpu.enqueue_dma source(%arg5 : memref<125x8xf32, #tpu.memory_space<hbm>>) target(%arg8 : memref<125x8xf32, #tpu.memory_space<vmem>>) target_semaphore(%run_scoped3A : memref<!tpu.dma_semaphore, #tpu.memory_space<semaphore_mem>>)
      tpu.wait_dma2 semaphore(%run_scoped3A : memref<!tpu.dma_semaphore, #tpu.memory_space<semaphore_mem>>) src(%arg5 : memref<125x8xf32, #tpu.memory_space<hbm>>) dst(%arg8 : memref<125x8xf32, #tpu.memory_space<vmem>>)
      tpu.yield
    }) : () -> ()
    %mul3A_8 = arith.constant 640 : i32
    %mul3A_9 = arith.muli %arg1, %mul3A_8 : i32
    "tpu.region"() ({
      %run_scoped3A = tpu.sem_alloc : memref<!tpu.dma_semaphore, #tpu.memory_space<semaphore_mem>>
      %dma_start3A = arith.constant 0 : i32
      %dma_start3A_24 = tpu.memref_slice %arg9[%mul3A_9, %dma_start3A] : memref<10240x8xf32, #tpu.memory_space<vmem_shared>> -> memref<640x8xf32, #tpu.memory_space<vmem_shared>>
      %dma_start3A_25 = arith.constant 0 : i32
      %dma_start3A_26 = tpu.memref_slice %arg4[%mul3A_9, %dma_start3A_25] : memref<10240x8xf32, #tpu.memory_space<hbm>> -> memref<640x8xf32, #tpu.memory_space<hbm>>
      tpu.enqueue_dma source(%dma_start3A_26 : memref<640x8xf32, #tpu.memory_space<hbm>>) target(%dma_start3A_24 : memref<640x8xf32, #tpu.memory_space<vmem_shared>>) target_semaphore(%run_scoped3A : memref<!tpu.dma_semaphore, #tpu.memory_space<semaphore_mem>>)
      %dma_wait3A = arith.constant 0 : i32
      %dma_wait3A_27 = tpu.memref_slice %arg9[%mul3A_9, %dma_wait3A] : memref<10240x8xf32, #tpu.memory_space<vmem_shared>> -> memref<640x8xf32, #tpu.memory_space<vmem_shared>>
      %dma_wait3A_28 = arith.constant 0 : i32
      %dma_wait3A_29 = tpu.memref_slice %arg4[%mul3A_9, %dma_wait3A_28] : memref<10240x8xf32, #tpu.memory_space<hbm>> -> memref<640x8xf32, #tpu.memory_space<hbm>>
      tpu.wait_dma2 semaphore(%run_scoped3A : memref<!tpu.dma_semaphore, #tpu.memory_space<semaphore_mem>>) src(%dma_wait3A_29 : memref<640x8xf32, #tpu.memory_space<hbm>>) dst(%dma_wait3A_27 : memref<640x8xf32, #tpu.memory_space<vmem_shared>>)
      tpu.yield
    }) : () -> ()
    %barrier3A = arith.constant 0 : index
    tpu.barrier barrier_id(%barrier3A)
    %scan3A = arith.constant 0 : i32
    %scan3A_10 = arith.constant 0 : i32
    %scan3A_11 = arith.constant 80 : i32
    %scan3A_12 = arith.addi %scan3A_10, %scan3A_11 : i32
    %scan3A_13 = arith.constant 1 : i32
    scf.for %scan3A_24 = %scan3A_10 to %scan3A_12 step %scan3A_13  : i32 {
      %dma_start3A = arith.constant 0 : i32
      %dma_start3A_25 = tpu.memref_slice %arg7[%scan3A_24, %dma_start3A] : memref<80x125xi32, #tpu.memory_space<vmem>> -> memref<1x125xi32, #tpu.memory_space<vmem>>
      %dma_start3A_26 = tpu.memref_squeeze %dma_start3A_25 : memref<1x125xi32, #tpu.memory_space<vmem>> -> memref<125xi32, #tpu.memory_space<vmem>>
      %dma_start3A_27 = arith.constant 0 : i32
      %dma_start3A_28 = arith.constant 0 : i32
      %dma_start3A_29 = tpu.memref_slice %arg9[%dma_start3A_27, %dma_start3A_28] : memref<10240x8xf32, #tpu.memory_space<vmem_shared>> -> memref<10240x8xf32, #tpu.memory_space<vmem_shared>>
      tpu.enqueue_indirect_dma source(%arg8 : memref<125x8xf32, #tpu.memory_space<vmem>>) target(%dma_start3A_29 : memref<10240x8xf32, #tpu.memory_space<vmem_shared>>) offsets(%dma_start3A_26 : memref<125xi32, #tpu.memory_space<vmem>>) semaphore(%arg10 : memref<!tpu.dma_semaphore, #tpu.memory_space<semaphore_mem>>) {add = true}
    }
    %scan3A_14 = arith.constant 80 : i32
    %scan3A_15 = arith.constant 0 : i32
    %scan3A_16 = arith.constant 0 : i32
    %scan3A_17 = arith.constant 80 : i32
    %scan3A_18 = arith.addi %scan3A_16, %scan3A_17 : i32
    %scan3A_19 = arith.constant 1 : i32
    scf.for %scan3A_24 = %scan3A_16 to %scan3A_18 step %scan3A_19  : i32 {
      %dma_wait3A = arith.constant 0 : i32
      %dma_wait3A_25 = arith.constant 0 : i32
      %dma_wait3A_26 = tpu.memref_slice %arg7[%dma_wait3A, %dma_wait3A_25] : memref<80x125xi32, #tpu.memory_space<vmem>> -> memref<1x125xi32, #tpu.memory_space<vmem>>
      %dma_wait3A_27 = tpu.memref_squeeze %dma_wait3A_26 : memref<1x125xi32, #tpu.memory_space<vmem>> -> memref<125xi32, #tpu.memory_space<vmem>>
      %dma_wait3A_28 = arith.constant 0 : i32
      %dma_wait3A_29 = arith.constant 0 : i32
      %dma_wait3A_30 = tpu.memref_slice %arg9[%dma_wait3A_28, %dma_wait3A_29] : memref<10240x8xf32, #tpu.memory_space<vmem_shared>> -> memref<10240x8xf32, #tpu.memory_space<vmem_shared>>
      tpu.wait_indirect_dma semaphore(%arg10 : memref<!tpu.dma_semaphore, #tpu.memory_space<semaphore_mem>>) src(%arg8 : memref<125x8xf32, #tpu.memory_space<vmem>>) dst(%dma_wait3A_30 : memref<10240x8xf32, #tpu.memory_space<vmem_shared>>)
    }
    %scan3A_20 = arith.constant 80 : i32
    %barrier3A_21 = arith.constant 0 : index
    tpu.barrier barrier_id(%barrier3A_21)
    %mul3A_22 = arith.constant 10240 : i32
    %mul3A_23 = arith.muli %arg0, %mul3A_22 : i32
    %add3A = arith.addi %mul3A_23, %mul3A_9 : i32
    "tpu.region"() ({
      %run_scoped3A = tpu.sem_alloc : memref<!tpu.dma_semaphore, #tpu.memory_space<semaphore_mem>>
      %dma_start3A = arith.constant 0 : i32
      %dma_start3A_24 = tpu.memref_slice %arg6[%add3A, %dma_start3A] : memref<20480x8xf32, #tpu.memory_space<hbm>> -> memref<640x8xf32, #tpu.memory_space<hbm>>
      %dma_start3A_25 = arith.constant 0 : i32
      %dma_start3A_26 = tpu.memref_slice %arg9[%mul3A_9, %dma_start3A_25] : memref<10240x8xf32, #tpu.memory_space<vmem_shared>> -> memref<640x8xf32, #tpu.memory_space<vmem_shared>>
      tpu.enqueue_dma source(%dma_start3A_26 : memref<640x8xf32, #tpu.memory_space<vmem_shared>>) target(%dma_start3A_24 : memref<640x8xf32, #tpu.memory_space<hbm>>) target_semaphore(%run_scoped3A : memref<!tpu.dma_semaphore, #tpu.memory_space<semaphore_mem>>)
      %dma_wait3A = arith.constant 0 : i32
      %dma_wait3A_27 = tpu.memref_slice %arg6[%add3A, %dma_wait3A] : memref<20480x8xf32, #tpu.memory_space<hbm>> -> memref<640x8xf32, #tpu.memory_space<hbm>>
      %dma_wait3A_28 = arith.constant 0 : i32
      %dma_wait3A_29 = tpu.memref_slice %arg9[%mul3A_9, %dma_wait3A_28] : memref<10240x8xf32, #tpu.memory_space<vmem_shared>> -> memref<640x8xf32, #tpu.memory_space<vmem_shared>>
      tpu.wait_dma2 semaphore(%run_scoped3A : memref<!tpu.dma_semaphore, #tpu.memory_space<semaphore_mem>>) src(%dma_wait3A_29 : memref<640x8xf32, #tpu.memory_space<vmem_shared>>) dst(%dma_wait3A_27 : memref<640x8xf32, #tpu.memory_space<hbm>>)
      tpu.yield
    }) : () -> ()
    return
  }
}

#map = affine_map<(d0, d1) -> (0, 0, 0)>
#map1 = affine_map<(d0, d1) -> (0, 0)>
module attributes {stable_mosaic.version = 14 : i64} {
  func.func @_sc_agg32_body(%arg0: i32, %arg1: i32, %arg2: memref<2x1280x125xi32, #tpu.memory_space<hbm>>, %arg3: memref<2x1280x125xi32, #tpu.memory_space<hbm>>, %arg4: memref<20000x32xf32, #tpu.memory_space<hbm>>, %arg5: memref<10240x32xf32, #tpu.memory_space<hbm>>, %arg6: memref<20480x8xf32, #tpu.memory_space<hbm>>, %arg7: memref<20480x32xf32, #tpu.memory_space<hbm>>, %arg8: memref<80x125xi32, #tpu.memory_space<vmem>>, %arg9: memref<80x125xi32, #tpu.memory_space<vmem>>, %arg10: memref<8x125x32xf32, #tpu.memory_space<vmem>>, %arg11: memref<10240x32xf32, #tpu.memory_space<vmem_shared>>, %arg12: memref<8x!tpu.dma_semaphore, #tpu.memory_space<semaphore_mem>>, %arg13: memref<8x!tpu.dma_semaphore, #tpu.memory_space<semaphore_mem>>) attributes {dimension_semantics = [#tpu.dimension_semantics<core_parallel>, #tpu.dimension_semantics<subcore_parallel>], iteration_bounds = array<i64: 2, 16>, scalar_prefetch = 0 : i64, scratch_operands = 6 : i64, tpu.core_type = #tpu.core_type<sc_vector_subcore>, window_params = [{transform_indices = #map}, {transform_indices = #map}, {transform_indices = #map1}, {transform_indices = #map1}, {transform_indices = #map1}, {transform_indices = #map1}]} {
    %mul3A = arith.constant 640 : i32
    %mul3A_0 = arith.muli %arg1, %mul3A : i32
    "tpu.region"() ({
      %run_scoped3A = tpu.sem_alloc : memref<!tpu.dma_semaphore, #tpu.memory_space<semaphore_mem>>
      %dma_start3A_256 = arith.constant 0 : i32
      %dma_start3A_257 = tpu.memref_slice %arg11[%mul3A_0, %dma_start3A_256] : memref<10240x32xf32, #tpu.memory_space<vmem_shared>> -> memref<640x32xf32, #tpu.memory_space<vmem_shared>>
      %dma_start3A_258 = arith.constant 0 : i32
      %dma_start3A_259 = tpu.memref_slice %arg5[%mul3A_0, %dma_start3A_258] : memref<10240x32xf32, #tpu.memory_space<hbm>> -> memref<640x32xf32, #tpu.memory_space<hbm>>
      tpu.enqueue_dma source(%dma_start3A_259 : memref<640x32xf32, #tpu.memory_space<hbm>>) target(%dma_start3A_257 : memref<640x32xf32, #tpu.memory_space<vmem_shared>>) target_semaphore(%run_scoped3A : memref<!tpu.dma_semaphore, #tpu.memory_space<semaphore_mem>>)
      %dma_wait3A_260 = arith.constant 0 : i32
      %dma_wait3A_261 = tpu.memref_slice %arg11[%mul3A_0, %dma_wait3A_260] : memref<10240x32xf32, #tpu.memory_space<vmem_shared>> -> memref<640x32xf32, #tpu.memory_space<vmem_shared>>
      %dma_wait3A_262 = arith.constant 0 : i32
      %dma_wait3A_263 = tpu.memref_slice %arg5[%mul3A_0, %dma_wait3A_262] : memref<10240x32xf32, #tpu.memory_space<hbm>> -> memref<640x32xf32, #tpu.memory_space<hbm>>
      tpu.wait_dma2 semaphore(%run_scoped3A : memref<!tpu.dma_semaphore, #tpu.memory_space<semaphore_mem>>) src(%dma_wait3A_263 : memref<640x32xf32, #tpu.memory_space<hbm>>) dst(%dma_wait3A_261 : memref<640x32xf32, #tpu.memory_space<vmem_shared>>)
      tpu.yield
    }) : () -> ()
    %mul3A_1 = arith.constant 80 : i32
    %mul3A_2 = arith.muli %arg1, %mul3A_1 : i32
    %eq3A = arith.constant 0 : i32
    %eq3A_3 = arith.cmpi eq, %arg0, %eq3A : i32
    %convert_element_type3A = arith.extui %eq3A_3 : i1 to i32
    %cond3A = arith.constant 0 : i32
    %cond3A_4 = arith.cmpi ne, %convert_element_type3A, %cond3A : i32
    scf.if %cond3A_4 {
      %run_scoped3A = arith.constant 0 : i32
      "tpu.region"() ({
        %run_scoped3A_257 = tpu.sem_alloc : memref<!tpu.dma_semaphore, #tpu.memory_space<semaphore_mem>>
        %dma_start3A_258 = arith.constant 0 : i32
        %dma_start3A_259 = tpu.memref_slice %arg2[%run_scoped3A, %mul3A_2, %dma_start3A_258] : memref<2x1280x125xi32, #tpu.memory_space<hbm>> -> memref<1x80x125xi32, #tpu.memory_space<hbm>>
        %dma_start3A_260 = tpu.memref_squeeze %dma_start3A_259 : memref<1x80x125xi32, #tpu.memory_space<hbm>> -> memref<80x125xi32, #tpu.memory_space<hbm>>
        %dma_start3A_261 = arith.constant 0 : i32
        %dma_start3A_262 = tpu.memref_slice %arg2[%run_scoped3A, %mul3A_2, %dma_start3A_261] : memref<2x1280x125xi32, #tpu.memory_space<hbm>> -> memref<1x80x125xi32, #tpu.memory_space<hbm>>
        %dma_start3A_263 = tpu.memref_squeeze %dma_start3A_262 : memref<1x80x125xi32, #tpu.memory_space<hbm>> -> memref<80x125xi32, #tpu.memory_space<hbm>>
        tpu.enqueue_dma source(%dma_start3A_263 : memref<80x125xi32, #tpu.memory_space<hbm>>) target(%arg8 : memref<80x125xi32, #tpu.memory_space<vmem>>) target_semaphore(%run_scoped3A_257 : memref<!tpu.dma_semaphore, #tpu.memory_space<semaphore_mem>>)
        %dma_wait3A_264 = arith.constant 0 : i32
        %dma_wait3A_265 = tpu.memref_slice %arg2[%run_scoped3A, %mul3A_2, %dma_wait3A_264] : memref<2x1280x125xi32, #tpu.memory_space<hbm>> -> memref<1x80x125xi32, #tpu.memory_space<hbm>>
        %dma_wait3A_266 = tpu.memref_squeeze %dma_wait3A_265 : memref<1x80x125xi32, #tpu.memory_space<hbm>> -> memref<80x125xi32, #tpu.memory_space<hbm>>
        %dma_wait3A_267 = arith.constant 0 : i32
        %dma_wait3A_268 = tpu.memref_slice %arg2[%run_scoped3A, %mul3A_2, %dma_wait3A_267] : memref<2x1280x125xi32, #tpu.memory_space<hbm>> -> memref<1x80x125xi32, #tpu.memory_space<hbm>>
        %dma_wait3A_269 = tpu.memref_squeeze %dma_wait3A_268 : memref<1x80x125xi32, #tpu.memory_space<hbm>> -> memref<80x125xi32, #tpu.memory_space<hbm>>
        tpu.wait_dma2 semaphore(%run_scoped3A_257 : memref<!tpu.dma_semaphore, #tpu.memory_space<semaphore_mem>>) src(%dma_wait3A_269 : memref<80x125xi32, #tpu.memory_space<hbm>>) dst(%arg8 : memref<80x125xi32, #tpu.memory_space<vmem>>)
        tpu.yield
      }) : () -> ()
      %run_scoped3A_256 = arith.constant 1 : i32
      "tpu.region"() ({
        %run_scoped3A_257 = tpu.sem_alloc : memref<!tpu.dma_semaphore, #tpu.memory_space<semaphore_mem>>
        %dma_start3A_258 = arith.constant 0 : i32
        %dma_start3A_259 = tpu.memref_slice %arg2[%run_scoped3A_256, %mul3A_2, %dma_start3A_258] : memref<2x1280x125xi32, #tpu.memory_space<hbm>> -> memref<1x80x125xi32, #tpu.memory_space<hbm>>
        %dma_start3A_260 = tpu.memref_squeeze %dma_start3A_259 : memref<1x80x125xi32, #tpu.memory_space<hbm>> -> memref<80x125xi32, #tpu.memory_space<hbm>>
        %dma_start3A_261 = arith.constant 0 : i32
        %dma_start3A_262 = tpu.memref_slice %arg2[%run_scoped3A_256, %mul3A_2, %dma_start3A_261] : memref<2x1280x125xi32, #tpu.memory_space<hbm>> -> memref<1x80x125xi32, #tpu.memory_space<hbm>>
        %dma_start3A_263 = tpu.memref_squeeze %dma_start3A_262 : memref<1x80x125xi32, #tpu.memory_space<hbm>> -> memref<80x125xi32, #tpu.memory_space<hbm>>
        tpu.enqueue_dma source(%dma_start3A_263 : memref<80x125xi32, #tpu.memory_space<hbm>>) target(%arg9 : memref<80x125xi32, #tpu.memory_space<vmem>>) target_semaphore(%run_scoped3A_257 : memref<!tpu.dma_semaphore, #tpu.memory_space<semaphore_mem>>)
        %dma_wait3A_264 = arith.constant 0 : i32
        %dma_wait3A_265 = tpu.memref_slice %arg2[%run_scoped3A_256, %mul3A_2, %dma_wait3A_264] : memref<2x1280x125xi32, #tpu.memory_space<hbm>> -> memref<1x80x125xi32, #tpu.memory_space<hbm>>
        %dma_wait3A_266 = tpu.memref_squeeze %dma_wait3A_265 : memref<1x80x125xi32, #tpu.memory_space<hbm>> -> memref<80x125xi32, #tpu.memory_space<hbm>>
        %dma_wait3A_267 = arith.constant 0 : i32
        %dma_wait3A_268 = tpu.memref_slice %arg2[%run_scoped3A_256, %mul3A_2, %dma_wait3A_267] : memref<2x1280x125xi32, #tpu.memory_space<hbm>> -> memref<1x80x125xi32, #tpu.memory_space<hbm>>
        %dma_wait3A_269 = tpu.memref_squeeze %dma_wait3A_268 : memref<1x80x125xi32, #tpu.memory_space<hbm>> -> memref<80x125xi32, #tpu.memory_space<hbm>>
        tpu.wait_dma2 semaphore(%run_scoped3A_257 : memref<!tpu.dma_semaphore, #tpu.memory_space<semaphore_mem>>) src(%dma_wait3A_269 : memref<80x125xi32, #tpu.memory_space<hbm>>) dst(%arg9 : memref<80x125xi32, #tpu.memory_space<vmem>>)
        tpu.yield
      }) : () -> ()
    } else {
    }
    %eq3A_5 = arith.constant 1 : i32
    %eq3A_6 = arith.cmpi eq, %arg0, %eq3A_5 : i32
    %convert_element_type3A_7 = arith.extui %eq3A_6 : i1 to i32
    %cond3A_8 = arith.constant 0 : i32
    %cond3A_9 = arith.cmpi ne, %convert_element_type3A_7, %cond3A_8 : i32
    scf.if %cond3A_9 {
      %run_scoped3A = arith.constant 0 : i32
      "tpu.region"() ({
        %run_scoped3A_257 = tpu.sem_alloc : memref<!tpu.dma_semaphore, #tpu.memory_space<semaphore_mem>>
        %dma_start3A_258 = arith.constant 0 : i32
        %dma_start3A_259 = tpu.memref_slice %arg3[%run_scoped3A, %mul3A_2, %dma_start3A_258] : memref<2x1280x125xi32, #tpu.memory_space<hbm>> -> memref<1x80x125xi32, #tpu.memory_space<hbm>>
        %dma_start3A_260 = tpu.memref_squeeze %dma_start3A_259 : memref<1x80x125xi32, #tpu.memory_space<hbm>> -> memref<80x125xi32, #tpu.memory_space<hbm>>
        %dma_start3A_261 = arith.constant 0 : i32
        %dma_start3A_262 = tpu.memref_slice %arg3[%run_scoped3A, %mul3A_2, %dma_start3A_261] : memref<2x1280x125xi32, #tpu.memory_space<hbm>> -> memref<1x80x125xi32, #tpu.memory_space<hbm>>
        %dma_start3A_263 = tpu.memref_squeeze %dma_start3A_262 : memref<1x80x125xi32, #tpu.memory_space<hbm>> -> memref<80x125xi32, #tpu.memory_space<hbm>>
        tpu.enqueue_dma source(%dma_start3A_263 : memref<80x125xi32, #tpu.memory_space<hbm>>) target(%arg8 : memref<80x125xi32, #tpu.memory_space<vmem>>) target_semaphore(%run_scoped3A_257 : memref<!tpu.dma_semaphore, #tpu.memory_space<semaphore_mem>>)
        %dma_wait3A_264 = arith.constant 0 : i32
        %dma_wait3A_265 = tpu.memref_slice %arg3[%run_scoped3A, %mul3A_2, %dma_wait3A_264] : memref<2x1280x125xi32, #tpu.memory_space<hbm>> -> memref<1x80x125xi32, #tpu.memory_space<hbm>>
        %dma_wait3A_266 = tpu.memref_squeeze %dma_wait3A_265 : memref<1x80x125xi32, #tpu.memory_space<hbm>> -> memref<80x125xi32, #tpu.memory_space<hbm>>
        %dma_wait3A_267 = arith.constant 0 : i32
        %dma_wait3A_268 = tpu.memref_slice %arg3[%run_scoped3A, %mul3A_2, %dma_wait3A_267] : memref<2x1280x125xi32, #tpu.memory_space<hbm>> -> memref<1x80x125xi32, #tpu.memory_space<hbm>>
        %dma_wait3A_269 = tpu.memref_squeeze %dma_wait3A_268 : memref<1x80x125xi32, #tpu.memory_space<hbm>> -> memref<80x125xi32, #tpu.memory_space<hbm>>
        tpu.wait_dma2 semaphore(%run_scoped3A_257 : memref<!tpu.dma_semaphore, #tpu.memory_space<semaphore_mem>>) src(%dma_wait3A_269 : memref<80x125xi32, #tpu.memory_space<hbm>>) dst(%arg8 : memref<80x125xi32, #tpu.memory_space<vmem>>)
        tpu.yield
      }) : () -> ()
      %run_scoped3A_256 = arith.constant 1 : i32
      "tpu.region"() ({
        %run_scoped3A_257 = tpu.sem_alloc : memref<!tpu.dma_semaphore, #tpu.memory_space<semaphore_mem>>
        %dma_start3A_258 = arith.constant 0 : i32
        %dma_start3A_259 = tpu.memref_slice %arg3[%run_scoped3A_256, %mul3A_2, %dma_start3A_258] : memref<2x1280x125xi32, #tpu.memory_space<hbm>> -> memref<1x80x125xi32, #tpu.memory_space<hbm>>
        %dma_start3A_260 = tpu.memref_squeeze %dma_start3A_259 : memref<1x80x125xi32, #tpu.memory_space<hbm>> -> memref<80x125xi32, #tpu.memory_space<hbm>>
        %dma_start3A_261 = arith.constant 0 : i32
        %dma_start3A_262 = tpu.memref_slice %arg3[%run_scoped3A_256, %mul3A_2, %dma_start3A_261] : memref<2x1280x125xi32, #tpu.memory_space<hbm>> -> memref<1x80x125xi32, #tpu.memory_space<hbm>>
        %dma_start3A_263 = tpu.memref_squeeze %dma_start3A_262 : memref<1x80x125xi32, #tpu.memory_space<hbm>> -> memref<80x125xi32, #tpu.memory_space<hbm>>
        tpu.enqueue_dma source(%dma_start3A_263 : memref<80x125xi32, #tpu.memory_space<hbm>>) target(%arg9 : memref<80x125xi32, #tpu.memory_space<vmem>>) target_semaphore(%run_scoped3A_257 : memref<!tpu.dma_semaphore, #tpu.memory_space<semaphore_mem>>)
        %dma_wait3A_264 = arith.constant 0 : i32
        %dma_wait3A_265 = tpu.memref_slice %arg3[%run_scoped3A_256, %mul3A_2, %dma_wait3A_264] : memref<2x1280x125xi32, #tpu.memory_space<hbm>> -> memref<1x80x125xi32, #tpu.memory_space<hbm>>
        %dma_wait3A_266 = tpu.memref_squeeze %dma_wait3A_265 : memref<1x80x125xi32, #tpu.memory_space<hbm>> -> memref<80x125xi32, #tpu.memory_space<hbm>>
        %dma_wait3A_267 = arith.constant 0 : i32
        %dma_wait3A_268 = tpu.memref_slice %arg3[%run_scoped3A_256, %mul3A_2, %dma_wait3A_267] : memref<2x1280x125xi32, #tpu.memory_space<hbm>> -> memref<1x80x125xi32, #tpu.memory_space<hbm>>
        %dma_wait3A_269 = tpu.memref_squeeze %dma_wait3A_268 : memref<1x80x125xi32, #tpu.memory_space<hbm>> -> memref<80x125xi32, #tpu.memory_space<hbm>>
        tpu.wait_dma2 semaphore(%run_scoped3A_257 : memref<!tpu.dma_semaphore, #tpu.memory_space<semaphore_mem>>) src(%dma_wait3A_269 : memref<80x125xi32, #tpu.memory_space<hbm>>) dst(%arg9 : memref<80x125xi32, #tpu.memory_space<vmem>>)
        tpu.yield
      }) : () -> ()
    } else {
    }
    %barrier3A = arith.constant 0 : index
    tpu.barrier barrier_id(%barrier3A)
    %dma_start3A = arith.constant 0 : i32
    %dma_start3A_10 = arith.constant 0 : i32
    %dma_start3A_11 = arith.constant 0 : i32
    %dma_start3A_12 = arith.constant 0 : i32
    %dma_start3A_13 = arith.constant 0 : i32
    %dma_start3A_14 = tpu.memref_slice %arg10[%dma_start3A_10, %dma_start3A_12, %dma_start3A_13] : memref<8x125x32xf32, #tpu.memory_space<vmem>> -> memref<1x125x32xf32, #tpu.memory_space<vmem>>
    %dma_start3A_15 = tpu.memref_squeeze %dma_start3A_14 : memref<1x125x32xf32, #tpu.memory_space<vmem>> -> memref<125x32xf32, #tpu.memory_space<vmem>>
    %dma_start3A_16 = arith.constant 0 : i32
    %dma_start3A_17 = tpu.memref_slice %arg8[%dma_start3A, %dma_start3A_16] : memref<80x125xi32, #tpu.memory_space<vmem>> -> memref<1x125xi32, #tpu.memory_space<vmem>>
    %dma_start3A_18 = tpu.memref_squeeze %dma_start3A_17 : memref<1x125xi32, #tpu.memory_space<vmem>> -> memref<125xi32, #tpu.memory_space<vmem>>
    %dma_start3A_19 = arith.constant 0 : i32
    %dma_start3A_20 = arith.constant 0 : i32
    %dma_start3A_21 = tpu.memref_slice %arg4[%dma_start3A_19, %dma_start3A_20] : memref<20000x32xf32, #tpu.memory_space<hbm>> -> memref<20000x32xf32, #tpu.memory_space<hbm>>
    %dma_start3A_22 = tpu.memref_slice %arg12[%dma_start3A_11] : memref<8x!tpu.dma_semaphore, #tpu.memory_space<semaphore_mem>> -> memref<1x!tpu.dma_semaphore, #tpu.memory_space<semaphore_mem>>
    %dma_start3A_23 = tpu.memref_squeeze %dma_start3A_22 : memref<1x!tpu.dma_semaphore, #tpu.memory_space<semaphore_mem>> -> memref<!tpu.dma_semaphore, #tpu.memory_space<semaphore_mem>>
    tpu.enqueue_indirect_dma source(%dma_start3A_21 : memref<20000x32xf32, #tpu.memory_space<hbm>>) target(%dma_start3A_15 : memref<125x32xf32, #tpu.memory_space<vmem>>) offsets(%dma_start3A_18 : memref<125xi32, #tpu.memory_space<vmem>>) semaphore(%dma_start3A_23 : memref<!tpu.dma_semaphore, #tpu.memory_space<semaphore_mem>>)
    %dma_start3A_24 = arith.constant 1 : i32
    %dma_start3A_25 = arith.constant 1 : i32
    %dma_start3A_26 = arith.constant 1 : i32
    %dma_start3A_27 = arith.constant 0 : i32
    %dma_start3A_28 = arith.constant 0 : i32
    %dma_start3A_29 = tpu.memref_slice %arg10[%dma_start3A_25, %dma_start3A_27, %dma_start3A_28] : memref<8x125x32xf32, #tpu.memory_space<vmem>> -> memref<1x125x32xf32, #tpu.memory_space<vmem>>
    %dma_start3A_30 = tpu.memref_squeeze %dma_start3A_29 : memref<1x125x32xf32, #tpu.memory_space<vmem>> -> memref<125x32xf32, #tpu.memory_space<vmem>>
    %dma_start3A_31 = arith.constant 0 : i32
    %dma_start3A_32 = tpu.memref_slice %arg8[%dma_start3A_24, %dma_start3A_31] : memref<80x125xi32, #tpu.memory_space<vmem>> -> memref<1x125xi32, #tpu.memory_space<vmem>>
    %dma_start3A_33 = tpu.memref_squeeze %dma_start3A_32 : memref<1x125xi32, #tpu.memory_space<vmem>> -> memref<125xi32, #tpu.memory_space<vmem>>
    %dma_start3A_34 = arith.constant 0 : i32
    %dma_start3A_35 = arith.constant 0 : i32
    %dma_start3A_36 = tpu.memref_slice %arg4[%dma_start3A_34, %dma_start3A_35] : memref<20000x32xf32, #tpu.memory_space<hbm>> -> memref<20000x32xf32, #tpu.memory_space<hbm>>
    %dma_start3A_37 = tpu.memref_slice %arg12[%dma_start3A_26] : memref<8x!tpu.dma_semaphore, #tpu.memory_space<semaphore_mem>> -> memref<1x!tpu.dma_semaphore, #tpu.memory_space<semaphore_mem>>
    %dma_start3A_38 = tpu.memref_squeeze %dma_start3A_37 : memref<1x!tpu.dma_semaphore, #tpu.memory_space<semaphore_mem>> -> memref<!tpu.dma_semaphore, #tpu.memory_space<semaphore_mem>>
    tpu.enqueue_indirect_dma source(%dma_start3A_36 : memref<20000x32xf32, #tpu.memory_space<hbm>>) target(%dma_start3A_30 : memref<125x32xf32, #tpu.memory_space<vmem>>) offsets(%dma_start3A_33 : memref<125xi32, #tpu.memory_space<vmem>>) semaphore(%dma_start3A_38 : memref<!tpu.dma_semaphore, #tpu.memory_space<semaphore_mem>>)
    %dma_start3A_39 = arith.constant 2 : i32
    %dma_start3A_40 = arith.constant 2 : i32
    %dma_start3A_41 = arith.constant 2 : i32
    %dma_start3A_42 = arith.constant 0 : i32
    %dma_start3A_43 = arith.constant 0 : i32
    %dma_start3A_44 = tpu.memref_slice %arg10[%dma_start3A_40, %dma_start3A_42, %dma_start3A_43] : memref<8x125x32xf32, #tpu.memory_space<vmem>> -> memref<1x125x32xf32, #tpu.memory_space<vmem>>
    %dma_start3A_45 = tpu.memref_squeeze %dma_start3A_44 : memref<1x125x32xf32, #tpu.memory_space<vmem>> -> memref<125x32xf32, #tpu.memory_space<vmem>>
    %dma_start3A_46 = arith.constant 0 : i32
    %dma_start3A_47 = tpu.memref_slice %arg8[%dma_start3A_39, %dma_start3A_46] : memref<80x125xi32, #tpu.memory_space<vmem>> -> memref<1x125xi32, #tpu.memory_space<vmem>>
    %dma_start3A_48 = tpu.memref_squeeze %dma_start3A_47 : memref<1x125xi32, #tpu.memory_space<vmem>> -> memref<125xi32, #tpu.memory_space<vmem>>
    %dma_start3A_49 = arith.constant 0 : i32
    %dma_start3A_50 = arith.constant 0 : i32
    %dma_start3A_51 = tpu.memref_slice %arg4[%dma_start3A_49, %dma_start3A_50] : memref<20000x32xf32, #tpu.memory_space<hbm>> -> memref<20000x32xf32, #tpu.memory_space<hbm>>
    %dma_start3A_52 = tpu.memref_slice %arg12[%dma_start3A_41] : memref<8x!tpu.dma_semaphore, #tpu.memory_space<semaphore_mem>> -> memref<1x!tpu.dma_semaphore, #tpu.memory_space<semaphore_mem>>
    %dma_start3A_53 = tpu.memref_squeeze %dma_start3A_52 : memref<1x!tpu.dma_semaphore, #tpu.memory_space<semaphore_mem>> -> memref<!tpu.dma_semaphore, #tpu.memory_space<semaphore_mem>>
    tpu.enqueue_indirect_dma source(%dma_start3A_51 : memref<20000x32xf32, #tpu.memory_space<hbm>>) target(%dma_start3A_45 : memref<125x32xf32, #tpu.memory_space<vmem>>) offsets(%dma_start3A_48 : memref<125xi32, #tpu.memory_space<vmem>>) semaphore(%dma_start3A_53 : memref<!tpu.dma_semaphore, #tpu.memory_space<semaphore_mem>>)
    %dma_start3A_54 = arith.constant 3 : i32
    %dma_start3A_55 = arith.constant 3 : i32
    %dma_start3A_56 = arith.constant 3 : i32
    %dma_start3A_57 = arith.constant 0 : i32
    %dma_start3A_58 = arith.constant 0 : i32
    %dma_start3A_59 = tpu.memref_slice %arg10[%dma_start3A_55, %dma_start3A_57, %dma_start3A_58] : memref<8x125x32xf32, #tpu.memory_space<vmem>> -> memref<1x125x32xf32, #tpu.memory_space<vmem>>
    %dma_start3A_60 = tpu.memref_squeeze %dma_start3A_59 : memref<1x125x32xf32, #tpu.memory_space<vmem>> -> memref<125x32xf32, #tpu.memory_space<vmem>>
    %dma_start3A_61 = arith.constant 0 : i32
    %dma_start3A_62 = tpu.memref_slice %arg8[%dma_start3A_54, %dma_start3A_61] : memref<80x125xi32, #tpu.memory_space<vmem>> -> memref<1x125xi32, #tpu.memory_space<vmem>>
    %dma_start3A_63 = tpu.memref_squeeze %dma_start3A_62 : memref<1x125xi32, #tpu.memory_space<vmem>> -> memref<125xi32, #tpu.memory_space<vmem>>
    %dma_start3A_64 = arith.constant 0 : i32
    %dma_start3A_65 = arith.constant 0 : i32
    %dma_start3A_66 = tpu.memref_slice %arg4[%dma_start3A_64, %dma_start3A_65] : memref<20000x32xf32, #tpu.memory_space<hbm>> -> memref<20000x32xf32, #tpu.memory_space<hbm>>
    %dma_start3A_67 = tpu.memref_slice %arg12[%dma_start3A_56] : memref<8x!tpu.dma_semaphore, #tpu.memory_space<semaphore_mem>> -> memref<1x!tpu.dma_semaphore, #tpu.memory_space<semaphore_mem>>
    %dma_start3A_68 = tpu.memref_squeeze %dma_start3A_67 : memref<1x!tpu.dma_semaphore, #tpu.memory_space<semaphore_mem>> -> memref<!tpu.dma_semaphore, #tpu.memory_space<semaphore_mem>>
    tpu.enqueue_indirect_dma source(%dma_start3A_66 : memref<20000x32xf32, #tpu.memory_space<hbm>>) target(%dma_start3A_60 : memref<125x32xf32, #tpu.memory_space<vmem>>) offsets(%dma_start3A_63 : memref<125xi32, #tpu.memory_space<vmem>>) semaphore(%dma_start3A_68 : memref<!tpu.dma_semaphore, #tpu.memory_space<semaphore_mem>>)
    %dma_start3A_69 = arith.constant 4 : i32
    %dma_start3A_70 = arith.constant 4 : i32
    %dma_start3A_71 = arith.constant 4 : i32
    %dma_start3A_72 = arith.constant 0 : i32
    %dma_start3A_73 = arith.constant 0 : i32
    %dma_start3A_74 = tpu.memref_slice %arg10[%dma_start3A_70, %dma_start3A_72, %dma_start3A_73] : memref<8x125x32xf32, #tpu.memory_space<vmem>> -> memref<1x125x32xf32, #tpu.memory_space<vmem>>
    %dma_start3A_75 = tpu.memref_squeeze %dma_start3A_74 : memref<1x125x32xf32, #tpu.memory_space<vmem>> -> memref<125x32xf32, #tpu.memory_space<vmem>>
    %dma_start3A_76 = arith.constant 0 : i32
    %dma_start3A_77 = tpu.memref_slice %arg8[%dma_start3A_69, %dma_start3A_76] : memref<80x125xi32, #tpu.memory_space<vmem>> -> memref<1x125xi32, #tpu.memory_space<vmem>>
    %dma_start3A_78 = tpu.memref_squeeze %dma_start3A_77 : memref<1x125xi32, #tpu.memory_space<vmem>> -> memref<125xi32, #tpu.memory_space<vmem>>
    %dma_start3A_79 = arith.constant 0 : i32
    %dma_start3A_80 = arith.constant 0 : i32
    %dma_start3A_81 = tpu.memref_slice %arg4[%dma_start3A_79, %dma_start3A_80] : memref<20000x32xf32, #tpu.memory_space<hbm>> -> memref<20000x32xf32, #tpu.memory_space<hbm>>
    %dma_start3A_82 = tpu.memref_slice %arg12[%dma_start3A_71] : memref<8x!tpu.dma_semaphore, #tpu.memory_space<semaphore_mem>> -> memref<1x!tpu.dma_semaphore, #tpu.memory_space<semaphore_mem>>
    %dma_start3A_83 = tpu.memref_squeeze %dma_start3A_82 : memref<1x!tpu.dma_semaphore, #tpu.memory_space<semaphore_mem>> -> memref<!tpu.dma_semaphore, #tpu.memory_space<semaphore_mem>>
    tpu.enqueue_indirect_dma source(%dma_start3A_81 : memref<20000x32xf32, #tpu.memory_space<hbm>>) target(%dma_start3A_75 : memref<125x32xf32, #tpu.memory_space<vmem>>) offsets(%dma_start3A_78 : memref<125xi32, #tpu.memory_space<vmem>>) semaphore(%dma_start3A_83 : memref<!tpu.dma_semaphore, #tpu.memory_space<semaphore_mem>>)
    %dma_start3A_84 = arith.constant 5 : i32
    %dma_start3A_85 = arith.constant 5 : i32
    %dma_start3A_86 = arith.constant 5 : i32
    %dma_start3A_87 = arith.constant 0 : i32
    %dma_start3A_88 = arith.constant 0 : i32
    %dma_start3A_89 = tpu.memref_slice %arg10[%dma_start3A_85, %dma_start3A_87, %dma_start3A_88] : memref<8x125x32xf32, #tpu.memory_space<vmem>> -> memref<1x125x32xf32, #tpu.memory_space<vmem>>
    %dma_start3A_90 = tpu.memref_squeeze %dma_start3A_89 : memref<1x125x32xf32, #tpu.memory_space<vmem>> -> memref<125x32xf32, #tpu.memory_space<vmem>>
    %dma_start3A_91 = arith.constant 0 : i32
    %dma_start3A_92 = tpu.memref_slice %arg8[%dma_start3A_84, %dma_start3A_91] : memref<80x125xi32, #tpu.memory_space<vmem>> -> memref<1x125xi32, #tpu.memory_space<vmem>>
    %dma_start3A_93 = tpu.memref_squeeze %dma_start3A_92 : memref<1x125xi32, #tpu.memory_space<vmem>> -> memref<125xi32, #tpu.memory_space<vmem>>
    %dma_start3A_94 = arith.constant 0 : i32
    %dma_start3A_95 = arith.constant 0 : i32
    %dma_start3A_96 = tpu.memref_slice %arg4[%dma_start3A_94, %dma_start3A_95] : memref<20000x32xf32, #tpu.memory_space<hbm>> -> memref<20000x32xf32, #tpu.memory_space<hbm>>
    %dma_start3A_97 = tpu.memref_slice %arg12[%dma_start3A_86] : memref<8x!tpu.dma_semaphore, #tpu.memory_space<semaphore_mem>> -> memref<1x!tpu.dma_semaphore, #tpu.memory_space<semaphore_mem>>
    %dma_start3A_98 = tpu.memref_squeeze %dma_start3A_97 : memref<1x!tpu.dma_semaphore, #tpu.memory_space<semaphore_mem>> -> memref<!tpu.dma_semaphore, #tpu.memory_space<semaphore_mem>>
    tpu.enqueue_indirect_dma source(%dma_start3A_96 : memref<20000x32xf32, #tpu.memory_space<hbm>>) target(%dma_start3A_90 : memref<125x32xf32, #tpu.memory_space<vmem>>) offsets(%dma_start3A_93 : memref<125xi32, #tpu.memory_space<vmem>>) semaphore(%dma_start3A_98 : memref<!tpu.dma_semaphore, #tpu.memory_space<semaphore_mem>>)
    %dma_start3A_99 = arith.constant 6 : i32
    %dma_start3A_100 = arith.constant 6 : i32
    %dma_start3A_101 = arith.constant 6 : i32
    %dma_start3A_102 = arith.constant 0 : i32
    %dma_start3A_103 = arith.constant 0 : i32
    %dma_start3A_104 = tpu.memref_slice %arg10[%dma_start3A_100, %dma_start3A_102, %dma_start3A_103] : memref<8x125x32xf32, #tpu.memory_space<vmem>> -> memref<1x125x32xf32, #tpu.memory_space<vmem>>
    %dma_start3A_105 = tpu.memref_squeeze %dma_start3A_104 : memref<1x125x32xf32, #tpu.memory_space<vmem>> -> memref<125x32xf32, #tpu.memory_space<vmem>>
    %dma_start3A_106 = arith.constant 0 : i32
    %dma_start3A_107 = tpu.memref_slice %arg8[%dma_start3A_99, %dma_start3A_106] : memref<80x125xi32, #tpu.memory_space<vmem>> -> memref<1x125xi32, #tpu.memory_space<vmem>>
    %dma_start3A_108 = tpu.memref_squeeze %dma_start3A_107 : memref<1x125xi32, #tpu.memory_space<vmem>> -> memref<125xi32, #tpu.memory_space<vmem>>
    %dma_start3A_109 = arith.constant 0 : i32
    %dma_start3A_110 = arith.constant 0 : i32
    %dma_start3A_111 = tpu.memref_slice %arg4[%dma_start3A_109, %dma_start3A_110] : memref<20000x32xf32, #tpu.memory_space<hbm>> -> memref<20000x32xf32, #tpu.memory_space<hbm>>
    %dma_start3A_112 = tpu.memref_slice %arg12[%dma_start3A_101] : memref<8x!tpu.dma_semaphore, #tpu.memory_space<semaphore_mem>> -> memref<1x!tpu.dma_semaphore, #tpu.memory_space<semaphore_mem>>
    %dma_start3A_113 = tpu.memref_squeeze %dma_start3A_112 : memref<1x!tpu.dma_semaphore, #tpu.memory_space<semaphore_mem>> -> memref<!tpu.dma_semaphore, #tpu.memory_space<semaphore_mem>>
    tpu.enqueue_indirect_dma source(%dma_start3A_111 : memref<20000x32xf32, #tpu.memory_space<hbm>>) target(%dma_start3A_105 : memref<125x32xf32, #tpu.memory_space<vmem>>) offsets(%dma_start3A_108 : memref<125xi32, #tpu.memory_space<vmem>>) semaphore(%dma_start3A_113 : memref<!tpu.dma_semaphore, #tpu.memory_space<semaphore_mem>>)
    %dma_start3A_114 = arith.constant 7 : i32
    %dma_start3A_115 = arith.constant 7 : i32
    %dma_start3A_116 = arith.constant 7 : i32
    %dma_start3A_117 = arith.constant 0 : i32
    %dma_start3A_118 = arith.constant 0 : i32
    %dma_start3A_119 = tpu.memref_slice %arg10[%dma_start3A_115, %dma_start3A_117, %dma_start3A_118] : memref<8x125x32xf32, #tpu.memory_space<vmem>> -> memref<1x125x32xf32, #tpu.memory_space<vmem>>
    %dma_start3A_120 = tpu.memref_squeeze %dma_start3A_119 : memref<1x125x32xf32, #tpu.memory_space<vmem>> -> memref<125x32xf32, #tpu.memory_space<vmem>>
    %dma_start3A_121 = arith.constant 0 : i32
    %dma_start3A_122 = tpu.memref_slice %arg8[%dma_start3A_114, %dma_start3A_121] : memref<80x125xi32, #tpu.memory_space<vmem>> -> memref<1x125xi32, #tpu.memory_space<vmem>>
    %dma_start3A_123 = tpu.memref_squeeze %dma_start3A_122 : memref<1x125xi32, #tpu.memory_space<vmem>> -> memref<125xi32, #tpu.memory_space<vmem>>
    %dma_start3A_124 = arith.constant 0 : i32
    %dma_start3A_125 = arith.constant 0 : i32
    %dma_start3A_126 = tpu.memref_slice %arg4[%dma_start3A_124, %dma_start3A_125] : memref<20000x32xf32, #tpu.memory_space<hbm>> -> memref<20000x32xf32, #tpu.memory_space<hbm>>
    %dma_start3A_127 = tpu.memref_slice %arg12[%dma_start3A_116] : memref<8x!tpu.dma_semaphore, #tpu.memory_space<semaphore_mem>> -> memref<1x!tpu.dma_semaphore, #tpu.memory_space<semaphore_mem>>
    %dma_start3A_128 = tpu.memref_squeeze %dma_start3A_127 : memref<1x!tpu.dma_semaphore, #tpu.memory_space<semaphore_mem>> -> memref<!tpu.dma_semaphore, #tpu.memory_space<semaphore_mem>>
    tpu.enqueue_indirect_dma source(%dma_start3A_126 : memref<20000x32xf32, #tpu.memory_space<hbm>>) target(%dma_start3A_120 : memref<125x32xf32, #tpu.memory_space<vmem>>) offsets(%dma_start3A_123 : memref<125xi32, #tpu.memory_space<vmem>>) semaphore(%dma_start3A_128 : memref<!tpu.dma_semaphore, #tpu.memory_space<semaphore_mem>>)
    %scan3A = arith.constant 0 : i32
    %scan3A_129 = arith.constant 0 : i32
    %scan3A_130 = arith.constant 10 : i32
    %scan3A_131 = arith.addi %scan3A_129, %scan3A_130 : i32
    %scan3A_132 = arith.constant 1 : i32
    scf.for %scan3A_256 = %scan3A_129 to %scan3A_131 step %scan3A_132  : i32 {
      %mul3A_257 = arith.constant 8 : i32
      %mul3A_258 = arith.muli %scan3A_256, %mul3A_257 : i32
      %add3A_259 = arith.constant 0 : i32
      %add3A_260 = arith.addi %mul3A_258, %add3A_259 : i32
      %dma_wait3A_261 = arith.constant 0 : i32
      %dma_wait3A_262 = arith.constant 0 : i32
      %dma_wait3A_263 = arith.constant 0 : i32
      %dma_wait3A_264 = arith.constant 0 : i32
      %dma_wait3A_265 = tpu.memref_slice %arg10[%dma_wait3A_261, %dma_wait3A_263, %dma_wait3A_264] : memref<8x125x32xf32, #tpu.memory_space<vmem>> -> memref<1x125x32xf32, #tpu.memory_space<vmem>>
      %dma_wait3A_266 = tpu.memref_squeeze %dma_wait3A_265 : memref<1x125x32xf32, #tpu.memory_space<vmem>> -> memref<125x32xf32, #tpu.memory_space<vmem>>
      %dma_wait3A_267 = arith.constant 0 : i32
      %dma_wait3A_268 = tpu.memref_slice %arg8[%add3A_260, %dma_wait3A_267] : memref<80x125xi32, #tpu.memory_space<vmem>> -> memref<1x125xi32, #tpu.memory_space<vmem>>
      %dma_wait3A_269 = tpu.memref_squeeze %dma_wait3A_268 : memref<1x125xi32, #tpu.memory_space<vmem>> -> memref<125xi32, #tpu.memory_space<vmem>>
      %dma_wait3A_270 = arith.constant 0 : i32
      %dma_wait3A_271 = arith.constant 0 : i32
      %dma_wait3A_272 = tpu.memref_slice %arg4[%dma_wait3A_270, %dma_wait3A_271] : memref<20000x32xf32, #tpu.memory_space<hbm>> -> memref<20000x32xf32, #tpu.memory_space<hbm>>
      %dma_wait3A_273 = tpu.memref_slice %arg12[%dma_wait3A_262] : memref<8x!tpu.dma_semaphore, #tpu.memory_space<semaphore_mem>> -> memref<1x!tpu.dma_semaphore, #tpu.memory_space<semaphore_mem>>
      %dma_wait3A_274 = tpu.memref_squeeze %dma_wait3A_273 : memref<1x!tpu.dma_semaphore, #tpu.memory_space<semaphore_mem>> -> memref<!tpu.dma_semaphore, #tpu.memory_space<semaphore_mem>>
      tpu.wait_indirect_dma semaphore(%dma_wait3A_274 : memref<!tpu.dma_semaphore, #tpu.memory_space<semaphore_mem>>) src(%dma_wait3A_272 : memref<20000x32xf32, #tpu.memory_space<hbm>>) dst(%dma_wait3A_266 : memref<125x32xf32, #tpu.memory_space<vmem>>)
      %dma_start3A_275 = arith.constant 0 : i32
      %dma_start3A_276 = arith.constant 0 : i32
      %dma_start3A_277 = arith.constant 0 : i32
      %dma_start3A_278 = arith.constant 0 : i32
      %dma_start3A_279 = tpu.memref_slice %arg10[%dma_start3A_275, %dma_start3A_277, %dma_start3A_278] : memref<8x125x32xf32, #tpu.memory_space<vmem>> -> memref<1x125x32xf32, #tpu.memory_space<vmem>>
      %dma_start3A_280 = tpu.memref_squeeze %dma_start3A_279 : memref<1x125x32xf32, #tpu.memory_space<vmem>> -> memref<125x32xf32, #tpu.memory_space<vmem>>
      %dma_start3A_281 = arith.constant 0 : i32
      %dma_start3A_282 = tpu.memref_slice %arg9[%add3A_260, %dma_start3A_281] : memref<80x125xi32, #tpu.memory_space<vmem>> -> memref<1x125xi32, #tpu.memory_space<vmem>>
      %dma_start3A_283 = tpu.memref_squeeze %dma_start3A_282 : memref<1x125xi32, #tpu.memory_space<vmem>> -> memref<125xi32, #tpu.memory_space<vmem>>
      %dma_start3A_284 = arith.constant 0 : i32
      %dma_start3A_285 = arith.constant 0 : i32
      %dma_start3A_286 = tpu.memref_slice %arg11[%dma_start3A_284, %dma_start3A_285] : memref<10240x32xf32, #tpu.memory_space<vmem_shared>> -> memref<10240x32xf32, #tpu.memory_space<vmem_shared>>
      %dma_start3A_287 = tpu.memref_slice %arg13[%dma_start3A_276] : memref<8x!tpu.dma_semaphore, #tpu.memory_space<semaphore_mem>> -> memref<1x!tpu.dma_semaphore, #tpu.memory_space<semaphore_mem>>
      %dma_start3A_288 = tpu.memref_squeeze %dma_start3A_287 : memref<1x!tpu.dma_semaphore, #tpu.memory_space<semaphore_mem>> -> memref<!tpu.dma_semaphore, #tpu.memory_space<semaphore_mem>>
      tpu.enqueue_indirect_dma source(%dma_start3A_280 : memref<125x32xf32, #tpu.memory_space<vmem>>) target(%dma_start3A_286 : memref<10240x32xf32, #tpu.memory_space<vmem_shared>>) offsets(%dma_start3A_283 : memref<125xi32, #tpu.memory_space<vmem>>) semaphore(%dma_start3A_288 : memref<!tpu.dma_semaphore, #tpu.memory_space<semaphore_mem>>) {add = true}
      %add3A_289 = arith.constant 8 : i32
      %add3A_290 = arith.addi %add3A_260, %add3A_289 : i32
      %sub3A = arith.constant 2 : i32
      %sub3A_291 = arith.subi %add3A_290, %sub3A : i32
      %ge3A = arith.constant 8 : i32
      %ge3A_292 = arith.cmpi sge, %sub3A_291, %ge3A : i32
      %lt3A = arith.constant 80 : i32
      %lt3A_293 = arith.cmpi slt, %sub3A_291, %lt3A : i32
      %and3A = arith.andi %ge3A_292, %lt3A_293 : i1
      %convert_element_type3A_294 = arith.extui %and3A : i1 to i32
      %cond3A_295 = arith.constant 0 : i32
      %cond3A_296 = arith.cmpi ne, %convert_element_type3A_294, %cond3A_295 : i32
      scf.if %cond3A_296 {
        %dma_wait3A_605 = arith.constant 6 : i32
        %dma_wait3A_606 = arith.constant 0 : i32
        %dma_wait3A_607 = arith.constant 6 : i32
        %dma_wait3A_608 = arith.constant 0 : i32
        %dma_wait3A_609 = arith.constant 0 : i32
        %dma_wait3A_610 = tpu.memref_slice %arg10[%dma_wait3A_605, %dma_wait3A_608, %dma_wait3A_609] : memref<8x125x32xf32, #tpu.memory_space<vmem>> -> memref<1x125x32xf32, #tpu.memory_space<vmem>>
        %dma_wait3A_611 = tpu.memref_squeeze %dma_wait3A_610 : memref<1x125x32xf32, #tpu.memory_space<vmem>> -> memref<125x32xf32, #tpu.memory_space<vmem>>
        %dma_wait3A_612 = arith.constant 0 : i32
        %dma_wait3A_613 = tpu.memref_slice %arg9[%dma_wait3A_606, %dma_wait3A_612] : memref<80x125xi32, #tpu.memory_space<vmem>> -> memref<1x125xi32, #tpu.memory_space<vmem>>
        %dma_wait3A_614 = tpu.memref_squeeze %dma_wait3A_613 : memref<1x125xi32, #tpu.memory_space<vmem>> -> memref<125xi32, #tpu.memory_space<vmem>>
        %dma_wait3A_615 = arith.constant 0 : i32
        %dma_wait3A_616 = arith.constant 0 : i32
        %dma_wait3A_617 = tpu.memref_slice %arg11[%dma_wait3A_615, %dma_wait3A_616] : memref<10240x32xf32, #tpu.memory_space<vmem_shared>> -> memref<10240x32xf32, #tpu.memory_space<vmem_shared>>
        %dma_wait3A_618 = tpu.memref_slice %arg13[%dma_wait3A_607] : memref<8x!tpu.dma_semaphore, #tpu.memory_space<semaphore_mem>> -> memref<1x!tpu.dma_semaphore, #tpu.memory_space<semaphore_mem>>
        %dma_wait3A_619 = tpu.memref_squeeze %dma_wait3A_618 : memref<1x!tpu.dma_semaphore, #tpu.memory_space<semaphore_mem>> -> memref<!tpu.dma_semaphore, #tpu.memory_space<semaphore_mem>>
        tpu.wait_indirect_dma semaphore(%dma_wait3A_619 : memref<!tpu.dma_semaphore, #tpu.memory_space<semaphore_mem>>) src(%dma_wait3A_611 : memref<125x32xf32, #tpu.memory_space<vmem>>) dst(%dma_wait3A_617 : memref<10240x32xf32, #tpu.memory_space<vmem_shared>>)
        %dma_start3A_620 = arith.constant 6 : i32
        %dma_start3A_621 = arith.constant 6 : i32
        %dma_start3A_622 = arith.constant 0 : i32
        %dma_start3A_623 = arith.constant 0 : i32
        %dma_start3A_624 = tpu.memref_slice %arg10[%dma_start3A_620, %dma_start3A_622, %dma_start3A_623] : memref<8x125x32xf32, #tpu.memory_space<vmem>> -> memref<1x125x32xf32, #tpu.memory_space<vmem>>
        %dma_start3A_625 = tpu.memref_squeeze %dma_start3A_624 : memref<1x125x32xf32, #tpu.memory_space<vmem>> -> memref<125x32xf32, #tpu.memory_space<vmem>>
        %dma_start3A_626 = arith.constant 0 : i32
        %dma_start3A_627 = tpu.memref_slice %arg8[%sub3A_291, %dma_start3A_626] : memref<80x125xi32, #tpu.memory_space<vmem>> -> memref<1x125xi32, #tpu.memory_space<vmem>>
        %dma_start3A_628 = tpu.memref_squeeze %dma_start3A_627 : memref<1x125xi32, #tpu.memory_space<vmem>> -> memref<125xi32, #tpu.memory_space<vmem>>
        %dma_start3A_629 = arith.constant 0 : i32
        %dma_start3A_630 = arith.constant 0 : i32
        %dma_start3A_631 = tpu.memref_slice %arg4[%dma_start3A_629, %dma_start3A_630] : memref<20000x32xf32, #tpu.memory_space<hbm>> -> memref<20000x32xf32, #tpu.memory_space<hbm>>
        %dma_start3A_632 = tpu.memref_slice %arg12[%dma_start3A_621] : memref<8x!tpu.dma_semaphore, #tpu.memory_space<semaphore_mem>> -> memref<1x!tpu.dma_semaphore, #tpu.memory_space<semaphore_mem>>
        %dma_start3A_633 = tpu.memref_squeeze %dma_start3A_632 : memref<1x!tpu.dma_semaphore, #tpu.memory_space<semaphore_mem>> -> memref<!tpu.dma_semaphore, #tpu.memory_space<semaphore_mem>>
        tpu.enqueue_indirect_dma source(%dma_start3A_631 : memref<20000x32xf32, #tpu.memory_space<hbm>>) target(%dma_start3A_625 : memref<125x32xf32, #tpu.memory_space<vmem>>) offsets(%dma_start3A_628 : memref<125xi32, #tpu.memory_space<vmem>>) semaphore(%dma_start3A_633 : memref<!tpu.dma_semaphore, #tpu.memory_space<semaphore_mem>>)
      } else {
      }
      %mul3A_297 = arith.constant 8 : i32
      %mul3A_298 = arith.muli %scan3A_256, %mul3A_297 : i32
      %add3A_299 = arith.constant 1 : i32
      %add3A_300 = arith.addi %mul3A_298, %add3A_299 : i32
      %dma_wait3A_301 = arith.constant 1 : i32
      %dma_wait3A_302 = arith.constant 1 : i32
      %dma_wait3A_303 = arith.constant 0 : i32
      %dma_wait3A_304 = arith.constant 0 : i32
      %dma_wait3A_305 = tpu.memref_slice %arg10[%dma_wait3A_301, %dma_wait3A_303, %dma_wait3A_304] : memref<8x125x32xf32, #tpu.memory_space<vmem>> -> memref<1x125x32xf32, #tpu.memory_space<vmem>>
      %dma_wait3A_306 = tpu.memref_squeeze %dma_wait3A_305 : memref<1x125x32xf32, #tpu.memory_space<vmem>> -> memref<125x32xf32, #tpu.memory_space<vmem>>
      %dma_wait3A_307 = arith.constant 0 : i32
      %dma_wait3A_308 = tpu.memref_slice %arg8[%add3A_300, %dma_wait3A_307] : memref<80x125xi32, #tpu.memory_space<vmem>> -> memref<1x125xi32, #tpu.memory_space<vmem>>
      %dma_wait3A_309 = tpu.memref_squeeze %dma_wait3A_308 : memref<1x125xi32, #tpu.memory_space<vmem>> -> memref<125xi32, #tpu.memory_space<vmem>>
      %dma_wait3A_310 = arith.constant 0 : i32
      %dma_wait3A_311 = arith.constant 0 : i32
      %dma_wait3A_312 = tpu.memref_slice %arg4[%dma_wait3A_310, %dma_wait3A_311] : memref<20000x32xf32, #tpu.memory_space<hbm>> -> memref<20000x32xf32, #tpu.memory_space<hbm>>
      %dma_wait3A_313 = tpu.memref_slice %arg12[%dma_wait3A_302] : memref<8x!tpu.dma_semaphore, #tpu.memory_space<semaphore_mem>> -> memref<1x!tpu.dma_semaphore, #tpu.memory_space<semaphore_mem>>
      %dma_wait3A_314 = tpu.memref_squeeze %dma_wait3A_313 : memref<1x!tpu.dma_semaphore, #tpu.memory_space<semaphore_mem>> -> memref<!tpu.dma_semaphore, #tpu.memory_space<semaphore_mem>>
      tpu.wait_indirect_dma semaphore(%dma_wait3A_314 : memref<!tpu.dma_semaphore, #tpu.memory_space<semaphore_mem>>) src(%dma_wait3A_312 : memref<20000x32xf32, #tpu.memory_space<hbm>>) dst(%dma_wait3A_306 : memref<125x32xf32, #tpu.memory_space<vmem>>)
      %dma_start3A_315 = arith.constant 1 : i32
      %dma_start3A_316 = arith.constant 1 : i32
      %dma_start3A_317 = arith.constant 0 : i32
      %dma_start3A_318 = arith.constant 0 : i32
      %dma_start3A_319 = tpu.memref_slice %arg10[%dma_start3A_315, %dma_start3A_317, %dma_start3A_318] : memref<8x125x32xf32, #tpu.memory_space<vmem>> -> memref<1x125x32xf32, #tpu.memory_space<vmem>>
      %dma_start3A_320 = tpu.memref_squeeze %dma_start3A_319 : memref<1x125x32xf32, #tpu.memory_space<vmem>> -> memref<125x32xf32, #tpu.memory_space<vmem>>
      %dma_start3A_321 = arith.constant 0 : i32
      %dma_start3A_322 = tpu.memref_slice %arg9[%add3A_300, %dma_start3A_321] : memref<80x125xi32, #tpu.memory_space<vmem>> -> memref<1x125xi32, #tpu.memory_space<vmem>>
      %dma_start3A_323 = tpu.memref_squeeze %dma_start3A_322 : memref<1x125xi32, #tpu.memory_space<vmem>> -> memref<125xi32, #tpu.memory_space<vmem>>
      %dma_start3A_324 = arith.constant 0 : i32
      %dma_start3A_325 = arith.constant 0 : i32
      %dma_start3A_326 = tpu.memref_slice %arg11[%dma_start3A_324, %dma_start3A_325] : memref<10240x32xf32, #tpu.memory_space<vmem_shared>> -> memref<10240x32xf32, #tpu.memory_space<vmem_shared>>
      %dma_start3A_327 = tpu.memref_slice %arg13[%dma_start3A_316] : memref<8x!tpu.dma_semaphore, #tpu.memory_space<semaphore_mem>> -> memref<1x!tpu.dma_semaphore, #tpu.memory_space<semaphore_mem>>
      %dma_start3A_328 = tpu.memref_squeeze %dma_start3A_327 : memref<1x!tpu.dma_semaphore, #tpu.memory_space<semaphore_mem>> -> memref<!tpu.dma_semaphore, #tpu.memory_space<semaphore_mem>>
      tpu.enqueue_indirect_dma source(%dma_start3A_320 : memref<125x32xf32, #tpu.memory_space<vmem>>) target(%dma_start3A_326 : memref<10240x32xf32, #tpu.memory_space<vmem_shared>>) offsets(%dma_start3A_323 : memref<125xi32, #tpu.memory_space<vmem>>) semaphore(%dma_start3A_328 : memref<!tpu.dma_semaphore, #tpu.memory_space<semaphore_mem>>) {add = true}
      %add3A_329 = arith.constant 8 : i32
      %add3A_330 = arith.addi %add3A_300, %add3A_329 : i32
      %sub3A_331 = arith.constant 2 : i32
      %sub3A_332 = arith.subi %add3A_330, %sub3A_331 : i32
      %ge3A_333 = arith.constant 8 : i32
      %ge3A_334 = arith.cmpi sge, %sub3A_332, %ge3A_333 : i32
      %lt3A_335 = arith.constant 80 : i32
      %lt3A_336 = arith.cmpi slt, %sub3A_332, %lt3A_335 : i32
      %and3A_337 = arith.andi %ge3A_334, %lt3A_336 : i1
      %convert_element_type3A_338 = arith.extui %and3A_337 : i1 to i32
      %cond3A_339 = arith.constant 0 : i32
      %cond3A_340 = arith.cmpi ne, %convert_element_type3A_338, %cond3A_339 : i32
      scf.if %cond3A_340 {
        %dma_wait3A_605 = arith.constant 7 : i32
        %dma_wait3A_606 = arith.constant 0 : i32
        %dma_wait3A_607 = arith.constant 7 : i32
        %dma_wait3A_608 = arith.constant 0 : i32
        %dma_wait3A_609 = arith.constant 0 : i32
        %dma_wait3A_610 = tpu.memref_slice %arg10[%dma_wait3A_605, %dma_wait3A_608, %dma_wait3A_609] : memref<8x125x32xf32, #tpu.memory_space<vmem>> -> memref<1x125x32xf32, #tpu.memory_space<vmem>>
        %dma_wait3A_611 = tpu.memref_squeeze %dma_wait3A_610 : memref<1x125x32xf32, #tpu.memory_space<vmem>> -> memref<125x32xf32, #tpu.memory_space<vmem>>
        %dma_wait3A_612 = arith.constant 0 : i32
        %dma_wait3A_613 = tpu.memref_slice %arg9[%dma_wait3A_606, %dma_wait3A_612] : memref<80x125xi32, #tpu.memory_space<vmem>> -> memref<1x125xi32, #tpu.memory_space<vmem>>
        %dma_wait3A_614 = tpu.memref_squeeze %dma_wait3A_613 : memref<1x125xi32, #tpu.memory_space<vmem>> -> memref<125xi32, #tpu.memory_space<vmem>>
        %dma_wait3A_615 = arith.constant 0 : i32
        %dma_wait3A_616 = arith.constant 0 : i32
        %dma_wait3A_617 = tpu.memref_slice %arg11[%dma_wait3A_615, %dma_wait3A_616] : memref<10240x32xf32, #tpu.memory_space<vmem_shared>> -> memref<10240x32xf32, #tpu.memory_space<vmem_shared>>
        %dma_wait3A_618 = tpu.memref_slice %arg13[%dma_wait3A_607] : memref<8x!tpu.dma_semaphore, #tpu.memory_space<semaphore_mem>> -> memref<1x!tpu.dma_semaphore, #tpu.memory_space<semaphore_mem>>
        %dma_wait3A_619 = tpu.memref_squeeze %dma_wait3A_618 : memref<1x!tpu.dma_semaphore, #tpu.memory_space<semaphore_mem>> -> memref<!tpu.dma_semaphore, #tpu.memory_space<semaphore_mem>>
        tpu.wait_indirect_dma semaphore(%dma_wait3A_619 : memref<!tpu.dma_semaphore, #tpu.memory_space<semaphore_mem>>) src(%dma_wait3A_611 : memref<125x32xf32, #tpu.memory_space<vmem>>) dst(%dma_wait3A_617 : memref<10240x32xf32, #tpu.memory_space<vmem_shared>>)
        %dma_start3A_620 = arith.constant 7 : i32
        %dma_start3A_621 = arith.constant 7 : i32
        %dma_start3A_622 = arith.constant 0 : i32
        %dma_start3A_623 = arith.constant 0 : i32
        %dma_start3A_624 = tpu.memref_slice %arg10[%dma_start3A_620, %dma_start3A_622, %dma_start3A_623] : memref<8x125x32xf32, #tpu.memory_space<vmem>> -> memref<1x125x32xf32, #tpu.memory_space<vmem>>
        %dma_start3A_625 = tpu.memref_squeeze %dma_start3A_624 : memref<1x125x32xf32, #tpu.memory_space<vmem>> -> memref<125x32xf32, #tpu.memory_space<vmem>>
        %dma_start3A_626 = arith.constant 0 : i32
        %dma_start3A_627 = tpu.memref_slice %arg8[%sub3A_332, %dma_start3A_626] : memref<80x125xi32, #tpu.memory_space<vmem>> -> memref<1x125xi32, #tpu.memory_space<vmem>>
        %dma_start3A_628 = tpu.memref_squeeze %dma_start3A_627 : memref<1x125xi32, #tpu.memory_space<vmem>> -> memref<125xi32, #tpu.memory_space<vmem>>
        %dma_start3A_629 = arith.constant 0 : i32
        %dma_start3A_630 = arith.constant 0 : i32
        %dma_start3A_631 = tpu.memref_slice %arg4[%dma_start3A_629, %dma_start3A_630] : memref<20000x32xf32, #tpu.memory_space<hbm>> -> memref<20000x32xf32, #tpu.memory_space<hbm>>
        %dma_start3A_632 = tpu.memref_slice %arg12[%dma_start3A_621] : memref<8x!tpu.dma_semaphore, #tpu.memory_space<semaphore_mem>> -> memref<1x!tpu.dma_semaphore, #tpu.memory_space<semaphore_mem>>
        %dma_start3A_633 = tpu.memref_squeeze %dma_start3A_632 : memref<1x!tpu.dma_semaphore, #tpu.memory_space<semaphore_mem>> -> memref<!tpu.dma_semaphore, #tpu.memory_space<semaphore_mem>>
        tpu.enqueue_indirect_dma source(%dma_start3A_631 : memref<20000x32xf32, #tpu.memory_space<hbm>>) target(%dma_start3A_625 : memref<125x32xf32, #tpu.memory_space<vmem>>) offsets(%dma_start3A_628 : memref<125xi32, #tpu.memory_space<vmem>>) semaphore(%dma_start3A_633 : memref<!tpu.dma_semaphore, #tpu.memory_space<semaphore_mem>>)
      } else {
      }
      %mul3A_341 = arith.constant 8 : i32
      %mul3A_342 = arith.muli %scan3A_256, %mul3A_341 : i32
      %add3A_343 = arith.constant 2 : i32
      %add3A_344 = arith.addi %mul3A_342, %add3A_343 : i32
      %dma_wait3A_345 = arith.constant 2 : i32
      %dma_wait3A_346 = arith.constant 2 : i32
      %dma_wait3A_347 = arith.constant 0 : i32
      %dma_wait3A_348 = arith.constant 0 : i32
      %dma_wait3A_349 = tpu.memref_slice %arg10[%dma_wait3A_345, %dma_wait3A_347, %dma_wait3A_348] : memref<8x125x32xf32, #tpu.memory_space<vmem>> -> memref<1x125x32xf32, #tpu.memory_space<vmem>>
      %dma_wait3A_350 = tpu.memref_squeeze %dma_wait3A_349 : memref<1x125x32xf32, #tpu.memory_space<vmem>> -> memref<125x32xf32, #tpu.memory_space<vmem>>
      %dma_wait3A_351 = arith.constant 0 : i32
      %dma_wait3A_352 = tpu.memref_slice %arg8[%add3A_344, %dma_wait3A_351] : memref<80x125xi32, #tpu.memory_space<vmem>> -> memref<1x125xi32, #tpu.memory_space<vmem>>
      %dma_wait3A_353 = tpu.memref_squeeze %dma_wait3A_352 : memref<1x125xi32, #tpu.memory_space<vmem>> -> memref<125xi32, #tpu.memory_space<vmem>>
      %dma_wait3A_354 = arith.constant 0 : i32
      %dma_wait3A_355 = arith.constant 0 : i32
      %dma_wait3A_356 = tpu.memref_slice %arg4[%dma_wait3A_354, %dma_wait3A_355] : memref<20000x32xf32, #tpu.memory_space<hbm>> -> memref<20000x32xf32, #tpu.memory_space<hbm>>
      %dma_wait3A_357 = tpu.memref_slice %arg12[%dma_wait3A_346] : memref<8x!tpu.dma_semaphore, #tpu.memory_space<semaphore_mem>> -> memref<1x!tpu.dma_semaphore, #tpu.memory_space<semaphore_mem>>
      %dma_wait3A_358 = tpu.memref_squeeze %dma_wait3A_357 : memref<1x!tpu.dma_semaphore, #tpu.memory_space<semaphore_mem>> -> memref<!tpu.dma_semaphore, #tpu.memory_space<semaphore_mem>>
      tpu.wait_indirect_dma semaphore(%dma_wait3A_358 : memref<!tpu.dma_semaphore, #tpu.memory_space<semaphore_mem>>) src(%dma_wait3A_356 : memref<20000x32xf32, #tpu.memory_space<hbm>>) dst(%dma_wait3A_350 : memref<125x32xf32, #tpu.memory_space<vmem>>)
      %dma_start3A_359 = arith.constant 2 : i32
      %dma_start3A_360 = arith.constant 2 : i32
      %dma_start3A_361 = arith.constant 0 : i32
      %dma_start3A_362 = arith.constant 0 : i32
      %dma_start3A_363 = tpu.memref_slice %arg10[%dma_start3A_359, %dma_start3A_361, %dma_start3A_362] : memref<8x125x32xf32, #tpu.memory_space<vmem>> -> memref<1x125x32xf32, #tpu.memory_space<vmem>>
      %dma_start3A_364 = tpu.memref_squeeze %dma_start3A_363 : memref<1x125x32xf32, #tpu.memory_space<vmem>> -> memref<125x32xf32, #tpu.memory_space<vmem>>
      %dma_start3A_365 = arith.constant 0 : i32
      %dma_start3A_366 = tpu.memref_slice %arg9[%add3A_344, %dma_start3A_365] : memref<80x125xi32, #tpu.memory_space<vmem>> -> memref<1x125xi32, #tpu.memory_space<vmem>>
      %dma_start3A_367 = tpu.memref_squeeze %dma_start3A_366 : memref<1x125xi32, #tpu.memory_space<vmem>> -> memref<125xi32, #tpu.memory_space<vmem>>
      %dma_start3A_368 = arith.constant 0 : i32
      %dma_start3A_369 = arith.constant 0 : i32
      %dma_start3A_370 = tpu.memref_slice %arg11[%dma_start3A_368, %dma_start3A_369] : memref<10240x32xf32, #tpu.memory_space<vmem_shared>> -> memref<10240x32xf32, #tpu.memory_space<vmem_shared>>
      %dma_start3A_371 = tpu.memref_slice %arg13[%dma_start3A_360] : memref<8x!tpu.dma_semaphore, #tpu.memory_space<semaphore_mem>> -> memref<1x!tpu.dma_semaphore, #tpu.memory_space<semaphore_mem>>
      %dma_start3A_372 = tpu.memref_squeeze %dma_start3A_371 : memref<1x!tpu.dma_semaphore, #tpu.memory_space<semaphore_mem>> -> memref<!tpu.dma_semaphore, #tpu.memory_space<semaphore_mem>>
      tpu.enqueue_indirect_dma source(%dma_start3A_364 : memref<125x32xf32, #tpu.memory_space<vmem>>) target(%dma_start3A_370 : memref<10240x32xf32, #tpu.memory_space<vmem_shared>>) offsets(%dma_start3A_367 : memref<125xi32, #tpu.memory_space<vmem>>) semaphore(%dma_start3A_372 : memref<!tpu.dma_semaphore, #tpu.memory_space<semaphore_mem>>) {add = true}
      %add3A_373 = arith.constant 8 : i32
      %add3A_374 = arith.addi %add3A_344, %add3A_373 : i32
      %sub3A_375 = arith.constant 2 : i32
      %sub3A_376 = arith.subi %add3A_374, %sub3A_375 : i32
      %ge3A_377 = arith.constant 8 : i32
      %ge3A_378 = arith.cmpi sge, %sub3A_376, %ge3A_377 : i32
      %lt3A_379 = arith.constant 80 : i32
      %lt3A_380 = arith.cmpi slt, %sub3A_376, %lt3A_379 : i32
      %and3A_381 = arith.andi %ge3A_378, %lt3A_380 : i1
      %convert_element_type3A_382 = arith.extui %and3A_381 : i1 to i32
      %cond3A_383 = arith.constant 0 : i32
      %cond3A_384 = arith.cmpi ne, %convert_element_type3A_382, %cond3A_383 : i32
      scf.if %cond3A_384 {
        %dma_wait3A_605 = arith.constant 0 : i32
        %dma_wait3A_606 = arith.constant 0 : i32
        %dma_wait3A_607 = arith.constant 0 : i32
        %dma_wait3A_608 = arith.constant 0 : i32
        %dma_wait3A_609 = arith.constant 0 : i32
        %dma_wait3A_610 = tpu.memref_slice %arg10[%dma_wait3A_605, %dma_wait3A_608, %dma_wait3A_609] : memref<8x125x32xf32, #tpu.memory_space<vmem>> -> memref<1x125x32xf32, #tpu.memory_space<vmem>>
        %dma_wait3A_611 = tpu.memref_squeeze %dma_wait3A_610 : memref<1x125x32xf32, #tpu.memory_space<vmem>> -> memref<125x32xf32, #tpu.memory_space<vmem>>
        %dma_wait3A_612 = arith.constant 0 : i32
        %dma_wait3A_613 = tpu.memref_slice %arg9[%dma_wait3A_606, %dma_wait3A_612] : memref<80x125xi32, #tpu.memory_space<vmem>> -> memref<1x125xi32, #tpu.memory_space<vmem>>
        %dma_wait3A_614 = tpu.memref_squeeze %dma_wait3A_613 : memref<1x125xi32, #tpu.memory_space<vmem>> -> memref<125xi32, #tpu.memory_space<vmem>>
        %dma_wait3A_615 = arith.constant 0 : i32
        %dma_wait3A_616 = arith.constant 0 : i32
        %dma_wait3A_617 = tpu.memref_slice %arg11[%dma_wait3A_615, %dma_wait3A_616] : memref<10240x32xf32, #tpu.memory_space<vmem_shared>> -> memref<10240x32xf32, #tpu.memory_space<vmem_shared>>
        %dma_wait3A_618 = tpu.memref_slice %arg13[%dma_wait3A_607] : memref<8x!tpu.dma_semaphore, #tpu.memory_space<semaphore_mem>> -> memref<1x!tpu.dma_semaphore, #tpu.memory_space<semaphore_mem>>
        %dma_wait3A_619 = tpu.memref_squeeze %dma_wait3A_618 : memref<1x!tpu.dma_semaphore, #tpu.memory_space<semaphore_mem>> -> memref<!tpu.dma_semaphore, #tpu.memory_space<semaphore_mem>>
        tpu.wait_indirect_dma semaphore(%dma_wait3A_619 : memref<!tpu.dma_semaphore, #tpu.memory_space<semaphore_mem>>) src(%dma_wait3A_611 : memref<125x32xf32, #tpu.memory_space<vmem>>) dst(%dma_wait3A_617 : memref<10240x32xf32, #tpu.memory_space<vmem_shared>>)
        %dma_start3A_620 = arith.constant 0 : i32
        %dma_start3A_621 = arith.constant 0 : i32
        %dma_start3A_622 = arith.constant 0 : i32
        %dma_start3A_623 = arith.constant 0 : i32
        %dma_start3A_624 = tpu.memref_slice %arg10[%dma_start3A_620, %dma_start3A_622, %dma_start3A_623] : memref<8x125x32xf32, #tpu.memory_space<vmem>> -> memref<1x125x32xf32, #tpu.memory_space<vmem>>
        %dma_start3A_625 = tpu.memref_squeeze %dma_start3A_624 : memref<1x125x32xf32, #tpu.memory_space<vmem>> -> memref<125x32xf32, #tpu.memory_space<vmem>>
        %dma_start3A_626 = arith.constant 0 : i32
        %dma_start3A_627 = tpu.memref_slice %arg8[%sub3A_376, %dma_start3A_626] : memref<80x125xi32, #tpu.memory_space<vmem>> -> memref<1x125xi32, #tpu.memory_space<vmem>>
        %dma_start3A_628 = tpu.memref_squeeze %dma_start3A_627 : memref<1x125xi32, #tpu.memory_space<vmem>> -> memref<125xi32, #tpu.memory_space<vmem>>
        %dma_start3A_629 = arith.constant 0 : i32
        %dma_start3A_630 = arith.constant 0 : i32
        %dma_start3A_631 = tpu.memref_slice %arg4[%dma_start3A_629, %dma_start3A_630] : memref<20000x32xf32, #tpu.memory_space<hbm>> -> memref<20000x32xf32, #tpu.memory_space<hbm>>
        %dma_start3A_632 = tpu.memref_slice %arg12[%dma_start3A_621] : memref<8x!tpu.dma_semaphore, #tpu.memory_space<semaphore_mem>> -> memref<1x!tpu.dma_semaphore, #tpu.memory_space<semaphore_mem>>
        %dma_start3A_633 = tpu.memref_squeeze %dma_start3A_632 : memref<1x!tpu.dma_semaphore, #tpu.memory_space<semaphore_mem>> -> memref<!tpu.dma_semaphore, #tpu.memory_space<semaphore_mem>>
        tpu.enqueue_indirect_dma source(%dma_start3A_631 : memref<20000x32xf32, #tpu.memory_space<hbm>>) target(%dma_start3A_625 : memref<125x32xf32, #tpu.memory_space<vmem>>) offsets(%dma_start3A_628 : memref<125xi32, #tpu.memory_space<vmem>>) semaphore(%dma_start3A_633 : memref<!tpu.dma_semaphore, #tpu.memory_space<semaphore_mem>>)
      } else {
      }
      %mul3A_385 = arith.constant 8 : i32
      %mul3A_386 = arith.muli %scan3A_256, %mul3A_385 : i32
      %add3A_387 = arith.constant 3 : i32
      %add3A_388 = arith.addi %mul3A_386, %add3A_387 : i32
      %dma_wait3A_389 = arith.constant 3 : i32
      %dma_wait3A_390 = arith.constant 3 : i32
      %dma_wait3A_391 = arith.constant 0 : i32
      %dma_wait3A_392 = arith.constant 0 : i32
      %dma_wait3A_393 = tpu.memref_slice %arg10[%dma_wait3A_389, %dma_wait3A_391, %dma_wait3A_392] : memref<8x125x32xf32, #tpu.memory_space<vmem>> -> memref<1x125x32xf32, #tpu.memory_space<vmem>>
      %dma_wait3A_394 = tpu.memref_squeeze %dma_wait3A_393 : memref<1x125x32xf32, #tpu.memory_space<vmem>> -> memref<125x32xf32, #tpu.memory_space<vmem>>
      %dma_wait3A_395 = arith.constant 0 : i32
      %dma_wait3A_396 = tpu.memref_slice %arg8[%add3A_388, %dma_wait3A_395] : memref<80x125xi32, #tpu.memory_space<vmem>> -> memref<1x125xi32, #tpu.memory_space<vmem>>
      %dma_wait3A_397 = tpu.memref_squeeze %dma_wait3A_396 : memref<1x125xi32, #tpu.memory_space<vmem>> -> memref<125xi32, #tpu.memory_space<vmem>>
      %dma_wait3A_398 = arith.constant 0 : i32
      %dma_wait3A_399 = arith.constant 0 : i32
      %dma_wait3A_400 = tpu.memref_slice %arg4[%dma_wait3A_398, %dma_wait3A_399] : memref<20000x32xf32, #tpu.memory_space<hbm>> -> memref<20000x32xf32, #tpu.memory_space<hbm>>
      %dma_wait3A_401 = tpu.memref_slice %arg12[%dma_wait3A_390] : memref<8x!tpu.dma_semaphore, #tpu.memory_space<semaphore_mem>> -> memref<1x!tpu.dma_semaphore, #tpu.memory_space<semaphore_mem>>
      %dma_wait3A_402 = tpu.memref_squeeze %dma_wait3A_401 : memref<1x!tpu.dma_semaphore, #tpu.memory_space<semaphore_mem>> -> memref<!tpu.dma_semaphore, #tpu.memory_space<semaphore_mem>>
      tpu.wait_indirect_dma semaphore(%dma_wait3A_402 : memref<!tpu.dma_semaphore, #tpu.memory_space<semaphore_mem>>) src(%dma_wait3A_400 : memref<20000x32xf32, #tpu.memory_space<hbm>>) dst(%dma_wait3A_394 : memref<125x32xf32, #tpu.memory_space<vmem>>)
      %dma_start3A_403 = arith.constant 3 : i32
      %dma_start3A_404 = arith.constant 3 : i32
      %dma_start3A_405 = arith.constant 0 : i32
      %dma_start3A_406 = arith.constant 0 : i32
      %dma_start3A_407 = tpu.memref_slice %arg10[%dma_start3A_403, %dma_start3A_405, %dma_start3A_406] : memref<8x125x32xf32, #tpu.memory_space<vmem>> -> memref<1x125x32xf32, #tpu.memory_space<vmem>>
      %dma_start3A_408 = tpu.memref_squeeze %dma_start3A_407 : memref<1x125x32xf32, #tpu.memory_space<vmem>> -> memref<125x32xf32, #tpu.memory_space<vmem>>
      %dma_start3A_409 = arith.constant 0 : i32
      %dma_start3A_410 = tpu.memref_slice %arg9[%add3A_388, %dma_start3A_409] : memref<80x125xi32, #tpu.memory_space<vmem>> -> memref<1x125xi32, #tpu.memory_space<vmem>>
      %dma_start3A_411 = tpu.memref_squeeze %dma_start3A_410 : memref<1x125xi32, #tpu.memory_space<vmem>> -> memref<125xi32, #tpu.memory_space<vmem>>
      %dma_start3A_412 = arith.constant 0 : i32
      %dma_start3A_413 = arith.constant 0 : i32
      %dma_start3A_414 = tpu.memref_slice %arg11[%dma_start3A_412, %dma_start3A_413] : memref<10240x32xf32, #tpu.memory_space<vmem_shared>> -> memref<10240x32xf32, #tpu.memory_space<vmem_shared>>
      %dma_start3A_415 = tpu.memref_slice %arg13[%dma_start3A_404] : memref<8x!tpu.dma_semaphore, #tpu.memory_space<semaphore_mem>> -> memref<1x!tpu.dma_semaphore, #tpu.memory_space<semaphore_mem>>
      %dma_start3A_416 = tpu.memref_squeeze %dma_start3A_415 : memref<1x!tpu.dma_semaphore, #tpu.memory_space<semaphore_mem>> -> memref<!tpu.dma_semaphore, #tpu.memory_space<semaphore_mem>>
      tpu.enqueue_indirect_dma source(%dma_start3A_408 : memref<125x32xf32, #tpu.memory_space<vmem>>) target(%dma_start3A_414 : memref<10240x32xf32, #tpu.memory_space<vmem_shared>>) offsets(%dma_start3A_411 : memref<125xi32, #tpu.memory_space<vmem>>) semaphore(%dma_start3A_416 : memref<!tpu.dma_semaphore, #tpu.memory_space<semaphore_mem>>) {add = true}
      %add3A_417 = arith.constant 8 : i32
      %add3A_418 = arith.addi %add3A_388, %add3A_417 : i32
      %sub3A_419 = arith.constant 2 : i32
      %sub3A_420 = arith.subi %add3A_418, %sub3A_419 : i32
      %ge3A_421 = arith.constant 8 : i32
      %ge3A_422 = arith.cmpi sge, %sub3A_420, %ge3A_421 : i32
      %lt3A_423 = arith.constant 80 : i32
      %lt3A_424 = arith.cmpi slt, %sub3A_420, %lt3A_423 : i32
      %and3A_425 = arith.andi %ge3A_422, %lt3A_424 : i1
      %convert_element_type3A_426 = arith.extui %and3A_425 : i1 to i32
      %cond3A_427 = arith.constant 0 : i32
      %cond3A_428 = arith.cmpi ne, %convert_element_type3A_426, %cond3A_427 : i32
      scf.if %cond3A_428 {
        %dma_wait3A_605 = arith.constant 1 : i32
        %dma_wait3A_606 = arith.constant 0 : i32
        %dma_wait3A_607 = arith.constant 1 : i32
        %dma_wait3A_608 = arith.constant 0 : i32
        %dma_wait3A_609 = arith.constant 0 : i32
        %dma_wait3A_610 = tpu.memref_slice %arg10[%dma_wait3A_605, %dma_wait3A_608, %dma_wait3A_609] : memref<8x125x32xf32, #tpu.memory_space<vmem>> -> memref<1x125x32xf32, #tpu.memory_space<vmem>>
        %dma_wait3A_611 = tpu.memref_squeeze %dma_wait3A_610 : memref<1x125x32xf32, #tpu.memory_space<vmem>> -> memref<125x32xf32, #tpu.memory_space<vmem>>
        %dma_wait3A_612 = arith.constant 0 : i32
        %dma_wait3A_613 = tpu.memref_slice %arg9[%dma_wait3A_606, %dma_wait3A_612] : memref<80x125xi32, #tpu.memory_space<vmem>> -> memref<1x125xi32, #tpu.memory_space<vmem>>
        %dma_wait3A_614 = tpu.memref_squeeze %dma_wait3A_613 : memref<1x125xi32, #tpu.memory_space<vmem>> -> memref<125xi32, #tpu.memory_space<vmem>>
        %dma_wait3A_615 = arith.constant 0 : i32
        %dma_wait3A_616 = arith.constant 0 : i32
        %dma_wait3A_617 = tpu.memref_slice %arg11[%dma_wait3A_615, %dma_wait3A_616] : memref<10240x32xf32, #tpu.memory_space<vmem_shared>> -> memref<10240x32xf32, #tpu.memory_space<vmem_shared>>
        %dma_wait3A_618 = tpu.memref_slice %arg13[%dma_wait3A_607] : memref<8x!tpu.dma_semaphore, #tpu.memory_space<semaphore_mem>> -> memref<1x!tpu.dma_semaphore, #tpu.memory_space<semaphore_mem>>
        %dma_wait3A_619 = tpu.memref_squeeze %dma_wait3A_618 : memref<1x!tpu.dma_semaphore, #tpu.memory_space<semaphore_mem>> -> memref<!tpu.dma_semaphore, #tpu.memory_space<semaphore_mem>>
        tpu.wait_indirect_dma semaphore(%dma_wait3A_619 : memref<!tpu.dma_semaphore, #tpu.memory_space<semaphore_mem>>) src(%dma_wait3A_611 : memref<125x32xf32, #tpu.memory_space<vmem>>) dst(%dma_wait3A_617 : memref<10240x32xf32, #tpu.memory_space<vmem_shared>>)
        %dma_start3A_620 = arith.constant 1 : i32
        %dma_start3A_621 = arith.constant 1 : i32
        %dma_start3A_622 = arith.constant 0 : i32
        %dma_start3A_623 = arith.constant 0 : i32
        %dma_start3A_624 = tpu.memref_slice %arg10[%dma_start3A_620, %dma_start3A_622, %dma_start3A_623] : memref<8x125x32xf32, #tpu.memory_space<vmem>> -> memref<1x125x32xf32, #tpu.memory_space<vmem>>
        %dma_start3A_625 = tpu.memref_squeeze %dma_start3A_624 : memref<1x125x32xf32, #tpu.memory_space<vmem>> -> memref<125x32xf32, #tpu.memory_space<vmem>>
        %dma_start3A_626 = arith.constant 0 : i32
        %dma_start3A_627 = tpu.memref_slice %arg8[%sub3A_420, %dma_start3A_626] : memref<80x125xi32, #tpu.memory_space<vmem>> -> memref<1x125xi32, #tpu.memory_space<vmem>>
        %dma_start3A_628 = tpu.memref_squeeze %dma_start3A_627 : memref<1x125xi32, #tpu.memory_space<vmem>> -> memref<125xi32, #tpu.memory_space<vmem>>
        %dma_start3A_629 = arith.constant 0 : i32
        %dma_start3A_630 = arith.constant 0 : i32
        %dma_start3A_631 = tpu.memref_slice %arg4[%dma_start3A_629, %dma_start3A_630] : memref<20000x32xf32, #tpu.memory_space<hbm>> -> memref<20000x32xf32, #tpu.memory_space<hbm>>
        %dma_start3A_632 = tpu.memref_slice %arg12[%dma_start3A_621] : memref<8x!tpu.dma_semaphore, #tpu.memory_space<semaphore_mem>> -> memref<1x!tpu.dma_semaphore, #tpu.memory_space<semaphore_mem>>
        %dma_start3A_633 = tpu.memref_squeeze %dma_start3A_632 : memref<1x!tpu.dma_semaphore, #tpu.memory_space<semaphore_mem>> -> memref<!tpu.dma_semaphore, #tpu.memory_space<semaphore_mem>>
        tpu.enqueue_indirect_dma source(%dma_start3A_631 : memref<20000x32xf32, #tpu.memory_space<hbm>>) target(%dma_start3A_625 : memref<125x32xf32, #tpu.memory_space<vmem>>) offsets(%dma_start3A_628 : memref<125xi32, #tpu.memory_space<vmem>>) semaphore(%dma_start3A_633 : memref<!tpu.dma_semaphore, #tpu.memory_space<semaphore_mem>>)
      } else {
      }
      %mul3A_429 = arith.constant 8 : i32
      %mul3A_430 = arith.muli %scan3A_256, %mul3A_429 : i32
      %add3A_431 = arith.constant 4 : i32
      %add3A_432 = arith.addi %mul3A_430, %add3A_431 : i32
      %dma_wait3A_433 = arith.constant 4 : i32
      %dma_wait3A_434 = arith.constant 4 : i32
      %dma_wait3A_435 = arith.constant 0 : i32
      %dma_wait3A_436 = arith.constant 0 : i32
      %dma_wait3A_437 = tpu.memref_slice %arg10[%dma_wait3A_433, %dma_wait3A_435, %dma_wait3A_436] : memref<8x125x32xf32, #tpu.memory_space<vmem>> -> memref<1x125x32xf32, #tpu.memory_space<vmem>>
      %dma_wait3A_438 = tpu.memref_squeeze %dma_wait3A_437 : memref<1x125x32xf32, #tpu.memory_space<vmem>> -> memref<125x32xf32, #tpu.memory_space<vmem>>
      %dma_wait3A_439 = arith.constant 0 : i32
      %dma_wait3A_440 = tpu.memref_slice %arg8[%add3A_432, %dma_wait3A_439] : memref<80x125xi32, #tpu.memory_space<vmem>> -> memref<1x125xi32, #tpu.memory_space<vmem>>
      %dma_wait3A_441 = tpu.memref_squeeze %dma_wait3A_440 : memref<1x125xi32, #tpu.memory_space<vmem>> -> memref<125xi32, #tpu.memory_space<vmem>>
      %dma_wait3A_442 = arith.constant 0 : i32
      %dma_wait3A_443 = arith.constant 0 : i32
      %dma_wait3A_444 = tpu.memref_slice %arg4[%dma_wait3A_442, %dma_wait3A_443] : memref<20000x32xf32, #tpu.memory_space<hbm>> -> memref<20000x32xf32, #tpu.memory_space<hbm>>
      %dma_wait3A_445 = tpu.memref_slice %arg12[%dma_wait3A_434] : memref<8x!tpu.dma_semaphore, #tpu.memory_space<semaphore_mem>> -> memref<1x!tpu.dma_semaphore, #tpu.memory_space<semaphore_mem>>
      %dma_wait3A_446 = tpu.memref_squeeze %dma_wait3A_445 : memref<1x!tpu.dma_semaphore, #tpu.memory_space<semaphore_mem>> -> memref<!tpu.dma_semaphore, #tpu.memory_space<semaphore_mem>>
      tpu.wait_indirect_dma semaphore(%dma_wait3A_446 : memref<!tpu.dma_semaphore, #tpu.memory_space<semaphore_mem>>) src(%dma_wait3A_444 : memref<20000x32xf32, #tpu.memory_space<hbm>>) dst(%dma_wait3A_438 : memref<125x32xf32, #tpu.memory_space<vmem>>)
      %dma_start3A_447 = arith.constant 4 : i32
      %dma_start3A_448 = arith.constant 4 : i32
      %dma_start3A_449 = arith.constant 0 : i32
      %dma_start3A_450 = arith.constant 0 : i32
      %dma_start3A_451 = tpu.memref_slice %arg10[%dma_start3A_447, %dma_start3A_449, %dma_start3A_450] : memref<8x125x32xf32, #tpu.memory_space<vmem>> -> memref<1x125x32xf32, #tpu.memory_space<vmem>>
      %dma_start3A_452 = tpu.memref_squeeze %dma_start3A_451 : memref<1x125x32xf32, #tpu.memory_space<vmem>> -> memref<125x32xf32, #tpu.memory_space<vmem>>
      %dma_start3A_453 = arith.constant 0 : i32
      %dma_start3A_454 = tpu.memref_slice %arg9[%add3A_432, %dma_start3A_453] : memref<80x125xi32, #tpu.memory_space<vmem>> -> memref<1x125xi32, #tpu.memory_space<vmem>>
      %dma_start3A_455 = tpu.memref_squeeze %dma_start3A_454 : memref<1x125xi32, #tpu.memory_space<vmem>> -> memref<125xi32, #tpu.memory_space<vmem>>
      %dma_start3A_456 = arith.constant 0 : i32
      %dma_start3A_457 = arith.constant 0 : i32
      %dma_start3A_458 = tpu.memref_slice %arg11[%dma_start3A_456, %dma_start3A_457] : memref<10240x32xf32, #tpu.memory_space<vmem_shared>> -> memref<10240x32xf32, #tpu.memory_space<vmem_shared>>
      %dma_start3A_459 = tpu.memref_slice %arg13[%dma_start3A_448] : memref<8x!tpu.dma_semaphore, #tpu.memory_space<semaphore_mem>> -> memref<1x!tpu.dma_semaphore, #tpu.memory_space<semaphore_mem>>
      %dma_start3A_460 = tpu.memref_squeeze %dma_start3A_459 : memref<1x!tpu.dma_semaphore, #tpu.memory_space<semaphore_mem>> -> memref<!tpu.dma_semaphore, #tpu.memory_space<semaphore_mem>>
      tpu.enqueue_indirect_dma source(%dma_start3A_452 : memref<125x32xf32, #tpu.memory_space<vmem>>) target(%dma_start3A_458 : memref<10240x32xf32, #tpu.memory_space<vmem_shared>>) offsets(%dma_start3A_455 : memref<125xi32, #tpu.memory_space<vmem>>) semaphore(%dma_start3A_460 : memref<!tpu.dma_semaphore, #tpu.memory_space<semaphore_mem>>) {add = true}
      %add3A_461 = arith.constant 8 : i32
      %add3A_462 = arith.addi %add3A_432, %add3A_461 : i32
      %sub3A_463 = arith.constant 2 : i32
      %sub3A_464 = arith.subi %add3A_462, %sub3A_463 : i32
      %ge3A_465 = arith.constant 8 : i32
      %ge3A_466 = arith.cmpi sge, %sub3A_464, %ge3A_465 : i32
      %lt3A_467 = arith.constant 80 : i32
      %lt3A_468 = arith.cmpi slt, %sub3A_464, %lt3A_467 : i32
      %and3A_469 = arith.andi %ge3A_466, %lt3A_468 : i1
      %convert_element_type3A_470 = arith.extui %and3A_469 : i1 to i32
      %cond3A_471 = arith.constant 0 : i32
      %cond3A_472 = arith.cmpi ne, %convert_element_type3A_470, %cond3A_471 : i32
      scf.if %cond3A_472 {
        %dma_wait3A_605 = arith.constant 2 : i32
        %dma_wait3A_606 = arith.constant 0 : i32
        %dma_wait3A_607 = arith.constant 2 : i32
        %dma_wait3A_608 = arith.constant 0 : i32
        %dma_wait3A_609 = arith.constant 0 : i32
        %dma_wait3A_610 = tpu.memref_slice %arg10[%dma_wait3A_605, %dma_wait3A_608, %dma_wait3A_609] : memref<8x125x32xf32, #tpu.memory_space<vmem>> -> memref<1x125x32xf32, #tpu.memory_space<vmem>>
        %dma_wait3A_611 = tpu.memref_squeeze %dma_wait3A_610 : memref<1x125x32xf32, #tpu.memory_space<vmem>> -> memref<125x32xf32, #tpu.memory_space<vmem>>
        %dma_wait3A_612 = arith.constant 0 : i32
        %dma_wait3A_613 = tpu.memref_slice %arg9[%dma_wait3A_606, %dma_wait3A_612] : memref<80x125xi32, #tpu.memory_space<vmem>> -> memref<1x125xi32, #tpu.memory_space<vmem>>
        %dma_wait3A_614 = tpu.memref_squeeze %dma_wait3A_613 : memref<1x125xi32, #tpu.memory_space<vmem>> -> memref<125xi32, #tpu.memory_space<vmem>>
        %dma_wait3A_615 = arith.constant 0 : i32
        %dma_wait3A_616 = arith.constant 0 : i32
        %dma_wait3A_617 = tpu.memref_slice %arg11[%dma_wait3A_615, %dma_wait3A_616] : memref<10240x32xf32, #tpu.memory_space<vmem_shared>> -> memref<10240x32xf32, #tpu.memory_space<vmem_shared>>
        %dma_wait3A_618 = tpu.memref_slice %arg13[%dma_wait3A_607] : memref<8x!tpu.dma_semaphore, #tpu.memory_space<semaphore_mem>> -> memref<1x!tpu.dma_semaphore, #tpu.memory_space<semaphore_mem>>
        %dma_wait3A_619 = tpu.memref_squeeze %dma_wait3A_618 : memref<1x!tpu.dma_semaphore, #tpu.memory_space<semaphore_mem>> -> memref<!tpu.dma_semaphore, #tpu.memory_space<semaphore_mem>>
        tpu.wait_indirect_dma semaphore(%dma_wait3A_619 : memref<!tpu.dma_semaphore, #tpu.memory_space<semaphore_mem>>) src(%dma_wait3A_611 : memref<125x32xf32, #tpu.memory_space<vmem>>) dst(%dma_wait3A_617 : memref<10240x32xf32, #tpu.memory_space<vmem_shared>>)
        %dma_start3A_620 = arith.constant 2 : i32
        %dma_start3A_621 = arith.constant 2 : i32
        %dma_start3A_622 = arith.constant 0 : i32
        %dma_start3A_623 = arith.constant 0 : i32
        %dma_start3A_624 = tpu.memref_slice %arg10[%dma_start3A_620, %dma_start3A_622, %dma_start3A_623] : memref<8x125x32xf32, #tpu.memory_space<vmem>> -> memref<1x125x32xf32, #tpu.memory_space<vmem>>
        %dma_start3A_625 = tpu.memref_squeeze %dma_start3A_624 : memref<1x125x32xf32, #tpu.memory_space<vmem>> -> memref<125x32xf32, #tpu.memory_space<vmem>>
        %dma_start3A_626 = arith.constant 0 : i32
        %dma_start3A_627 = tpu.memref_slice %arg8[%sub3A_464, %dma_start3A_626] : memref<80x125xi32, #tpu.memory_space<vmem>> -> memref<1x125xi32, #tpu.memory_space<vmem>>
        %dma_start3A_628 = tpu.memref_squeeze %dma_start3A_627 : memref<1x125xi32, #tpu.memory_space<vmem>> -> memref<125xi32, #tpu.memory_space<vmem>>
        %dma_start3A_629 = arith.constant 0 : i32
        %dma_start3A_630 = arith.constant 0 : i32
        %dma_start3A_631 = tpu.memref_slice %arg4[%dma_start3A_629, %dma_start3A_630] : memref<20000x32xf32, #tpu.memory_space<hbm>> -> memref<20000x32xf32, #tpu.memory_space<hbm>>
        %dma_start3A_632 = tpu.memref_slice %arg12[%dma_start3A_621] : memref<8x!tpu.dma_semaphore, #tpu.memory_space<semaphore_mem>> -> memref<1x!tpu.dma_semaphore, #tpu.memory_space<semaphore_mem>>
        %dma_start3A_633 = tpu.memref_squeeze %dma_start3A_632 : memref<1x!tpu.dma_semaphore, #tpu.memory_space<semaphore_mem>> -> memref<!tpu.dma_semaphore, #tpu.memory_space<semaphore_mem>>
        tpu.enqueue_indirect_dma source(%dma_start3A_631 : memref<20000x32xf32, #tpu.memory_space<hbm>>) target(%dma_start3A_625 : memref<125x32xf32, #tpu.memory_space<vmem>>) offsets(%dma_start3A_628 : memref<125xi32, #tpu.memory_space<vmem>>) semaphore(%dma_start3A_633 : memref<!tpu.dma_semaphore, #tpu.memory_space<semaphore_mem>>)
      } else {
      }
      %mul3A_473 = arith.constant 8 : i32
      %mul3A_474 = arith.muli %scan3A_256, %mul3A_473 : i32
      %add3A_475 = arith.constant 5 : i32
      %add3A_476 = arith.addi %mul3A_474, %add3A_475 : i32
      %dma_wait3A_477 = arith.constant 5 : i32
      %dma_wait3A_478 = arith.constant 5 : i32
      %dma_wait3A_479 = arith.constant 0 : i32
      %dma_wait3A_480 = arith.constant 0 : i32
      %dma_wait3A_481 = tpu.memref_slice %arg10[%dma_wait3A_477, %dma_wait3A_479, %dma_wait3A_480] : memref<8x125x32xf32, #tpu.memory_space<vmem>> -> memref<1x125x32xf32, #tpu.memory_space<vmem>>
      %dma_wait3A_482 = tpu.memref_squeeze %dma_wait3A_481 : memref<1x125x32xf32, #tpu.memory_space<vmem>> -> memref<125x32xf32, #tpu.memory_space<vmem>>
      %dma_wait3A_483 = arith.constant 0 : i32
      %dma_wait3A_484 = tpu.memref_slice %arg8[%add3A_476, %dma_wait3A_483] : memref<80x125xi32, #tpu.memory_space<vmem>> -> memref<1x125xi32, #tpu.memory_space<vmem>>
      %dma_wait3A_485 = tpu.memref_squeeze %dma_wait3A_484 : memref<1x125xi32, #tpu.memory_space<vmem>> -> memref<125xi32, #tpu.memory_space<vmem>>
      %dma_wait3A_486 = arith.constant 0 : i32
      %dma_wait3A_487 = arith.constant 0 : i32
      %dma_wait3A_488 = tpu.memref_slice %arg4[%dma_wait3A_486, %dma_wait3A_487] : memref<20000x32xf32, #tpu.memory_space<hbm>> -> memref<20000x32xf32, #tpu.memory_space<hbm>>
      %dma_wait3A_489 = tpu.memref_slice %arg12[%dma_wait3A_478] : memref<8x!tpu.dma_semaphore, #tpu.memory_space<semaphore_mem>> -> memref<1x!tpu.dma_semaphore, #tpu.memory_space<semaphore_mem>>
      %dma_wait3A_490 = tpu.memref_squeeze %dma_wait3A_489 : memref<1x!tpu.dma_semaphore, #tpu.memory_space<semaphore_mem>> -> memref<!tpu.dma_semaphore, #tpu.memory_space<semaphore_mem>>
      tpu.wait_indirect_dma semaphore(%dma_wait3A_490 : memref<!tpu.dma_semaphore, #tpu.memory_space<semaphore_mem>>) src(%dma_wait3A_488 : memref<20000x32xf32, #tpu.memory_space<hbm>>) dst(%dma_wait3A_482 : memref<125x32xf32, #tpu.memory_space<vmem>>)
      %dma_start3A_491 = arith.constant 5 : i32
      %dma_start3A_492 = arith.constant 5 : i32
      %dma_start3A_493 = arith.constant 0 : i32
      %dma_start3A_494 = arith.constant 0 : i32
      %dma_start3A_495 = tpu.memref_slice %arg10[%dma_start3A_491, %dma_start3A_493, %dma_start3A_494] : memref<8x125x32xf32, #tpu.memory_space<vmem>> -> memref<1x125x32xf32, #tpu.memory_space<vmem>>
      %dma_start3A_496 = tpu.memref_squeeze %dma_start3A_495 : memref<1x125x32xf32, #tpu.memory_space<vmem>> -> memref<125x32xf32, #tpu.memory_space<vmem>>
      %dma_start3A_497 = arith.constant 0 : i32
      %dma_start3A_498 = tpu.memref_slice %arg9[%add3A_476, %dma_start3A_497] : memref<80x125xi32, #tpu.memory_space<vmem>> -> memref<1x125xi32, #tpu.memory_space<vmem>>
      %dma_start3A_499 = tpu.memref_squeeze %dma_start3A_498 : memref<1x125xi32, #tpu.memory_space<vmem>> -> memref<125xi32, #tpu.memory_space<vmem>>
      %dma_start3A_500 = arith.constant 0 : i32
      %dma_start3A_501 = arith.constant 0 : i32
      %dma_start3A_502 = tpu.memref_slice %arg11[%dma_start3A_500, %dma_start3A_501] : memref<10240x32xf32, #tpu.memory_space<vmem_shared>> -> memref<10240x32xf32, #tpu.memory_space<vmem_shared>>
      %dma_start3A_503 = tpu.memref_slice %arg13[%dma_start3A_492] : memref<8x!tpu.dma_semaphore, #tpu.memory_space<semaphore_mem>> -> memref<1x!tpu.dma_semaphore, #tpu.memory_space<semaphore_mem>>
      %dma_start3A_504 = tpu.memref_squeeze %dma_start3A_503 : memref<1x!tpu.dma_semaphore, #tpu.memory_space<semaphore_mem>> -> memref<!tpu.dma_semaphore, #tpu.memory_space<semaphore_mem>>
      tpu.enqueue_indirect_dma source(%dma_start3A_496 : memref<125x32xf32, #tpu.memory_space<vmem>>) target(%dma_start3A_502 : memref<10240x32xf32, #tpu.memory_space<vmem_shared>>) offsets(%dma_start3A_499 : memref<125xi32, #tpu.memory_space<vmem>>) semaphore(%dma_start3A_504 : memref<!tpu.dma_semaphore, #tpu.memory_space<semaphore_mem>>) {add = true}
      %add3A_505 = arith.constant 8 : i32
      %add3A_506 = arith.addi %add3A_476, %add3A_505 : i32
      %sub3A_507 = arith.constant 2 : i32
      %sub3A_508 = arith.subi %add3A_506, %sub3A_507 : i32
      %ge3A_509 = arith.constant 8 : i32
      %ge3A_510 = arith.cmpi sge, %sub3A_508, %ge3A_509 : i32
      %lt3A_511 = arith.constant 80 : i32
      %lt3A_512 = arith.cmpi slt, %sub3A_508, %lt3A_511 : i32
      %and3A_513 = arith.andi %ge3A_510, %lt3A_512 : i1
      %convert_element_type3A_514 = arith.extui %and3A_513 : i1 to i32
      %cond3A_515 = arith.constant 0 : i32
      %cond3A_516 = arith.cmpi ne, %convert_element_type3A_514, %cond3A_515 : i32
      scf.if %cond3A_516 {
        %dma_wait3A_605 = arith.constant 3 : i32
        %dma_wait3A_606 = arith.constant 0 : i32
        %dma_wait3A_607 = arith.constant 3 : i32
        %dma_wait3A_608 = arith.constant 0 : i32
        %dma_wait3A_609 = arith.constant 0 : i32
        %dma_wait3A_610 = tpu.memref_slice %arg10[%dma_wait3A_605, %dma_wait3A_608, %dma_wait3A_609] : memref<8x125x32xf32, #tpu.memory_space<vmem>> -> memref<1x125x32xf32, #tpu.memory_space<vmem>>
        %dma_wait3A_611 = tpu.memref_squeeze %dma_wait3A_610 : memref<1x125x32xf32, #tpu.memory_space<vmem>> -> memref<125x32xf32, #tpu.memory_space<vmem>>
        %dma_wait3A_612 = arith.constant 0 : i32
        %dma_wait3A_613 = tpu.memref_slice %arg9[%dma_wait3A_606, %dma_wait3A_612] : memref<80x125xi32, #tpu.memory_space<vmem>> -> memref<1x125xi32, #tpu.memory_space<vmem>>
        %dma_wait3A_614 = tpu.memref_squeeze %dma_wait3A_613 : memref<1x125xi32, #tpu.memory_space<vmem>> -> memref<125xi32, #tpu.memory_space<vmem>>
        %dma_wait3A_615 = arith.constant 0 : i32
        %dma_wait3A_616 = arith.constant 0 : i32
        %dma_wait3A_617 = tpu.memref_slice %arg11[%dma_wait3A_615, %dma_wait3A_616] : memref<10240x32xf32, #tpu.memory_space<vmem_shared>> -> memref<10240x32xf32, #tpu.memory_space<vmem_shared>>
        %dma_wait3A_618 = tpu.memref_slice %arg13[%dma_wait3A_607] : memref<8x!tpu.dma_semaphore, #tpu.memory_space<semaphore_mem>> -> memref<1x!tpu.dma_semaphore, #tpu.memory_space<semaphore_mem>>
        %dma_wait3A_619 = tpu.memref_squeeze %dma_wait3A_618 : memref<1x!tpu.dma_semaphore, #tpu.memory_space<semaphore_mem>> -> memref<!tpu.dma_semaphore, #tpu.memory_space<semaphore_mem>>
        tpu.wait_indirect_dma semaphore(%dma_wait3A_619 : memref<!tpu.dma_semaphore, #tpu.memory_space<semaphore_mem>>) src(%dma_wait3A_611 : memref<125x32xf32, #tpu.memory_space<vmem>>) dst(%dma_wait3A_617 : memref<10240x32xf32, #tpu.memory_space<vmem_shared>>)
        %dma_start3A_620 = arith.constant 3 : i32
        %dma_start3A_621 = arith.constant 3 : i32
        %dma_start3A_622 = arith.constant 0 : i32
        %dma_start3A_623 = arith.constant 0 : i32
        %dma_start3A_624 = tpu.memref_slice %arg10[%dma_start3A_620, %dma_start3A_622, %dma_start3A_623] : memref<8x125x32xf32, #tpu.memory_space<vmem>> -> memref<1x125x32xf32, #tpu.memory_space<vmem>>
        %dma_start3A_625 = tpu.memref_squeeze %dma_start3A_624 : memref<1x125x32xf32, #tpu.memory_space<vmem>> -> memref<125x32xf32, #tpu.memory_space<vmem>>
        %dma_start3A_626 = arith.constant 0 : i32
        %dma_start3A_627 = tpu.memref_slice %arg8[%sub3A_508, %dma_start3A_626] : memref<80x125xi32, #tpu.memory_space<vmem>> -> memref<1x125xi32, #tpu.memory_space<vmem>>
        %dma_start3A_628 = tpu.memref_squeeze %dma_start3A_627 : memref<1x125xi32, #tpu.memory_space<vmem>> -> memref<125xi32, #tpu.memory_space<vmem>>
        %dma_start3A_629 = arith.constant 0 : i32
        %dma_start3A_630 = arith.constant 0 : i32
        %dma_start3A_631 = tpu.memref_slice %arg4[%dma_start3A_629, %dma_start3A_630] : memref<20000x32xf32, #tpu.memory_space<hbm>> -> memref<20000x32xf32, #tpu.memory_space<hbm>>
        %dma_start3A_632 = tpu.memref_slice %arg12[%dma_start3A_621] : memref<8x!tpu.dma_semaphore, #tpu.memory_space<semaphore_mem>> -> memref<1x!tpu.dma_semaphore, #tpu.memory_space<semaphore_mem>>
        %dma_start3A_633 = tpu.memref_squeeze %dma_start3A_632 : memref<1x!tpu.dma_semaphore, #tpu.memory_space<semaphore_mem>> -> memref<!tpu.dma_semaphore, #tpu.memory_space<semaphore_mem>>
        tpu.enqueue_indirect_dma source(%dma_start3A_631 : memref<20000x32xf32, #tpu.memory_space<hbm>>) target(%dma_start3A_625 : memref<125x32xf32, #tpu.memory_space<vmem>>) offsets(%dma_start3A_628 : memref<125xi32, #tpu.memory_space<vmem>>) semaphore(%dma_start3A_633 : memref<!tpu.dma_semaphore, #tpu.memory_space<semaphore_mem>>)
      } else {
      }
      %mul3A_517 = arith.constant 8 : i32
      %mul3A_518 = arith.muli %scan3A_256, %mul3A_517 : i32
      %add3A_519 = arith.constant 6 : i32
      %add3A_520 = arith.addi %mul3A_518, %add3A_519 : i32
      %dma_wait3A_521 = arith.constant 6 : i32
      %dma_wait3A_522 = arith.constant 6 : i32
      %dma_wait3A_523 = arith.constant 0 : i32
      %dma_wait3A_524 = arith.constant 0 : i32
      %dma_wait3A_525 = tpu.memref_slice %arg10[%dma_wait3A_521, %dma_wait3A_523, %dma_wait3A_524] : memref<8x125x32xf32, #tpu.memory_space<vmem>> -> memref<1x125x32xf32, #tpu.memory_space<vmem>>
      %dma_wait3A_526 = tpu.memref_squeeze %dma_wait3A_525 : memref<1x125x32xf32, #tpu.memory_space<vmem>> -> memref<125x32xf32, #tpu.memory_space<vmem>>
      %dma_wait3A_527 = arith.constant 0 : i32
      %dma_wait3A_528 = tpu.memref_slice %arg8[%add3A_520, %dma_wait3A_527] : memref<80x125xi32, #tpu.memory_space<vmem>> -> memref<1x125xi32, #tpu.memory_space<vmem>>
      %dma_wait3A_529 = tpu.memref_squeeze %dma_wait3A_528 : memref<1x125xi32, #tpu.memory_space<vmem>> -> memref<125xi32, #tpu.memory_space<vmem>>
      %dma_wait3A_530 = arith.constant 0 : i32
      %dma_wait3A_531 = arith.constant 0 : i32
      %dma_wait3A_532 = tpu.memref_slice %arg4[%dma_wait3A_530, %dma_wait3A_531] : memref<20000x32xf32, #tpu.memory_space<hbm>> -> memref<20000x32xf32, #tpu.memory_space<hbm>>
      %dma_wait3A_533 = tpu.memref_slice %arg12[%dma_wait3A_522] : memref<8x!tpu.dma_semaphore, #tpu.memory_space<semaphore_mem>> -> memref<1x!tpu.dma_semaphore, #tpu.memory_space<semaphore_mem>>
      %dma_wait3A_534 = tpu.memref_squeeze %dma_wait3A_533 : memref<1x!tpu.dma_semaphore, #tpu.memory_space<semaphore_mem>> -> memref<!tpu.dma_semaphore, #tpu.memory_space<semaphore_mem>>
      tpu.wait_indirect_dma semaphore(%dma_wait3A_534 : memref<!tpu.dma_semaphore, #tpu.memory_space<semaphore_mem>>) src(%dma_wait3A_532 : memref<20000x32xf32, #tpu.memory_space<hbm>>) dst(%dma_wait3A_526 : memref<125x32xf32, #tpu.memory_space<vmem>>)
      %dma_start3A_535 = arith.constant 6 : i32
      %dma_start3A_536 = arith.constant 6 : i32
      %dma_start3A_537 = arith.constant 0 : i32
      %dma_start3A_538 = arith.constant 0 : i32
      %dma_start3A_539 = tpu.memref_slice %arg10[%dma_start3A_535, %dma_start3A_537, %dma_start3A_538] : memref<8x125x32xf32, #tpu.memory_space<vmem>> -> memref<1x125x32xf32, #tpu.memory_space<vmem>>
      %dma_start3A_540 = tpu.memref_squeeze %dma_start3A_539 : memref<1x125x32xf32, #tpu.memory_space<vmem>> -> memref<125x32xf32, #tpu.memory_space<vmem>>
      %dma_start3A_541 = arith.constant 0 : i32
      %dma_start3A_542 = tpu.memref_slice %arg9[%add3A_520, %dma_start3A_541] : memref<80x125xi32, #tpu.memory_space<vmem>> -> memref<1x125xi32, #tpu.memory_space<vmem>>
      %dma_start3A_543 = tpu.memref_squeeze %dma_start3A_542 : memref<1x125xi32, #tpu.memory_space<vmem>> -> memref<125xi32, #tpu.memory_space<vmem>>
      %dma_start3A_544 = arith.constant 0 : i32
      %dma_start3A_545 = arith.constant 0 : i32
      %dma_start3A_546 = tpu.memref_slice %arg11[%dma_start3A_544, %dma_start3A_545] : memref<10240x32xf32, #tpu.memory_space<vmem_shared>> -> memref<10240x32xf32, #tpu.memory_space<vmem_shared>>
      %dma_start3A_547 = tpu.memref_slice %arg13[%dma_start3A_536] : memref<8x!tpu.dma_semaphore, #tpu.memory_space<semaphore_mem>> -> memref<1x!tpu.dma_semaphore, #tpu.memory_space<semaphore_mem>>
      %dma_start3A_548 = tpu.memref_squeeze %dma_start3A_547 : memref<1x!tpu.dma_semaphore, #tpu.memory_space<semaphore_mem>> -> memref<!tpu.dma_semaphore, #tpu.memory_space<semaphore_mem>>
      tpu.enqueue_indirect_dma source(%dma_start3A_540 : memref<125x32xf32, #tpu.memory_space<vmem>>) target(%dma_start3A_546 : memref<10240x32xf32, #tpu.memory_space<vmem_shared>>) offsets(%dma_start3A_543 : memref<125xi32, #tpu.memory_space<vmem>>) semaphore(%dma_start3A_548 : memref<!tpu.dma_semaphore, #tpu.memory_space<semaphore_mem>>) {add = true}
      %add3A_549 = arith.constant 8 : i32
      %add3A_550 = arith.addi %add3A_520, %add3A_549 : i32
      %sub3A_551 = arith.constant 2 : i32
      %sub3A_552 = arith.subi %add3A_550, %sub3A_551 : i32
      %ge3A_553 = arith.constant 8 : i32
      %ge3A_554 = arith.cmpi sge, %sub3A_552, %ge3A_553 : i32
      %lt3A_555 = arith.constant 80 : i32
      %lt3A_556 = arith.cmpi slt, %sub3A_552, %lt3A_555 : i32
      %and3A_557 = arith.andi %ge3A_554, %lt3A_556 : i1
      %convert_element_type3A_558 = arith.extui %and3A_557 : i1 to i32
      %cond3A_559 = arith.constant 0 : i32
      %cond3A_560 = arith.cmpi ne, %convert_element_type3A_558, %cond3A_559 : i32
      scf.if %cond3A_560 {
        %dma_wait3A_605 = arith.constant 4 : i32
        %dma_wait3A_606 = arith.constant 0 : i32
        %dma_wait3A_607 = arith.constant 4 : i32
        %dma_wait3A_608 = arith.constant 0 : i32
        %dma_wait3A_609 = arith.constant 0 : i32
        %dma_wait3A_610 = tpu.memref_slice %arg10[%dma_wait3A_605, %dma_wait3A_608, %dma_wait3A_609] : memref<8x125x32xf32, #tpu.memory_space<vmem>> -> memref<1x125x32xf32, #tpu.memory_space<vmem>>
        %dma_wait3A_611 = tpu.memref_squeeze %dma_wait3A_610 : memref<1x125x32xf32, #tpu.memory_space<vmem>> -> memref<125x32xf32, #tpu.memory_space<vmem>>
        %dma_wait3A_612 = arith.constant 0 : i32
        %dma_wait3A_613 = tpu.memref_slice %arg9[%dma_wait3A_606, %dma_wait3A_612] : memref<80x125xi32, #tpu.memory_space<vmem>> -> memref<1x125xi32, #tpu.memory_space<vmem>>
        %dma_wait3A_614 = tpu.memref_squeeze %dma_wait3A_613 : memref<1x125xi32, #tpu.memory_space<vmem>> -> memref<125xi32, #tpu.memory_space<vmem>>
        %dma_wait3A_615 = arith.constant 0 : i32
        %dma_wait3A_616 = arith.constant 0 : i32
        %dma_wait3A_617 = tpu.memref_slice %arg11[%dma_wait3A_615, %dma_wait3A_616] : memref<10240x32xf32, #tpu.memory_space<vmem_shared>> -> memref<10240x32xf32, #tpu.memory_space<vmem_shared>>
        %dma_wait3A_618 = tpu.memref_slice %arg13[%dma_wait3A_607] : memref<8x!tpu.dma_semaphore, #tpu.memory_space<semaphore_mem>> -> memref<1x!tpu.dma_semaphore, #tpu.memory_space<semaphore_mem>>
        %dma_wait3A_619 = tpu.memref_squeeze %dma_wait3A_618 : memref<1x!tpu.dma_semaphore, #tpu.memory_space<semaphore_mem>> -> memref<!tpu.dma_semaphore, #tpu.memory_space<semaphore_mem>>
        tpu.wait_indirect_dma semaphore(%dma_wait3A_619 : memref<!tpu.dma_semaphore, #tpu.memory_space<semaphore_mem>>) src(%dma_wait3A_611 : memref<125x32xf32, #tpu.memory_space<vmem>>) dst(%dma_wait3A_617 : memref<10240x32xf32, #tpu.memory_space<vmem_shared>>)
        %dma_start3A_620 = arith.constant 4 : i32
        %dma_start3A_621 = arith.constant 4 : i32
        %dma_start3A_622 = arith.constant 0 : i32
        %dma_start3A_623 = arith.constant 0 : i32
        %dma_start3A_624 = tpu.memref_slice %arg10[%dma_start3A_620, %dma_start3A_622, %dma_start3A_623] : memref<8x125x32xf32, #tpu.memory_space<vmem>> -> memref<1x125x32xf32, #tpu.memory_space<vmem>>
        %dma_start3A_625 = tpu.memref_squeeze %dma_start3A_624 : memref<1x125x32xf32, #tpu.memory_space<vmem>> -> memref<125x32xf32, #tpu.memory_space<vmem>>
        %dma_start3A_626 = arith.constant 0 : i32
        %dma_start3A_627 = tpu.memref_slice %arg8[%sub3A_552, %dma_start3A_626] : memref<80x125xi32, #tpu.memory_space<vmem>> -> memref<1x125xi32, #tpu.memory_space<vmem>>
        %dma_start3A_628 = tpu.memref_squeeze %dma_start3A_627 : memref<1x125xi32, #tpu.memory_space<vmem>> -> memref<125xi32, #tpu.memory_space<vmem>>
        %dma_start3A_629 = arith.constant 0 : i32
        %dma_start3A_630 = arith.constant 0 : i32
        %dma_start3A_631 = tpu.memref_slice %arg4[%dma_start3A_629, %dma_start3A_630] : memref<20000x32xf32, #tpu.memory_space<hbm>> -> memref<20000x32xf32, #tpu.memory_space<hbm>>
        %dma_start3A_632 = tpu.memref_slice %arg12[%dma_start3A_621] : memref<8x!tpu.dma_semaphore, #tpu.memory_space<semaphore_mem>> -> memref<1x!tpu.dma_semaphore, #tpu.memory_space<semaphore_mem>>
        %dma_start3A_633 = tpu.memref_squeeze %dma_start3A_632 : memref<1x!tpu.dma_semaphore, #tpu.memory_space<semaphore_mem>> -> memref<!tpu.dma_semaphore, #tpu.memory_space<semaphore_mem>>
        tpu.enqueue_indirect_dma source(%dma_start3A_631 : memref<20000x32xf32, #tpu.memory_space<hbm>>) target(%dma_start3A_625 : memref<125x32xf32, #tpu.memory_space<vmem>>) offsets(%dma_start3A_628 : memref<125xi32, #tpu.memory_space<vmem>>) semaphore(%dma_start3A_633 : memref<!tpu.dma_semaphore, #tpu.memory_space<semaphore_mem>>)
      } else {
      }
      %mul3A_561 = arith.constant 8 : i32
      %mul3A_562 = arith.muli %scan3A_256, %mul3A_561 : i32
      %add3A_563 = arith.constant 7 : i32
      %add3A_564 = arith.addi %mul3A_562, %add3A_563 : i32
      %dma_wait3A_565 = arith.constant 7 : i32
      %dma_wait3A_566 = arith.constant 7 : i32
      %dma_wait3A_567 = arith.constant 0 : i32
      %dma_wait3A_568 = arith.constant 0 : i32
      %dma_wait3A_569 = tpu.memref_slice %arg10[%dma_wait3A_565, %dma_wait3A_567, %dma_wait3A_568] : memref<8x125x32xf32, #tpu.memory_space<vmem>> -> memref<1x125x32xf32, #tpu.memory_space<vmem>>
      %dma_wait3A_570 = tpu.memref_squeeze %dma_wait3A_569 : memref<1x125x32xf32, #tpu.memory_space<vmem>> -> memref<125x32xf32, #tpu.memory_space<vmem>>
      %dma_wait3A_571 = arith.constant 0 : i32
      %dma_wait3A_572 = tpu.memref_slice %arg8[%add3A_564, %dma_wait3A_571] : memref<80x125xi32, #tpu.memory_space<vmem>> -> memref<1x125xi32, #tpu.memory_space<vmem>>
      %dma_wait3A_573 = tpu.memref_squeeze %dma_wait3A_572 : memref<1x125xi32, #tpu.memory_space<vmem>> -> memref<125xi32, #tpu.memory_space<vmem>>
      %dma_wait3A_574 = arith.constant 0 : i32
      %dma_wait3A_575 = arith.constant 0 : i32
      %dma_wait3A_576 = tpu.memref_slice %arg4[%dma_wait3A_574, %dma_wait3A_575] : memref<20000x32xf32, #tpu.memory_space<hbm>> -> memref<20000x32xf32, #tpu.memory_space<hbm>>
      %dma_wait3A_577 = tpu.memref_slice %arg12[%dma_wait3A_566] : memref<8x!tpu.dma_semaphore, #tpu.memory_space<semaphore_mem>> -> memref<1x!tpu.dma_semaphore, #tpu.memory_space<semaphore_mem>>
      %dma_wait3A_578 = tpu.memref_squeeze %dma_wait3A_577 : memref<1x!tpu.dma_semaphore, #tpu.memory_space<semaphore_mem>> -> memref<!tpu.dma_semaphore, #tpu.memory_space<semaphore_mem>>
      tpu.wait_indirect_dma semaphore(%dma_wait3A_578 : memref<!tpu.dma_semaphore, #tpu.memory_space<semaphore_mem>>) src(%dma_wait3A_576 : memref<20000x32xf32, #tpu.memory_space<hbm>>) dst(%dma_wait3A_570 : memref<125x32xf32, #tpu.memory_space<vmem>>)
      %dma_start3A_579 = arith.constant 7 : i32
      %dma_start3A_580 = arith.constant 7 : i32
      %dma_start3A_581 = arith.constant 0 : i32
      %dma_start3A_582 = arith.constant 0 : i32
      %dma_start3A_583 = tpu.memref_slice %arg10[%dma_start3A_579, %dma_start3A_581, %dma_start3A_582] : memref<8x125x32xf32, #tpu.memory_space<vmem>> -> memref<1x125x32xf32, #tpu.memory_space<vmem>>
      %dma_start3A_584 = tpu.memref_squeeze %dma_start3A_583 : memref<1x125x32xf32, #tpu.memory_space<vmem>> -> memref<125x32xf32, #tpu.memory_space<vmem>>
      %dma_start3A_585 = arith.constant 0 : i32
      %dma_start3A_586 = tpu.memref_slice %arg9[%add3A_564, %dma_start3A_585] : memref<80x125xi32, #tpu.memory_space<vmem>> -> memref<1x125xi32, #tpu.memory_space<vmem>>
      %dma_start3A_587 = tpu.memref_squeeze %dma_start3A_586 : memref<1x125xi32, #tpu.memory_space<vmem>> -> memref<125xi32, #tpu.memory_space<vmem>>
      %dma_start3A_588 = arith.constant 0 : i32
      %dma_start3A_589 = arith.constant 0 : i32
      %dma_start3A_590 = tpu.memref_slice %arg11[%dma_start3A_588, %dma_start3A_589] : memref<10240x32xf32, #tpu.memory_space<vmem_shared>> -> memref<10240x32xf32, #tpu.memory_space<vmem_shared>>
      %dma_start3A_591 = tpu.memref_slice %arg13[%dma_start3A_580] : memref<8x!tpu.dma_semaphore, #tpu.memory_space<semaphore_mem>> -> memref<1x!tpu.dma_semaphore, #tpu.memory_space<semaphore_mem>>
      %dma_start3A_592 = tpu.memref_squeeze %dma_start3A_591 : memref<1x!tpu.dma_semaphore, #tpu.memory_space<semaphore_mem>> -> memref<!tpu.dma_semaphore, #tpu.memory_space<semaphore_mem>>
      tpu.enqueue_indirect_dma source(%dma_start3A_584 : memref<125x32xf32, #tpu.memory_space<vmem>>) target(%dma_start3A_590 : memref<10240x32xf32, #tpu.memory_space<vmem_shared>>) offsets(%dma_start3A_587 : memref<125xi32, #tpu.memory_space<vmem>>) semaphore(%dma_start3A_592 : memref<!tpu.dma_semaphore, #tpu.memory_space<semaphore_mem>>) {add = true}
      %add3A_593 = arith.constant 8 : i32
      %add3A_594 = arith.addi %add3A_564, %add3A_593 : i32
      %sub3A_595 = arith.constant 2 : i32
      %sub3A_596 = arith.subi %add3A_594, %sub3A_595 : i32
      %ge3A_597 = arith.constant 8 : i32
      %ge3A_598 = arith.cmpi sge, %sub3A_596, %ge3A_597 : i32
      %lt3A_599 = arith.constant 80 : i32
      %lt3A_600 = arith.cmpi slt, %sub3A_596, %lt3A_599 : i32
      %and3A_601 = arith.andi %ge3A_598, %lt3A_600 : i1
      %convert_element_type3A_602 = arith.extui %and3A_601 : i1 to i32
      %cond3A_603 = arith.constant 0 : i32
      %cond3A_604 = arith.cmpi ne, %convert_element_type3A_602, %cond3A_603 : i32
      scf.if %cond3A_604 {
        %dma_wait3A_605 = arith.constant 5 : i32
        %dma_wait3A_606 = arith.constant 0 : i32
        %dma_wait3A_607 = arith.constant 5 : i32
        %dma_wait3A_608 = arith.constant 0 : i32
        %dma_wait3A_609 = arith.constant 0 : i32
        %dma_wait3A_610 = tpu.memref_slice %arg10[%dma_wait3A_605, %dma_wait3A_608, %dma_wait3A_609] : memref<8x125x32xf32, #tpu.memory_space<vmem>> -> memref<1x125x32xf32, #tpu.memory_space<vmem>>
        %dma_wait3A_611 = tpu.memref_squeeze %dma_wait3A_610 : memref<1x125x32xf32, #tpu.memory_space<vmem>> -> memref<125x32xf32, #tpu.memory_space<vmem>>
        %dma_wait3A_612 = arith.constant 0 : i32
        %dma_wait3A_613 = tpu.memref_slice %arg9[%dma_wait3A_606, %dma_wait3A_612] : memref<80x125xi32, #tpu.memory_space<vmem>> -> memref<1x125xi32, #tpu.memory_space<vmem>>
        %dma_wait3A_614 = tpu.memref_squeeze %dma_wait3A_613 : memref<1x125xi32, #tpu.memory_space<vmem>> -> memref<125xi32, #tpu.memory_space<vmem>>
        %dma_wait3A_615 = arith.constant 0 : i32
        %dma_wait3A_616 = arith.constant 0 : i32
        %dma_wait3A_617 = tpu.memref_slice %arg11[%dma_wait3A_615, %dma_wait3A_616] : memref<10240x32xf32, #tpu.memory_space<vmem_shared>> -> memref<10240x32xf32, #tpu.memory_space<vmem_shared>>
        %dma_wait3A_618 = tpu.memref_slice %arg13[%dma_wait3A_607] : memref<8x!tpu.dma_semaphore, #tpu.memory_space<semaphore_mem>> -> memref<1x!tpu.dma_semaphore, #tpu.memory_space<semaphore_mem>>
        %dma_wait3A_619 = tpu.memref_squeeze %dma_wait3A_618 : memref<1x!tpu.dma_semaphore, #tpu.memory_space<semaphore_mem>> -> memref<!tpu.dma_semaphore, #tpu.memory_space<semaphore_mem>>
        tpu.wait_indirect_dma semaphore(%dma_wait3A_619 : memref<!tpu.dma_semaphore, #tpu.memory_space<semaphore_mem>>) src(%dma_wait3A_611 : memref<125x32xf32, #tpu.memory_space<vmem>>) dst(%dma_wait3A_617 : memref<10240x32xf32, #tpu.memory_space<vmem_shared>>)
        %dma_start3A_620 = arith.constant 5 : i32
        %dma_start3A_621 = arith.constant 5 : i32
        %dma_start3A_622 = arith.constant 0 : i32
        %dma_start3A_623 = arith.constant 0 : i32
        %dma_start3A_624 = tpu.memref_slice %arg10[%dma_start3A_620, %dma_start3A_622, %dma_start3A_623] : memref<8x125x32xf32, #tpu.memory_space<vmem>> -> memref<1x125x32xf32, #tpu.memory_space<vmem>>
        %dma_start3A_625 = tpu.memref_squeeze %dma_start3A_624 : memref<1x125x32xf32, #tpu.memory_space<vmem>> -> memref<125x32xf32, #tpu.memory_space<vmem>>
        %dma_start3A_626 = arith.constant 0 : i32
        %dma_start3A_627 = tpu.memref_slice %arg8[%sub3A_596, %dma_start3A_626] : memref<80x125xi32, #tpu.memory_space<vmem>> -> memref<1x125xi32, #tpu.memory_space<vmem>>
        %dma_start3A_628 = tpu.memref_squeeze %dma_start3A_627 : memref<1x125xi32, #tpu.memory_space<vmem>> -> memref<125xi32, #tpu.memory_space<vmem>>
        %dma_start3A_629 = arith.constant 0 : i32
        %dma_start3A_630 = arith.constant 0 : i32
        %dma_start3A_631 = tpu.memref_slice %arg4[%dma_start3A_629, %dma_start3A_630] : memref<20000x32xf32, #tpu.memory_space<hbm>> -> memref<20000x32xf32, #tpu.memory_space<hbm>>
        %dma_start3A_632 = tpu.memref_slice %arg12[%dma_start3A_621] : memref<8x!tpu.dma_semaphore, #tpu.memory_space<semaphore_mem>> -> memref<1x!tpu.dma_semaphore, #tpu.memory_space<semaphore_mem>>
        %dma_start3A_633 = tpu.memref_squeeze %dma_start3A_632 : memref<1x!tpu.dma_semaphore, #tpu.memory_space<semaphore_mem>> -> memref<!tpu.dma_semaphore, #tpu.memory_space<semaphore_mem>>
        tpu.enqueue_indirect_dma source(%dma_start3A_631 : memref<20000x32xf32, #tpu.memory_space<hbm>>) target(%dma_start3A_625 : memref<125x32xf32, #tpu.memory_space<vmem>>) offsets(%dma_start3A_628 : memref<125xi32, #tpu.memory_space<vmem>>) semaphore(%dma_start3A_633 : memref<!tpu.dma_semaphore, #tpu.memory_space<semaphore_mem>>)
      } else {
      }
    }
    %scan3A_133 = arith.constant 10 : i32
    %dma_wait3A = arith.constant 0 : i32
    %dma_wait3A_134 = arith.constant 0 : i32
    %dma_wait3A_135 = arith.constant 0 : i32
    %dma_wait3A_136 = arith.constant 0 : i32
    %dma_wait3A_137 = arith.constant 0 : i32
    %dma_wait3A_138 = tpu.memref_slice %arg10[%dma_wait3A, %dma_wait3A_136, %dma_wait3A_137] : memref<8x125x32xf32, #tpu.memory_space<vmem>> -> memref<1x125x32xf32, #tpu.memory_space<vmem>>
    %dma_wait3A_139 = tpu.memref_squeeze %dma_wait3A_138 : memref<1x125x32xf32, #tpu.memory_space<vmem>> -> memref<125x32xf32, #tpu.memory_space<vmem>>
    %dma_wait3A_140 = arith.constant 0 : i32
    %dma_wait3A_141 = tpu.memref_slice %arg9[%dma_wait3A_134, %dma_wait3A_140] : memref<80x125xi32, #tpu.memory_space<vmem>> -> memref<1x125xi32, #tpu.memory_space<vmem>>
    %dma_wait3A_142 = tpu.memref_squeeze %dma_wait3A_141 : memref<1x125xi32, #tpu.memory_space<vmem>> -> memref<125xi32, #tpu.memory_space<vmem>>
    %dma_wait3A_143 = arith.constant 0 : i32
    %dma_wait3A_144 = arith.constant 0 : i32
    %dma_wait3A_145 = tpu.memref_slice %arg11[%dma_wait3A_143, %dma_wait3A_144] : memref<10240x32xf32, #tpu.memory_space<vmem_shared>> -> memref<10240x32xf32, #tpu.memory_space<vmem_shared>>
    %dma_wait3A_146 = tpu.memref_slice %arg13[%dma_wait3A_135] : memref<8x!tpu.dma_semaphore, #tpu.memory_space<semaphore_mem>> -> memref<1x!tpu.dma_semaphore, #tpu.memory_space<semaphore_mem>>
    %dma_wait3A_147 = tpu.memref_squeeze %dma_wait3A_146 : memref<1x!tpu.dma_semaphore, #tpu.memory_space<semaphore_mem>> -> memref<!tpu.dma_semaphore, #tpu.memory_space<semaphore_mem>>
    tpu.wait_indirect_dma semaphore(%dma_wait3A_147 : memref<!tpu.dma_semaphore, #tpu.memory_space<semaphore_mem>>) src(%dma_wait3A_139 : memref<125x32xf32, #tpu.memory_space<vmem>>) dst(%dma_wait3A_145 : memref<10240x32xf32, #tpu.memory_space<vmem_shared>>)
    %dma_wait3A_148 = arith.constant 1 : i32
    %dma_wait3A_149 = arith.constant 0 : i32
    %dma_wait3A_150 = arith.constant 1 : i32
    %dma_wait3A_151 = arith.constant 0 : i32
    %dma_wait3A_152 = arith.constant 0 : i32
    %dma_wait3A_153 = tpu.memref_slice %arg10[%dma_wait3A_148, %dma_wait3A_151, %dma_wait3A_152] : memref<8x125x32xf32, #tpu.memory_space<vmem>> -> memref<1x125x32xf32, #tpu.memory_space<vmem>>
    %dma_wait3A_154 = tpu.memref_squeeze %dma_wait3A_153 : memref<1x125x32xf32, #tpu.memory_space<vmem>> -> memref<125x32xf32, #tpu.memory_space<vmem>>
    %dma_wait3A_155 = arith.constant 0 : i32
    %dma_wait3A_156 = tpu.memref_slice %arg9[%dma_wait3A_149, %dma_wait3A_155] : memref<80x125xi32, #tpu.memory_space<vmem>> -> memref<1x125xi32, #tpu.memory_space<vmem>>
    %dma_wait3A_157 = tpu.memref_squeeze %dma_wait3A_156 : memref<1x125xi32, #tpu.memory_space<vmem>> -> memref<125xi32, #tpu.memory_space<vmem>>
    %dma_wait3A_158 = arith.constant 0 : i32
    %dma_wait3A_159 = arith.constant 0 : i32
    %dma_wait3A_160 = tpu.memref_slice %arg11[%dma_wait3A_158, %dma_wait3A_159] : memref<10240x32xf32, #tpu.memory_space<vmem_shared>> -> memref<10240x32xf32, #tpu.memory_space<vmem_shared>>
    %dma_wait3A_161 = tpu.memref_slice %arg13[%dma_wait3A_150] : memref<8x!tpu.dma_semaphore, #tpu.memory_space<semaphore_mem>> -> memref<1x!tpu.dma_semaphore, #tpu.memory_space<semaphore_mem>>
    %dma_wait3A_162 = tpu.memref_squeeze %dma_wait3A_161 : memref<1x!tpu.dma_semaphore, #tpu.memory_space<semaphore_mem>> -> memref<!tpu.dma_semaphore, #tpu.memory_space<semaphore_mem>>
    tpu.wait_indirect_dma semaphore(%dma_wait3A_162 : memref<!tpu.dma_semaphore, #tpu.memory_space<semaphore_mem>>) src(%dma_wait3A_154 : memref<125x32xf32, #tpu.memory_space<vmem>>) dst(%dma_wait3A_160 : memref<10240x32xf32, #tpu.memory_space<vmem_shared>>)
    %dma_wait3A_163 = arith.constant 2 : i32
    %dma_wait3A_164 = arith.constant 0 : i32
    %dma_wait3A_165 = arith.constant 2 : i32
    %dma_wait3A_166 = arith.constant 0 : i32
    %dma_wait3A_167 = arith.constant 0 : i32
    %dma_wait3A_168 = tpu.memref_slice %arg10[%dma_wait3A_163, %dma_wait3A_166, %dma_wait3A_167] : memref<8x125x32xf32, #tpu.memory_space<vmem>> -> memref<1x125x32xf32, #tpu.memory_space<vmem>>
    %dma_wait3A_169 = tpu.memref_squeeze %dma_wait3A_168 : memref<1x125x32xf32, #tpu.memory_space<vmem>> -> memref<125x32xf32, #tpu.memory_space<vmem>>
    %dma_wait3A_170 = arith.constant 0 : i32
    %dma_wait3A_171 = tpu.memref_slice %arg9[%dma_wait3A_164, %dma_wait3A_170] : memref<80x125xi32, #tpu.memory_space<vmem>> -> memref<1x125xi32, #tpu.memory_space<vmem>>
    %dma_wait3A_172 = tpu.memref_squeeze %dma_wait3A_171 : memref<1x125xi32, #tpu.memory_space<vmem>> -> memref<125xi32, #tpu.memory_space<vmem>>
    %dma_wait3A_173 = arith.constant 0 : i32
    %dma_wait3A_174 = arith.constant 0 : i32
    %dma_wait3A_175 = tpu.memref_slice %arg11[%dma_wait3A_173, %dma_wait3A_174] : memref<10240x32xf32, #tpu.memory_space<vmem_shared>> -> memref<10240x32xf32, #tpu.memory_space<vmem_shared>>
    %dma_wait3A_176 = tpu.memref_slice %arg13[%dma_wait3A_165] : memref<8x!tpu.dma_semaphore, #tpu.memory_space<semaphore_mem>> -> memref<1x!tpu.dma_semaphore, #tpu.memory_space<semaphore_mem>>
    %dma_wait3A_177 = tpu.memref_squeeze %dma_wait3A_176 : memref<1x!tpu.dma_semaphore, #tpu.memory_space<semaphore_mem>> -> memref<!tpu.dma_semaphore, #tpu.memory_space<semaphore_mem>>
    tpu.wait_indirect_dma semaphore(%dma_wait3A_177 : memref<!tpu.dma_semaphore, #tpu.memory_space<semaphore_mem>>) src(%dma_wait3A_169 : memref<125x32xf32, #tpu.memory_space<vmem>>) dst(%dma_wait3A_175 : memref<10240x32xf32, #tpu.memory_space<vmem_shared>>)
    %dma_wait3A_178 = arith.constant 3 : i32
    %dma_wait3A_179 = arith.constant 0 : i32
    %dma_wait3A_180 = arith.constant 3 : i32
    %dma_wait3A_181 = arith.constant 0 : i32
    %dma_wait3A_182 = arith.constant 0 : i32
    %dma_wait3A_183 = tpu.memref_slice %arg10[%dma_wait3A_178, %dma_wait3A_181, %dma_wait3A_182] : memref<8x125x32xf32, #tpu.memory_space<vmem>> -> memref<1x125x32xf32, #tpu.memory_space<vmem>>
    %dma_wait3A_184 = tpu.memref_squeeze %dma_wait3A_183 : memref<1x125x32xf32, #tpu.memory_space<vmem>> -> memref<125x32xf32, #tpu.memory_space<vmem>>
    %dma_wait3A_185 = arith.constant 0 : i32
    %dma_wait3A_186 = tpu.memref_slice %arg9[%dma_wait3A_179, %dma_wait3A_185] : memref<80x125xi32, #tpu.memory_space<vmem>> -> memref<1x125xi32, #tpu.memory_space<vmem>>
    %dma_wait3A_187 = tpu.memref_squeeze %dma_wait3A_186 : memref<1x125xi32, #tpu.memory_space<vmem>> -> memref<125xi32, #tpu.memory_space<vmem>>
    %dma_wait3A_188 = arith.constant 0 : i32
    %dma_wait3A_189 = arith.constant 0 : i32
    %dma_wait3A_190 = tpu.memref_slice %arg11[%dma_wait3A_188, %dma_wait3A_189] : memref<10240x32xf32, #tpu.memory_space<vmem_shared>> -> memref<10240x32xf32, #tpu.memory_space<vmem_shared>>
    %dma_wait3A_191 = tpu.memref_slice %arg13[%dma_wait3A_180] : memref<8x!tpu.dma_semaphore, #tpu.memory_space<semaphore_mem>> -> memref<1x!tpu.dma_semaphore, #tpu.memory_space<semaphore_mem>>
    %dma_wait3A_192 = tpu.memref_squeeze %dma_wait3A_191 : memref<1x!tpu.dma_semaphore, #tpu.memory_space<semaphore_mem>> -> memref<!tpu.dma_semaphore, #tpu.memory_space<semaphore_mem>>
    tpu.wait_indirect_dma semaphore(%dma_wait3A_192 : memref<!tpu.dma_semaphore, #tpu.memory_space<semaphore_mem>>) src(%dma_wait3A_184 : memref<125x32xf32, #tpu.memory_space<vmem>>) dst(%dma_wait3A_190 : memref<10240x32xf32, #tpu.memory_space<vmem_shared>>)
    %dma_wait3A_193 = arith.constant 4 : i32
    %dma_wait3A_194 = arith.constant 0 : i32
    %dma_wait3A_195 = arith.constant 4 : i32
    %dma_wait3A_196 = arith.constant 0 : i32
    %dma_wait3A_197 = arith.constant 0 : i32
    %dma_wait3A_198 = tpu.memref_slice %arg10[%dma_wait3A_193, %dma_wait3A_196, %dma_wait3A_197] : memref<8x125x32xf32, #tpu.memory_space<vmem>> -> memref<1x125x32xf32, #tpu.memory_space<vmem>>
    %dma_wait3A_199 = tpu.memref_squeeze %dma_wait3A_198 : memref<1x125x32xf32, #tpu.memory_space<vmem>> -> memref<125x32xf32, #tpu.memory_space<vmem>>
    %dma_wait3A_200 = arith.constant 0 : i32
    %dma_wait3A_201 = tpu.memref_slice %arg9[%dma_wait3A_194, %dma_wait3A_200] : memref<80x125xi32, #tpu.memory_space<vmem>> -> memref<1x125xi32, #tpu.memory_space<vmem>>
    %dma_wait3A_202 = tpu.memref_squeeze %dma_wait3A_201 : memref<1x125xi32, #tpu.memory_space<vmem>> -> memref<125xi32, #tpu.memory_space<vmem>>
    %dma_wait3A_203 = arith.constant 0 : i32
    %dma_wait3A_204 = arith.constant 0 : i32
    %dma_wait3A_205 = tpu.memref_slice %arg11[%dma_wait3A_203, %dma_wait3A_204] : memref<10240x32xf32, #tpu.memory_space<vmem_shared>> -> memref<10240x32xf32, #tpu.memory_space<vmem_shared>>
    %dma_wait3A_206 = tpu.memref_slice %arg13[%dma_wait3A_195] : memref<8x!tpu.dma_semaphore, #tpu.memory_space<semaphore_mem>> -> memref<1x!tpu.dma_semaphore, #tpu.memory_space<semaphore_mem>>
    %dma_wait3A_207 = tpu.memref_squeeze %dma_wait3A_206 : memref<1x!tpu.dma_semaphore, #tpu.memory_space<semaphore_mem>> -> memref<!tpu.dma_semaphore, #tpu.memory_space<semaphore_mem>>
    tpu.wait_indirect_dma semaphore(%dma_wait3A_207 : memref<!tpu.dma_semaphore, #tpu.memory_space<semaphore_mem>>) src(%dma_wait3A_199 : memref<125x32xf32, #tpu.memory_space<vmem>>) dst(%dma_wait3A_205 : memref<10240x32xf32, #tpu.memory_space<vmem_shared>>)
    %dma_wait3A_208 = arith.constant 5 : i32
    %dma_wait3A_209 = arith.constant 0 : i32
    %dma_wait3A_210 = arith.constant 5 : i32
    %dma_wait3A_211 = arith.constant 0 : i32
    %dma_wait3A_212 = arith.constant 0 : i32
    %dma_wait3A_213 = tpu.memref_slice %arg10[%dma_wait3A_208, %dma_wait3A_211, %dma_wait3A_212] : memref<8x125x32xf32, #tpu.memory_space<vmem>> -> memref<1x125x32xf32, #tpu.memory_space<vmem>>
    %dma_wait3A_214 = tpu.memref_squeeze %dma_wait3A_213 : memref<1x125x32xf32, #tpu.memory_space<vmem>> -> memref<125x32xf32, #tpu.memory_space<vmem>>
    %dma_wait3A_215 = arith.constant 0 : i32
    %dma_wait3A_216 = tpu.memref_slice %arg9[%dma_wait3A_209, %dma_wait3A_215] : memref<80x125xi32, #tpu.memory_space<vmem>> -> memref<1x125xi32, #tpu.memory_space<vmem>>
    %dma_wait3A_217 = tpu.memref_squeeze %dma_wait3A_216 : memref<1x125xi32, #tpu.memory_space<vmem>> -> memref<125xi32, #tpu.memory_space<vmem>>
    %dma_wait3A_218 = arith.constant 0 : i32
    %dma_wait3A_219 = arith.constant 0 : i32
    %dma_wait3A_220 = tpu.memref_slice %arg11[%dma_wait3A_218, %dma_wait3A_219] : memref<10240x32xf32, #tpu.memory_space<vmem_shared>> -> memref<10240x32xf32, #tpu.memory_space<vmem_shared>>
    %dma_wait3A_221 = tpu.memref_slice %arg13[%dma_wait3A_210] : memref<8x!tpu.dma_semaphore, #tpu.memory_space<semaphore_mem>> -> memref<1x!tpu.dma_semaphore, #tpu.memory_space<semaphore_mem>>
    %dma_wait3A_222 = tpu.memref_squeeze %dma_wait3A_221 : memref<1x!tpu.dma_semaphore, #tpu.memory_space<semaphore_mem>> -> memref<!tpu.dma_semaphore, #tpu.memory_space<semaphore_mem>>
    tpu.wait_indirect_dma semaphore(%dma_wait3A_222 : memref<!tpu.dma_semaphore, #tpu.memory_space<semaphore_mem>>) src(%dma_wait3A_214 : memref<125x32xf32, #tpu.memory_space<vmem>>) dst(%dma_wait3A_220 : memref<10240x32xf32, #tpu.memory_space<vmem_shared>>)
    %dma_wait3A_223 = arith.constant 6 : i32
    %dma_wait3A_224 = arith.constant 0 : i32
    %dma_wait3A_225 = arith.constant 6 : i32
    %dma_wait3A_226 = arith.constant 0 : i32
    %dma_wait3A_227 = arith.constant 0 : i32
    %dma_wait3A_228 = tpu.memref_slice %arg10[%dma_wait3A_223, %dma_wait3A_226, %dma_wait3A_227] : memref<8x125x32xf32, #tpu.memory_space<vmem>> -> memref<1x125x32xf32, #tpu.memory_space<vmem>>
    %dma_wait3A_229 = tpu.memref_squeeze %dma_wait3A_228 : memref<1x125x32xf32, #tpu.memory_space<vmem>> -> memref<125x32xf32, #tpu.memory_space<vmem>>
    %dma_wait3A_230 = arith.constant 0 : i32
    %dma_wait3A_231 = tpu.memref_slice %arg9[%dma_wait3A_224, %dma_wait3A_230] : memref<80x125xi32, #tpu.memory_space<vmem>> -> memref<1x125xi32, #tpu.memory_space<vmem>>
    %dma_wait3A_232 = tpu.memref_squeeze %dma_wait3A_231 : memref<1x125xi32, #tpu.memory_space<vmem>> -> memref<125xi32, #tpu.memory_space<vmem>>
    %dma_wait3A_233 = arith.constant 0 : i32
    %dma_wait3A_234 = arith.constant 0 : i32
    %dma_wait3A_235 = tpu.memref_slice %arg11[%dma_wait3A_233, %dma_wait3A_234] : memref<10240x32xf32, #tpu.memory_space<vmem_shared>> -> memref<10240x32xf32, #tpu.memory_space<vmem_shared>>
    %dma_wait3A_236 = tpu.memref_slice %arg13[%dma_wait3A_225] : memref<8x!tpu.dma_semaphore, #tpu.memory_space<semaphore_mem>> -> memref<1x!tpu.dma_semaphore, #tpu.memory_space<semaphore_mem>>
    %dma_wait3A_237 = tpu.memref_squeeze %dma_wait3A_236 : memref<1x!tpu.dma_semaphore, #tpu.memory_space<semaphore_mem>> -> memref<!tpu.dma_semaphore, #tpu.memory_space<semaphore_mem>>
    tpu.wait_indirect_dma semaphore(%dma_wait3A_237 : memref<!tpu.dma_semaphore, #tpu.memory_space<semaphore_mem>>) src(%dma_wait3A_229 : memref<125x32xf32, #tpu.memory_space<vmem>>) dst(%dma_wait3A_235 : memref<10240x32xf32, #tpu.memory_space<vmem_shared>>)
    %dma_wait3A_238 = arith.constant 7 : i32
    %dma_wait3A_239 = arith.constant 0 : i32
    %dma_wait3A_240 = arith.constant 7 : i32
    %dma_wait3A_241 = arith.constant 0 : i32
    %dma_wait3A_242 = arith.constant 0 : i32
    %dma_wait3A_243 = tpu.memref_slice %arg10[%dma_wait3A_238, %dma_wait3A_241, %dma_wait3A_242] : memref<8x125x32xf32, #tpu.memory_space<vmem>> -> memref<1x125x32xf32, #tpu.memory_space<vmem>>
    %dma_wait3A_244 = tpu.memref_squeeze %dma_wait3A_243 : memref<1x125x32xf32, #tpu.memory_space<vmem>> -> memref<125x32xf32, #tpu.memory_space<vmem>>
    %dma_wait3A_245 = arith.constant 0 : i32
    %dma_wait3A_246 = tpu.memref_slice %arg9[%dma_wait3A_239, %dma_wait3A_245] : memref<80x125xi32, #tpu.memory_space<vmem>> -> memref<1x125xi32, #tpu.memory_space<vmem>>
    %dma_wait3A_247 = tpu.memref_squeeze %dma_wait3A_246 : memref<1x125xi32, #tpu.memory_space<vmem>> -> memref<125xi32, #tpu.memory_space<vmem>>
    %dma_wait3A_248 = arith.constant 0 : i32
    %dma_wait3A_249 = arith.constant 0 : i32
    %dma_wait3A_250 = tpu.memref_slice %arg11[%dma_wait3A_248, %dma_wait3A_249] : memref<10240x32xf32, #tpu.memory_space<vmem_shared>> -> memref<10240x32xf32, #tpu.memory_space<vmem_shared>>
    %dma_wait3A_251 = tpu.memref_slice %arg13[%dma_wait3A_240] : memref<8x!tpu.dma_semaphore, #tpu.memory_space<semaphore_mem>> -> memref<1x!tpu.dma_semaphore, #tpu.memory_space<semaphore_mem>>
    %dma_wait3A_252 = tpu.memref_squeeze %dma_wait3A_251 : memref<1x!tpu.dma_semaphore, #tpu.memory_space<semaphore_mem>> -> memref<!tpu.dma_semaphore, #tpu.memory_space<semaphore_mem>>
    tpu.wait_indirect_dma semaphore(%dma_wait3A_252 : memref<!tpu.dma_semaphore, #tpu.memory_space<semaphore_mem>>) src(%dma_wait3A_244 : memref<125x32xf32, #tpu.memory_space<vmem>>) dst(%dma_wait3A_250 : memref<10240x32xf32, #tpu.memory_space<vmem_shared>>)
    %barrier3A_253 = arith.constant 0 : index
    tpu.barrier barrier_id(%barrier3A_253)
    %mul3A_254 = arith.constant 10240 : i32
    %mul3A_255 = arith.muli %arg0, %mul3A_254 : i32
    %add3A = arith.addi %mul3A_255, %mul3A_0 : i32
    "tpu.region"() ({
      %run_scoped3A = tpu.sem_alloc : memref<!tpu.dma_semaphore, #tpu.memory_space<semaphore_mem>>
      %dma_start3A_256 = arith.constant 0 : i32
      %dma_start3A_257 = tpu.memref_slice %arg7[%add3A, %dma_start3A_256] : memref<20480x32xf32, #tpu.memory_space<hbm>> -> memref<640x32xf32, #tpu.memory_space<hbm>>
      %dma_start3A_258 = arith.constant 0 : i32
      %dma_start3A_259 = tpu.memref_slice %arg11[%mul3A_0, %dma_start3A_258] : memref<10240x32xf32, #tpu.memory_space<vmem_shared>> -> memref<640x32xf32, #tpu.memory_space<vmem_shared>>
      tpu.enqueue_dma source(%dma_start3A_259 : memref<640x32xf32, #tpu.memory_space<vmem_shared>>) target(%dma_start3A_257 : memref<640x32xf32, #tpu.memory_space<hbm>>) target_semaphore(%run_scoped3A : memref<!tpu.dma_semaphore, #tpu.memory_space<semaphore_mem>>)
      %dma_wait3A_260 = arith.constant 0 : i32
      %dma_wait3A_261 = tpu.memref_slice %arg7[%add3A, %dma_wait3A_260] : memref<20480x32xf32, #tpu.memory_space<hbm>> -> memref<640x32xf32, #tpu.memory_space<hbm>>
      %dma_wait3A_262 = arith.constant 0 : i32
      %dma_wait3A_263 = tpu.memref_slice %arg11[%mul3A_0, %dma_wait3A_262] : memref<10240x32xf32, #tpu.memory_space<vmem_shared>> -> memref<640x32xf32, #tpu.memory_space<vmem_shared>>
      tpu.wait_dma2 semaphore(%run_scoped3A : memref<!tpu.dma_semaphore, #tpu.memory_space<semaphore_mem>>) src(%dma_wait3A_263 : memref<640x32xf32, #tpu.memory_space<vmem_shared>>) dst(%dma_wait3A_261 : memref<640x32xf32, #tpu.memory_space<hbm>>)
      tpu.yield
    }) : () -> ()
    return
  }
}

#map = affine_map<(d0, d1) -> (0, 0, 0)>
#map1 = affine_map<(d0, d1) -> (0, 0)>
module attributes {stable_mosaic.version = 14 : i64} {
  func.func @_sc_agg_body(%arg0: i32, %arg1: i32, %arg2: memref<2x1280x125xi32, #tpu.memory_space<hbm>>, %arg3: memref<2x1280x125xi32, #tpu.memory_space<hbm>>, %arg4: memref<20000x64xf32, #tpu.memory_space<hbm>>, %arg5: memref<10240x64xf32, #tpu.memory_space<hbm>>, %arg6: memref<20480x64xf32, #tpu.memory_space<hbm>>, %arg7: memref<80x125xi32, #tpu.memory_space<vmem>>, %arg8: memref<80x125xi32, #tpu.memory_space<vmem>>, %arg9: memref<8x125x64xf32, #tpu.memory_space<vmem>>, %arg10: memref<10240x64xf32, #tpu.memory_space<vmem_shared>>, %arg11: memref<8x!tpu.dma_semaphore, #tpu.memory_space<semaphore_mem>>, %arg12: memref<8x!tpu.dma_semaphore, #tpu.memory_space<semaphore_mem>>) attributes {dimension_semantics = [#tpu.dimension_semantics<core_parallel>, #tpu.dimension_semantics<subcore_parallel>], iteration_bounds = array<i64: 2, 16>, scalar_prefetch = 0 : i64, scratch_operands = 6 : i64, tpu.core_type = #tpu.core_type<sc_vector_subcore>, window_params = [{transform_indices = #map}, {transform_indices = #map}, {transform_indices = #map1}, {transform_indices = #map1}, {transform_indices = #map1}]} {
    %mul3A = arith.constant 640 : i32
    %mul3A_0 = arith.muli %arg1, %mul3A : i32
    "tpu.region"() ({
      %run_scoped3A = tpu.sem_alloc : memref<!tpu.dma_semaphore, #tpu.memory_space<semaphore_mem>>
      %dma_start3A_256 = arith.constant 0 : i32
      %dma_start3A_257 = tpu.memref_slice %arg10[%mul3A_0, %dma_start3A_256] : memref<10240x64xf32, #tpu.memory_space<vmem_shared>> -> memref<640x64xf32, #tpu.memory_space<vmem_shared>>
      %dma_start3A_258 = arith.constant 0 : i32
      %dma_start3A_259 = tpu.memref_slice %arg5[%mul3A_0, %dma_start3A_258] : memref<10240x64xf32, #tpu.memory_space<hbm>> -> memref<640x64xf32, #tpu.memory_space<hbm>>
      tpu.enqueue_dma source(%dma_start3A_259 : memref<640x64xf32, #tpu.memory_space<hbm>>) target(%dma_start3A_257 : memref<640x64xf32, #tpu.memory_space<vmem_shared>>) target_semaphore(%run_scoped3A : memref<!tpu.dma_semaphore, #tpu.memory_space<semaphore_mem>>)
      %dma_wait3A_260 = arith.constant 0 : i32
      %dma_wait3A_261 = tpu.memref_slice %arg10[%mul3A_0, %dma_wait3A_260] : memref<10240x64xf32, #tpu.memory_space<vmem_shared>> -> memref<640x64xf32, #tpu.memory_space<vmem_shared>>
      %dma_wait3A_262 = arith.constant 0 : i32
      %dma_wait3A_263 = tpu.memref_slice %arg5[%mul3A_0, %dma_wait3A_262] : memref<10240x64xf32, #tpu.memory_space<hbm>> -> memref<640x64xf32, #tpu.memory_space<hbm>>
      tpu.wait_dma2 semaphore(%run_scoped3A : memref<!tpu.dma_semaphore, #tpu.memory_space<semaphore_mem>>) src(%dma_wait3A_263 : memref<640x64xf32, #tpu.memory_space<hbm>>) dst(%dma_wait3A_261 : memref<640x64xf32, #tpu.memory_space<vmem_shared>>)
      tpu.yield
    }) : () -> ()
    %mul3A_1 = arith.constant 80 : i32
    %mul3A_2 = arith.muli %arg1, %mul3A_1 : i32
    %eq3A = arith.constant 0 : i32
    %eq3A_3 = arith.cmpi eq, %arg0, %eq3A : i32
    %convert_element_type3A = arith.extui %eq3A_3 : i1 to i32
    %cond3A = arith.constant 0 : i32
    %cond3A_4 = arith.cmpi ne, %convert_element_type3A, %cond3A : i32
    scf.if %cond3A_4 {
      %run_scoped3A = arith.constant 0 : i32
      "tpu.region"() ({
        %run_scoped3A_257 = tpu.sem_alloc : memref<!tpu.dma_semaphore, #tpu.memory_space<semaphore_mem>>
        %dma_start3A_258 = arith.constant 0 : i32
        %dma_start3A_259 = tpu.memref_slice %arg2[%run_scoped3A, %mul3A_2, %dma_start3A_258] : memref<2x1280x125xi32, #tpu.memory_space<hbm>> -> memref<1x80x125xi32, #tpu.memory_space<hbm>>
        %dma_start3A_260 = tpu.memref_squeeze %dma_start3A_259 : memref<1x80x125xi32, #tpu.memory_space<hbm>> -> memref<80x125xi32, #tpu.memory_space<hbm>>
        %dma_start3A_261 = arith.constant 0 : i32
        %dma_start3A_262 = tpu.memref_slice %arg2[%run_scoped3A, %mul3A_2, %dma_start3A_261] : memref<2x1280x125xi32, #tpu.memory_space<hbm>> -> memref<1x80x125xi32, #tpu.memory_space<hbm>>
        %dma_start3A_263 = tpu.memref_squeeze %dma_start3A_262 : memref<1x80x125xi32, #tpu.memory_space<hbm>> -> memref<80x125xi32, #tpu.memory_space<hbm>>
        tpu.enqueue_dma source(%dma_start3A_263 : memref<80x125xi32, #tpu.memory_space<hbm>>) target(%arg7 : memref<80x125xi32, #tpu.memory_space<vmem>>) target_semaphore(%run_scoped3A_257 : memref<!tpu.dma_semaphore, #tpu.memory_space<semaphore_mem>>)
        %dma_wait3A_264 = arith.constant 0 : i32
        %dma_wait3A_265 = tpu.memref_slice %arg2[%run_scoped3A, %mul3A_2, %dma_wait3A_264] : memref<2x1280x125xi32, #tpu.memory_space<hbm>> -> memref<1x80x125xi32, #tpu.memory_space<hbm>>
        %dma_wait3A_266 = tpu.memref_squeeze %dma_wait3A_265 : memref<1x80x125xi32, #tpu.memory_space<hbm>> -> memref<80x125xi32, #tpu.memory_space<hbm>>
        %dma_wait3A_267 = arith.constant 0 : i32
        %dma_wait3A_268 = tpu.memref_slice %arg2[%run_scoped3A, %mul3A_2, %dma_wait3A_267] : memref<2x1280x125xi32, #tpu.memory_space<hbm>> -> memref<1x80x125xi32, #tpu.memory_space<hbm>>
        %dma_wait3A_269 = tpu.memref_squeeze %dma_wait3A_268 : memref<1x80x125xi32, #tpu.memory_space<hbm>> -> memref<80x125xi32, #tpu.memory_space<hbm>>
        tpu.wait_dma2 semaphore(%run_scoped3A_257 : memref<!tpu.dma_semaphore, #tpu.memory_space<semaphore_mem>>) src(%dma_wait3A_269 : memref<80x125xi32, #tpu.memory_space<hbm>>) dst(%arg7 : memref<80x125xi32, #tpu.memory_space<vmem>>)
        tpu.yield
      }) : () -> ()
      %run_scoped3A_256 = arith.constant 1 : i32
      "tpu.region"() ({
        %run_scoped3A_257 = tpu.sem_alloc : memref<!tpu.dma_semaphore, #tpu.memory_space<semaphore_mem>>
        %dma_start3A_258 = arith.constant 0 : i32
        %dma_start3A_259 = tpu.memref_slice %arg2[%run_scoped3A_256, %mul3A_2, %dma_start3A_258] : memref<2x1280x125xi32, #tpu.memory_space<hbm>> -> memref<1x80x125xi32, #tpu.memory_space<hbm>>
        %dma_start3A_260 = tpu.memref_squeeze %dma_start3A_259 : memref<1x80x125xi32, #tpu.memory_space<hbm>> -> memref<80x125xi32, #tpu.memory_space<hbm>>
        %dma_start3A_261 = arith.constant 0 : i32
        %dma_start3A_262 = tpu.memref_slice %arg2[%run_scoped3A_256, %mul3A_2, %dma_start3A_261] : memref<2x1280x125xi32, #tpu.memory_space<hbm>> -> memref<1x80x125xi32, #tpu.memory_space<hbm>>
        %dma_start3A_263 = tpu.memref_squeeze %dma_start3A_262 : memref<1x80x125xi32, #tpu.memory_space<hbm>> -> memref<80x125xi32, #tpu.memory_space<hbm>>
        tpu.enqueue_dma source(%dma_start3A_263 : memref<80x125xi32, #tpu.memory_space<hbm>>) target(%arg8 : memref<80x125xi32, #tpu.memory_space<vmem>>) target_semaphore(%run_scoped3A_257 : memref<!tpu.dma_semaphore, #tpu.memory_space<semaphore_mem>>)
        %dma_wait3A_264 = arith.constant 0 : i32
        %dma_wait3A_265 = tpu.memref_slice %arg2[%run_scoped3A_256, %mul3A_2, %dma_wait3A_264] : memref<2x1280x125xi32, #tpu.memory_space<hbm>> -> memref<1x80x125xi32, #tpu.memory_space<hbm>>
        %dma_wait3A_266 = tpu.memref_squeeze %dma_wait3A_265 : memref<1x80x125xi32, #tpu.memory_space<hbm>> -> memref<80x125xi32, #tpu.memory_space<hbm>>
        %dma_wait3A_267 = arith.constant 0 : i32
        %dma_wait3A_268 = tpu.memref_slice %arg2[%run_scoped3A_256, %mul3A_2, %dma_wait3A_267] : memref<2x1280x125xi32, #tpu.memory_space<hbm>> -> memref<1x80x125xi32, #tpu.memory_space<hbm>>
        %dma_wait3A_269 = tpu.memref_squeeze %dma_wait3A_268 : memref<1x80x125xi32, #tpu.memory_space<hbm>> -> memref<80x125xi32, #tpu.memory_space<hbm>>
        tpu.wait_dma2 semaphore(%run_scoped3A_257 : memref<!tpu.dma_semaphore, #tpu.memory_space<semaphore_mem>>) src(%dma_wait3A_269 : memref<80x125xi32, #tpu.memory_space<hbm>>) dst(%arg8 : memref<80x125xi32, #tpu.memory_space<vmem>>)
        tpu.yield
      }) : () -> ()
    } else {
    }
    %eq3A_5 = arith.constant 1 : i32
    %eq3A_6 = arith.cmpi eq, %arg0, %eq3A_5 : i32
    %convert_element_type3A_7 = arith.extui %eq3A_6 : i1 to i32
    %cond3A_8 = arith.constant 0 : i32
    %cond3A_9 = arith.cmpi ne, %convert_element_type3A_7, %cond3A_8 : i32
    scf.if %cond3A_9 {
      %run_scoped3A = arith.constant 0 : i32
      "tpu.region"() ({
        %run_scoped3A_257 = tpu.sem_alloc : memref<!tpu.dma_semaphore, #tpu.memory_space<semaphore_mem>>
        %dma_start3A_258 = arith.constant 0 : i32
        %dma_start3A_259 = tpu.memref_slice %arg3[%run_scoped3A, %mul3A_2, %dma_start3A_258] : memref<2x1280x125xi32, #tpu.memory_space<hbm>> -> memref<1x80x125xi32, #tpu.memory_space<hbm>>
        %dma_start3A_260 = tpu.memref_squeeze %dma_start3A_259 : memref<1x80x125xi32, #tpu.memory_space<hbm>> -> memref<80x125xi32, #tpu.memory_space<hbm>>
        %dma_start3A_261 = arith.constant 0 : i32
        %dma_start3A_262 = tpu.memref_slice %arg3[%run_scoped3A, %mul3A_2, %dma_start3A_261] : memref<2x1280x125xi32, #tpu.memory_space<hbm>> -> memref<1x80x125xi32, #tpu.memory_space<hbm>>
        %dma_start3A_263 = tpu.memref_squeeze %dma_start3A_262 : memref<1x80x125xi32, #tpu.memory_space<hbm>> -> memref<80x125xi32, #tpu.memory_space<hbm>>
        tpu.enqueue_dma source(%dma_start3A_263 : memref<80x125xi32, #tpu.memory_space<hbm>>) target(%arg7 : memref<80x125xi32, #tpu.memory_space<vmem>>) target_semaphore(%run_scoped3A_257 : memref<!tpu.dma_semaphore, #tpu.memory_space<semaphore_mem>>)
        %dma_wait3A_264 = arith.constant 0 : i32
        %dma_wait3A_265 = tpu.memref_slice %arg3[%run_scoped3A, %mul3A_2, %dma_wait3A_264] : memref<2x1280x125xi32, #tpu.memory_space<hbm>> -> memref<1x80x125xi32, #tpu.memory_space<hbm>>
        %dma_wait3A_266 = tpu.memref_squeeze %dma_wait3A_265 : memref<1x80x125xi32, #tpu.memory_space<hbm>> -> memref<80x125xi32, #tpu.memory_space<hbm>>
        %dma_wait3A_267 = arith.constant 0 : i32
        %dma_wait3A_268 = tpu.memref_slice %arg3[%run_scoped3A, %mul3A_2, %dma_wait3A_267] : memref<2x1280x125xi32, #tpu.memory_space<hbm>> -> memref<1x80x125xi32, #tpu.memory_space<hbm>>
        %dma_wait3A_269 = tpu.memref_squeeze %dma_wait3A_268 : memref<1x80x125xi32, #tpu.memory_space<hbm>> -> memref<80x125xi32, #tpu.memory_space<hbm>>
        tpu.wait_dma2 semaphore(%run_scoped3A_257 : memref<!tpu.dma_semaphore, #tpu.memory_space<semaphore_mem>>) src(%dma_wait3A_269 : memref<80x125xi32, #tpu.memory_space<hbm>>) dst(%arg7 : memref<80x125xi32, #tpu.memory_space<vmem>>)
        tpu.yield
      }) : () -> ()
      %run_scoped3A_256 = arith.constant 1 : i32
      "tpu.region"() ({
        %run_scoped3A_257 = tpu.sem_alloc : memref<!tpu.dma_semaphore, #tpu.memory_space<semaphore_mem>>
        %dma_start3A_258 = arith.constant 0 : i32
        %dma_start3A_259 = tpu.memref_slice %arg3[%run_scoped3A_256, %mul3A_2, %dma_start3A_258] : memref<2x1280x125xi32, #tpu.memory_space<hbm>> -> memref<1x80x125xi32, #tpu.memory_space<hbm>>
        %dma_start3A_260 = tpu.memref_squeeze %dma_start3A_259 : memref<1x80x125xi32, #tpu.memory_space<hbm>> -> memref<80x125xi32, #tpu.memory_space<hbm>>
        %dma_start3A_261 = arith.constant 0 : i32
        %dma_start3A_262 = tpu.memref_slice %arg3[%run_scoped3A_256, %mul3A_2, %dma_start3A_261] : memref<2x1280x125xi32, #tpu.memory_space<hbm>> -> memref<1x80x125xi32, #tpu.memory_space<hbm>>
        %dma_start3A_263 = tpu.memref_squeeze %dma_start3A_262 : memref<1x80x125xi32, #tpu.memory_space<hbm>> -> memref<80x125xi32, #tpu.memory_space<hbm>>
        tpu.enqueue_dma source(%dma_start3A_263 : memref<80x125xi32, #tpu.memory_space<hbm>>) target(%arg8 : memref<80x125xi32, #tpu.memory_space<vmem>>) target_semaphore(%run_scoped3A_257 : memref<!tpu.dma_semaphore, #tpu.memory_space<semaphore_mem>>)
        %dma_wait3A_264 = arith.constant 0 : i32
        %dma_wait3A_265 = tpu.memref_slice %arg3[%run_scoped3A_256, %mul3A_2, %dma_wait3A_264] : memref<2x1280x125xi32, #tpu.memory_space<hbm>> -> memref<1x80x125xi32, #tpu.memory_space<hbm>>
        %dma_wait3A_266 = tpu.memref_squeeze %dma_wait3A_265 : memref<1x80x125xi32, #tpu.memory_space<hbm>> -> memref<80x125xi32, #tpu.memory_space<hbm>>
        %dma_wait3A_267 = arith.constant 0 : i32
        %dma_wait3A_268 = tpu.memref_slice %arg3[%run_scoped3A_256, %mul3A_2, %dma_wait3A_267] : memref<2x1280x125xi32, #tpu.memory_space<hbm>> -> memref<1x80x125xi32, #tpu.memory_space<hbm>>
        %dma_wait3A_269 = tpu.memref_squeeze %dma_wait3A_268 : memref<1x80x125xi32, #tpu.memory_space<hbm>> -> memref<80x125xi32, #tpu.memory_space<hbm>>
        tpu.wait_dma2 semaphore(%run_scoped3A_257 : memref<!tpu.dma_semaphore, #tpu.memory_space<semaphore_mem>>) src(%dma_wait3A_269 : memref<80x125xi32, #tpu.memory_space<hbm>>) dst(%arg8 : memref<80x125xi32, #tpu.memory_space<vmem>>)
        tpu.yield
      }) : () -> ()
    } else {
    }
    %barrier3A = arith.constant 0 : index
    tpu.barrier barrier_id(%barrier3A)
    %dma_start3A = arith.constant 0 : i32
    %dma_start3A_10 = arith.constant 0 : i32
    %dma_start3A_11 = arith.constant 0 : i32
    %dma_start3A_12 = arith.constant 0 : i32
    %dma_start3A_13 = arith.constant 0 : i32
    %dma_start3A_14 = tpu.memref_slice %arg9[%dma_start3A_10, %dma_start3A_12, %dma_start3A_13] : memref<8x125x64xf32, #tpu.memory_space<vmem>> -> memref<1x125x64xf32, #tpu.memory_space<vmem>>
    %dma_start3A_15 = tpu.memref_squeeze %dma_start3A_14 : memref<1x125x64xf32, #tpu.memory_space<vmem>> -> memref<125x64xf32, #tpu.memory_space<vmem>>
    %dma_start3A_16 = arith.constant 0 : i32
    %dma_start3A_17 = tpu.memref_slice %arg7[%dma_start3A, %dma_start3A_16] : memref<80x125xi32, #tpu.memory_space<vmem>> -> memref<1x125xi32, #tpu.memory_space<vmem>>
    %dma_start3A_18 = tpu.memref_squeeze %dma_start3A_17 : memref<1x125xi32, #tpu.memory_space<vmem>> -> memref<125xi32, #tpu.memory_space<vmem>>
    %dma_start3A_19 = arith.constant 0 : i32
    %dma_start3A_20 = arith.constant 0 : i32
    %dma_start3A_21 = tpu.memref_slice %arg4[%dma_start3A_19, %dma_start3A_20] : memref<20000x64xf32, #tpu.memory_space<hbm>> -> memref<20000x64xf32, #tpu.memory_space<hbm>>
    %dma_start3A_22 = tpu.memref_slice %arg11[%dma_start3A_11] : memref<8x!tpu.dma_semaphore, #tpu.memory_space<semaphore_mem>> -> memref<1x!tpu.dma_semaphore, #tpu.memory_space<semaphore_mem>>
    %dma_start3A_23 = tpu.memref_squeeze %dma_start3A_22 : memref<1x!tpu.dma_semaphore, #tpu.memory_space<semaphore_mem>> -> memref<!tpu.dma_semaphore, #tpu.memory_space<semaphore_mem>>
    tpu.enqueue_indirect_dma source(%dma_start3A_21 : memref<20000x64xf32, #tpu.memory_space<hbm>>) target(%dma_start3A_15 : memref<125x64xf32, #tpu.memory_space<vmem>>) offsets(%dma_start3A_18 : memref<125xi32, #tpu.memory_space<vmem>>) semaphore(%dma_start3A_23 : memref<!tpu.dma_semaphore, #tpu.memory_space<semaphore_mem>>)
    %dma_start3A_24 = arith.constant 1 : i32
    %dma_start3A_25 = arith.constant 1 : i32
    %dma_start3A_26 = arith.constant 1 : i32
    %dma_start3A_27 = arith.constant 0 : i32
    %dma_start3A_28 = arith.constant 0 : i32
    %dma_start3A_29 = tpu.memref_slice %arg9[%dma_start3A_25, %dma_start3A_27, %dma_start3A_28] : memref<8x125x64xf32, #tpu.memory_space<vmem>> -> memref<1x125x64xf32, #tpu.memory_space<vmem>>
    %dma_start3A_30 = tpu.memref_squeeze %dma_start3A_29 : memref<1x125x64xf32, #tpu.memory_space<vmem>> -> memref<125x64xf32, #tpu.memory_space<vmem>>
    %dma_start3A_31 = arith.constant 0 : i32
    %dma_start3A_32 = tpu.memref_slice %arg7[%dma_start3A_24, %dma_start3A_31] : memref<80x125xi32, #tpu.memory_space<vmem>> -> memref<1x125xi32, #tpu.memory_space<vmem>>
    %dma_start3A_33 = tpu.memref_squeeze %dma_start3A_32 : memref<1x125xi32, #tpu.memory_space<vmem>> -> memref<125xi32, #tpu.memory_space<vmem>>
    %dma_start3A_34 = arith.constant 0 : i32
    %dma_start3A_35 = arith.constant 0 : i32
    %dma_start3A_36 = tpu.memref_slice %arg4[%dma_start3A_34, %dma_start3A_35] : memref<20000x64xf32, #tpu.memory_space<hbm>> -> memref<20000x64xf32, #tpu.memory_space<hbm>>
    %dma_start3A_37 = tpu.memref_slice %arg11[%dma_start3A_26] : memref<8x!tpu.dma_semaphore, #tpu.memory_space<semaphore_mem>> -> memref<1x!tpu.dma_semaphore, #tpu.memory_space<semaphore_mem>>
    %dma_start3A_38 = tpu.memref_squeeze %dma_start3A_37 : memref<1x!tpu.dma_semaphore, #tpu.memory_space<semaphore_mem>> -> memref<!tpu.dma_semaphore, #tpu.memory_space<semaphore_mem>>
    tpu.enqueue_indirect_dma source(%dma_start3A_36 : memref<20000x64xf32, #tpu.memory_space<hbm>>) target(%dma_start3A_30 : memref<125x64xf32, #tpu.memory_space<vmem>>) offsets(%dma_start3A_33 : memref<125xi32, #tpu.memory_space<vmem>>) semaphore(%dma_start3A_38 : memref<!tpu.dma_semaphore, #tpu.memory_space<semaphore_mem>>)
    %dma_start3A_39 = arith.constant 2 : i32
    %dma_start3A_40 = arith.constant 2 : i32
    %dma_start3A_41 = arith.constant 2 : i32
    %dma_start3A_42 = arith.constant 0 : i32
    %dma_start3A_43 = arith.constant 0 : i32
    %dma_start3A_44 = tpu.memref_slice %arg9[%dma_start3A_40, %dma_start3A_42, %dma_start3A_43] : memref<8x125x64xf32, #tpu.memory_space<vmem>> -> memref<1x125x64xf32, #tpu.memory_space<vmem>>
    %dma_start3A_45 = tpu.memref_squeeze %dma_start3A_44 : memref<1x125x64xf32, #tpu.memory_space<vmem>> -> memref<125x64xf32, #tpu.memory_space<vmem>>
    %dma_start3A_46 = arith.constant 0 : i32
    %dma_start3A_47 = tpu.memref_slice %arg7[%dma_start3A_39, %dma_start3A_46] : memref<80x125xi32, #tpu.memory_space<vmem>> -> memref<1x125xi32, #tpu.memory_space<vmem>>
    %dma_start3A_48 = tpu.memref_squeeze %dma_start3A_47 : memref<1x125xi32, #tpu.memory_space<vmem>> -> memref<125xi32, #tpu.memory_space<vmem>>
    %dma_start3A_49 = arith.constant 0 : i32
    %dma_start3A_50 = arith.constant 0 : i32
    %dma_start3A_51 = tpu.memref_slice %arg4[%dma_start3A_49, %dma_start3A_50] : memref<20000x64xf32, #tpu.memory_space<hbm>> -> memref<20000x64xf32, #tpu.memory_space<hbm>>
    %dma_start3A_52 = tpu.memref_slice %arg11[%dma_start3A_41] : memref<8x!tpu.dma_semaphore, #tpu.memory_space<semaphore_mem>> -> memref<1x!tpu.dma_semaphore, #tpu.memory_space<semaphore_mem>>
    %dma_start3A_53 = tpu.memref_squeeze %dma_start3A_52 : memref<1x!tpu.dma_semaphore, #tpu.memory_space<semaphore_mem>> -> memref<!tpu.dma_semaphore, #tpu.memory_space<semaphore_mem>>
    tpu.enqueue_indirect_dma source(%dma_start3A_51 : memref<20000x64xf32, #tpu.memory_space<hbm>>) target(%dma_start3A_45 : memref<125x64xf32, #tpu.memory_space<vmem>>) offsets(%dma_start3A_48 : memref<125xi32, #tpu.memory_space<vmem>>) semaphore(%dma_start3A_53 : memref<!tpu.dma_semaphore, #tpu.memory_space<semaphore_mem>>)
    %dma_start3A_54 = arith.constant 3 : i32
    %dma_start3A_55 = arith.constant 3 : i32
    %dma_start3A_56 = arith.constant 3 : i32
    %dma_start3A_57 = arith.constant 0 : i32
    %dma_start3A_58 = arith.constant 0 : i32
    %dma_start3A_59 = tpu.memref_slice %arg9[%dma_start3A_55, %dma_start3A_57, %dma_start3A_58] : memref<8x125x64xf32, #tpu.memory_space<vmem>> -> memref<1x125x64xf32, #tpu.memory_space<vmem>>
    %dma_start3A_60 = tpu.memref_squeeze %dma_start3A_59 : memref<1x125x64xf32, #tpu.memory_space<vmem>> -> memref<125x64xf32, #tpu.memory_space<vmem>>
    %dma_start3A_61 = arith.constant 0 : i32
    %dma_start3A_62 = tpu.memref_slice %arg7[%dma_start3A_54, %dma_start3A_61] : memref<80x125xi32, #tpu.memory_space<vmem>> -> memref<1x125xi32, #tpu.memory_space<vmem>>
    %dma_start3A_63 = tpu.memref_squeeze %dma_start3A_62 : memref<1x125xi32, #tpu.memory_space<vmem>> -> memref<125xi32, #tpu.memory_space<vmem>>
    %dma_start3A_64 = arith.constant 0 : i32
    %dma_start3A_65 = arith.constant 0 : i32
    %dma_start3A_66 = tpu.memref_slice %arg4[%dma_start3A_64, %dma_start3A_65] : memref<20000x64xf32, #tpu.memory_space<hbm>> -> memref<20000x64xf32, #tpu.memory_space<hbm>>
    %dma_start3A_67 = tpu.memref_slice %arg11[%dma_start3A_56] : memref<8x!tpu.dma_semaphore, #tpu.memory_space<semaphore_mem>> -> memref<1x!tpu.dma_semaphore, #tpu.memory_space<semaphore_mem>>
    %dma_start3A_68 = tpu.memref_squeeze %dma_start3A_67 : memref<1x!tpu.dma_semaphore, #tpu.memory_space<semaphore_mem>> -> memref<!tpu.dma_semaphore, #tpu.memory_space<semaphore_mem>>
    tpu.enqueue_indirect_dma source(%dma_start3A_66 : memref<20000x64xf32, #tpu.memory_space<hbm>>) target(%dma_start3A_60 : memref<125x64xf32, #tpu.memory_space<vmem>>) offsets(%dma_start3A_63 : memref<125xi32, #tpu.memory_space<vmem>>) semaphore(%dma_start3A_68 : memref<!tpu.dma_semaphore, #tpu.memory_space<semaphore_mem>>)
    %dma_start3A_69 = arith.constant 4 : i32
    %dma_start3A_70 = arith.constant 4 : i32
    %dma_start3A_71 = arith.constant 4 : i32
    %dma_start3A_72 = arith.constant 0 : i32
    %dma_start3A_73 = arith.constant 0 : i32
    %dma_start3A_74 = tpu.memref_slice %arg9[%dma_start3A_70, %dma_start3A_72, %dma_start3A_73] : memref<8x125x64xf32, #tpu.memory_space<vmem>> -> memref<1x125x64xf32, #tpu.memory_space<vmem>>
    %dma_start3A_75 = tpu.memref_squeeze %dma_start3A_74 : memref<1x125x64xf32, #tpu.memory_space<vmem>> -> memref<125x64xf32, #tpu.memory_space<vmem>>
    %dma_start3A_76 = arith.constant 0 : i32
    %dma_start3A_77 = tpu.memref_slice %arg7[%dma_start3A_69, %dma_start3A_76] : memref<80x125xi32, #tpu.memory_space<vmem>> -> memref<1x125xi32, #tpu.memory_space<vmem>>
    %dma_start3A_78 = tpu.memref_squeeze %dma_start3A_77 : memref<1x125xi32, #tpu.memory_space<vmem>> -> memref<125xi32, #tpu.memory_space<vmem>>
    %dma_start3A_79 = arith.constant 0 : i32
    %dma_start3A_80 = arith.constant 0 : i32
    %dma_start3A_81 = tpu.memref_slice %arg4[%dma_start3A_79, %dma_start3A_80] : memref<20000x64xf32, #tpu.memory_space<hbm>> -> memref<20000x64xf32, #tpu.memory_space<hbm>>
    %dma_start3A_82 = tpu.memref_slice %arg11[%dma_start3A_71] : memref<8x!tpu.dma_semaphore, #tpu.memory_space<semaphore_mem>> -> memref<1x!tpu.dma_semaphore, #tpu.memory_space<semaphore_mem>>
    %dma_start3A_83 = tpu.memref_squeeze %dma_start3A_82 : memref<1x!tpu.dma_semaphore, #tpu.memory_space<semaphore_mem>> -> memref<!tpu.dma_semaphore, #tpu.memory_space<semaphore_mem>>
    tpu.enqueue_indirect_dma source(%dma_start3A_81 : memref<20000x64xf32, #tpu.memory_space<hbm>>) target(%dma_start3A_75 : memref<125x64xf32, #tpu.memory_space<vmem>>) offsets(%dma_start3A_78 : memref<125xi32, #tpu.memory_space<vmem>>) semaphore(%dma_start3A_83 : memref<!tpu.dma_semaphore, #tpu.memory_space<semaphore_mem>>)
    %dma_start3A_84 = arith.constant 5 : i32
    %dma_start3A_85 = arith.constant 5 : i32
    %dma_start3A_86 = arith.constant 5 : i32
    %dma_start3A_87 = arith.constant 0 : i32
    %dma_start3A_88 = arith.constant 0 : i32
    %dma_start3A_89 = tpu.memref_slice %arg9[%dma_start3A_85, %dma_start3A_87, %dma_start3A_88] : memref<8x125x64xf32, #tpu.memory_space<vmem>> -> memref<1x125x64xf32, #tpu.memory_space<vmem>>
    %dma_start3A_90 = tpu.memref_squeeze %dma_start3A_89 : memref<1x125x64xf32, #tpu.memory_space<vmem>> -> memref<125x64xf32, #tpu.memory_space<vmem>>
    %dma_start3A_91 = arith.constant 0 : i32
    %dma_start3A_92 = tpu.memref_slice %arg7[%dma_start3A_84, %dma_start3A_91] : memref<80x125xi32, #tpu.memory_space<vmem>> -> memref<1x125xi32, #tpu.memory_space<vmem>>
    %dma_start3A_93 = tpu.memref_squeeze %dma_start3A_92 : memref<1x125xi32, #tpu.memory_space<vmem>> -> memref<125xi32, #tpu.memory_space<vmem>>
    %dma_start3A_94 = arith.constant 0 : i32
    %dma_start3A_95 = arith.constant 0 : i32
    %dma_start3A_96 = tpu.memref_slice %arg4[%dma_start3A_94, %dma_start3A_95] : memref<20000x64xf32, #tpu.memory_space<hbm>> -> memref<20000x64xf32, #tpu.memory_space<hbm>>
    %dma_start3A_97 = tpu.memref_slice %arg11[%dma_start3A_86] : memref<8x!tpu.dma_semaphore, #tpu.memory_space<semaphore_mem>> -> memref<1x!tpu.dma_semaphore, #tpu.memory_space<semaphore_mem>>
    %dma_start3A_98 = tpu.memref_squeeze %dma_start3A_97 : memref<1x!tpu.dma_semaphore, #tpu.memory_space<semaphore_mem>> -> memref<!tpu.dma_semaphore, #tpu.memory_space<semaphore_mem>>
    tpu.enqueue_indirect_dma source(%dma_start3A_96 : memref<20000x64xf32, #tpu.memory_space<hbm>>) target(%dma_start3A_90 : memref<125x64xf32, #tpu.memory_space<vmem>>) offsets(%dma_start3A_93 : memref<125xi32, #tpu.memory_space<vmem>>) semaphore(%dma_start3A_98 : memref<!tpu.dma_semaphore, #tpu.memory_space<semaphore_mem>>)
    %dma_start3A_99 = arith.constant 6 : i32
    %dma_start3A_100 = arith.constant 6 : i32
    %dma_start3A_101 = arith.constant 6 : i32
    %dma_start3A_102 = arith.constant 0 : i32
    %dma_start3A_103 = arith.constant 0 : i32
    %dma_start3A_104 = tpu.memref_slice %arg9[%dma_start3A_100, %dma_start3A_102, %dma_start3A_103] : memref<8x125x64xf32, #tpu.memory_space<vmem>> -> memref<1x125x64xf32, #tpu.memory_space<vmem>>
    %dma_start3A_105 = tpu.memref_squeeze %dma_start3A_104 : memref<1x125x64xf32, #tpu.memory_space<vmem>> -> memref<125x64xf32, #tpu.memory_space<vmem>>
    %dma_start3A_106 = arith.constant 0 : i32
    %dma_start3A_107 = tpu.memref_slice %arg7[%dma_start3A_99, %dma_start3A_106] : memref<80x125xi32, #tpu.memory_space<vmem>> -> memref<1x125xi32, #tpu.memory_space<vmem>>
    %dma_start3A_108 = tpu.memref_squeeze %dma_start3A_107 : memref<1x125xi32, #tpu.memory_space<vmem>> -> memref<125xi32, #tpu.memory_space<vmem>>
    %dma_start3A_109 = arith.constant 0 : i32
    %dma_start3A_110 = arith.constant 0 : i32
    %dma_start3A_111 = tpu.memref_slice %arg4[%dma_start3A_109, %dma_start3A_110] : memref<20000x64xf32, #tpu.memory_space<hbm>> -> memref<20000x64xf32, #tpu.memory_space<hbm>>
    %dma_start3A_112 = tpu.memref_slice %arg11[%dma_start3A_101] : memref<8x!tpu.dma_semaphore, #tpu.memory_space<semaphore_mem>> -> memref<1x!tpu.dma_semaphore, #tpu.memory_space<semaphore_mem>>
    %dma_start3A_113 = tpu.memref_squeeze %dma_start3A_112 : memref<1x!tpu.dma_semaphore, #tpu.memory_space<semaphore_mem>> -> memref<!tpu.dma_semaphore, #tpu.memory_space<semaphore_mem>>
    tpu.enqueue_indirect_dma source(%dma_start3A_111 : memref<20000x64xf32, #tpu.memory_space<hbm>>) target(%dma_start3A_105 : memref<125x64xf32, #tpu.memory_space<vmem>>) offsets(%dma_start3A_108 : memref<125xi32, #tpu.memory_space<vmem>>) semaphore(%dma_start3A_113 : memref<!tpu.dma_semaphore, #tpu.memory_space<semaphore_mem>>)
    %dma_start3A_114 = arith.constant 7 : i32
    %dma_start3A_115 = arith.constant 7 : i32
    %dma_start3A_116 = arith.constant 7 : i32
    %dma_start3A_117 = arith.constant 0 : i32
    %dma_start3A_118 = arith.constant 0 : i32
    %dma_start3A_119 = tpu.memref_slice %arg9[%dma_start3A_115, %dma_start3A_117, %dma_start3A_118] : memref<8x125x64xf32, #tpu.memory_space<vmem>> -> memref<1x125x64xf32, #tpu.memory_space<vmem>>
    %dma_start3A_120 = tpu.memref_squeeze %dma_start3A_119 : memref<1x125x64xf32, #tpu.memory_space<vmem>> -> memref<125x64xf32, #tpu.memory_space<vmem>>
    %dma_start3A_121 = arith.constant 0 : i32
    %dma_start3A_122 = tpu.memref_slice %arg7[%dma_start3A_114, %dma_start3A_121] : memref<80x125xi32, #tpu.memory_space<vmem>> -> memref<1x125xi32, #tpu.memory_space<vmem>>
    %dma_start3A_123 = tpu.memref_squeeze %dma_start3A_122 : memref<1x125xi32, #tpu.memory_space<vmem>> -> memref<125xi32, #tpu.memory_space<vmem>>
    %dma_start3A_124 = arith.constant 0 : i32
    %dma_start3A_125 = arith.constant 0 : i32
    %dma_start3A_126 = tpu.memref_slice %arg4[%dma_start3A_124, %dma_start3A_125] : memref<20000x64xf32, #tpu.memory_space<hbm>> -> memref<20000x64xf32, #tpu.memory_space<hbm>>
    %dma_start3A_127 = tpu.memref_slice %arg11[%dma_start3A_116] : memref<8x!tpu.dma_semaphore, #tpu.memory_space<semaphore_mem>> -> memref<1x!tpu.dma_semaphore, #tpu.memory_space<semaphore_mem>>
    %dma_start3A_128 = tpu.memref_squeeze %dma_start3A_127 : memref<1x!tpu.dma_semaphore, #tpu.memory_space<semaphore_mem>> -> memref<!tpu.dma_semaphore, #tpu.memory_space<semaphore_mem>>
    tpu.enqueue_indirect_dma source(%dma_start3A_126 : memref<20000x64xf32, #tpu.memory_space<hbm>>) target(%dma_start3A_120 : memref<125x64xf32, #tpu.memory_space<vmem>>) offsets(%dma_start3A_123 : memref<125xi32, #tpu.memory_space<vmem>>) semaphore(%dma_start3A_128 : memref<!tpu.dma_semaphore, #tpu.memory_space<semaphore_mem>>)
    %scan3A = arith.constant 0 : i32
    %scan3A_129 = arith.constant 0 : i32
    %scan3A_130 = arith.constant 10 : i32
    %scan3A_131 = arith.addi %scan3A_129, %scan3A_130 : i32
    %scan3A_132 = arith.constant 1 : i32
    scf.for %scan3A_256 = %scan3A_129 to %scan3A_131 step %scan3A_132  : i32 {
      %mul3A_257 = arith.constant 8 : i32
      %mul3A_258 = arith.muli %scan3A_256, %mul3A_257 : i32
      %add3A_259 = arith.constant 0 : i32
      %add3A_260 = arith.addi %mul3A_258, %add3A_259 : i32
      %dma_wait3A_261 = arith.constant 0 : i32
      %dma_wait3A_262 = arith.constant 0 : i32
      %dma_wait3A_263 = arith.constant 0 : i32
      %dma_wait3A_264 = arith.constant 0 : i32
      %dma_wait3A_265 = tpu.memref_slice %arg9[%dma_wait3A_261, %dma_wait3A_263, %dma_wait3A_264] : memref<8x125x64xf32, #tpu.memory_space<vmem>> -> memref<1x125x64xf32, #tpu.memory_space<vmem>>
      %dma_wait3A_266 = tpu.memref_squeeze %dma_wait3A_265 : memref<1x125x64xf32, #tpu.memory_space<vmem>> -> memref<125x64xf32, #tpu.memory_space<vmem>>
      %dma_wait3A_267 = arith.constant 0 : i32
      %dma_wait3A_268 = tpu.memref_slice %arg7[%add3A_260, %dma_wait3A_267] : memref<80x125xi32, #tpu.memory_space<vmem>> -> memref<1x125xi32, #tpu.memory_space<vmem>>
      %dma_wait3A_269 = tpu.memref_squeeze %dma_wait3A_268 : memref<1x125xi32, #tpu.memory_space<vmem>> -> memref<125xi32, #tpu.memory_space<vmem>>
      %dma_wait3A_270 = arith.constant 0 : i32
      %dma_wait3A_271 = arith.constant 0 : i32
      %dma_wait3A_272 = tpu.memref_slice %arg4[%dma_wait3A_270, %dma_wait3A_271] : memref<20000x64xf32, #tpu.memory_space<hbm>> -> memref<20000x64xf32, #tpu.memory_space<hbm>>
      %dma_wait3A_273 = tpu.memref_slice %arg11[%dma_wait3A_262] : memref<8x!tpu.dma_semaphore, #tpu.memory_space<semaphore_mem>> -> memref<1x!tpu.dma_semaphore, #tpu.memory_space<semaphore_mem>>
      %dma_wait3A_274 = tpu.memref_squeeze %dma_wait3A_273 : memref<1x!tpu.dma_semaphore, #tpu.memory_space<semaphore_mem>> -> memref<!tpu.dma_semaphore, #tpu.memory_space<semaphore_mem>>
      tpu.wait_indirect_dma semaphore(%dma_wait3A_274 : memref<!tpu.dma_semaphore, #tpu.memory_space<semaphore_mem>>) src(%dma_wait3A_272 : memref<20000x64xf32, #tpu.memory_space<hbm>>) dst(%dma_wait3A_266 : memref<125x64xf32, #tpu.memory_space<vmem>>)
      %dma_start3A_275 = arith.constant 0 : i32
      %dma_start3A_276 = arith.constant 0 : i32
      %dma_start3A_277 = arith.constant 0 : i32
      %dma_start3A_278 = arith.constant 0 : i32
      %dma_start3A_279 = tpu.memref_slice %arg9[%dma_start3A_275, %dma_start3A_277, %dma_start3A_278] : memref<8x125x64xf32, #tpu.memory_space<vmem>> -> memref<1x125x64xf32, #tpu.memory_space<vmem>>
      %dma_start3A_280 = tpu.memref_squeeze %dma_start3A_279 : memref<1x125x64xf32, #tpu.memory_space<vmem>> -> memref<125x64xf32, #tpu.memory_space<vmem>>
      %dma_start3A_281 = arith.constant 0 : i32
      %dma_start3A_282 = tpu.memref_slice %arg8[%add3A_260, %dma_start3A_281] : memref<80x125xi32, #tpu.memory_space<vmem>> -> memref<1x125xi32, #tpu.memory_space<vmem>>
      %dma_start3A_283 = tpu.memref_squeeze %dma_start3A_282 : memref<1x125xi32, #tpu.memory_space<vmem>> -> memref<125xi32, #tpu.memory_space<vmem>>
      %dma_start3A_284 = arith.constant 0 : i32
      %dma_start3A_285 = arith.constant 0 : i32
      %dma_start3A_286 = tpu.memref_slice %arg10[%dma_start3A_284, %dma_start3A_285] : memref<10240x64xf32, #tpu.memory_space<vmem_shared>> -> memref<10240x64xf32, #tpu.memory_space<vmem_shared>>
      %dma_start3A_287 = tpu.memref_slice %arg12[%dma_start3A_276] : memref<8x!tpu.dma_semaphore, #tpu.memory_space<semaphore_mem>> -> memref<1x!tpu.dma_semaphore, #tpu.memory_space<semaphore_mem>>
      %dma_start3A_288 = tpu.memref_squeeze %dma_start3A_287 : memref<1x!tpu.dma_semaphore, #tpu.memory_space<semaphore_mem>> -> memref<!tpu.dma_semaphore, #tpu.memory_space<semaphore_mem>>
      tpu.enqueue_indirect_dma source(%dma_start3A_280 : memref<125x64xf32, #tpu.memory_space<vmem>>) target(%dma_start3A_286 : memref<10240x64xf32, #tpu.memory_space<vmem_shared>>) offsets(%dma_start3A_283 : memref<125xi32, #tpu.memory_space<vmem>>) semaphore(%dma_start3A_288 : memref<!tpu.dma_semaphore, #tpu.memory_space<semaphore_mem>>) {add = true}
      %add3A_289 = arith.constant 8 : i32
      %add3A_290 = arith.addi %add3A_260, %add3A_289 : i32
      %sub3A = arith.constant 2 : i32
      %sub3A_291 = arith.subi %add3A_290, %sub3A : i32
      %ge3A = arith.constant 8 : i32
      %ge3A_292 = arith.cmpi sge, %sub3A_291, %ge3A : i32
      %lt3A = arith.constant 80 : i32
      %lt3A_293 = arith.cmpi slt, %sub3A_291, %lt3A : i32
      %and3A = arith.andi %ge3A_292, %lt3A_293 : i1
      %convert_element_type3A_294 = arith.extui %and3A : i1 to i32
      %cond3A_295 = arith.constant 0 : i32
      %cond3A_296 = arith.cmpi ne, %convert_element_type3A_294, %cond3A_295 : i32
      scf.if %cond3A_296 {
        %dma_wait3A_605 = arith.constant 6 : i32
        %dma_wait3A_606 = arith.constant 0 : i32
        %dma_wait3A_607 = arith.constant 6 : i32
        %dma_wait3A_608 = arith.constant 0 : i32
        %dma_wait3A_609 = arith.constant 0 : i32
        %dma_wait3A_610 = tpu.memref_slice %arg9[%dma_wait3A_605, %dma_wait3A_608, %dma_wait3A_609] : memref<8x125x64xf32, #tpu.memory_space<vmem>> -> memref<1x125x64xf32, #tpu.memory_space<vmem>>
        %dma_wait3A_611 = tpu.memref_squeeze %dma_wait3A_610 : memref<1x125x64xf32, #tpu.memory_space<vmem>> -> memref<125x64xf32, #tpu.memory_space<vmem>>
        %dma_wait3A_612 = arith.constant 0 : i32
        %dma_wait3A_613 = tpu.memref_slice %arg8[%dma_wait3A_606, %dma_wait3A_612] : memref<80x125xi32, #tpu.memory_space<vmem>> -> memref<1x125xi32, #tpu.memory_space<vmem>>
        %dma_wait3A_614 = tpu.memref_squeeze %dma_wait3A_613 : memref<1x125xi32, #tpu.memory_space<vmem>> -> memref<125xi32, #tpu.memory_space<vmem>>
        %dma_wait3A_615 = arith.constant 0 : i32
        %dma_wait3A_616 = arith.constant 0 : i32
        %dma_wait3A_617 = tpu.memref_slice %arg10[%dma_wait3A_615, %dma_wait3A_616] : memref<10240x64xf32, #tpu.memory_space<vmem_shared>> -> memref<10240x64xf32, #tpu.memory_space<vmem_shared>>
        %dma_wait3A_618 = tpu.memref_slice %arg12[%dma_wait3A_607] : memref<8x!tpu.dma_semaphore, #tpu.memory_space<semaphore_mem>> -> memref<1x!tpu.dma_semaphore, #tpu.memory_space<semaphore_mem>>
        %dma_wait3A_619 = tpu.memref_squeeze %dma_wait3A_618 : memref<1x!tpu.dma_semaphore, #tpu.memory_space<semaphore_mem>> -> memref<!tpu.dma_semaphore, #tpu.memory_space<semaphore_mem>>
        tpu.wait_indirect_dma semaphore(%dma_wait3A_619 : memref<!tpu.dma_semaphore, #tpu.memory_space<semaphore_mem>>) src(%dma_wait3A_611 : memref<125x64xf32, #tpu.memory_space<vmem>>) dst(%dma_wait3A_617 : memref<10240x64xf32, #tpu.memory_space<vmem_shared>>)
        %dma_start3A_620 = arith.constant 6 : i32
        %dma_start3A_621 = arith.constant 6 : i32
        %dma_start3A_622 = arith.constant 0 : i32
        %dma_start3A_623 = arith.constant 0 : i32
        %dma_start3A_624 = tpu.memref_slice %arg9[%dma_start3A_620, %dma_start3A_622, %dma_start3A_623] : memref<8x125x64xf32, #tpu.memory_space<vmem>> -> memref<1x125x64xf32, #tpu.memory_space<vmem>>
        %dma_start3A_625 = tpu.memref_squeeze %dma_start3A_624 : memref<1x125x64xf32, #tpu.memory_space<vmem>> -> memref<125x64xf32, #tpu.memory_space<vmem>>
        %dma_start3A_626 = arith.constant 0 : i32
        %dma_start3A_627 = tpu.memref_slice %arg7[%sub3A_291, %dma_start3A_626] : memref<80x125xi32, #tpu.memory_space<vmem>> -> memref<1x125xi32, #tpu.memory_space<vmem>>
        %dma_start3A_628 = tpu.memref_squeeze %dma_start3A_627 : memref<1x125xi32, #tpu.memory_space<vmem>> -> memref<125xi32, #tpu.memory_space<vmem>>
        %dma_start3A_629 = arith.constant 0 : i32
        %dma_start3A_630 = arith.constant 0 : i32
        %dma_start3A_631 = tpu.memref_slice %arg4[%dma_start3A_629, %dma_start3A_630] : memref<20000x64xf32, #tpu.memory_space<hbm>> -> memref<20000x64xf32, #tpu.memory_space<hbm>>
        %dma_start3A_632 = tpu.memref_slice %arg11[%dma_start3A_621] : memref<8x!tpu.dma_semaphore, #tpu.memory_space<semaphore_mem>> -> memref<1x!tpu.dma_semaphore, #tpu.memory_space<semaphore_mem>>
        %dma_start3A_633 = tpu.memref_squeeze %dma_start3A_632 : memref<1x!tpu.dma_semaphore, #tpu.memory_space<semaphore_mem>> -> memref<!tpu.dma_semaphore, #tpu.memory_space<semaphore_mem>>
        tpu.enqueue_indirect_dma source(%dma_start3A_631 : memref<20000x64xf32, #tpu.memory_space<hbm>>) target(%dma_start3A_625 : memref<125x64xf32, #tpu.memory_space<vmem>>) offsets(%dma_start3A_628 : memref<125xi32, #tpu.memory_space<vmem>>) semaphore(%dma_start3A_633 : memref<!tpu.dma_semaphore, #tpu.memory_space<semaphore_mem>>)
      } else {
      }
      %mul3A_297 = arith.constant 8 : i32
      %mul3A_298 = arith.muli %scan3A_256, %mul3A_297 : i32
      %add3A_299 = arith.constant 1 : i32
      %add3A_300 = arith.addi %mul3A_298, %add3A_299 : i32
      %dma_wait3A_301 = arith.constant 1 : i32
      %dma_wait3A_302 = arith.constant 1 : i32
      %dma_wait3A_303 = arith.constant 0 : i32
      %dma_wait3A_304 = arith.constant 0 : i32
      %dma_wait3A_305 = tpu.memref_slice %arg9[%dma_wait3A_301, %dma_wait3A_303, %dma_wait3A_304] : memref<8x125x64xf32, #tpu.memory_space<vmem>> -> memref<1x125x64xf32, #tpu.memory_space<vmem>>
      %dma_wait3A_306 = tpu.memref_squeeze %dma_wait3A_305 : memref<1x125x64xf32, #tpu.memory_space<vmem>> -> memref<125x64xf32, #tpu.memory_space<vmem>>
      %dma_wait3A_307 = arith.constant 0 : i32
      %dma_wait3A_308 = tpu.memref_slice %arg7[%add3A_300, %dma_wait3A_307] : memref<80x125xi32, #tpu.memory_space<vmem>> -> memref<1x125xi32, #tpu.memory_space<vmem>>
      %dma_wait3A_309 = tpu.memref_squeeze %dma_wait3A_308 : memref<1x125xi32, #tpu.memory_space<vmem>> -> memref<125xi32, #tpu.memory_space<vmem>>
      %dma_wait3A_310 = arith.constant 0 : i32
      %dma_wait3A_311 = arith.constant 0 : i32
      %dma_wait3A_312 = tpu.memref_slice %arg4[%dma_wait3A_310, %dma_wait3A_311] : memref<20000x64xf32, #tpu.memory_space<hbm>> -> memref<20000x64xf32, #tpu.memory_space<hbm>>
      %dma_wait3A_313 = tpu.memref_slice %arg11[%dma_wait3A_302] : memref<8x!tpu.dma_semaphore, #tpu.memory_space<semaphore_mem>> -> memref<1x!tpu.dma_semaphore, #tpu.memory_space<semaphore_mem>>
      %dma_wait3A_314 = tpu.memref_squeeze %dma_wait3A_313 : memref<1x!tpu.dma_semaphore, #tpu.memory_space<semaphore_mem>> -> memref<!tpu.dma_semaphore, #tpu.memory_space<semaphore_mem>>
      tpu.wait_indirect_dma semaphore(%dma_wait3A_314 : memref<!tpu.dma_semaphore, #tpu.memory_space<semaphore_mem>>) src(%dma_wait3A_312 : memref<20000x64xf32, #tpu.memory_space<hbm>>) dst(%dma_wait3A_306 : memref<125x64xf32, #tpu.memory_space<vmem>>)
      %dma_start3A_315 = arith.constant 1 : i32
      %dma_start3A_316 = arith.constant 1 : i32
      %dma_start3A_317 = arith.constant 0 : i32
      %dma_start3A_318 = arith.constant 0 : i32
      %dma_start3A_319 = tpu.memref_slice %arg9[%dma_start3A_315, %dma_start3A_317, %dma_start3A_318] : memref<8x125x64xf32, #tpu.memory_space<vmem>> -> memref<1x125x64xf32, #tpu.memory_space<vmem>>
      %dma_start3A_320 = tpu.memref_squeeze %dma_start3A_319 : memref<1x125x64xf32, #tpu.memory_space<vmem>> -> memref<125x64xf32, #tpu.memory_space<vmem>>
      %dma_start3A_321 = arith.constant 0 : i32
      %dma_start3A_322 = tpu.memref_slice %arg8[%add3A_300, %dma_start3A_321] : memref<80x125xi32, #tpu.memory_space<vmem>> -> memref<1x125xi32, #tpu.memory_space<vmem>>
      %dma_start3A_323 = tpu.memref_squeeze %dma_start3A_322 : memref<1x125xi32, #tpu.memory_space<vmem>> -> memref<125xi32, #tpu.memory_space<vmem>>
      %dma_start3A_324 = arith.constant 0 : i32
      %dma_start3A_325 = arith.constant 0 : i32
      %dma_start3A_326 = tpu.memref_slice %arg10[%dma_start3A_324, %dma_start3A_325] : memref<10240x64xf32, #tpu.memory_space<vmem_shared>> -> memref<10240x64xf32, #tpu.memory_space<vmem_shared>>
      %dma_start3A_327 = tpu.memref_slice %arg12[%dma_start3A_316] : memref<8x!tpu.dma_semaphore, #tpu.memory_space<semaphore_mem>> -> memref<1x!tpu.dma_semaphore, #tpu.memory_space<semaphore_mem>>
      %dma_start3A_328 = tpu.memref_squeeze %dma_start3A_327 : memref<1x!tpu.dma_semaphore, #tpu.memory_space<semaphore_mem>> -> memref<!tpu.dma_semaphore, #tpu.memory_space<semaphore_mem>>
      tpu.enqueue_indirect_dma source(%dma_start3A_320 : memref<125x64xf32, #tpu.memory_space<vmem>>) target(%dma_start3A_326 : memref<10240x64xf32, #tpu.memory_space<vmem_shared>>) offsets(%dma_start3A_323 : memref<125xi32, #tpu.memory_space<vmem>>) semaphore(%dma_start3A_328 : memref<!tpu.dma_semaphore, #tpu.memory_space<semaphore_mem>>) {add = true}
      %add3A_329 = arith.constant 8 : i32
      %add3A_330 = arith.addi %add3A_300, %add3A_329 : i32
      %sub3A_331 = arith.constant 2 : i32
      %sub3A_332 = arith.subi %add3A_330, %sub3A_331 : i32
      %ge3A_333 = arith.constant 8 : i32
      %ge3A_334 = arith.cmpi sge, %sub3A_332, %ge3A_333 : i32
      %lt3A_335 = arith.constant 80 : i32
      %lt3A_336 = arith.cmpi slt, %sub3A_332, %lt3A_335 : i32
      %and3A_337 = arith.andi %ge3A_334, %lt3A_336 : i1
      %convert_element_type3A_338 = arith.extui %and3A_337 : i1 to i32
      %cond3A_339 = arith.constant 0 : i32
      %cond3A_340 = arith.cmpi ne, %convert_element_type3A_338, %cond3A_339 : i32
      scf.if %cond3A_340 {
        %dma_wait3A_605 = arith.constant 7 : i32
        %dma_wait3A_606 = arith.constant 0 : i32
        %dma_wait3A_607 = arith.constant 7 : i32
        %dma_wait3A_608 = arith.constant 0 : i32
        %dma_wait3A_609 = arith.constant 0 : i32
        %dma_wait3A_610 = tpu.memref_slice %arg9[%dma_wait3A_605, %dma_wait3A_608, %dma_wait3A_609] : memref<8x125x64xf32, #tpu.memory_space<vmem>> -> memref<1x125x64xf32, #tpu.memory_space<vmem>>
        %dma_wait3A_611 = tpu.memref_squeeze %dma_wait3A_610 : memref<1x125x64xf32, #tpu.memory_space<vmem>> -> memref<125x64xf32, #tpu.memory_space<vmem>>
        %dma_wait3A_612 = arith.constant 0 : i32
        %dma_wait3A_613 = tpu.memref_slice %arg8[%dma_wait3A_606, %dma_wait3A_612] : memref<80x125xi32, #tpu.memory_space<vmem>> -> memref<1x125xi32, #tpu.memory_space<vmem>>
        %dma_wait3A_614 = tpu.memref_squeeze %dma_wait3A_613 : memref<1x125xi32, #tpu.memory_space<vmem>> -> memref<125xi32, #tpu.memory_space<vmem>>
        %dma_wait3A_615 = arith.constant 0 : i32
        %dma_wait3A_616 = arith.constant 0 : i32
        %dma_wait3A_617 = tpu.memref_slice %arg10[%dma_wait3A_615, %dma_wait3A_616] : memref<10240x64xf32, #tpu.memory_space<vmem_shared>> -> memref<10240x64xf32, #tpu.memory_space<vmem_shared>>
        %dma_wait3A_618 = tpu.memref_slice %arg12[%dma_wait3A_607] : memref<8x!tpu.dma_semaphore, #tpu.memory_space<semaphore_mem>> -> memref<1x!tpu.dma_semaphore, #tpu.memory_space<semaphore_mem>>
        %dma_wait3A_619 = tpu.memref_squeeze %dma_wait3A_618 : memref<1x!tpu.dma_semaphore, #tpu.memory_space<semaphore_mem>> -> memref<!tpu.dma_semaphore, #tpu.memory_space<semaphore_mem>>
        tpu.wait_indirect_dma semaphore(%dma_wait3A_619 : memref<!tpu.dma_semaphore, #tpu.memory_space<semaphore_mem>>) src(%dma_wait3A_611 : memref<125x64xf32, #tpu.memory_space<vmem>>) dst(%dma_wait3A_617 : memref<10240x64xf32, #tpu.memory_space<vmem_shared>>)
        %dma_start3A_620 = arith.constant 7 : i32
        %dma_start3A_621 = arith.constant 7 : i32
        %dma_start3A_622 = arith.constant 0 : i32
        %dma_start3A_623 = arith.constant 0 : i32
        %dma_start3A_624 = tpu.memref_slice %arg9[%dma_start3A_620, %dma_start3A_622, %dma_start3A_623] : memref<8x125x64xf32, #tpu.memory_space<vmem>> -> memref<1x125x64xf32, #tpu.memory_space<vmem>>
        %dma_start3A_625 = tpu.memref_squeeze %dma_start3A_624 : memref<1x125x64xf32, #tpu.memory_space<vmem>> -> memref<125x64xf32, #tpu.memory_space<vmem>>
        %dma_start3A_626 = arith.constant 0 : i32
        %dma_start3A_627 = tpu.memref_slice %arg7[%sub3A_332, %dma_start3A_626] : memref<80x125xi32, #tpu.memory_space<vmem>> -> memref<1x125xi32, #tpu.memory_space<vmem>>
        %dma_start3A_628 = tpu.memref_squeeze %dma_start3A_627 : memref<1x125xi32, #tpu.memory_space<vmem>> -> memref<125xi32, #tpu.memory_space<vmem>>
        %dma_start3A_629 = arith.constant 0 : i32
        %dma_start3A_630 = arith.constant 0 : i32
        %dma_start3A_631 = tpu.memref_slice %arg4[%dma_start3A_629, %dma_start3A_630] : memref<20000x64xf32, #tpu.memory_space<hbm>> -> memref<20000x64xf32, #tpu.memory_space<hbm>>
        %dma_start3A_632 = tpu.memref_slice %arg11[%dma_start3A_621] : memref<8x!tpu.dma_semaphore, #tpu.memory_space<semaphore_mem>> -> memref<1x!tpu.dma_semaphore, #tpu.memory_space<semaphore_mem>>
        %dma_start3A_633 = tpu.memref_squeeze %dma_start3A_632 : memref<1x!tpu.dma_semaphore, #tpu.memory_space<semaphore_mem>> -> memref<!tpu.dma_semaphore, #tpu.memory_space<semaphore_mem>>
        tpu.enqueue_indirect_dma source(%dma_start3A_631 : memref<20000x64xf32, #tpu.memory_space<hbm>>) target(%dma_start3A_625 : memref<125x64xf32, #tpu.memory_space<vmem>>) offsets(%dma_start3A_628 : memref<125xi32, #tpu.memory_space<vmem>>) semaphore(%dma_start3A_633 : memref<!tpu.dma_semaphore, #tpu.memory_space<semaphore_mem>>)
      } else {
      }
      %mul3A_341 = arith.constant 8 : i32
      %mul3A_342 = arith.muli %scan3A_256, %mul3A_341 : i32
      %add3A_343 = arith.constant 2 : i32
      %add3A_344 = arith.addi %mul3A_342, %add3A_343 : i32
      %dma_wait3A_345 = arith.constant 2 : i32
      %dma_wait3A_346 = arith.constant 2 : i32
      %dma_wait3A_347 = arith.constant 0 : i32
      %dma_wait3A_348 = arith.constant 0 : i32
      %dma_wait3A_349 = tpu.memref_slice %arg9[%dma_wait3A_345, %dma_wait3A_347, %dma_wait3A_348] : memref<8x125x64xf32, #tpu.memory_space<vmem>> -> memref<1x125x64xf32, #tpu.memory_space<vmem>>
      %dma_wait3A_350 = tpu.memref_squeeze %dma_wait3A_349 : memref<1x125x64xf32, #tpu.memory_space<vmem>> -> memref<125x64xf32, #tpu.memory_space<vmem>>
      %dma_wait3A_351 = arith.constant 0 : i32
      %dma_wait3A_352 = tpu.memref_slice %arg7[%add3A_344, %dma_wait3A_351] : memref<80x125xi32, #tpu.memory_space<vmem>> -> memref<1x125xi32, #tpu.memory_space<vmem>>
      %dma_wait3A_353 = tpu.memref_squeeze %dma_wait3A_352 : memref<1x125xi32, #tpu.memory_space<vmem>> -> memref<125xi32, #tpu.memory_space<vmem>>
      %dma_wait3A_354 = arith.constant 0 : i32
      %dma_wait3A_355 = arith.constant 0 : i32
      %dma_wait3A_356 = tpu.memref_slice %arg4[%dma_wait3A_354, %dma_wait3A_355] : memref<20000x64xf32, #tpu.memory_space<hbm>> -> memref<20000x64xf32, #tpu.memory_space<hbm>>
      %dma_wait3A_357 = tpu.memref_slice %arg11[%dma_wait3A_346] : memref<8x!tpu.dma_semaphore, #tpu.memory_space<semaphore_mem>> -> memref<1x!tpu.dma_semaphore, #tpu.memory_space<semaphore_mem>>
      %dma_wait3A_358 = tpu.memref_squeeze %dma_wait3A_357 : memref<1x!tpu.dma_semaphore, #tpu.memory_space<semaphore_mem>> -> memref<!tpu.dma_semaphore, #tpu.memory_space<semaphore_mem>>
      tpu.wait_indirect_dma semaphore(%dma_wait3A_358 : memref<!tpu.dma_semaphore, #tpu.memory_space<semaphore_mem>>) src(%dma_wait3A_356 : memref<20000x64xf32, #tpu.memory_space<hbm>>) dst(%dma_wait3A_350 : memref<125x64xf32, #tpu.memory_space<vmem>>)
      %dma_start3A_359 = arith.constant 2 : i32
      %dma_start3A_360 = arith.constant 2 : i32
      %dma_start3A_361 = arith.constant 0 : i32
      %dma_start3A_362 = arith.constant 0 : i32
      %dma_start3A_363 = tpu.memref_slice %arg9[%dma_start3A_359, %dma_start3A_361, %dma_start3A_362] : memref<8x125x64xf32, #tpu.memory_space<vmem>> -> memref<1x125x64xf32, #tpu.memory_space<vmem>>
      %dma_start3A_364 = tpu.memref_squeeze %dma_start3A_363 : memref<1x125x64xf32, #tpu.memory_space<vmem>> -> memref<125x64xf32, #tpu.memory_space<vmem>>
      %dma_start3A_365 = arith.constant 0 : i32
      %dma_start3A_366 = tpu.memref_slice %arg8[%add3A_344, %dma_start3A_365] : memref<80x125xi32, #tpu.memory_space<vmem>> -> memref<1x125xi32, #tpu.memory_space<vmem>>
      %dma_start3A_367 = tpu.memref_squeeze %dma_start3A_366 : memref<1x125xi32, #tpu.memory_space<vmem>> -> memref<125xi32, #tpu.memory_space<vmem>>
      %dma_start3A_368 = arith.constant 0 : i32
      %dma_start3A_369 = arith.constant 0 : i32
      %dma_start3A_370 = tpu.memref_slice %arg10[%dma_start3A_368, %dma_start3A_369] : memref<10240x64xf32, #tpu.memory_space<vmem_shared>> -> memref<10240x64xf32, #tpu.memory_space<vmem_shared>>
      %dma_start3A_371 = tpu.memref_slice %arg12[%dma_start3A_360] : memref<8x!tpu.dma_semaphore, #tpu.memory_space<semaphore_mem>> -> memref<1x!tpu.dma_semaphore, #tpu.memory_space<semaphore_mem>>
      %dma_start3A_372 = tpu.memref_squeeze %dma_start3A_371 : memref<1x!tpu.dma_semaphore, #tpu.memory_space<semaphore_mem>> -> memref<!tpu.dma_semaphore, #tpu.memory_space<semaphore_mem>>
      tpu.enqueue_indirect_dma source(%dma_start3A_364 : memref<125x64xf32, #tpu.memory_space<vmem>>) target(%dma_start3A_370 : memref<10240x64xf32, #tpu.memory_space<vmem_shared>>) offsets(%dma_start3A_367 : memref<125xi32, #tpu.memory_space<vmem>>) semaphore(%dma_start3A_372 : memref<!tpu.dma_semaphore, #tpu.memory_space<semaphore_mem>>) {add = true}
      %add3A_373 = arith.constant 8 : i32
      %add3A_374 = arith.addi %add3A_344, %add3A_373 : i32
      %sub3A_375 = arith.constant 2 : i32
      %sub3A_376 = arith.subi %add3A_374, %sub3A_375 : i32
      %ge3A_377 = arith.constant 8 : i32
      %ge3A_378 = arith.cmpi sge, %sub3A_376, %ge3A_377 : i32
      %lt3A_379 = arith.constant 80 : i32
      %lt3A_380 = arith.cmpi slt, %sub3A_376, %lt3A_379 : i32
      %and3A_381 = arith.andi %ge3A_378, %lt3A_380 : i1
      %convert_element_type3A_382 = arith.extui %and3A_381 : i1 to i32
      %cond3A_383 = arith.constant 0 : i32
      %cond3A_384 = arith.cmpi ne, %convert_element_type3A_382, %cond3A_383 : i32
      scf.if %cond3A_384 {
        %dma_wait3A_605 = arith.constant 0 : i32
        %dma_wait3A_606 = arith.constant 0 : i32
        %dma_wait3A_607 = arith.constant 0 : i32
        %dma_wait3A_608 = arith.constant 0 : i32
        %dma_wait3A_609 = arith.constant 0 : i32
        %dma_wait3A_610 = tpu.memref_slice %arg9[%dma_wait3A_605, %dma_wait3A_608, %dma_wait3A_609] : memref<8x125x64xf32, #tpu.memory_space<vmem>> -> memref<1x125x64xf32, #tpu.memory_space<vmem>>
        %dma_wait3A_611 = tpu.memref_squeeze %dma_wait3A_610 : memref<1x125x64xf32, #tpu.memory_space<vmem>> -> memref<125x64xf32, #tpu.memory_space<vmem>>
        %dma_wait3A_612 = arith.constant 0 : i32
        %dma_wait3A_613 = tpu.memref_slice %arg8[%dma_wait3A_606, %dma_wait3A_612] : memref<80x125xi32, #tpu.memory_space<vmem>> -> memref<1x125xi32, #tpu.memory_space<vmem>>
        %dma_wait3A_614 = tpu.memref_squeeze %dma_wait3A_613 : memref<1x125xi32, #tpu.memory_space<vmem>> -> memref<125xi32, #tpu.memory_space<vmem>>
        %dma_wait3A_615 = arith.constant 0 : i32
        %dma_wait3A_616 = arith.constant 0 : i32
        %dma_wait3A_617 = tpu.memref_slice %arg10[%dma_wait3A_615, %dma_wait3A_616] : memref<10240x64xf32, #tpu.memory_space<vmem_shared>> -> memref<10240x64xf32, #tpu.memory_space<vmem_shared>>
        %dma_wait3A_618 = tpu.memref_slice %arg12[%dma_wait3A_607] : memref<8x!tpu.dma_semaphore, #tpu.memory_space<semaphore_mem>> -> memref<1x!tpu.dma_semaphore, #tpu.memory_space<semaphore_mem>>
        %dma_wait3A_619 = tpu.memref_squeeze %dma_wait3A_618 : memref<1x!tpu.dma_semaphore, #tpu.memory_space<semaphore_mem>> -> memref<!tpu.dma_semaphore, #tpu.memory_space<semaphore_mem>>
        tpu.wait_indirect_dma semaphore(%dma_wait3A_619 : memref<!tpu.dma_semaphore, #tpu.memory_space<semaphore_mem>>) src(%dma_wait3A_611 : memref<125x64xf32, #tpu.memory_space<vmem>>) dst(%dma_wait3A_617 : memref<10240x64xf32, #tpu.memory_space<vmem_shared>>)
        %dma_start3A_620 = arith.constant 0 : i32
        %dma_start3A_621 = arith.constant 0 : i32
        %dma_start3A_622 = arith.constant 0 : i32
        %dma_start3A_623 = arith.constant 0 : i32
        %dma_start3A_624 = tpu.memref_slice %arg9[%dma_start3A_620, %dma_start3A_622, %dma_start3A_623] : memref<8x125x64xf32, #tpu.memory_space<vmem>> -> memref<1x125x64xf32, #tpu.memory_space<vmem>>
        %dma_start3A_625 = tpu.memref_squeeze %dma_start3A_624 : memref<1x125x64xf32, #tpu.memory_space<vmem>> -> memref<125x64xf32, #tpu.memory_space<vmem>>
        %dma_start3A_626 = arith.constant 0 : i32
        %dma_start3A_627 = tpu.memref_slice %arg7[%sub3A_376, %dma_start3A_626] : memref<80x125xi32, #tpu.memory_space<vmem>> -> memref<1x125xi32, #tpu.memory_space<vmem>>
        %dma_start3A_628 = tpu.memref_squeeze %dma_start3A_627 : memref<1x125xi32, #tpu.memory_space<vmem>> -> memref<125xi32, #tpu.memory_space<vmem>>
        %dma_start3A_629 = arith.constant 0 : i32
        %dma_start3A_630 = arith.constant 0 : i32
        %dma_start3A_631 = tpu.memref_slice %arg4[%dma_start3A_629, %dma_start3A_630] : memref<20000x64xf32, #tpu.memory_space<hbm>> -> memref<20000x64xf32, #tpu.memory_space<hbm>>
        %dma_start3A_632 = tpu.memref_slice %arg11[%dma_start3A_621] : memref<8x!tpu.dma_semaphore, #tpu.memory_space<semaphore_mem>> -> memref<1x!tpu.dma_semaphore, #tpu.memory_space<semaphore_mem>>
        %dma_start3A_633 = tpu.memref_squeeze %dma_start3A_632 : memref<1x!tpu.dma_semaphore, #tpu.memory_space<semaphore_mem>> -> memref<!tpu.dma_semaphore, #tpu.memory_space<semaphore_mem>>
        tpu.enqueue_indirect_dma source(%dma_start3A_631 : memref<20000x64xf32, #tpu.memory_space<hbm>>) target(%dma_start3A_625 : memref<125x64xf32, #tpu.memory_space<vmem>>) offsets(%dma_start3A_628 : memref<125xi32, #tpu.memory_space<vmem>>) semaphore(%dma_start3A_633 : memref<!tpu.dma_semaphore, #tpu.memory_space<semaphore_mem>>)
      } else {
      }
      %mul3A_385 = arith.constant 8 : i32
      %mul3A_386 = arith.muli %scan3A_256, %mul3A_385 : i32
      %add3A_387 = arith.constant 3 : i32
      %add3A_388 = arith.addi %mul3A_386, %add3A_387 : i32
      %dma_wait3A_389 = arith.constant 3 : i32
      %dma_wait3A_390 = arith.constant 3 : i32
      %dma_wait3A_391 = arith.constant 0 : i32
      %dma_wait3A_392 = arith.constant 0 : i32
      %dma_wait3A_393 = tpu.memref_slice %arg9[%dma_wait3A_389, %dma_wait3A_391, %dma_wait3A_392] : memref<8x125x64xf32, #tpu.memory_space<vmem>> -> memref<1x125x64xf32, #tpu.memory_space<vmem>>
      %dma_wait3A_394 = tpu.memref_squeeze %dma_wait3A_393 : memref<1x125x64xf32, #tpu.memory_space<vmem>> -> memref<125x64xf32, #tpu.memory_space<vmem>>
      %dma_wait3A_395 = arith.constant 0 : i32
      %dma_wait3A_396 = tpu.memref_slice %arg7[%add3A_388, %dma_wait3A_395] : memref<80x125xi32, #tpu.memory_space<vmem>> -> memref<1x125xi32, #tpu.memory_space<vmem>>
      %dma_wait3A_397 = tpu.memref_squeeze %dma_wait3A_396 : memref<1x125xi32, #tpu.memory_space<vmem>> -> memref<125xi32, #tpu.memory_space<vmem>>
      %dma_wait3A_398 = arith.constant 0 : i32
      %dma_wait3A_399 = arith.constant 0 : i32
      %dma_wait3A_400 = tpu.memref_slice %arg4[%dma_wait3A_398, %dma_wait3A_399] : memref<20000x64xf32, #tpu.memory_space<hbm>> -> memref<20000x64xf32, #tpu.memory_space<hbm>>
      %dma_wait3A_401 = tpu.memref_slice %arg11[%dma_wait3A_390] : memref<8x!tpu.dma_semaphore, #tpu.memory_space<semaphore_mem>> -> memref<1x!tpu.dma_semaphore, #tpu.memory_space<semaphore_mem>>
      %dma_wait3A_402 = tpu.memref_squeeze %dma_wait3A_401 : memref<1x!tpu.dma_semaphore, #tpu.memory_space<semaphore_mem>> -> memref<!tpu.dma_semaphore, #tpu.memory_space<semaphore_mem>>
      tpu.wait_indirect_dma semaphore(%dma_wait3A_402 : memref<!tpu.dma_semaphore, #tpu.memory_space<semaphore_mem>>) src(%dma_wait3A_400 : memref<20000x64xf32, #tpu.memory_space<hbm>>) dst(%dma_wait3A_394 : memref<125x64xf32, #tpu.memory_space<vmem>>)
      %dma_start3A_403 = arith.constant 3 : i32
      %dma_start3A_404 = arith.constant 3 : i32
      %dma_start3A_405 = arith.constant 0 : i32
      %dma_start3A_406 = arith.constant 0 : i32
      %dma_start3A_407 = tpu.memref_slice %arg9[%dma_start3A_403, %dma_start3A_405, %dma_start3A_406] : memref<8x125x64xf32, #tpu.memory_space<vmem>> -> memref<1x125x64xf32, #tpu.memory_space<vmem>>
      %dma_start3A_408 = tpu.memref_squeeze %dma_start3A_407 : memref<1x125x64xf32, #tpu.memory_space<vmem>> -> memref<125x64xf32, #tpu.memory_space<vmem>>
      %dma_start3A_409 = arith.constant 0 : i32
      %dma_start3A_410 = tpu.memref_slice %arg8[%add3A_388, %dma_start3A_409] : memref<80x125xi32, #tpu.memory_space<vmem>> -> memref<1x125xi32, #tpu.memory_space<vmem>>
      %dma_start3A_411 = tpu.memref_squeeze %dma_start3A_410 : memref<1x125xi32, #tpu.memory_space<vmem>> -> memref<125xi32, #tpu.memory_space<vmem>>
      %dma_start3A_412 = arith.constant 0 : i32
      %dma_start3A_413 = arith.constant 0 : i32
      %dma_start3A_414 = tpu.memref_slice %arg10[%dma_start3A_412, %dma_start3A_413] : memref<10240x64xf32, #tpu.memory_space<vmem_shared>> -> memref<10240x64xf32, #tpu.memory_space<vmem_shared>>
      %dma_start3A_415 = tpu.memref_slice %arg12[%dma_start3A_404] : memref<8x!tpu.dma_semaphore, #tpu.memory_space<semaphore_mem>> -> memref<1x!tpu.dma_semaphore, #tpu.memory_space<semaphore_mem>>
      %dma_start3A_416 = tpu.memref_squeeze %dma_start3A_415 : memref<1x!tpu.dma_semaphore, #tpu.memory_space<semaphore_mem>> -> memref<!tpu.dma_semaphore, #tpu.memory_space<semaphore_mem>>
      tpu.enqueue_indirect_dma source(%dma_start3A_408 : memref<125x64xf32, #tpu.memory_space<vmem>>) target(%dma_start3A_414 : memref<10240x64xf32, #tpu.memory_space<vmem_shared>>) offsets(%dma_start3A_411 : memref<125xi32, #tpu.memory_space<vmem>>) semaphore(%dma_start3A_416 : memref<!tpu.dma_semaphore, #tpu.memory_space<semaphore_mem>>) {add = true}
      %add3A_417 = arith.constant 8 : i32
      %add3A_418 = arith.addi %add3A_388, %add3A_417 : i32
      %sub3A_419 = arith.constant 2 : i32
      %sub3A_420 = arith.subi %add3A_418, %sub3A_419 : i32
      %ge3A_421 = arith.constant 8 : i32
      %ge3A_422 = arith.cmpi sge, %sub3A_420, %ge3A_421 : i32
      %lt3A_423 = arith.constant 80 : i32
      %lt3A_424 = arith.cmpi slt, %sub3A_420, %lt3A_423 : i32
      %and3A_425 = arith.andi %ge3A_422, %lt3A_424 : i1
      %convert_element_type3A_426 = arith.extui %and3A_425 : i1 to i32
      %cond3A_427 = arith.constant 0 : i32
      %cond3A_428 = arith.cmpi ne, %convert_element_type3A_426, %cond3A_427 : i32
      scf.if %cond3A_428 {
        %dma_wait3A_605 = arith.constant 1 : i32
        %dma_wait3A_606 = arith.constant 0 : i32
        %dma_wait3A_607 = arith.constant 1 : i32
        %dma_wait3A_608 = arith.constant 0 : i32
        %dma_wait3A_609 = arith.constant 0 : i32
        %dma_wait3A_610 = tpu.memref_slice %arg9[%dma_wait3A_605, %dma_wait3A_608, %dma_wait3A_609] : memref<8x125x64xf32, #tpu.memory_space<vmem>> -> memref<1x125x64xf32, #tpu.memory_space<vmem>>
        %dma_wait3A_611 = tpu.memref_squeeze %dma_wait3A_610 : memref<1x125x64xf32, #tpu.memory_space<vmem>> -> memref<125x64xf32, #tpu.memory_space<vmem>>
        %dma_wait3A_612 = arith.constant 0 : i32
        %dma_wait3A_613 = tpu.memref_slice %arg8[%dma_wait3A_606, %dma_wait3A_612] : memref<80x125xi32, #tpu.memory_space<vmem>> -> memref<1x125xi32, #tpu.memory_space<vmem>>
        %dma_wait3A_614 = tpu.memref_squeeze %dma_wait3A_613 : memref<1x125xi32, #tpu.memory_space<vmem>> -> memref<125xi32, #tpu.memory_space<vmem>>
        %dma_wait3A_615 = arith.constant 0 : i32
        %dma_wait3A_616 = arith.constant 0 : i32
        %dma_wait3A_617 = tpu.memref_slice %arg10[%dma_wait3A_615, %dma_wait3A_616] : memref<10240x64xf32, #tpu.memory_space<vmem_shared>> -> memref<10240x64xf32, #tpu.memory_space<vmem_shared>>
        %dma_wait3A_618 = tpu.memref_slice %arg12[%dma_wait3A_607] : memref<8x!tpu.dma_semaphore, #tpu.memory_space<semaphore_mem>> -> memref<1x!tpu.dma_semaphore, #tpu.memory_space<semaphore_mem>>
        %dma_wait3A_619 = tpu.memref_squeeze %dma_wait3A_618 : memref<1x!tpu.dma_semaphore, #tpu.memory_space<semaphore_mem>> -> memref<!tpu.dma_semaphore, #tpu.memory_space<semaphore_mem>>
        tpu.wait_indirect_dma semaphore(%dma_wait3A_619 : memref<!tpu.dma_semaphore, #tpu.memory_space<semaphore_mem>>) src(%dma_wait3A_611 : memref<125x64xf32, #tpu.memory_space<vmem>>) dst(%dma_wait3A_617 : memref<10240x64xf32, #tpu.memory_space<vmem_shared>>)
        %dma_start3A_620 = arith.constant 1 : i32
        %dma_start3A_621 = arith.constant 1 : i32
        %dma_start3A_622 = arith.constant 0 : i32
        %dma_start3A_623 = arith.constant 0 : i32
        %dma_start3A_624 = tpu.memref_slice %arg9[%dma_start3A_620, %dma_start3A_622, %dma_start3A_623] : memref<8x125x64xf32, #tpu.memory_space<vmem>> -> memref<1x125x64xf32, #tpu.memory_space<vmem>>
        %dma_start3A_625 = tpu.memref_squeeze %dma_start3A_624 : memref<1x125x64xf32, #tpu.memory_space<vmem>> -> memref<125x64xf32, #tpu.memory_space<vmem>>
        %dma_start3A_626 = arith.constant 0 : i32
        %dma_start3A_627 = tpu.memref_slice %arg7[%sub3A_420, %dma_start3A_626] : memref<80x125xi32, #tpu.memory_space<vmem>> -> memref<1x125xi32, #tpu.memory_space<vmem>>
        %dma_start3A_628 = tpu.memref_squeeze %dma_start3A_627 : memref<1x125xi32, #tpu.memory_space<vmem>> -> memref<125xi32, #tpu.memory_space<vmem>>
        %dma_start3A_629 = arith.constant 0 : i32
        %dma_start3A_630 = arith.constant 0 : i32
        %dma_start3A_631 = tpu.memref_slice %arg4[%dma_start3A_629, %dma_start3A_630] : memref<20000x64xf32, #tpu.memory_space<hbm>> -> memref<20000x64xf32, #tpu.memory_space<hbm>>
        %dma_start3A_632 = tpu.memref_slice %arg11[%dma_start3A_621] : memref<8x!tpu.dma_semaphore, #tpu.memory_space<semaphore_mem>> -> memref<1x!tpu.dma_semaphore, #tpu.memory_space<semaphore_mem>>
        %dma_start3A_633 = tpu.memref_squeeze %dma_start3A_632 : memref<1x!tpu.dma_semaphore, #tpu.memory_space<semaphore_mem>> -> memref<!tpu.dma_semaphore, #tpu.memory_space<semaphore_mem>>
        tpu.enqueue_indirect_dma source(%dma_start3A_631 : memref<20000x64xf32, #tpu.memory_space<hbm>>) target(%dma_start3A_625 : memref<125x64xf32, #tpu.memory_space<vmem>>) offsets(%dma_start3A_628 : memref<125xi32, #tpu.memory_space<vmem>>) semaphore(%dma_start3A_633 : memref<!tpu.dma_semaphore, #tpu.memory_space<semaphore_mem>>)
      } else {
      }
      %mul3A_429 = arith.constant 8 : i32
      %mul3A_430 = arith.muli %scan3A_256, %mul3A_429 : i32
      %add3A_431 = arith.constant 4 : i32
      %add3A_432 = arith.addi %mul3A_430, %add3A_431 : i32
      %dma_wait3A_433 = arith.constant 4 : i32
      %dma_wait3A_434 = arith.constant 4 : i32
      %dma_wait3A_435 = arith.constant 0 : i32
      %dma_wait3A_436 = arith.constant 0 : i32
      %dma_wait3A_437 = tpu.memref_slice %arg9[%dma_wait3A_433, %dma_wait3A_435, %dma_wait3A_436] : memref<8x125x64xf32, #tpu.memory_space<vmem>> -> memref<1x125x64xf32, #tpu.memory_space<vmem>>
      %dma_wait3A_438 = tpu.memref_squeeze %dma_wait3A_437 : memref<1x125x64xf32, #tpu.memory_space<vmem>> -> memref<125x64xf32, #tpu.memory_space<vmem>>
      %dma_wait3A_439 = arith.constant 0 : i32
      %dma_wait3A_440 = tpu.memref_slice %arg7[%add3A_432, %dma_wait3A_439] : memref<80x125xi32, #tpu.memory_space<vmem>> -> memref<1x125xi32, #tpu.memory_space<vmem>>
      %dma_wait3A_441 = tpu.memref_squeeze %dma_wait3A_440 : memref<1x125xi32, #tpu.memory_space<vmem>> -> memref<125xi32, #tpu.memory_space<vmem>>
      %dma_wait3A_442 = arith.constant 0 : i32
      %dma_wait3A_443 = arith.constant 0 : i32
      %dma_wait3A_444 = tpu.memref_slice %arg4[%dma_wait3A_442, %dma_wait3A_443] : memref<20000x64xf32, #tpu.memory_space<hbm>> -> memref<20000x64xf32, #tpu.memory_space<hbm>>
      %dma_wait3A_445 = tpu.memref_slice %arg11[%dma_wait3A_434] : memref<8x!tpu.dma_semaphore, #tpu.memory_space<semaphore_mem>> -> memref<1x!tpu.dma_semaphore, #tpu.memory_space<semaphore_mem>>
      %dma_wait3A_446 = tpu.memref_squeeze %dma_wait3A_445 : memref<1x!tpu.dma_semaphore, #tpu.memory_space<semaphore_mem>> -> memref<!tpu.dma_semaphore, #tpu.memory_space<semaphore_mem>>
      tpu.wait_indirect_dma semaphore(%dma_wait3A_446 : memref<!tpu.dma_semaphore, #tpu.memory_space<semaphore_mem>>) src(%dma_wait3A_444 : memref<20000x64xf32, #tpu.memory_space<hbm>>) dst(%dma_wait3A_438 : memref<125x64xf32, #tpu.memory_space<vmem>>)
      %dma_start3A_447 = arith.constant 4 : i32
      %dma_start3A_448 = arith.constant 4 : i32
      %dma_start3A_449 = arith.constant 0 : i32
      %dma_start3A_450 = arith.constant 0 : i32
      %dma_start3A_451 = tpu.memref_slice %arg9[%dma_start3A_447, %dma_start3A_449, %dma_start3A_450] : memref<8x125x64xf32, #tpu.memory_space<vmem>> -> memref<1x125x64xf32, #tpu.memory_space<vmem>>
      %dma_start3A_452 = tpu.memref_squeeze %dma_start3A_451 : memref<1x125x64xf32, #tpu.memory_space<vmem>> -> memref<125x64xf32, #tpu.memory_space<vmem>>
      %dma_start3A_453 = arith.constant 0 : i32
      %dma_start3A_454 = tpu.memref_slice %arg8[%add3A_432, %dma_start3A_453] : memref<80x125xi32, #tpu.memory_space<vmem>> -> memref<1x125xi32, #tpu.memory_space<vmem>>
      %dma_start3A_455 = tpu.memref_squeeze %dma_start3A_454 : memref<1x125xi32, #tpu.memory_space<vmem>> -> memref<125xi32, #tpu.memory_space<vmem>>
      %dma_start3A_456 = arith.constant 0 : i32
      %dma_start3A_457 = arith.constant 0 : i32
      %dma_start3A_458 = tpu.memref_slice %arg10[%dma_start3A_456, %dma_start3A_457] : memref<10240x64xf32, #tpu.memory_space<vmem_shared>> -> memref<10240x64xf32, #tpu.memory_space<vmem_shared>>
      %dma_start3A_459 = tpu.memref_slice %arg12[%dma_start3A_448] : memref<8x!tpu.dma_semaphore, #tpu.memory_space<semaphore_mem>> -> memref<1x!tpu.dma_semaphore, #tpu.memory_space<semaphore_mem>>
      %dma_start3A_460 = tpu.memref_squeeze %dma_start3A_459 : memref<1x!tpu.dma_semaphore, #tpu.memory_space<semaphore_mem>> -> memref<!tpu.dma_semaphore, #tpu.memory_space<semaphore_mem>>
      tpu.enqueue_indirect_dma source(%dma_start3A_452 : memref<125x64xf32, #tpu.memory_space<vmem>>) target(%dma_start3A_458 : memref<10240x64xf32, #tpu.memory_space<vmem_shared>>) offsets(%dma_start3A_455 : memref<125xi32, #tpu.memory_space<vmem>>) semaphore(%dma_start3A_460 : memref<!tpu.dma_semaphore, #tpu.memory_space<semaphore_mem>>) {add = true}
      %add3A_461 = arith.constant 8 : i32
      %add3A_462 = arith.addi %add3A_432, %add3A_461 : i32
      %sub3A_463 = arith.constant 2 : i32
      %sub3A_464 = arith.subi %add3A_462, %sub3A_463 : i32
      %ge3A_465 = arith.constant 8 : i32
      %ge3A_466 = arith.cmpi sge, %sub3A_464, %ge3A_465 : i32
      %lt3A_467 = arith.constant 80 : i32
      %lt3A_468 = arith.cmpi slt, %sub3A_464, %lt3A_467 : i32
      %and3A_469 = arith.andi %ge3A_466, %lt3A_468 : i1
      %convert_element_type3A_470 = arith.extui %and3A_469 : i1 to i32
      %cond3A_471 = arith.constant 0 : i32
      %cond3A_472 = arith.cmpi ne, %convert_element_type3A_470, %cond3A_471 : i32
      scf.if %cond3A_472 {
        %dma_wait3A_605 = arith.constant 2 : i32
        %dma_wait3A_606 = arith.constant 0 : i32
        %dma_wait3A_607 = arith.constant 2 : i32
        %dma_wait3A_608 = arith.constant 0 : i32
        %dma_wait3A_609 = arith.constant 0 : i32
        %dma_wait3A_610 = tpu.memref_slice %arg9[%dma_wait3A_605, %dma_wait3A_608, %dma_wait3A_609] : memref<8x125x64xf32, #tpu.memory_space<vmem>> -> memref<1x125x64xf32, #tpu.memory_space<vmem>>
        %dma_wait3A_611 = tpu.memref_squeeze %dma_wait3A_610 : memref<1x125x64xf32, #tpu.memory_space<vmem>> -> memref<125x64xf32, #tpu.memory_space<vmem>>
        %dma_wait3A_612 = arith.constant 0 : i32
        %dma_wait3A_613 = tpu.memref_slice %arg8[%dma_wait3A_606, %dma_wait3A_612] : memref<80x125xi32, #tpu.memory_space<vmem>> -> memref<1x125xi32, #tpu.memory_space<vmem>>
        %dma_wait3A_614 = tpu.memref_squeeze %dma_wait3A_613 : memref<1x125xi32, #tpu.memory_space<vmem>> -> memref<125xi32, #tpu.memory_space<vmem>>
        %dma_wait3A_615 = arith.constant 0 : i32
        %dma_wait3A_616 = arith.constant 0 : i32
        %dma_wait3A_617 = tpu.memref_slice %arg10[%dma_wait3A_615, %dma_wait3A_616] : memref<10240x64xf32, #tpu.memory_space<vmem_shared>> -> memref<10240x64xf32, #tpu.memory_space<vmem_shared>>
        %dma_wait3A_618 = tpu.memref_slice %arg12[%dma_wait3A_607] : memref<8x!tpu.dma_semaphore, #tpu.memory_space<semaphore_mem>> -> memref<1x!tpu.dma_semaphore, #tpu.memory_space<semaphore_mem>>
        %dma_wait3A_619 = tpu.memref_squeeze %dma_wait3A_618 : memref<1x!tpu.dma_semaphore, #tpu.memory_space<semaphore_mem>> -> memref<!tpu.dma_semaphore, #tpu.memory_space<semaphore_mem>>
        tpu.wait_indirect_dma semaphore(%dma_wait3A_619 : memref<!tpu.dma_semaphore, #tpu.memory_space<semaphore_mem>>) src(%dma_wait3A_611 : memref<125x64xf32, #tpu.memory_space<vmem>>) dst(%dma_wait3A_617 : memref<10240x64xf32, #tpu.memory_space<vmem_shared>>)
        %dma_start3A_620 = arith.constant 2 : i32
        %dma_start3A_621 = arith.constant 2 : i32
        %dma_start3A_622 = arith.constant 0 : i32
        %dma_start3A_623 = arith.constant 0 : i32
        %dma_start3A_624 = tpu.memref_slice %arg9[%dma_start3A_620, %dma_start3A_622, %dma_start3A_623] : memref<8x125x64xf32, #tpu.memory_space<vmem>> -> memref<1x125x64xf32, #tpu.memory_space<vmem>>
        %dma_start3A_625 = tpu.memref_squeeze %dma_start3A_624 : memref<1x125x64xf32, #tpu.memory_space<vmem>> -> memref<125x64xf32, #tpu.memory_space<vmem>>
        %dma_start3A_626 = arith.constant 0 : i32
        %dma_start3A_627 = tpu.memref_slice %arg7[%sub3A_464, %dma_start3A_626] : memref<80x125xi32, #tpu.memory_space<vmem>> -> memref<1x125xi32, #tpu.memory_space<vmem>>
        %dma_start3A_628 = tpu.memref_squeeze %dma_start3A_627 : memref<1x125xi32, #tpu.memory_space<vmem>> -> memref<125xi32, #tpu.memory_space<vmem>>
        %dma_start3A_629 = arith.constant 0 : i32
        %dma_start3A_630 = arith.constant 0 : i32
        %dma_start3A_631 = tpu.memref_slice %arg4[%dma_start3A_629, %dma_start3A_630] : memref<20000x64xf32, #tpu.memory_space<hbm>> -> memref<20000x64xf32, #tpu.memory_space<hbm>>
        %dma_start3A_632 = tpu.memref_slice %arg11[%dma_start3A_621] : memref<8x!tpu.dma_semaphore, #tpu.memory_space<semaphore_mem>> -> memref<1x!tpu.dma_semaphore, #tpu.memory_space<semaphore_mem>>
        %dma_start3A_633 = tpu.memref_squeeze %dma_start3A_632 : memref<1x!tpu.dma_semaphore, #tpu.memory_space<semaphore_mem>> -> memref<!tpu.dma_semaphore, #tpu.memory_space<semaphore_mem>>
        tpu.enqueue_indirect_dma source(%dma_start3A_631 : memref<20000x64xf32, #tpu.memory_space<hbm>>) target(%dma_start3A_625 : memref<125x64xf32, #tpu.memory_space<vmem>>) offsets(%dma_start3A_628 : memref<125xi32, #tpu.memory_space<vmem>>) semaphore(%dma_start3A_633 : memref<!tpu.dma_semaphore, #tpu.memory_space<semaphore_mem>>)
      } else {
      }
      %mul3A_473 = arith.constant 8 : i32
      %mul3A_474 = arith.muli %scan3A_256, %mul3A_473 : i32
      %add3A_475 = arith.constant 5 : i32
      %add3A_476 = arith.addi %mul3A_474, %add3A_475 : i32
      %dma_wait3A_477 = arith.constant 5 : i32
      %dma_wait3A_478 = arith.constant 5 : i32
      %dma_wait3A_479 = arith.constant 0 : i32
      %dma_wait3A_480 = arith.constant 0 : i32
      %dma_wait3A_481 = tpu.memref_slice %arg9[%dma_wait3A_477, %dma_wait3A_479, %dma_wait3A_480] : memref<8x125x64xf32, #tpu.memory_space<vmem>> -> memref<1x125x64xf32, #tpu.memory_space<vmem>>
      %dma_wait3A_482 = tpu.memref_squeeze %dma_wait3A_481 : memref<1x125x64xf32, #tpu.memory_space<vmem>> -> memref<125x64xf32, #tpu.memory_space<vmem>>
      %dma_wait3A_483 = arith.constant 0 : i32
      %dma_wait3A_484 = tpu.memref_slice %arg7[%add3A_476, %dma_wait3A_483] : memref<80x125xi32, #tpu.memory_space<vmem>> -> memref<1x125xi32, #tpu.memory_space<vmem>>
      %dma_wait3A_485 = tpu.memref_squeeze %dma_wait3A_484 : memref<1x125xi32, #tpu.memory_space<vmem>> -> memref<125xi32, #tpu.memory_space<vmem>>
      %dma_wait3A_486 = arith.constant 0 : i32
      %dma_wait3A_487 = arith.constant 0 : i32
      %dma_wait3A_488 = tpu.memref_slice %arg4[%dma_wait3A_486, %dma_wait3A_487] : memref<20000x64xf32, #tpu.memory_space<hbm>> -> memref<20000x64xf32, #tpu.memory_space<hbm>>
      %dma_wait3A_489 = tpu.memref_slice %arg11[%dma_wait3A_478] : memref<8x!tpu.dma_semaphore, #tpu.memory_space<semaphore_mem>> -> memref<1x!tpu.dma_semaphore, #tpu.memory_space<semaphore_mem>>
      %dma_wait3A_490 = tpu.memref_squeeze %dma_wait3A_489 : memref<1x!tpu.dma_semaphore, #tpu.memory_space<semaphore_mem>> -> memref<!tpu.dma_semaphore, #tpu.memory_space<semaphore_mem>>
      tpu.wait_indirect_dma semaphore(%dma_wait3A_490 : memref<!tpu.dma_semaphore, #tpu.memory_space<semaphore_mem>>) src(%dma_wait3A_488 : memref<20000x64xf32, #tpu.memory_space<hbm>>) dst(%dma_wait3A_482 : memref<125x64xf32, #tpu.memory_space<vmem>>)
      %dma_start3A_491 = arith.constant 5 : i32
      %dma_start3A_492 = arith.constant 5 : i32
      %dma_start3A_493 = arith.constant 0 : i32
      %dma_start3A_494 = arith.constant 0 : i32
      %dma_start3A_495 = tpu.memref_slice %arg9[%dma_start3A_491, %dma_start3A_493, %dma_start3A_494] : memref<8x125x64xf32, #tpu.memory_space<vmem>> -> memref<1x125x64xf32, #tpu.memory_space<vmem>>
      %dma_start3A_496 = tpu.memref_squeeze %dma_start3A_495 : memref<1x125x64xf32, #tpu.memory_space<vmem>> -> memref<125x64xf32, #tpu.memory_space<vmem>>
      %dma_start3A_497 = arith.constant 0 : i32
      %dma_start3A_498 = tpu.memref_slice %arg8[%add3A_476, %dma_start3A_497] : memref<80x125xi32, #tpu.memory_space<vmem>> -> memref<1x125xi32, #tpu.memory_space<vmem>>
      %dma_start3A_499 = tpu.memref_squeeze %dma_start3A_498 : memref<1x125xi32, #tpu.memory_space<vmem>> -> memref<125xi32, #tpu.memory_space<vmem>>
      %dma_start3A_500 = arith.constant 0 : i32
      %dma_start3A_501 = arith.constant 0 : i32
      %dma_start3A_502 = tpu.memref_slice %arg10[%dma_start3A_500, %dma_start3A_501] : memref<10240x64xf32, #tpu.memory_space<vmem_shared>> -> memref<10240x64xf32, #tpu.memory_space<vmem_shared>>
      %dma_start3A_503 = tpu.memref_slice %arg12[%dma_start3A_492] : memref<8x!tpu.dma_semaphore, #tpu.memory_space<semaphore_mem>> -> memref<1x!tpu.dma_semaphore, #tpu.memory_space<semaphore_mem>>
      %dma_start3A_504 = tpu.memref_squeeze %dma_start3A_503 : memref<1x!tpu.dma_semaphore, #tpu.memory_space<semaphore_mem>> -> memref<!tpu.dma_semaphore, #tpu.memory_space<semaphore_mem>>
      tpu.enqueue_indirect_dma source(%dma_start3A_496 : memref<125x64xf32, #tpu.memory_space<vmem>>) target(%dma_start3A_502 : memref<10240x64xf32, #tpu.memory_space<vmem_shared>>) offsets(%dma_start3A_499 : memref<125xi32, #tpu.memory_space<vmem>>) semaphore(%dma_start3A_504 : memref<!tpu.dma_semaphore, #tpu.memory_space<semaphore_mem>>) {add = true}
      %add3A_505 = arith.constant 8 : i32
      %add3A_506 = arith.addi %add3A_476, %add3A_505 : i32
      %sub3A_507 = arith.constant 2 : i32
      %sub3A_508 = arith.subi %add3A_506, %sub3A_507 : i32
      %ge3A_509 = arith.constant 8 : i32
      %ge3A_510 = arith.cmpi sge, %sub3A_508, %ge3A_509 : i32
      %lt3A_511 = arith.constant 80 : i32
      %lt3A_512 = arith.cmpi slt, %sub3A_508, %lt3A_511 : i32
      %and3A_513 = arith.andi %ge3A_510, %lt3A_512 : i1
      %convert_element_type3A_514 = arith.extui %and3A_513 : i1 to i32
      %cond3A_515 = arith.constant 0 : i32
      %cond3A_516 = arith.cmpi ne, %convert_element_type3A_514, %cond3A_515 : i32
      scf.if %cond3A_516 {
        %dma_wait3A_605 = arith.constant 3 : i32
        %dma_wait3A_606 = arith.constant 0 : i32
        %dma_wait3A_607 = arith.constant 3 : i32
        %dma_wait3A_608 = arith.constant 0 : i32
        %dma_wait3A_609 = arith.constant 0 : i32
        %dma_wait3A_610 = tpu.memref_slice %arg9[%dma_wait3A_605, %dma_wait3A_608, %dma_wait3A_609] : memref<8x125x64xf32, #tpu.memory_space<vmem>> -> memref<1x125x64xf32, #tpu.memory_space<vmem>>
        %dma_wait3A_611 = tpu.memref_squeeze %dma_wait3A_610 : memref<1x125x64xf32, #tpu.memory_space<vmem>> -> memref<125x64xf32, #tpu.memory_space<vmem>>
        %dma_wait3A_612 = arith.constant 0 : i32
        %dma_wait3A_613 = tpu.memref_slice %arg8[%dma_wait3A_606, %dma_wait3A_612] : memref<80x125xi32, #tpu.memory_space<vmem>> -> memref<1x125xi32, #tpu.memory_space<vmem>>
        %dma_wait3A_614 = tpu.memref_squeeze %dma_wait3A_613 : memref<1x125xi32, #tpu.memory_space<vmem>> -> memref<125xi32, #tpu.memory_space<vmem>>
        %dma_wait3A_615 = arith.constant 0 : i32
        %dma_wait3A_616 = arith.constant 0 : i32
        %dma_wait3A_617 = tpu.memref_slice %arg10[%dma_wait3A_615, %dma_wait3A_616] : memref<10240x64xf32, #tpu.memory_space<vmem_shared>> -> memref<10240x64xf32, #tpu.memory_space<vmem_shared>>
        %dma_wait3A_618 = tpu.memref_slice %arg12[%dma_wait3A_607] : memref<8x!tpu.dma_semaphore, #tpu.memory_space<semaphore_mem>> -> memref<1x!tpu.dma_semaphore, #tpu.memory_space<semaphore_mem>>
        %dma_wait3A_619 = tpu.memref_squeeze %dma_wait3A_618 : memref<1x!tpu.dma_semaphore, #tpu.memory_space<semaphore_mem>> -> memref<!tpu.dma_semaphore, #tpu.memory_space<semaphore_mem>>
        tpu.wait_indirect_dma semaphore(%dma_wait3A_619 : memref<!tpu.dma_semaphore, #tpu.memory_space<semaphore_mem>>) src(%dma_wait3A_611 : memref<125x64xf32, #tpu.memory_space<vmem>>) dst(%dma_wait3A_617 : memref<10240x64xf32, #tpu.memory_space<vmem_shared>>)
        %dma_start3A_620 = arith.constant 3 : i32
        %dma_start3A_621 = arith.constant 3 : i32
        %dma_start3A_622 = arith.constant 0 : i32
        %dma_start3A_623 = arith.constant 0 : i32
        %dma_start3A_624 = tpu.memref_slice %arg9[%dma_start3A_620, %dma_start3A_622, %dma_start3A_623] : memref<8x125x64xf32, #tpu.memory_space<vmem>> -> memref<1x125x64xf32, #tpu.memory_space<vmem>>
        %dma_start3A_625 = tpu.memref_squeeze %dma_start3A_624 : memref<1x125x64xf32, #tpu.memory_space<vmem>> -> memref<125x64xf32, #tpu.memory_space<vmem>>
        %dma_start3A_626 = arith.constant 0 : i32
        %dma_start3A_627 = tpu.memref_slice %arg7[%sub3A_508, %dma_start3A_626] : memref<80x125xi32, #tpu.memory_space<vmem>> -> memref<1x125xi32, #tpu.memory_space<vmem>>
        %dma_start3A_628 = tpu.memref_squeeze %dma_start3A_627 : memref<1x125xi32, #tpu.memory_space<vmem>> -> memref<125xi32, #tpu.memory_space<vmem>>
        %dma_start3A_629 = arith.constant 0 : i32
        %dma_start3A_630 = arith.constant 0 : i32
        %dma_start3A_631 = tpu.memref_slice %arg4[%dma_start3A_629, %dma_start3A_630] : memref<20000x64xf32, #tpu.memory_space<hbm>> -> memref<20000x64xf32, #tpu.memory_space<hbm>>
        %dma_start3A_632 = tpu.memref_slice %arg11[%dma_start3A_621] : memref<8x!tpu.dma_semaphore, #tpu.memory_space<semaphore_mem>> -> memref<1x!tpu.dma_semaphore, #tpu.memory_space<semaphore_mem>>
        %dma_start3A_633 = tpu.memref_squeeze %dma_start3A_632 : memref<1x!tpu.dma_semaphore, #tpu.memory_space<semaphore_mem>> -> memref<!tpu.dma_semaphore, #tpu.memory_space<semaphore_mem>>
        tpu.enqueue_indirect_dma source(%dma_start3A_631 : memref<20000x64xf32, #tpu.memory_space<hbm>>) target(%dma_start3A_625 : memref<125x64xf32, #tpu.memory_space<vmem>>) offsets(%dma_start3A_628 : memref<125xi32, #tpu.memory_space<vmem>>) semaphore(%dma_start3A_633 : memref<!tpu.dma_semaphore, #tpu.memory_space<semaphore_mem>>)
      } else {
      }
      %mul3A_517 = arith.constant 8 : i32
      %mul3A_518 = arith.muli %scan3A_256, %mul3A_517 : i32
      %add3A_519 = arith.constant 6 : i32
      %add3A_520 = arith.addi %mul3A_518, %add3A_519 : i32
      %dma_wait3A_521 = arith.constant 6 : i32
      %dma_wait3A_522 = arith.constant 6 : i32
      %dma_wait3A_523 = arith.constant 0 : i32
      %dma_wait3A_524 = arith.constant 0 : i32
      %dma_wait3A_525 = tpu.memref_slice %arg9[%dma_wait3A_521, %dma_wait3A_523, %dma_wait3A_524] : memref<8x125x64xf32, #tpu.memory_space<vmem>> -> memref<1x125x64xf32, #tpu.memory_space<vmem>>
      %dma_wait3A_526 = tpu.memref_squeeze %dma_wait3A_525 : memref<1x125x64xf32, #tpu.memory_space<vmem>> -> memref<125x64xf32, #tpu.memory_space<vmem>>
      %dma_wait3A_527 = arith.constant 0 : i32
      %dma_wait3A_528 = tpu.memref_slice %arg7[%add3A_520, %dma_wait3A_527] : memref<80x125xi32, #tpu.memory_space<vmem>> -> memref<1x125xi32, #tpu.memory_space<vmem>>
      %dma_wait3A_529 = tpu.memref_squeeze %dma_wait3A_528 : memref<1x125xi32, #tpu.memory_space<vmem>> -> memref<125xi32, #tpu.memory_space<vmem>>
      %dma_wait3A_530 = arith.constant 0 : i32
      %dma_wait3A_531 = arith.constant 0 : i32
      %dma_wait3A_532 = tpu.memref_slice %arg4[%dma_wait3A_530, %dma_wait3A_531] : memref<20000x64xf32, #tpu.memory_space<hbm>> -> memref<20000x64xf32, #tpu.memory_space<hbm>>
      %dma_wait3A_533 = tpu.memref_slice %arg11[%dma_wait3A_522] : memref<8x!tpu.dma_semaphore, #tpu.memory_space<semaphore_mem>> -> memref<1x!tpu.dma_semaphore, #tpu.memory_space<semaphore_mem>>
      %dma_wait3A_534 = tpu.memref_squeeze %dma_wait3A_533 : memref<1x!tpu.dma_semaphore, #tpu.memory_space<semaphore_mem>> -> memref<!tpu.dma_semaphore, #tpu.memory_space<semaphore_mem>>
      tpu.wait_indirect_dma semaphore(%dma_wait3A_534 : memref<!tpu.dma_semaphore, #tpu.memory_space<semaphore_mem>>) src(%dma_wait3A_532 : memref<20000x64xf32, #tpu.memory_space<hbm>>) dst(%dma_wait3A_526 : memref<125x64xf32, #tpu.memory_space<vmem>>)
      %dma_start3A_535 = arith.constant 6 : i32
      %dma_start3A_536 = arith.constant 6 : i32
      %dma_start3A_537 = arith.constant 0 : i32
      %dma_start3A_538 = arith.constant 0 : i32
      %dma_start3A_539 = tpu.memref_slice %arg9[%dma_start3A_535, %dma_start3A_537, %dma_start3A_538] : memref<8x125x64xf32, #tpu.memory_space<vmem>> -> memref<1x125x64xf32, #tpu.memory_space<vmem>>
      %dma_start3A_540 = tpu.memref_squeeze %dma_start3A_539 : memref<1x125x64xf32, #tpu.memory_space<vmem>> -> memref<125x64xf32, #tpu.memory_space<vmem>>
      %dma_start3A_541 = arith.constant 0 : i32
      %dma_start3A_542 = tpu.memref_slice %arg8[%add3A_520, %dma_start3A_541] : memref<80x125xi32, #tpu.memory_space<vmem>> -> memref<1x125xi32, #tpu.memory_space<vmem>>
      %dma_start3A_543 = tpu.memref_squeeze %dma_start3A_542 : memref<1x125xi32, #tpu.memory_space<vmem>> -> memref<125xi32, #tpu.memory_space<vmem>>
      %dma_start3A_544 = arith.constant 0 : i32
      %dma_start3A_545 = arith.constant 0 : i32
      %dma_start3A_546 = tpu.memref_slice %arg10[%dma_start3A_544, %dma_start3A_545] : memref<10240x64xf32, #tpu.memory_space<vmem_shared>> -> memref<10240x64xf32, #tpu.memory_space<vmem_shared>>
      %dma_start3A_547 = tpu.memref_slice %arg12[%dma_start3A_536] : memref<8x!tpu.dma_semaphore, #tpu.memory_space<semaphore_mem>> -> memref<1x!tpu.dma_semaphore, #tpu.memory_space<semaphore_mem>>
      %dma_start3A_548 = tpu.memref_squeeze %dma_start3A_547 : memref<1x!tpu.dma_semaphore, #tpu.memory_space<semaphore_mem>> -> memref<!tpu.dma_semaphore, #tpu.memory_space<semaphore_mem>>
      tpu.enqueue_indirect_dma source(%dma_start3A_540 : memref<125x64xf32, #tpu.memory_space<vmem>>) target(%dma_start3A_546 : memref<10240x64xf32, #tpu.memory_space<vmem_shared>>) offsets(%dma_start3A_543 : memref<125xi32, #tpu.memory_space<vmem>>) semaphore(%dma_start3A_548 : memref<!tpu.dma_semaphore, #tpu.memory_space<semaphore_mem>>) {add = true}
      %add3A_549 = arith.constant 8 : i32
      %add3A_550 = arith.addi %add3A_520, %add3A_549 : i32
      %sub3A_551 = arith.constant 2 : i32
      %sub3A_552 = arith.subi %add3A_550, %sub3A_551 : i32
      %ge3A_553 = arith.constant 8 : i32
      %ge3A_554 = arith.cmpi sge, %sub3A_552, %ge3A_553 : i32
      %lt3A_555 = arith.constant 80 : i32
      %lt3A_556 = arith.cmpi slt, %sub3A_552, %lt3A_555 : i32
      %and3A_557 = arith.andi %ge3A_554, %lt3A_556 : i1
      %convert_element_type3A_558 = arith.extui %and3A_557 : i1 to i32
      %cond3A_559 = arith.constant 0 : i32
      %cond3A_560 = arith.cmpi ne, %convert_element_type3A_558, %cond3A_559 : i32
      scf.if %cond3A_560 {
        %dma_wait3A_605 = arith.constant 4 : i32
        %dma_wait3A_606 = arith.constant 0 : i32
        %dma_wait3A_607 = arith.constant 4 : i32
        %dma_wait3A_608 = arith.constant 0 : i32
        %dma_wait3A_609 = arith.constant 0 : i32
        %dma_wait3A_610 = tpu.memref_slice %arg9[%dma_wait3A_605, %dma_wait3A_608, %dma_wait3A_609] : memref<8x125x64xf32, #tpu.memory_space<vmem>> -> memref<1x125x64xf32, #tpu.memory_space<vmem>>
        %dma_wait3A_611 = tpu.memref_squeeze %dma_wait3A_610 : memref<1x125x64xf32, #tpu.memory_space<vmem>> -> memref<125x64xf32, #tpu.memory_space<vmem>>
        %dma_wait3A_612 = arith.constant 0 : i32
        %dma_wait3A_613 = tpu.memref_slice %arg8[%dma_wait3A_606, %dma_wait3A_612] : memref<80x125xi32, #tpu.memory_space<vmem>> -> memref<1x125xi32, #tpu.memory_space<vmem>>
        %dma_wait3A_614 = tpu.memref_squeeze %dma_wait3A_613 : memref<1x125xi32, #tpu.memory_space<vmem>> -> memref<125xi32, #tpu.memory_space<vmem>>
        %dma_wait3A_615 = arith.constant 0 : i32
        %dma_wait3A_616 = arith.constant 0 : i32
        %dma_wait3A_617 = tpu.memref_slice %arg10[%dma_wait3A_615, %dma_wait3A_616] : memref<10240x64xf32, #tpu.memory_space<vmem_shared>> -> memref<10240x64xf32, #tpu.memory_space<vmem_shared>>
        %dma_wait3A_618 = tpu.memref_slice %arg12[%dma_wait3A_607] : memref<8x!tpu.dma_semaphore, #tpu.memory_space<semaphore_mem>> -> memref<1x!tpu.dma_semaphore, #tpu.memory_space<semaphore_mem>>
        %dma_wait3A_619 = tpu.memref_squeeze %dma_wait3A_618 : memref<1x!tpu.dma_semaphore, #tpu.memory_space<semaphore_mem>> -> memref<!tpu.dma_semaphore, #tpu.memory_space<semaphore_mem>>
        tpu.wait_indirect_dma semaphore(%dma_wait3A_619 : memref<!tpu.dma_semaphore, #tpu.memory_space<semaphore_mem>>) src(%dma_wait3A_611 : memref<125x64xf32, #tpu.memory_space<vmem>>) dst(%dma_wait3A_617 : memref<10240x64xf32, #tpu.memory_space<vmem_shared>>)
        %dma_start3A_620 = arith.constant 4 : i32
        %dma_start3A_621 = arith.constant 4 : i32
        %dma_start3A_622 = arith.constant 0 : i32
        %dma_start3A_623 = arith.constant 0 : i32
        %dma_start3A_624 = tpu.memref_slice %arg9[%dma_start3A_620, %dma_start3A_622, %dma_start3A_623] : memref<8x125x64xf32, #tpu.memory_space<vmem>> -> memref<1x125x64xf32, #tpu.memory_space<vmem>>
        %dma_start3A_625 = tpu.memref_squeeze %dma_start3A_624 : memref<1x125x64xf32, #tpu.memory_space<vmem>> -> memref<125x64xf32, #tpu.memory_space<vmem>>
        %dma_start3A_626 = arith.constant 0 : i32
        %dma_start3A_627 = tpu.memref_slice %arg7[%sub3A_552, %dma_start3A_626] : memref<80x125xi32, #tpu.memory_space<vmem>> -> memref<1x125xi32, #tpu.memory_space<vmem>>
        %dma_start3A_628 = tpu.memref_squeeze %dma_start3A_627 : memref<1x125xi32, #tpu.memory_space<vmem>> -> memref<125xi32, #tpu.memory_space<vmem>>
        %dma_start3A_629 = arith.constant 0 : i32
        %dma_start3A_630 = arith.constant 0 : i32
        %dma_start3A_631 = tpu.memref_slice %arg4[%dma_start3A_629, %dma_start3A_630] : memref<20000x64xf32, #tpu.memory_space<hbm>> -> memref<20000x64xf32, #tpu.memory_space<hbm>>
        %dma_start3A_632 = tpu.memref_slice %arg11[%dma_start3A_621] : memref<8x!tpu.dma_semaphore, #tpu.memory_space<semaphore_mem>> -> memref<1x!tpu.dma_semaphore, #tpu.memory_space<semaphore_mem>>
        %dma_start3A_633 = tpu.memref_squeeze %dma_start3A_632 : memref<1x!tpu.dma_semaphore, #tpu.memory_space<semaphore_mem>> -> memref<!tpu.dma_semaphore, #tpu.memory_space<semaphore_mem>>
        tpu.enqueue_indirect_dma source(%dma_start3A_631 : memref<20000x64xf32, #tpu.memory_space<hbm>>) target(%dma_start3A_625 : memref<125x64xf32, #tpu.memory_space<vmem>>) offsets(%dma_start3A_628 : memref<125xi32, #tpu.memory_space<vmem>>) semaphore(%dma_start3A_633 : memref<!tpu.dma_semaphore, #tpu.memory_space<semaphore_mem>>)
      } else {
      }
      %mul3A_561 = arith.constant 8 : i32
      %mul3A_562 = arith.muli %scan3A_256, %mul3A_561 : i32
      %add3A_563 = arith.constant 7 : i32
      %add3A_564 = arith.addi %mul3A_562, %add3A_563 : i32
      %dma_wait3A_565 = arith.constant 7 : i32
      %dma_wait3A_566 = arith.constant 7 : i32
      %dma_wait3A_567 = arith.constant 0 : i32
      %dma_wait3A_568 = arith.constant 0 : i32
      %dma_wait3A_569 = tpu.memref_slice %arg9[%dma_wait3A_565, %dma_wait3A_567, %dma_wait3A_568] : memref<8x125x64xf32, #tpu.memory_space<vmem>> -> memref<1x125x64xf32, #tpu.memory_space<vmem>>
      %dma_wait3A_570 = tpu.memref_squeeze %dma_wait3A_569 : memref<1x125x64xf32, #tpu.memory_space<vmem>> -> memref<125x64xf32, #tpu.memory_space<vmem>>
      %dma_wait3A_571 = arith.constant 0 : i32
      %dma_wait3A_572 = tpu.memref_slice %arg7[%add3A_564, %dma_wait3A_571] : memref<80x125xi32, #tpu.memory_space<vmem>> -> memref<1x125xi32, #tpu.memory_space<vmem>>
      %dma_wait3A_573 = tpu.memref_squeeze %dma_wait3A_572 : memref<1x125xi32, #tpu.memory_space<vmem>> -> memref<125xi32, #tpu.memory_space<vmem>>
      %dma_wait3A_574 = arith.constant 0 : i32
      %dma_wait3A_575 = arith.constant 0 : i32
      %dma_wait3A_576 = tpu.memref_slice %arg4[%dma_wait3A_574, %dma_wait3A_575] : memref<20000x64xf32, #tpu.memory_space<hbm>> -> memref<20000x64xf32, #tpu.memory_space<hbm>>
      %dma_wait3A_577 = tpu.memref_slice %arg11[%dma_wait3A_566] : memref<8x!tpu.dma_semaphore, #tpu.memory_space<semaphore_mem>> -> memref<1x!tpu.dma_semaphore, #tpu.memory_space<semaphore_mem>>
      %dma_wait3A_578 = tpu.memref_squeeze %dma_wait3A_577 : memref<1x!tpu.dma_semaphore, #tpu.memory_space<semaphore_mem>> -> memref<!tpu.dma_semaphore, #tpu.memory_space<semaphore_mem>>
      tpu.wait_indirect_dma semaphore(%dma_wait3A_578 : memref<!tpu.dma_semaphore, #tpu.memory_space<semaphore_mem>>) src(%dma_wait3A_576 : memref<20000x64xf32, #tpu.memory_space<hbm>>) dst(%dma_wait3A_570 : memref<125x64xf32, #tpu.memory_space<vmem>>)
      %dma_start3A_579 = arith.constant 7 : i32
      %dma_start3A_580 = arith.constant 7 : i32
      %dma_start3A_581 = arith.constant 0 : i32
      %dma_start3A_582 = arith.constant 0 : i32
      %dma_start3A_583 = tpu.memref_slice %arg9[%dma_start3A_579, %dma_start3A_581, %dma_start3A_582] : memref<8x125x64xf32, #tpu.memory_space<vmem>> -> memref<1x125x64xf32, #tpu.memory_space<vmem>>
      %dma_start3A_584 = tpu.memref_squeeze %dma_start3A_583 : memref<1x125x64xf32, #tpu.memory_space<vmem>> -> memref<125x64xf32, #tpu.memory_space<vmem>>
      %dma_start3A_585 = arith.constant 0 : i32
      %dma_start3A_586 = tpu.memref_slice %arg8[%add3A_564, %dma_start3A_585] : memref<80x125xi32, #tpu.memory_space<vmem>> -> memref<1x125xi32, #tpu.memory_space<vmem>>
      %dma_start3A_587 = tpu.memref_squeeze %dma_start3A_586 : memref<1x125xi32, #tpu.memory_space<vmem>> -> memref<125xi32, #tpu.memory_space<vmem>>
      %dma_start3A_588 = arith.constant 0 : i32
      %dma_start3A_589 = arith.constant 0 : i32
      %dma_start3A_590 = tpu.memref_slice %arg10[%dma_start3A_588, %dma_start3A_589] : memref<10240x64xf32, #tpu.memory_space<vmem_shared>> -> memref<10240x64xf32, #tpu.memory_space<vmem_shared>>
      %dma_start3A_591 = tpu.memref_slice %arg12[%dma_start3A_580] : memref<8x!tpu.dma_semaphore, #tpu.memory_space<semaphore_mem>> -> memref<1x!tpu.dma_semaphore, #tpu.memory_space<semaphore_mem>>
      %dma_start3A_592 = tpu.memref_squeeze %dma_start3A_591 : memref<1x!tpu.dma_semaphore, #tpu.memory_space<semaphore_mem>> -> memref<!tpu.dma_semaphore, #tpu.memory_space<semaphore_mem>>
      tpu.enqueue_indirect_dma source(%dma_start3A_584 : memref<125x64xf32, #tpu.memory_space<vmem>>) target(%dma_start3A_590 : memref<10240x64xf32, #tpu.memory_space<vmem_shared>>) offsets(%dma_start3A_587 : memref<125xi32, #tpu.memory_space<vmem>>) semaphore(%dma_start3A_592 : memref<!tpu.dma_semaphore, #tpu.memory_space<semaphore_mem>>) {add = true}
      %add3A_593 = arith.constant 8 : i32
      %add3A_594 = arith.addi %add3A_564, %add3A_593 : i32
      %sub3A_595 = arith.constant 2 : i32
      %sub3A_596 = arith.subi %add3A_594, %sub3A_595 : i32
      %ge3A_597 = arith.constant 8 : i32
      %ge3A_598 = arith.cmpi sge, %sub3A_596, %ge3A_597 : i32
      %lt3A_599 = arith.constant 80 : i32
      %lt3A_600 = arith.cmpi slt, %sub3A_596, %lt3A_599 : i32
      %and3A_601 = arith.andi %ge3A_598, %lt3A_600 : i1
      %convert_element_type3A_602 = arith.extui %and3A_601 : i1 to i32
      %cond3A_603 = arith.constant 0 : i32
      %cond3A_604 = arith.cmpi ne, %convert_element_type3A_602, %cond3A_603 : i32
      scf.if %cond3A_604 {
        %dma_wait3A_605 = arith.constant 5 : i32
        %dma_wait3A_606 = arith.constant 0 : i32
        %dma_wait3A_607 = arith.constant 5 : i32
        %dma_wait3A_608 = arith.constant 0 : i32
        %dma_wait3A_609 = arith.constant 0 : i32
        %dma_wait3A_610 = tpu.memref_slice %arg9[%dma_wait3A_605, %dma_wait3A_608, %dma_wait3A_609] : memref<8x125x64xf32, #tpu.memory_space<vmem>> -> memref<1x125x64xf32, #tpu.memory_space<vmem>>
        %dma_wait3A_611 = tpu.memref_squeeze %dma_wait3A_610 : memref<1x125x64xf32, #tpu.memory_space<vmem>> -> memref<125x64xf32, #tpu.memory_space<vmem>>
        %dma_wait3A_612 = arith.constant 0 : i32
        %dma_wait3A_613 = tpu.memref_slice %arg8[%dma_wait3A_606, %dma_wait3A_612] : memref<80x125xi32, #tpu.memory_space<vmem>> -> memref<1x125xi32, #tpu.memory_space<vmem>>
        %dma_wait3A_614 = tpu.memref_squeeze %dma_wait3A_613 : memref<1x125xi32, #tpu.memory_space<vmem>> -> memref<125xi32, #tpu.memory_space<vmem>>
        %dma_wait3A_615 = arith.constant 0 : i32
        %dma_wait3A_616 = arith.constant 0 : i32
        %dma_wait3A_617 = tpu.memref_slice %arg10[%dma_wait3A_615, %dma_wait3A_616] : memref<10240x64xf32, #tpu.memory_space<vmem_shared>> -> memref<10240x64xf32, #tpu.memory_space<vmem_shared>>
        %dma_wait3A_618 = tpu.memref_slice %arg12[%dma_wait3A_607] : memref<8x!tpu.dma_semaphore, #tpu.memory_space<semaphore_mem>> -> memref<1x!tpu.dma_semaphore, #tpu.memory_space<semaphore_mem>>
        %dma_wait3A_619 = tpu.memref_squeeze %dma_wait3A_618 : memref<1x!tpu.dma_semaphore, #tpu.memory_space<semaphore_mem>> -> memref<!tpu.dma_semaphore, #tpu.memory_space<semaphore_mem>>
        tpu.wait_indirect_dma semaphore(%dma_wait3A_619 : memref<!tpu.dma_semaphore, #tpu.memory_space<semaphore_mem>>) src(%dma_wait3A_611 : memref<125x64xf32, #tpu.memory_space<vmem>>) dst(%dma_wait3A_617 : memref<10240x64xf32, #tpu.memory_space<vmem_shared>>)
        %dma_start3A_620 = arith.constant 5 : i32
        %dma_start3A_621 = arith.constant 5 : i32
        %dma_start3A_622 = arith.constant 0 : i32
        %dma_start3A_623 = arith.constant 0 : i32
        %dma_start3A_624 = tpu.memref_slice %arg9[%dma_start3A_620, %dma_start3A_622, %dma_start3A_623] : memref<8x125x64xf32, #tpu.memory_space<vmem>> -> memref<1x125x64xf32, #tpu.memory_space<vmem>>
        %dma_start3A_625 = tpu.memref_squeeze %dma_start3A_624 : memref<1x125x64xf32, #tpu.memory_space<vmem>> -> memref<125x64xf32, #tpu.memory_space<vmem>>
        %dma_start3A_626 = arith.constant 0 : i32
        %dma_start3A_627 = tpu.memref_slice %arg7[%sub3A_596, %dma_start3A_626] : memref<80x125xi32, #tpu.memory_space<vmem>> -> memref<1x125xi32, #tpu.memory_space<vmem>>
        %dma_start3A_628 = tpu.memref_squeeze %dma_start3A_627 : memref<1x125xi32, #tpu.memory_space<vmem>> -> memref<125xi32, #tpu.memory_space<vmem>>
        %dma_start3A_629 = arith.constant 0 : i32
        %dma_start3A_630 = arith.constant 0 : i32
        %dma_start3A_631 = tpu.memref_slice %arg4[%dma_start3A_629, %dma_start3A_630] : memref<20000x64xf32, #tpu.memory_space<hbm>> -> memref<20000x64xf32, #tpu.memory_space<hbm>>
        %dma_start3A_632 = tpu.memref_slice %arg11[%dma_start3A_621] : memref<8x!tpu.dma_semaphore, #tpu.memory_space<semaphore_mem>> -> memref<1x!tpu.dma_semaphore, #tpu.memory_space<semaphore_mem>>
        %dma_start3A_633 = tpu.memref_squeeze %dma_start3A_632 : memref<1x!tpu.dma_semaphore, #tpu.memory_space<semaphore_mem>> -> memref<!tpu.dma_semaphore, #tpu.memory_space<semaphore_mem>>
        tpu.enqueue_indirect_dma source(%dma_start3A_631 : memref<20000x64xf32, #tpu.memory_space<hbm>>) target(%dma_start3A_625 : memref<125x64xf32, #tpu.memory_space<vmem>>) offsets(%dma_start3A_628 : memref<125xi32, #tpu.memory_space<vmem>>) semaphore(%dma_start3A_633 : memref<!tpu.dma_semaphore, #tpu.memory_space<semaphore_mem>>)
      } else {
      }
    }
    %scan3A_133 = arith.constant 10 : i32
    %dma_wait3A = arith.constant 0 : i32
    %dma_wait3A_134 = arith.constant 0 : i32
    %dma_wait3A_135 = arith.constant 0 : i32
    %dma_wait3A_136 = arith.constant 0 : i32
    %dma_wait3A_137 = arith.constant 0 : i32
    %dma_wait3A_138 = tpu.memref_slice %arg9[%dma_wait3A, %dma_wait3A_136, %dma_wait3A_137] : memref<8x125x64xf32, #tpu.memory_space<vmem>> -> memref<1x125x64xf32, #tpu.memory_space<vmem>>
    %dma_wait3A_139 = tpu.memref_squeeze %dma_wait3A_138 : memref<1x125x64xf32, #tpu.memory_space<vmem>> -> memref<125x64xf32, #tpu.memory_space<vmem>>
    %dma_wait3A_140 = arith.constant 0 : i32
    %dma_wait3A_141 = tpu.memref_slice %arg8[%dma_wait3A_134, %dma_wait3A_140] : memref<80x125xi32, #tpu.memory_space<vmem>> -> memref<1x125xi32, #tpu.memory_space<vmem>>
    %dma_wait3A_142 = tpu.memref_squeeze %dma_wait3A_141 : memref<1x125xi32, #tpu.memory_space<vmem>> -> memref<125xi32, #tpu.memory_space<vmem>>
    %dma_wait3A_143 = arith.constant 0 : i32
    %dma_wait3A_144 = arith.constant 0 : i32
    %dma_wait3A_145 = tpu.memref_slice %arg10[%dma_wait3A_143, %dma_wait3A_144] : memref<10240x64xf32, #tpu.memory_space<vmem_shared>> -> memref<10240x64xf32, #tpu.memory_space<vmem_shared>>
    %dma_wait3A_146 = tpu.memref_slice %arg12[%dma_wait3A_135] : memref<8x!tpu.dma_semaphore, #tpu.memory_space<semaphore_mem>> -> memref<1x!tpu.dma_semaphore, #tpu.memory_space<semaphore_mem>>
    %dma_wait3A_147 = tpu.memref_squeeze %dma_wait3A_146 : memref<1x!tpu.dma_semaphore, #tpu.memory_space<semaphore_mem>> -> memref<!tpu.dma_semaphore, #tpu.memory_space<semaphore_mem>>
    tpu.wait_indirect_dma semaphore(%dma_wait3A_147 : memref<!tpu.dma_semaphore, #tpu.memory_space<semaphore_mem>>) src(%dma_wait3A_139 : memref<125x64xf32, #tpu.memory_space<vmem>>) dst(%dma_wait3A_145 : memref<10240x64xf32, #tpu.memory_space<vmem_shared>>)
    %dma_wait3A_148 = arith.constant 1 : i32
    %dma_wait3A_149 = arith.constant 0 : i32
    %dma_wait3A_150 = arith.constant 1 : i32
    %dma_wait3A_151 = arith.constant 0 : i32
    %dma_wait3A_152 = arith.constant 0 : i32
    %dma_wait3A_153 = tpu.memref_slice %arg9[%dma_wait3A_148, %dma_wait3A_151, %dma_wait3A_152] : memref<8x125x64xf32, #tpu.memory_space<vmem>> -> memref<1x125x64xf32, #tpu.memory_space<vmem>>
    %dma_wait3A_154 = tpu.memref_squeeze %dma_wait3A_153 : memref<1x125x64xf32, #tpu.memory_space<vmem>> -> memref<125x64xf32, #tpu.memory_space<vmem>>
    %dma_wait3A_155 = arith.constant 0 : i32
    %dma_wait3A_156 = tpu.memref_slice %arg8[%dma_wait3A_149, %dma_wait3A_155] : memref<80x125xi32, #tpu.memory_space<vmem>> -> memref<1x125xi32, #tpu.memory_space<vmem>>
    %dma_wait3A_157 = tpu.memref_squeeze %dma_wait3A_156 : memref<1x125xi32, #tpu.memory_space<vmem>> -> memref<125xi32, #tpu.memory_space<vmem>>
    %dma_wait3A_158 = arith.constant 0 : i32
    %dma_wait3A_159 = arith.constant 0 : i32
    %dma_wait3A_160 = tpu.memref_slice %arg10[%dma_wait3A_158, %dma_wait3A_159] : memref<10240x64xf32, #tpu.memory_space<vmem_shared>> -> memref<10240x64xf32, #tpu.memory_space<vmem_shared>>
    %dma_wait3A_161 = tpu.memref_slice %arg12[%dma_wait3A_150] : memref<8x!tpu.dma_semaphore, #tpu.memory_space<semaphore_mem>> -> memref<1x!tpu.dma_semaphore, #tpu.memory_space<semaphore_mem>>
    %dma_wait3A_162 = tpu.memref_squeeze %dma_wait3A_161 : memref<1x!tpu.dma_semaphore, #tpu.memory_space<semaphore_mem>> -> memref<!tpu.dma_semaphore, #tpu.memory_space<semaphore_mem>>
    tpu.wait_indirect_dma semaphore(%dma_wait3A_162 : memref<!tpu.dma_semaphore, #tpu.memory_space<semaphore_mem>>) src(%dma_wait3A_154 : memref<125x64xf32, #tpu.memory_space<vmem>>) dst(%dma_wait3A_160 : memref<10240x64xf32, #tpu.memory_space<vmem_shared>>)
    %dma_wait3A_163 = arith.constant 2 : i32
    %dma_wait3A_164 = arith.constant 0 : i32
    %dma_wait3A_165 = arith.constant 2 : i32
    %dma_wait3A_166 = arith.constant 0 : i32
    %dma_wait3A_167 = arith.constant 0 : i32
    %dma_wait3A_168 = tpu.memref_slice %arg9[%dma_wait3A_163, %dma_wait3A_166, %dma_wait3A_167] : memref<8x125x64xf32, #tpu.memory_space<vmem>> -> memref<1x125x64xf32, #tpu.memory_space<vmem>>
    %dma_wait3A_169 = tpu.memref_squeeze %dma_wait3A_168 : memref<1x125x64xf32, #tpu.memory_space<vmem>> -> memref<125x64xf32, #tpu.memory_space<vmem>>
    %dma_wait3A_170 = arith.constant 0 : i32
    %dma_wait3A_171 = tpu.memref_slice %arg8[%dma_wait3A_164, %dma_wait3A_170] : memref<80x125xi32, #tpu.memory_space<vmem>> -> memref<1x125xi32, #tpu.memory_space<vmem>>
    %dma_wait3A_172 = tpu.memref_squeeze %dma_wait3A_171 : memref<1x125xi32, #tpu.memory_space<vmem>> -> memref<125xi32, #tpu.memory_space<vmem>>
    %dma_wait3A_173 = arith.constant 0 : i32
    %dma_wait3A_174 = arith.constant 0 : i32
    %dma_wait3A_175 = tpu.memref_slice %arg10[%dma_wait3A_173, %dma_wait3A_174] : memref<10240x64xf32, #tpu.memory_space<vmem_shared>> -> memref<10240x64xf32, #tpu.memory_space<vmem_shared>>
    %dma_wait3A_176 = tpu.memref_slice %arg12[%dma_wait3A_165] : memref<8x!tpu.dma_semaphore, #tpu.memory_space<semaphore_mem>> -> memref<1x!tpu.dma_semaphore, #tpu.memory_space<semaphore_mem>>
    %dma_wait3A_177 = tpu.memref_squeeze %dma_wait3A_176 : memref<1x!tpu.dma_semaphore, #tpu.memory_space<semaphore_mem>> -> memref<!tpu.dma_semaphore, #tpu.memory_space<semaphore_mem>>
    tpu.wait_indirect_dma semaphore(%dma_wait3A_177 : memref<!tpu.dma_semaphore, #tpu.memory_space<semaphore_mem>>) src(%dma_wait3A_169 : memref<125x64xf32, #tpu.memory_space<vmem>>) dst(%dma_wait3A_175 : memref<10240x64xf32, #tpu.memory_space<vmem_shared>>)
    %dma_wait3A_178 = arith.constant 3 : i32
    %dma_wait3A_179 = arith.constant 0 : i32
    %dma_wait3A_180 = arith.constant 3 : i32
    %dma_wait3A_181 = arith.constant 0 : i32
    %dma_wait3A_182 = arith.constant 0 : i32
    %dma_wait3A_183 = tpu.memref_slice %arg9[%dma_wait3A_178, %dma_wait3A_181, %dma_wait3A_182] : memref<8x125x64xf32, #tpu.memory_space<vmem>> -> memref<1x125x64xf32, #tpu.memory_space<vmem>>
    %dma_wait3A_184 = tpu.memref_squeeze %dma_wait3A_183 : memref<1x125x64xf32, #tpu.memory_space<vmem>> -> memref<125x64xf32, #tpu.memory_space<vmem>>
    %dma_wait3A_185 = arith.constant 0 : i32
    %dma_wait3A_186 = tpu.memref_slice %arg8[%dma_wait3A_179, %dma_wait3A_185] : memref<80x125xi32, #tpu.memory_space<vmem>> -> memref<1x125xi32, #tpu.memory_space<vmem>>
    %dma_wait3A_187 = tpu.memref_squeeze %dma_wait3A_186 : memref<1x125xi32, #tpu.memory_space<vmem>> -> memref<125xi32, #tpu.memory_space<vmem>>
    %dma_wait3A_188 = arith.constant 0 : i32
    %dma_wait3A_189 = arith.constant 0 : i32
    %dma_wait3A_190 = tpu.memref_slice %arg10[%dma_wait3A_188, %dma_wait3A_189] : memref<10240x64xf32, #tpu.memory_space<vmem_shared>> -> memref<10240x64xf32, #tpu.memory_space<vmem_shared>>
    %dma_wait3A_191 = tpu.memref_slice %arg12[%dma_wait3A_180] : memref<8x!tpu.dma_semaphore, #tpu.memory_space<semaphore_mem>> -> memref<1x!tpu.dma_semaphore, #tpu.memory_space<semaphore_mem>>
    %dma_wait3A_192 = tpu.memref_squeeze %dma_wait3A_191 : memref<1x!tpu.dma_semaphore, #tpu.memory_space<semaphore_mem>> -> memref<!tpu.dma_semaphore, #tpu.memory_space<semaphore_mem>>
    tpu.wait_indirect_dma semaphore(%dma_wait3A_192 : memref<!tpu.dma_semaphore, #tpu.memory_space<semaphore_mem>>) src(%dma_wait3A_184 : memref<125x64xf32, #tpu.memory_space<vmem>>) dst(%dma_wait3A_190 : memref<10240x64xf32, #tpu.memory_space<vmem_shared>>)
    %dma_wait3A_193 = arith.constant 4 : i32
    %dma_wait3A_194 = arith.constant 0 : i32
    %dma_wait3A_195 = arith.constant 4 : i32
    %dma_wait3A_196 = arith.constant 0 : i32
    %dma_wait3A_197 = arith.constant 0 : i32
    %dma_wait3A_198 = tpu.memref_slice %arg9[%dma_wait3A_193, %dma_wait3A_196, %dma_wait3A_197] : memref<8x125x64xf32, #tpu.memory_space<vmem>> -> memref<1x125x64xf32, #tpu.memory_space<vmem>>
    %dma_wait3A_199 = tpu.memref_squeeze %dma_wait3A_198 : memref<1x125x64xf32, #tpu.memory_space<vmem>> -> memref<125x64xf32, #tpu.memory_space<vmem>>
    %dma_wait3A_200 = arith.constant 0 : i32
    %dma_wait3A_201 = tpu.memref_slice %arg8[%dma_wait3A_194, %dma_wait3A_200] : memref<80x125xi32, #tpu.memory_space<vmem>> -> memref<1x125xi32, #tpu.memory_space<vmem>>
    %dma_wait3A_202 = tpu.memref_squeeze %dma_wait3A_201 : memref<1x125xi32, #tpu.memory_space<vmem>> -> memref<125xi32, #tpu.memory_space<vmem>>
    %dma_wait3A_203 = arith.constant 0 : i32
    %dma_wait3A_204 = arith.constant 0 : i32
    %dma_wait3A_205 = tpu.memref_slice %arg10[%dma_wait3A_203, %dma_wait3A_204] : memref<10240x64xf32, #tpu.memory_space<vmem_shared>> -> memref<10240x64xf32, #tpu.memory_space<vmem_shared>>
    %dma_wait3A_206 = tpu.memref_slice %arg12[%dma_wait3A_195] : memref<8x!tpu.dma_semaphore, #tpu.memory_space<semaphore_mem>> -> memref<1x!tpu.dma_semaphore, #tpu.memory_space<semaphore_mem>>
    %dma_wait3A_207 = tpu.memref_squeeze %dma_wait3A_206 : memref<1x!tpu.dma_semaphore, #tpu.memory_space<semaphore_mem>> -> memref<!tpu.dma_semaphore, #tpu.memory_space<semaphore_mem>>
    tpu.wait_indirect_dma semaphore(%dma_wait3A_207 : memref<!tpu.dma_semaphore, #tpu.memory_space<semaphore_mem>>) src(%dma_wait3A_199 : memref<125x64xf32, #tpu.memory_space<vmem>>) dst(%dma_wait3A_205 : memref<10240x64xf32, #tpu.memory_space<vmem_shared>>)
    %dma_wait3A_208 = arith.constant 5 : i32
    %dma_wait3A_209 = arith.constant 0 : i32
    %dma_wait3A_210 = arith.constant 5 : i32
    %dma_wait3A_211 = arith.constant 0 : i32
    %dma_wait3A_212 = arith.constant 0 : i32
    %dma_wait3A_213 = tpu.memref_slice %arg9[%dma_wait3A_208, %dma_wait3A_211, %dma_wait3A_212] : memref<8x125x64xf32, #tpu.memory_space<vmem>> -> memref<1x125x64xf32, #tpu.memory_space<vmem>>
    %dma_wait3A_214 = tpu.memref_squeeze %dma_wait3A_213 : memref<1x125x64xf32, #tpu.memory_space<vmem>> -> memref<125x64xf32, #tpu.memory_space<vmem>>
    %dma_wait3A_215 = arith.constant 0 : i32
    %dma_wait3A_216 = tpu.memref_slice %arg8[%dma_wait3A_209, %dma_wait3A_215] : memref<80x125xi32, #tpu.memory_space<vmem>> -> memref<1x125xi32, #tpu.memory_space<vmem>>
    %dma_wait3A_217 = tpu.memref_squeeze %dma_wait3A_216 : memref<1x125xi32, #tpu.memory_space<vmem>> -> memref<125xi32, #tpu.memory_space<vmem>>
    %dma_wait3A_218 = arith.constant 0 : i32
    %dma_wait3A_219 = arith.constant 0 : i32
    %dma_wait3A_220 = tpu.memref_slice %arg10[%dma_wait3A_218, %dma_wait3A_219] : memref<10240x64xf32, #tpu.memory_space<vmem_shared>> -> memref<10240x64xf32, #tpu.memory_space<vmem_shared>>
    %dma_wait3A_221 = tpu.memref_slice %arg12[%dma_wait3A_210] : memref<8x!tpu.dma_semaphore, #tpu.memory_space<semaphore_mem>> -> memref<1x!tpu.dma_semaphore, #tpu.memory_space<semaphore_mem>>
    %dma_wait3A_222 = tpu.memref_squeeze %dma_wait3A_221 : memref<1x!tpu.dma_semaphore, #tpu.memory_space<semaphore_mem>> -> memref<!tpu.dma_semaphore, #tpu.memory_space<semaphore_mem>>
    tpu.wait_indirect_dma semaphore(%dma_wait3A_222 : memref<!tpu.dma_semaphore, #tpu.memory_space<semaphore_mem>>) src(%dma_wait3A_214 : memref<125x64xf32, #tpu.memory_space<vmem>>) dst(%dma_wait3A_220 : memref<10240x64xf32, #tpu.memory_space<vmem_shared>>)
    %dma_wait3A_223 = arith.constant 6 : i32
    %dma_wait3A_224 = arith.constant 0 : i32
    %dma_wait3A_225 = arith.constant 6 : i32
    %dma_wait3A_226 = arith.constant 0 : i32
    %dma_wait3A_227 = arith.constant 0 : i32
    %dma_wait3A_228 = tpu.memref_slice %arg9[%dma_wait3A_223, %dma_wait3A_226, %dma_wait3A_227] : memref<8x125x64xf32, #tpu.memory_space<vmem>> -> memref<1x125x64xf32, #tpu.memory_space<vmem>>
    %dma_wait3A_229 = tpu.memref_squeeze %dma_wait3A_228 : memref<1x125x64xf32, #tpu.memory_space<vmem>> -> memref<125x64xf32, #tpu.memory_space<vmem>>
    %dma_wait3A_230 = arith.constant 0 : i32
    %dma_wait3A_231 = tpu.memref_slice %arg8[%dma_wait3A_224, %dma_wait3A_230] : memref<80x125xi32, #tpu.memory_space<vmem>> -> memref<1x125xi32, #tpu.memory_space<vmem>>
    %dma_wait3A_232 = tpu.memref_squeeze %dma_wait3A_231 : memref<1x125xi32, #tpu.memory_space<vmem>> -> memref<125xi32, #tpu.memory_space<vmem>>
    %dma_wait3A_233 = arith.constant 0 : i32
    %dma_wait3A_234 = arith.constant 0 : i32
    %dma_wait3A_235 = tpu.memref_slice %arg10[%dma_wait3A_233, %dma_wait3A_234] : memref<10240x64xf32, #tpu.memory_space<vmem_shared>> -> memref<10240x64xf32, #tpu.memory_space<vmem_shared>>
    %dma_wait3A_236 = tpu.memref_slice %arg12[%dma_wait3A_225] : memref<8x!tpu.dma_semaphore, #tpu.memory_space<semaphore_mem>> -> memref<1x!tpu.dma_semaphore, #tpu.memory_space<semaphore_mem>>
    %dma_wait3A_237 = tpu.memref_squeeze %dma_wait3A_236 : memref<1x!tpu.dma_semaphore, #tpu.memory_space<semaphore_mem>> -> memref<!tpu.dma_semaphore, #tpu.memory_space<semaphore_mem>>
    tpu.wait_indirect_dma semaphore(%dma_wait3A_237 : memref<!tpu.dma_semaphore, #tpu.memory_space<semaphore_mem>>) src(%dma_wait3A_229 : memref<125x64xf32, #tpu.memory_space<vmem>>) dst(%dma_wait3A_235 : memref<10240x64xf32, #tpu.memory_space<vmem_shared>>)
    %dma_wait3A_238 = arith.constant 7 : i32
    %dma_wait3A_239 = arith.constant 0 : i32
    %dma_wait3A_240 = arith.constant 7 : i32
    %dma_wait3A_241 = arith.constant 0 : i32
    %dma_wait3A_242 = arith.constant 0 : i32
    %dma_wait3A_243 = tpu.memref_slice %arg9[%dma_wait3A_238, %dma_wait3A_241, %dma_wait3A_242] : memref<8x125x64xf32, #tpu.memory_space<vmem>> -> memref<1x125x64xf32, #tpu.memory_space<vmem>>
    %dma_wait3A_244 = tpu.memref_squeeze %dma_wait3A_243 : memref<1x125x64xf32, #tpu.memory_space<vmem>> -> memref<125x64xf32, #tpu.memory_space<vmem>>
    %dma_wait3A_245 = arith.constant 0 : i32
    %dma_wait3A_246 = tpu.memref_slice %arg8[%dma_wait3A_239, %dma_wait3A_245] : memref<80x125xi32, #tpu.memory_space<vmem>> -> memref<1x125xi32, #tpu.memory_space<vmem>>
    %dma_wait3A_247 = tpu.memref_squeeze %dma_wait3A_246 : memref<1x125xi32, #tpu.memory_space<vmem>> -> memref<125xi32, #tpu.memory_space<vmem>>
    %dma_wait3A_248 = arith.constant 0 : i32
    %dma_wait3A_249 = arith.constant 0 : i32
    %dma_wait3A_250 = tpu.memref_slice %arg10[%dma_wait3A_248, %dma_wait3A_249] : memref<10240x64xf32, #tpu.memory_space<vmem_shared>> -> memref<10240x64xf32, #tpu.memory_space<vmem_shared>>
    %dma_wait3A_251 = tpu.memref_slice %arg12[%dma_wait3A_240] : memref<8x!tpu.dma_semaphore, #tpu.memory_space<semaphore_mem>> -> memref<1x!tpu.dma_semaphore, #tpu.memory_space<semaphore_mem>>
    %dma_wait3A_252 = tpu.memref_squeeze %dma_wait3A_251 : memref<1x!tpu.dma_semaphore, #tpu.memory_space<semaphore_mem>> -> memref<!tpu.dma_semaphore, #tpu.memory_space<semaphore_mem>>
    tpu.wait_indirect_dma semaphore(%dma_wait3A_252 : memref<!tpu.dma_semaphore, #tpu.memory_space<semaphore_mem>>) src(%dma_wait3A_244 : memref<125x64xf32, #tpu.memory_space<vmem>>) dst(%dma_wait3A_250 : memref<10240x64xf32, #tpu.memory_space<vmem_shared>>)
    %barrier3A_253 = arith.constant 0 : index
    tpu.barrier barrier_id(%barrier3A_253)
    %mul3A_254 = arith.constant 10240 : i32
    %mul3A_255 = arith.muli %arg0, %mul3A_254 : i32
    %add3A = arith.addi %mul3A_255, %mul3A_0 : i32
    "tpu.region"() ({
      %run_scoped3A = tpu.sem_alloc : memref<!tpu.dma_semaphore, #tpu.memory_space<semaphore_mem>>
      %dma_start3A_256 = arith.constant 0 : i32
      %dma_start3A_257 = tpu.memref_slice %arg6[%add3A, %dma_start3A_256] : memref<20480x64xf32, #tpu.memory_space<hbm>> -> memref<640x64xf32, #tpu.memory_space<hbm>>
      %dma_start3A_258 = arith.constant 0 : i32
      %dma_start3A_259 = tpu.memref_slice %arg10[%mul3A_0, %dma_start3A_258] : memref<10240x64xf32, #tpu.memory_space<vmem_shared>> -> memref<640x64xf32, #tpu.memory_space<vmem_shared>>
      tpu.enqueue_dma source(%dma_start3A_259 : memref<640x64xf32, #tpu.memory_space<vmem_shared>>) target(%dma_start3A_257 : memref<640x64xf32, #tpu.memory_space<hbm>>) target_semaphore(%run_scoped3A : memref<!tpu.dma_semaphore, #tpu.memory_space<semaphore_mem>>)
      %dma_wait3A_260 = arith.constant 0 : i32
      %dma_wait3A_261 = tpu.memref_slice %arg6[%add3A, %dma_wait3A_260] : memref<20480x64xf32, #tpu.memory_space<hbm>> -> memref<640x64xf32, #tpu.memory_space<hbm>>
      %dma_wait3A_262 = arith.constant 0 : i32
      %dma_wait3A_263 = tpu.memref_slice %arg10[%mul3A_0, %dma_wait3A_262] : memref<10240x64xf32, #tpu.memory_space<vmem_shared>> -> memref<640x64xf32, #tpu.memory_space<vmem_shared>>
      tpu.wait_dma2 semaphore(%run_scoped3A : memref<!tpu.dma_semaphore, #tpu.memory_space<semaphore_mem>>) src(%dma_wait3A_263 : memref<640x64xf32, #tpu.memory_space<vmem_shared>>) dst(%dma_wait3A_261 : memref<640x64xf32, #tpu.memory_space<hbm>>)
      tpu.yield
    }) : () -> ()
    return
  }
}

module attributes {stable_mosaic.version = 14 : i64} {
  func.func @_tc1_body(%arg0: memref<10000x128xf32, #tpu.memory_space<vmem>>, %arg1: memref<128x128xf32, #tpu.memory_space<vmem>>, %arg2: memref<1x64xf32, #tpu.memory_space<vmem>>, %arg3: memref<10000x64xf32, #tpu.memory_space<vmem>>, %arg4: memref<10000x64xf32, #tpu.memory_space<vmem>>) attributes {dimension_semantics = [], scalar_prefetch = 0 : i64, scratch_operands = 0 : i64, tpu.core_type = #tpu.core_type<tc>} {
    %get3A = arith.constant 0 : index
    %get3A_0 = arith.constant 0 : index
    %get3A_1 = vector.load %arg0[%get3A, %get3A_0] : memref<10000x128xf32, #tpu.memory_space<vmem>>, vector<10000x128xf32>
    %get3A_2 = arith.constant 0 : index
    %get3A_3 = arith.constant 0 : index
    %get3A_4 = vector.load %arg1[%get3A_2, %get3A_3] : memref<128x128xf32, #tpu.memory_space<vmem>>, vector<128x128xf32>
    %dot_general3A = arith.constant dense<0.000000e+00> : vector<10000x128xf32>
    %dot_general3A_5 = tpu.matmul %get3A_1, %get3A_4, %dot_general3A {dimension_numbers = #tpu.dot_dimension_numbers<[1], [0], [0], [1], [0, 0, 1, 1], [], []>, transpose_lhs_hint = false} : vector<10000x128xf32>, vector<128x128xf32>, vector<10000x128xf32> -> vector<10000x128xf32>
    %slice3A = vector.extract_strided_slice %dot_general3A_5 {offsets = [0, 0], sizes = [10000, 64], strides = [1, 1]} : vector<10000x128xf32> to vector<10000x64xf32>
    %swap3A = arith.constant 0 : index
    %swap3A_6 = arith.constant 0 : index
    %swap3A_7 = vector.load %arg3[%swap3A, %swap3A_6] : memref<10000x64xf32, #tpu.memory_space<vmem>>, vector<10000x64xf32>
    tpu.vector_store %arg3[%swap3A, %swap3A_6], %slice3A {strides = array<i32>} : memref<10000x64xf32, #tpu.memory_space<vmem>>, vector<10000x64xf32>,
    %slice3A_8 = vector.extract_strided_slice %dot_general3A_5 {offsets = [0, 64], sizes = [10000, 64], strides = [1, 1]} : vector<10000x128xf32> to vector<10000x64xf32>
    %get3A_9 = arith.constant 0 : index
    %get3A_10 = arith.constant 0 : index
    %get3A_11 = vector.load %arg2[%get3A_9, %get3A_10] : memref<1x64xf32, #tpu.memory_space<vmem>>, vector<1x64xf32>
    %add3A = vector.broadcast %get3A_11 : vector<1x64xf32> to vector<10000x64xf32>
    %add3A_12 = arith.addf %slice3A_8, %add3A : vector<10000x64xf32>
    %swap3A_13 = arith.constant 0 : index
    %swap3A_14 = arith.constant 0 : index
    %swap3A_15 = vector.load %arg4[%swap3A_13, %swap3A_14] : memref<10000x64xf32, #tpu.memory_space<vmem>>, vector<10000x64xf32>
    tpu.vector_store %arg4[%swap3A_13, %swap3A_14], %add3A_12 {strides = array<i32>} : memref<10000x64xf32, #tpu.memory_space<vmem>>, vector<10000x64xf32>,
    return
  }
}

module attributes {stable_mosaic.version = 14 : i64} {
  func.func @_tc2_body(%arg0: memref<20480x32xf32, #tpu.memory_space<vmem>>, %arg1: memref<20480x8xf32, #tpu.memory_space<vmem>>, %arg2: memref<10000x64xf32, #tpu.memory_space<vmem>>, %arg3: memref<64x192xf32, #tpu.memory_space<vmem>>, %arg4: memref<1x64xf32, #tpu.memory_space<vmem>>, %arg5: memref<10000x128xf32, #tpu.memory_space<vmem>>, %arg6: memref<10000x64xf32, #tpu.memory_space<vmem>>) attributes {dimension_semantics = [], scalar_prefetch = 0 : i64, scratch_operands = 0 : i64, tpu.core_type = #tpu.core_type<tc>} {
    %get3A = arith.constant 0 : index
    %get3A_0 = arith.constant 0 : index
    %get3A_1 = vector.load %arg1[%get3A, %get3A_0] : memref<20480x8xf32, #tpu.memory_space<vmem>>, vector<10000x1xf32>
    %max3A = arith.constant 1.000000e+00 : f32
    %max3A_2 = vector.broadcast %max3A : f32 to vector<10000x1xf32>
    %max3A_3 = arith.maximumf %get3A_1, %max3A_2 : vector<10000x1xf32>
    %get3A_4 = arith.constant 10240 : index
    %get3A_5 = arith.constant 0 : index
    %get3A_6 = vector.load %arg1[%get3A_4, %get3A_5] : memref<20480x8xf32, #tpu.memory_space<vmem>>, vector<10000x1xf32>
    %max3A_7 = arith.constant 1.000000e+00 : f32
    %max3A_8 = vector.broadcast %max3A_7 : f32 to vector<10000x1xf32>
    %max3A_9 = arith.maximumf %get3A_6, %max3A_8 : vector<10000x1xf32>
    %get3A_10 = arith.constant 0 : index
    %get3A_11 = arith.constant 0 : index
    %get3A_12 = vector.load %arg2[%get3A_10, %get3A_11] : memref<10000x64xf32, #tpu.memory_space<vmem>>, vector<10000x32xf32>
    %get3A_13 = arith.constant 0 : index
    %get3A_14 = arith.constant 0 : index
    %get3A_15 = vector.load %arg0[%get3A_13, %get3A_14] : memref<20480x32xf32, #tpu.memory_space<vmem>>, vector<10000x32xf32>
    %div3A = vector.broadcast %max3A_3 : vector<10000x1xf32> to vector<10000x32xf32>
    %div3A_16 = arith.divf %get3A_15, %div3A : vector<10000x32xf32>
    %add3A = arith.addf %get3A_12, %div3A_16 : vector<10000x32xf32>
    %max3A_17 = arith.constant 0.000000e+00 : f32
    %max3A_18 = vector.broadcast %max3A_17 : f32 to vector<10000x32xf32>
    %max3A_19 = arith.maximumf %add3A, %max3A_18 : vector<10000x32xf32>
    %get3A_20 = arith.constant 0 : index
    %get3A_21 = arith.constant 32 : index
    %get3A_22 = vector.load %arg2[%get3A_20, %get3A_21] : memref<10000x64xf32, #tpu.memory_space<vmem>>, vector<10000x32xf32>
    %get3A_23 = arith.constant 10240 : index
    %get3A_24 = arith.constant 0 : index
    %get3A_25 = vector.load %arg0[%get3A_23, %get3A_24] : memref<20480x32xf32, #tpu.memory_space<vmem>>, vector<10000x32xf32>
    %div3A_26 = vector.broadcast %max3A_9 : vector<10000x1xf32> to vector<10000x32xf32>
    %div3A_27 = arith.divf %get3A_25, %div3A_26 : vector<10000x32xf32>
    %add3A_28 = arith.addf %get3A_22, %div3A_27 : vector<10000x32xf32>
    %max3A_29 = arith.constant 0.000000e+00 : f32
    %max3A_30 = vector.broadcast %max3A_29 : f32 to vector<10000x32xf32>
    %max3A_31 = arith.maximumf %add3A_28, %max3A_30 : vector<10000x32xf32>
    %concatenate3A = tpu.concatenate %max3A_19, %max3A_31 in 1 : vector<10000x32xf32>, vector<10000x32xf32> -> vector<10000x64xf32>
    %get3A_32 = arith.constant 0 : index
    %get3A_33 = arith.constant 0 : index
    %get3A_34 = vector.load %arg3[%get3A_32, %get3A_33] : memref<64x192xf32, #tpu.memory_space<vmem>>, vector<64x192xf32>
    %dot_general3A = arith.constant dense<0.000000e+00> : vector<10000x192xf32>
    %dot_general3A_35 = tpu.matmul %concatenate3A, %get3A_34, %dot_general3A {dimension_numbers = #tpu.dot_dimension_numbers<[1], [0], [0], [1], [0, 0, 1, 1], [], []>, transpose_lhs_hint = false} : vector<10000x64xf32>, vector<64x192xf32>, vector<10000x192xf32> -> vector<10000x192xf32>
    %slice3A = vector.extract_strided_slice %dot_general3A_35 {offsets = [0, 0], sizes = [10000, 128], strides = [1, 1]} : vector<10000x192xf32> to vector<10000x128xf32>
    %swap3A = arith.constant 0 : index
    %swap3A_36 = arith.constant 0 : index
    %swap3A_37 = vector.load %arg5[%swap3A, %swap3A_36] : memref<10000x128xf32, #tpu.memory_space<vmem>>, vector<10000x128xf32>
    tpu.vector_store %arg5[%swap3A, %swap3A_36], %slice3A {strides = array<i32>} : memref<10000x128xf32, #tpu.memory_space<vmem>>, vector<10000x128xf32>,
    %slice3A_38 = vector.extract_strided_slice %dot_general3A_35 {offsets = [0, 128], sizes = [10000, 64], strides = [1, 1]} : vector<10000x192xf32> to vector<10000x64xf32>
    %get3A_39 = arith.constant 0 : index
    %get3A_40 = arith.constant 0 : index
    %get3A_41 = vector.load %arg4[%get3A_39, %get3A_40] : memref<1x64xf32, #tpu.memory_space<vmem>>, vector<1x64xf32>
    %add3A_42 = vector.broadcast %get3A_41 : vector<1x64xf32> to vector<10000x64xf32>
    %add3A_43 = arith.addf %slice3A_38, %add3A_42 : vector<10000x64xf32>
    %swap3A_44 = arith.constant 0 : index
    %swap3A_45 = arith.constant 0 : index
    %swap3A_46 = vector.load %arg6[%swap3A_44, %swap3A_45] : memref<10000x64xf32, #tpu.memory_space<vmem>>, vector<10000x64xf32>
    tpu.vector_store %arg6[%swap3A_44, %swap3A_45], %add3A_43 {strides = array<i32>} : memref<10000x64xf32, #tpu.memory_space<vmem>>, vector<10000x64xf32>,
    return
  }
}

module attributes {stable_mosaic.version = 14 : i64} {
  func.func @_tc3_body(%arg0: memref<20480x64xf32, #tpu.memory_space<vmem>>, %arg1: memref<20480x8xf32, #tpu.memory_space<vmem>>, %arg2: memref<10000x64xf32, #tpu.memory_space<vmem>>, %arg3: memref<64x10000xf32, #tpu.memory_space<vmem>>) attributes {dimension_semantics = [], scalar_prefetch = 0 : i64, scratch_operands = 0 : i64, tpu.core_type = #tpu.core_type<tc>} {
    %get3A = arith.constant 0 : index
    %get3A_0 = arith.constant 0 : index
    %get3A_1 = vector.load %arg1[%get3A, %get3A_0] : memref<20480x8xf32, #tpu.memory_space<vmem>>, vector<10000x1xf32>
    %max3A = arith.constant 1.000000e+00 : f32
    %max3A_2 = vector.broadcast %max3A : f32 to vector<10000x1xf32>
    %max3A_3 = arith.maximumf %get3A_1, %max3A_2 : vector<10000x1xf32>
    %get3A_4 = arith.constant 10240 : index
    %get3A_5 = arith.constant 0 : index
    %get3A_6 = vector.load %arg1[%get3A_4, %get3A_5] : memref<20480x8xf32, #tpu.memory_space<vmem>>, vector<10000x1xf32>
    %max3A_7 = arith.constant 1.000000e+00 : f32
    %max3A_8 = vector.broadcast %max3A_7 : f32 to vector<10000x1xf32>
    %max3A_9 = arith.maximumf %get3A_6, %max3A_8 : vector<10000x1xf32>
    %get3A_10 = arith.constant 0 : index
    %get3A_11 = arith.constant 0 : index
    %get3A_12 = vector.load %arg0[%get3A_10, %get3A_11] : memref<20480x64xf32, #tpu.memory_space<vmem>>, vector<10000x64xf32>
    %div3A = vector.broadcast %max3A_3 : vector<10000x1xf32> to vector<10000x64xf32>
    %div3A_13 = arith.divf %get3A_12, %div3A : vector<10000x64xf32>
    %get3A_14 = arith.constant 10240 : index
    %get3A_15 = arith.constant 0 : index
    %get3A_16 = vector.load %arg0[%get3A_14, %get3A_15] : memref<20480x64xf32, #tpu.memory_space<vmem>>, vector<10000x64xf32>
    %div3A_17 = vector.broadcast %max3A_9 : vector<10000x1xf32> to vector<10000x64xf32>
    %div3A_18 = arith.divf %get3A_16, %div3A_17 : vector<10000x64xf32>
    %get3A_19 = arith.constant 0 : index
    %get3A_20 = arith.constant 0 : index
    %get3A_21 = vector.load %arg2[%get3A_19, %get3A_20] : memref<10000x64xf32, #tpu.memory_space<vmem>>, vector<10000x64xf32>
    %add3A = arith.addf %get3A_21, %div3A_13 : vector<10000x64xf32>
    %add3A_22 = arith.addf %add3A, %div3A_18 : vector<10000x64xf32>
    %max3A_23 = arith.constant 0.000000e+00 : f32
    %max3A_24 = vector.broadcast %max3A_23 : f32 to vector<10000x64xf32>
    %max3A_25 = arith.maximumf %add3A_22, %max3A_24 : vector<10000x64xf32>
    %transpose3A = tpu.transpose %max3A_25, [1, 0] : vector<10000x64xf32> -> vector<64x10000xf32>
    %swap3A = arith.constant 0 : index
    %swap3A_26 = arith.constant 0 : index
    %swap3A_27 = vector.load %arg3[%swap3A, %swap3A_26] : memref<64x10000xf32, #tpu.memory_space<vmem>>, vector<64x10000xf32>
    tpu.vector_store %arg3[%swap3A, %swap3A_26], %transpose3A {strides = array<i32>} : memref<64x10000xf32, #tpu.memory_space<vmem>>, vector<64x10000xf32>,
    return
  }
}

</mosaic_0001>

<sc_bundles>
// kernel: kernel.11.cloned.1.call-start
scs
__scs_entry_jumppad:
0x0: {  	(pc) =	sbr.rel $0x88, $3  }
0x1: {  	(tag) =	ssettag $0x0;
	lr =	simm.s32 $0x1  }
0x2: {  	[smem:$0x3F92] =	sst lr;
	_ =	strace $0xD0000000  }
0x3: {  	_ = 	snop  }
0x4: {  	_ = 	snop  }
0x5: {  	_ = 	snop  }
0x6: {  	_ = 	snop  }
0x7: {  	_ = 	snop  }
__scs_overlays_trampoline_lowered:
0x8: {  	[smem:$0x3FA1] =	sst s0  }
0x9: {  	[smem:$0x3FA2] =	sst s1  }
0xa: {  	[smem:$0x3FA3] =	sst s2  }
0xb: {  	[smem:$0x3FA4] =	sst s3  }
0xc: {  	[smem:$0x3FA5] =	sst s4  }
0xd: {  	[smem:$0x3FA6] =	sst s5  }
0xe: {  	[smem:$0x3FA7] =	sst s6  }
0xf: {  	[smem:$0x3FA8] =	sst s7  }
0x10: {  	[smem:$0x3FA9] =	sst s8  }
0x11: {  	[smem:$0x3FAA] =	sst s9;
	s0 =	simm.s32 @!p0 $0x0  }
0x12: {  	s1 =	sld [smem:$0x3F90];
	s0 =	simm.s32 @p0 $0x1  }
0x13: {  	[smem:$0x3FAB] =	sst s0;
	s0 =	simm.s32 @!p1 $0x0  }
0x14: {  	s2 =	sld [smem:$0x3F8F];
	s0 =	simm.s32 @p1 $0x1  }
0x15: {  	[smem:$0x3FAC] =	sst s0;
	s0 =	simm.s32 @!p2 $0x0  }
0x16: {  	s3 =	sld [smem:$0x3FDB];
	s0 =	simm.s32 @p2 $0x1  }
0x17: {  	s4 =	simm.s32 $0x1BF5;
	[smem:$0x3FAE] =	sst s0  }
0x18: {  	s0 =	sld [smem:$0x3F91];
	_ =	swait.ge [sflag:s4], $0x0  }
0x19: {  	s7 =	sld [smem:$0x3F92]  }
0x1a: {  	s8 =	sadd.s32 $0xFFFFE003, lr  }
0x1b: {  	s9 =	sadd.s32 $0xFFFFFEF7, lr;
	s5 =	simm.s32 $0xFFFFFFFF;
	p2 =	slt.u32 s8, $0xFFFFF086  }
0x1c: {  	p1 =	slt.u32 s9, $0xF7A;
	s5 =	simm.s32 @!p2 $0x0  }
0x1d: {  	s5 =	simm.s32 @p1 $0x1;
	p0 =	seq.s32 s7, s2  }
0x1e: {  	s7 =	smul.u32 @!p0 $0xF7A, s2;
	p2 =	seq.s32 @!p0 s5, $0x0  }
0x1f: {  	s9 =	smul.u32 $0xF7A, s1;
	s8 =	simm.s32 @!p0 $0x1BF5;
	p2 =	por !p2, p0  }
0x20: {  	[sflag:s8] =	ssyncset.s32 @!p0 $0xFFFFF086;
	s6 =	sadd.s32 @!p0 s3, s7;
	s7 =	simm.s32 @!p0 $0x108  }
0x21: {  	s3 =	sadd.s32 s3, s9;
	s6 =	sadd.s32 @!p0 $0x88, s6;
	s7 =	simm.s32 @p2 $0x1082  }
0x22: {  	[simem:s7], [sflag:s8] =	dma.local @!p0 [hbm:s6], $0xF7A  }
0x23: {  	s9 =	sor.u32 $0xD0000000, s2;
	s6 =	simm.s32 $0x108;
	_ =	swait.ge @!p0 [sflag:s8], $0x0  }
0x24: {  	s3 =	sadd.s32 $0x88, s3;
	s6 =	simm.s32 @!p1 $0x1082;
	[sflag:s4] =	ssyncset.s32 $0xFFFFF086  }
0x25: {  	[simem:s6], [sflag:s4] =	dma.local [hbm:s3], $0xF7A  }
0x26: {  	[smem:$0x3F92] =	sst s1;
	(tag) =	ssettag s2;
	_ =	strace s9  }
0x27: {  	s1 =	sld [smem:$0x3FA2]  }
0x28: {  	s2 =	sld [smem:$0x3FA3]  }
0x29: {  	s4 =	sld [smem:$0x3FA5]  }
0x2a: {  	p0 =	seq.s32 s5, $0x0;
	s5 =	sld [smem:$0x3FA6]  }
0x2b: {  	s6 =	sld [smem:$0x3FA7]  }
0x2c: {  	s7 =	sld [smem:$0x3FA8]  }
0x2d: {  	s3 =	simm.s32 $0x108;
	s8 =	sld [smem:$0x3FA9]  }
0x2e: {  	s3 =	simm.s32 @!p0 $0x1082;
	s9 =	sld [smem:$0x3FAA]  }
0x2f: {  	lr =	sadd.s32 s0, s3;
	s0 =	sld [smem:$0x3FA1]  }
0x30: {  	s3 =	sld [smem:$0x3FA4]  }
0x31: {  	[smem:$0x3FAD] =	sst s10  }
0x32: {  	s10 =	sld [smem:$0x3FAB];
	_ =	sdelay $0x3  }
0x33: {  	p0 =	seq.s32 s10, $0x1;
	s10 =	sld [smem:$0x3FAD];
	_ =	sdelay $0x3  }
0x34: {  	[smem:$0x3FAD] =	sst s10  }
0x35: {  	s10 =	sld [smem:$0x3FAC];
	_ =	sdelay $0x3  }
0x36: {  	p1 =	seq.s32 s10, $0x1;
	s10 =	sld [smem:$0x3FAD];
	_ =	sdelay $0x3  }
0x37: {  	[smem:$0x3FAD] =	sst s10  }
0x38: {  	s10 =	sld [smem:$0x3FAE]  }
0x39: {  	_ = 	snop;
	(pc) =	sbr.ind lr, $3  }
0x3a: {  	_ = 	snop  }
0x3b: {  	_ = 	snop  }
0x3c: {  	p2 =	seq.s32 s10, $0x1;
	s10 =	sld [smem:$0x3FAD]  }
0x3d: {  	_ =	shalt  }
0x3e: {  	_ =	shalt  }
0x3f: {  	_ =	shalt  }
0x40: {  	_ =	shalt  }
0x41: {  	_ =	shalt  }
0x42: {  	_ =	shalt  }
0x43: {  	_ =	shalt  }
0x44: {  	_ =	shalt  }
0x45: {  	_ =	shalt  }
0x46: {  	_ =	shalt  }
0x47: {  	_ =	shalt  }
0x48: {  	_ =	shalt  }
0x49: {  	_ =	shalt  }
0x4a: {  	_ =	shalt  }
0x4b: {  	_ =	shalt  }
0x4c: {  	_ =	shalt  }
0x4d: {  	_ =	shalt  }
0x4e: {  	_ =	shalt  }
0x4f: {  	_ =	shalt  }
0x50: {  	_ =	shalt  }
0x51: {  	_ =	shalt  }
0x52: {  	_ =	shalt  }
0x53: {  	_ =	shalt  }
0x54: {  	_ =	shalt  }
0x55: {  	_ =	shalt  }
0x56: {  	_ =	shalt  }
0x57: {  	_ =	shalt  }
0x58: {  	_ =	shalt  }
0x59: {  	_ =	shalt  }
0x5a: {  	_ =	shalt  }
0x5b: {  	_ =	shalt  }
0x5c: {  	_ =	shalt  }
0x5d: {  	_ =	shalt  }
0x5e: {  	_ =	shalt  }
0x5f: {  	_ =	shalt  }
0x60: {  	_ =	shalt  }
0x61: {  	_ =	shalt  }
0x62: {  	_ =	shalt  }
0x63: {  	_ =	shalt  }
0x64: {  	_ =	shalt  }
0x65: {  	_ =	shalt  }
0x66: {  	_ =	shalt  }
0x67: {  	_ =	shalt  }
0x68: {  	_ =	shalt  }
0x69: {  	_ =	shalt  }
0x6a: {  	_ =	shalt  }
0x6b: {  	_ =	shalt  }
0x6c: {  	_ =	shalt  }
0x6d: {  	_ =	shalt  }
0x6e: {  	_ =	shalt  }
0x6f: {  	_ =	shalt  }
0x70: {  	_ =	shalt  }
0x71: {  	_ =	shalt  }
0x72: {  	_ =	shalt  }
0x73: {  	_ =	shalt  }
0x74: {  	_ =	shalt  }
0x75: {  	_ =	shalt  }
0x76: {  	_ =	shalt  }
0x77: {  	_ =	shalt  }
0x78: {  	_ =	shalt  }
0x79: {  	_ =	shalt  }
0x7a: {  	_ =	shalt  }
0x7b: {  	_ =	shalt  }
0x7c: {  	_ =	shalt  }
0x7d: {  	_ =	shalt  }
0x7e: {  	_ =	shalt  }
0x7f: {  	_ =	shalt  }
0x80: {  	_ =	shalt  }
0x81: {  	_ =	shalt  }
0x82: {  	_ =	shalt  }
0x83: {  	_ =	shalt  }
0x84: {  	_ =	shalt  }
0x85: {  	_ =	shalt  }
0x86: {  	_ =	shalt  }
0x87: {  	_ =	shalt  }
.Lfunc_end0:
.L_simem_size_0:
called_computation.1_lowered:
.L_overlay_start_0:
0x88: {  	s2 =	sld [smem:$0x3FD9]  }
0x89: {  	s3 =	sld [smem:$0x3FFE];
	_ =	sdelay $0x1  }
0x8a: {  	s1 =	srdreg.scid  }
0x8b: {  	s0 =	sand.u32 $0x1, s1  }
0x8c: {  	s17 =	sshll.u32 s0, $0xA;
	s2 =	sadd.s32 s3, s2  }
0x8d: {  	s2 =	sadd.s32 s2, s17  }
0x8e: {  	[smem:$0x3FB9] =	sst s2  }
0x8f: {  	_ = 	snop  }
0x90: {  	s2 =	sld [smem:$0x3FD0];
	(tm) =	ssettm $0x1  }
0x91: {  	s18 =	sld [smem:$0x3FFB];
	_ =	sdelay $0x3  }
0x92: {  	_ =	strace s18  }
0x93: {  	s3 =	sld [smem:$0x3FFC];
	_ =	sdelay $0x3  }
0x94: {  	_ =	strace s3  }
0x95: {  	s3 =	sld [smem:$0x3FFD];
	_ =	sdelay $0x3  }
0x96: {  	_ =	strace s3  }
0x97: {  	_ =	strace $0x8FFFFFFF  }
0x98: {  	s19 =	sld [smem:$0x3FDB];
	_ =	sdelay $0x1  }
0x99: {  	s4 =	simm.s32 $_scs_section_size  }
0x9a: {  	s5 =	simm.s32 $_size__tile_overlayer_lowered;
	s6 =	simm.s32 $_tile_overlayer_lowered  }
0x9b: {  	s22 =	simm.s32 $0x1BFF;
	s21 =	sshll.u32 s6, $0x1;
	s3 =	sadd.s32 s4, s19  }
0x9c: {  	s7 =	simm.s32 $0x0;
	s20 =	sshll.u32 s5, $0x1;
	s5 =	sadd.s32 s21, s3  }
0x9d: {  	[timem:s7], [sflag:s22] =	dma.local [hbm:s5], s20  }
0x9e: {  	_ =	swait.ge [sflag:s22], s20  }
0x9f: {  	s4 =	ssub.s32 $0x0, s20;
	[sflag:s22] =	ssyncset.done $0x0  }
0xa0: {  	[sflag:s22] =	ssyncadd.s32 s4;
	_ =	sdelay $0x1  }
0xa1: {  	s23 =	simm.s32 $0x1B8B  }
0xa2: {  	_ =	swait.ge [sflag:s23], $0x1  }
0xa3: {  	[sflag:s23] =	ssyncset.done $0x0  }
0xa4: {  	s25 =	simm.s32 $0x1B8E;
	s24 =	sld [smem:$0x3FFE];
	[sflag:s23] =	ssyncadd.s32 $0xFFFFFFFF  }
0xa5: {  	s26 =	simm.s32 $execute0_lowered;
	[smem:$0x3FD2] =	sst s25  }
0xa6: {  	s5 =	sshll.u32 s26, $0x1;
	_ =	strace $0x80000049;
	[dreg:$0x1] =	wrdreg $0xFFFFFFFF  }
0xa7: {  	s28 =	simm.s32 $_size_execute0_lowered;
	s3 =	sadd.s32 s3, s5;
	[dreg:$0x0] =	wrdreg $0x0  }
0xa8: {  	s5 =	sshll.u32 s28, $0x1;
	[dreg:$0x2] =	wrdreg s3  }
0xa9: {  	[dreg:$0x3] =	wrdreg s5  }
0xaa: {  	[dreg:$0x4] =	wrdreg $0xC0  }
0xab: {  	_ =	task [dreg:s7], $0x5FFFF  }
0xac: {  	[dreg:$0x1] =	wrdreg $0xFFFFFFFF  }
0xad: {  	[dreg:$0x0] =	wrdreg $0x60  }
0xae: {  	[dreg:$0x2] =	wrdreg s24  }
0xaf: {  	[dreg:$0x3] =	wrdreg s2  }
0xb0: {  	[dreg:$0x4] =	wrdreg $0xCD000  }
0xb1: {  	[dreg:$0x5] =	wrdreg $0x9  }
0xb2: {  	_ =	task.clear_ibuf [dreg:s7], $0x6FFFF;
	_ =	strace $0x90000049  }
0xb3: {  	s29 =	simm.s32 $0x9;
	_ =	strace $0x8000004B  }
0xb4: {  	_ =	swait.ge [sflag:s29], $0x1  }
0xb5: {  	[sflag:s29] =	ssyncadd.s32 $0xFFFFFFFF  }
0xb6: {  	_ =	strace $0x9000004B  }
0xb7: {  	_ =	sfence  }
0xb8: {  	s30 =	sld [smem:$0x0];
	_ =	sdelay $0x2  }
0xb9: {  	s31 =	sshll.u32 s1, $0xD;
	s1 =	sshrl.u32 s1, $0x2  }
0xba: {  	s3 =	sand.u32 $0x4000, s31;
	s1 =	sadd.s32 s1, s30  }
0xbb: {  	s0 =	sor.u32 s3, s0;
	s1 =	sshll.u32 s1, $0x11  }
0xbc: {  	s0 =	sor.u32 s1, s0  }
0xbd: {  	s0 =	sadd.s32 $0x8F2B, s0  }
0xbe: {  	[sflag:s0] =	ssyncadd.remote.s32 $0x1  }
0xbf: {  	_ =	sfence.sel $0xFFFF  }
0xc0: {  	[dreg:$0x0] =	wrdreg $0xFFFFFFFF;
	(pc) =	sbr.abs _section_cstart, $3  }
0xc1: {  	[dreg:$0x1] =	wrdreg $0xFFFFFFFF  }
0xc2: {  	_ =	task.clear_ibuf [dreg:s7], $0x2FFFF;
	_ =	strace $0x9FFFFFFF  }
0xc3: {  	(tm) =	ssettm $0x7FFFFFFF  }
tec
execute0_lowered:
.L_overlay_start_1:
0x0: {  	(tag) =	ssettag $0x1  }
0x1: {  	s0 =	rddreg [dreg:$0x0]  }
0x2: {  	s2 =	rddreg [dreg:$0x1]  }
0x3: {  	s3 =	rddreg [dreg:$0x2]  }
0x4: {  	s10 =	stileid.u32;
	s4 =	srdreg.scid;
	s6 =	simm.s32 $0x0  }
0x5: {  	s9 =	simm.s32 $0x4000;
	s12 =	simm.s32 $0x11;
	s14 =	simm.s32 $0x7D  }
0x6: {  	s15 =	simm.s32 $0x5000;
	s17 =	simm.s32 $0x5FA0;
	s19 =	simm.s32 $0x6F40  }
0x7: {  	s30 =	simm.s32 $0xBD60;
	s31 =	simm.s32 $0x1;
	s13 =	simm.s32 $0x5  }
0x8: {  	s16 =	simm.s32 $0x8;
	s28 =	simm.s32 $0xF;
	s1 =	smul.u32 $0x5000, s10  }
0x9: {  	s29 =	simm.s32 $0x10;
	s4 =	sand.u32 $0x1, s4;
	s5 =	smul.u32 $0xA00, s10  }
0xa: {  	[smem:$0x7FF] =	sst s6;
	s23 =	smul.u32 $0x2800, s10;
	s24 =	sshll.u32 s10, $0x6  }
0xb: {  	s21 =	smul.u32 $0xA000, s4;
	_ =	strace $0x8000004A;
	s22 =	ssub.s32 $0x2, s4  }
0xc: {  	p0 =	seq.s32 s4, $0x1;
	s6 =	sor.u32 $0x1C11, s24;
	s7 =	sshrl.u32 s1, $0x3  }
0xd: {  	s8 =	sshrl.u32 s22, $0x1;
	s1 =	sadd.s32 s1, s3;
	s9 =	simm.s32 @!p0 $0xE000  }
0xe: {  	s4 =	sshrl.u32 s23, $0x3;
	s23 =	simm.s32 $0x8E80;
	s5 =	sadd.s32 s5, s21  }
0xf: {  	s7 =	sadd.s32 s7, s0;
	s8 =	ssub.s32 s22, s8;
	s11 =	sshrl.u32 s1, $0x3  }
0x10: {  	s1 =	simm.s32 $0x3;
	s5 =	sadd.s32 s5, s0;
	s7 =	sadd.s32 $0x1FA00, s7  }
.Ltmp0:
0x11: {  	s26 =	smax.u32 s8, $0x1;
	[dreg:$0x4] =	wrdreg s7;
	(pc) =	sbr.rel .LBB2_1-.Ltmp0, $4  }
0x12: {  	s0 =	sadd.s32 s9, s0;
	s25 =	sadd.s32 $0x29A00, s5;
	[dreg:$0x7] =	wrdreg s26  }
0x13: {  	s0 =	sadd.s32 s0, s4;
	s26 =	simm.s32 $0xE;
	[dreg:$0x6] =	wrdreg s25  }
0x14: {  	s5 =	simm.s32 $0x0;
	[dreg:$0x5] =	wrdreg s0;
	s0 =	sadd.s32 $0x5000, s0  }
0x15: {  	s25 =	simm.s32 $0x9E20;
	[dreg:$0x8] =	wrdreg s0;
	s0 =	simm.s32 $0x2  }
.LBB2_4:
0x16: {  	s4 =	simm.s32 $0x9  }
0x17: {  	_ =	swait.ge [sflag:s4], $0xFA0  }
0x18: {  	[sflag:s4] =	ssyncset.done $0x0  }
0x19: {  	s10 =	simm.s32 $0xA;
	[sflag:s4] =	ssyncadd.s32 $0xFFFFF060  }
0x1a: {  	_ =	swait.ge [sflag:s10], $0xFA0  }
0x1b: {  	[sflag:s10] =	ssyncset.done $0x0  }
0x1c: {  	s18 =	simm.s32 $0xB;
	[sflag:s10] =	ssyncadd.s32 $0xFFFFF060  }
0x1d: {  	_ =	swait.ge [sflag:s18], $0xFA0  }
0x1e: {  	[sflag:s18] =	ssyncset.done $0x0  }
0x1f: {  	s20 =	simm.s32 $0xC;
	[sflag:s18] =	ssyncadd.s32 $0xFFFFF060  }
0x20: {  	_ =	swait.ge [sflag:s20], $0xFA0  }
0x21: {  	[sflag:s20] =	ssyncset.done $0x0  }
0x22: {  	s21 =	simm.s32 $0xD;
	[sflag:s20] =	ssyncadd.s32 $0xFFFFF060  }
0x23: {  	_ =	swait.ge [sflag:s21], $0xFA0  }
0x24: {  	[sflag:s21] =	ssyncset.done $0x0  }
0x25: {  	[sflag:s21] =	ssyncadd.s32 $0xFFFFF060  }
0x26: {  	_ =	swait.ge [sflag:s26], $0xFA0  }
0x27: {  	[sflag:s26] =	ssyncset.done $0x0  }
0x28: {  	[sflag:s26] =	ssyncadd.s32 $0xFFFFF060  }
0x29: {  	_ =	swait.ge [sflag:s28], $0xFA0  }
0x2a: {  	[sflag:s28] =	ssyncset.done $0x0  }
0x2b: {  	[sflag:s28] =	ssyncadd.s32 $0xFFFFF060  }
0x2c: {  	_ =	swait.ge [sflag:s29], $0xFA0  }
0x2d: {  	[sflag:s29] =	ssyncset.done $0x0  }
0x2e: {  	[sflag:s29] =	ssyncadd.s32 $0xFFFFF060  }
0x2f: {  	[bflag:$0x0] =	sbarrier.arrive $0xFFFF  }
0x30: {  	s22 =	rddreg [dreg:$0x6]  }
0x31: {  	[hbm:s22], [sflag:s6] =	dma.local [spmem:s11], $0xA00  }
0x32: {  	_ =	swait.ge [sflag:s12], $0xA00  }
0x33: {  	s5 =	sadd.s32 $0x1, s5;
	s24 =	rddreg [dreg:$0x7]  }
0x34: {  	p0 =	sne.s32 s5, s24  }
.Ltmp1:
0x35: {  	_ = 	snop;
	(pc) =	sbr.rel @!p0 .LBB2_5-.Ltmp1, $3  }
0x36: {  	_ =	sdelay $0x1  }
0x37: {  	[sflag:s12] =	ssyncset.done $0x0  }
0x38: {  	[sflag:s12] =	ssyncadd.s32 $0xFFFFF600  }
.LBB2_1:
0x39: {  	s4 =	rddreg [dreg:$0x4]  }
0x3a: {  	[spmem:s11], [sflag:s6] =	dma.local [hbm:s4], $0xA00  }
0x3b: {  	_ =	swait.ge [sflag:s12], $0xA00  }
0x3c: {  	[sflag:s12] =	ssyncset.done $0x0  }
0x3d: {  	s22 =	simm.s32 $0x0;
	s7 =	rddreg [dreg:$0x5];
	[sflag:s12] =	ssyncadd.s32 $0xFFFFF600  }
0x3e: {  	[tilespmem:s22], [sflag:$0x11] =	stream.linear.gather [hbm4b:s7+s22], $0x2800, $0x38;
	[tilespmem:$0x11D00] =	vst v63  }
0x3f: {  	_ =	swait.ge [sflag:s12], $0x2800  }
0x40: {  	[sflag:s12] =	ssyncset.done $0x0  }
0x41: {  	s8 =	simm.s32 $0x2800;
	s24 =	rddreg [dreg:$0x8];
	[sflag:s12] =	ssyncadd.s32 $0xFFFFD800  }
0x42: {  	[tilespmem:s8], [sflag:$0x11] =	stream.linear.gather [hbm4b:s24+s22], $0x2800, $0x38;
	[tilespmem:$0x11D00] =	vst v63  }
0x43: {  	_ =	swait.ge [sflag:s12], $0x2800  }
0x44: {  	[sflag:s12] =	ssyncset.done $0x0  }
0x45: {  	[sflag:s12] =	ssyncadd.s32 $0xFFFFD800  }
0x46: {  	[bflag:$0x0] =	sbarrier.arrive $0xFFFF  }
0x47: {  	[tilespmem:s15], [sflag:$0x1] =	stream.indirect.gather [hbm4b:s2+s14], $0x20, s22, s14, $0xb8;
	[tilespmem:$0x11D00] =	vst v63  }
0x48: {  	s7 =	simm.s32 $0x80  }
0x49: {  	[tilespmem:s17], [sflag:$0x2] =	stream.indirect.gather [hbm4b:s2+s14], $0x20, s7, s14, $0xb8;
	[tilespmem:$0x11D00] =	vst v63  }
0x4a: {  	s8 =	simm.s32 $0x100  }
0x4b: {  	[tilespmem:s19], [sflag:$0x3] =	stream.indirect.gather [hbm4b:s2+s14], $0x20, s8, s14, $0xb8;
	[tilespmem:$0x11D00] =	vst v63  }
0x4c: {  	s9 =	simm.s32 $0x180;
	s10 =	simm.s32 $0x7EE0  }
0x4d: {  	[tilespmem:s10], [sflag:$0x4] =	stream.indirect.gather [hbm4b:s2+s14], $0x20, s9, s14, $0xb8;
	[tilespmem:$0x11D00] =	vst v63  }
0x4e: {  	s18 =	simm.s32 $0x200  }
0x4f: {  	[tilespmem:s23], [sflag:$0x5] =	stream.indirect.gather [hbm4b:s2+s14], $0x20, s18, s14, $0xb8;
	[tilespmem:$0x11D00] =	vst v63  }
0x50: {  	s20 =	simm.s32 $0x280  }
0x51: {  	[tilespmem:s25], [sflag:$0x6] =	stream.indirect.gather [hbm4b:s2+s14], $0x20, s20, s14, $0xb8;
	[tilespmem:$0x11D00] =	vst v63  }
0x52: {  	s21 =	simm.s32 $0x300;
	s22 =	simm.s32 $0xADC0  }
0x53: {  	[tilespmem:s22], [sflag:$0x7] =	stream.indirect.gather [hbm4b:s2+s14], $0x20, s21, s14, $0xb8;
	[tilespmem:$0x11D00] =	vst v63  }
0x54: {  	s24 =	simm.s32 $0x380;
	s8 =	simm.s32 $0xFFFFFFF8;
	s9 =	simm.s32 $0x0  }
0x55: {  	[tilespmem:s30], [sflag:$0x8] =	stream.indirect.gather [hbm4b:s2+s14], $0x20, s24, s14, $0xb8;
	[tilespmem:$0x11D00] =	vst v63  }
.LBB2_2:
0x56: {  	_ =	swait.ge [sflag:s31], $0xFA0  }
0x57: {  	s10 =	sshra.s32 s9, $0x2;
	[sflag:s31] =	ssyncset.done $0x0  }
0x58: {  	p0 =	sgt.u32 s8, $0x47;
	s4 =	sadd.s32 $0x2800, s10;
	[sflag:s31] =	ssyncadd.s32 $0xFFFFF060  }
0x59: {  	[spmem:s3] =	stream.indirect.scatter.add.f32 [tilespmem:s15], [sflag:$0x9], $0x20, s4, s14, $0xb8;
	[tilespmem:$0x11D00] =	vst v63  }
0x5a: {  	s4 =	simm.s32 @!p0 $0xF  }
0x5b: {  	_ =	swait.ge @!p0 [sflag:s4], $0xFA0  }
0x5c: {  	[sflag:s4] =	ssyncset.done @!p0 $0x0  }
0x5d: {  	[sflag:s4] =	ssyncadd.s32 @!p0 $0xFFFFF060;
	s4 =	sshra.s32 @!p0 s9, $0x2  }
0x5e: {  	s7 =	simm.s32 @!p0 $0x7D;
	s18 =	simm.s32 @!p0 $0xADC0;
	s4 =	sadd.s32 @!p0 $0x300, s4  }
0x5f: {  	[tilespmem:s18], [sflag:$0x7] =	stream.indirect.gather @!p0 [hbm4b:s2+s7], $0x20, s4, s7, $0xb8;
	[tilespmem:$0x11D00] =	vst v63  }
0x60: {  	_ =	swait.ge [sflag:s0], $0xFA0  }
0x61: {  	p0 =	seq.s32 s9, $0x0;
	[sflag:s0] =	ssyncset.done $0x0  }
0x62: {  	s21 =	sadd.s32 $0x2880, s10;
	s4 =	simm.s32 @!p0 $0x10;
	[sflag:s0] =	ssyncadd.s32 $0xFFFFF060  }
0x63: {  	[spmem:s3] =	stream.indirect.scatter.add.f32 [tilespmem:s17], [sflag:$0xA], $0x20, s21, s14, $0xb8;
	[tilespmem:$0x11D00] =	vst v63  }
0x64: {  	_ =	swait.ge @!p0 [sflag:s4], $0xFA0  }
0x65: {  	[sflag:s4] =	ssyncset.done @!p0 $0x0  }
0x66: {  	[sflag:s4] =	ssyncadd.s32 @!p0 $0xFFFFF060;
	s4 =	sshra.s32 @!p0 s9, $0x2  }
0x67: {  	s7 =	simm.s32 @!p0 $0x7D;
	s18 =	simm.s32 @!p0 $0xBD60;
	s4 =	sadd.s32 @!p0 $0x380, s4  }
0x68: {  	[tilespmem:s18], [sflag:$0x8] =	stream.indirect.gather @!p0 [hbm4b:s2+s7], $0x20, s4, s7, $0xb8;
	[tilespmem:$0x11D00] =	vst v63  }
0x69: {  	_ =	swait.ge [sflag:s1], $0xFA0  }
0x6a: {  	p0 =	seq.s32 s9, $0x9000;
	[sflag:s1] =	ssyncset.done $0x0  }
0x6b: {  	s22 =	sadd.s32 $0x2900, s10;
	s4 =	simm.s32 @p0 $0x4;
	[sflag:s1] =	ssyncadd.s32 $0xFFFFF060  }
0x6c: {  	[spmem:s3] =	stream.indirect.scatter.add.f32 [tilespmem:s19], [sflag:$0xB], $0x20, s22, s14, $0xb8;
	[tilespmem:$0x11D00] =	vst v63  }
0x6d: {  	_ =	swait.ge @p0 [sflag:s4], $0xFA0  }
0x6e: {  	s18 =	sshra.s32 @p0 s9, $0x2;
	s20 =	simm.s32 @p0 $0x7D;
	[sflag:s4] =	ssyncset.done @p0 $0x0  }
0x6f: {  	s7 =	simm.s32 @p0 $0x7EE0;
	[sflag:s4] =	ssyncadd.s32 @p0 $0xFFFFF060;
	s4 =	sadd.s32 @p0 $0x2980, s18  }
0x70: {  	[spmem:s3] =	stream.indirect.scatter.add.f32 @p0 [tilespmem:s7], [sflag:$0xC], $0x20, s4, s20, $0xb8;
	[tilespmem:$0x11D00] =	vst v63  }
0x71: {  	s4 =	simm.s32 @!p0 $0x9  }
0x72: {  	_ =	swait.ge @!p0 [sflag:s4], $0xFA0  }
0x73: {  	s22 =	simm.s32 @!p0 $0x5000;
	s7 =	sshra.s32 @!p0 s9, $0x2;
	[sflag:s4] =	ssyncset.done @!p0 $0x0  }
0x74: {  	s21 =	sadd.s32 @!p0 $0x400, s7;
	[sflag:s4] =	ssyncadd.s32 @!p0 $0xFFFFF060;
	s4 =	simm.s32 @!p0 $0x7D  }
0x75: {  	[tilespmem:s22], [sflag:$0x1] =	stream.indirect.gather @!p0 [hbm4b:s2+s4], $0x20, s21, s4, $0xb8;
	[tilespmem:$0x11D00] =	vst v63  }
0x76: {  	s21 =	simm.s32 @!p0 $0x4  }
0x77: {  	_ =	swait.ge @!p0 [sflag:s21], $0xFA0  }
0x78: {  	[sflag:s21] =	ssyncset.done @!p0 $0x0  }
0x79: {  	s22 =	simm.s32 @!p0 $0x7EE0;
	[sflag:s21] =	ssyncadd.s32 @!p0 $0xFFFFF060;
	s21 =	sadd.s32 @!p0 $0x2980, s7  }
0x7a: {  	[spmem:s3] =	stream.indirect.scatter.add.f32 @!p0 [tilespmem:s22], [sflag:$0xC], $0x20, s21, s4, $0xb8;
	[tilespmem:$0x11D00] =	vst v63  }
0x7b: {  	s21 =	simm.s32 @!p0 $0xA  }
0x7c: {  	_ =	swait.ge @!p0 [sflag:s21], $0xFA0  }
0x7d: {  	[sflag:s21] =	ssyncset.done @!p0 $0x0  }
0x7e: {  	s24 =	simm.s32 @!p0 $0x5FA0;
	[sflag:s21] =	ssyncadd.s32 @!p0 $0xFFFFF060;
	s21 =	sadd.s32 @!p0 $0x480, s7  }
0x7f: {  	[tilespmem:s24], [sflag:$0x2] =	stream.indirect.gather @!p0 [hbm4b:s2+s4], $0x20, s21, s4, $0xb8;
	[tilespmem:$0x11D00] =	vst v63  }
0x80: {  	_ =	swait.ge [sflag:s13], $0xFA0  }
0x81: {  	[sflag:s13] =	ssyncset.done $0x0  }
0x82: {  	s24 =	sadd.s32 $0x2A00, s10;
	s21 =	simm.s32 @p0 $0x6;
	[sflag:s13] =	ssyncadd.s32 $0xFFFFF060  }
0x83: {  	[spmem:s3] =	stream.indirect.scatter.add.f32 [tilespmem:s23], [sflag:$0xD], $0x20, s24, s14, $0xb8;
	[tilespmem:$0x11D00] =	vst v63  }
0x84: {  	_ =	swait.ge @p0 [sflag:s21], $0xFA0  }
0x85: {  	[sflag:s21] =	ssyncset.done @p0 $0x0  }
0x86: {  	s18 =	sadd.s32 @p0 $0x2A80, s18;
	[sflag:s21] =	ssyncadd.s32 @p0 $0xFFFFF060;
	s21 =	simm.s32 @p0 $0x9E20  }
0x87: {  	[spmem:s3] =	stream.indirect.scatter.add.f32 @p0 [tilespmem:s21], [sflag:$0xE], $0x20, s18, s20, $0xb8;
	[tilespmem:$0x11D00] =	vst v63  }
0x88: {  	s18 =	simm.s32 @p0 $0x7  }
0x89: {  	_ =	swait.ge @p0 [sflag:s18], $0xFA0  }
0x8a: {  	[sflag:s18] =	ssyncset.done @p0 $0x0  }
0x8b: {  	s21 =	simm.s32 @p0 $0xADC0;
	[sflag:s18] =	ssyncadd.s32 @p0 $0xFFFFF060;
	s18 =	simm.s32 @p0 $0x4F00  }
0x8c: {  	[spmem:s3] =	stream.indirect.scatter.add.f32 @p0 [tilespmem:s21], [sflag:$0xF], $0x20, s18, s20, $0xb8;
	[tilespmem:$0x11D00] =	vst v63  }
0x8d: {  	s18 =	simm.s32 @!p0 $0xB  }
0x8e: {  	_ =	swait.ge @!p0 [sflag:s18], $0xFA0  }
0x8f: {  	[sflag:s18] =	ssyncset.done @!p0 $0x0  }
0x90: {  	s20 =	simm.s32 @!p0 $0x6F40;
	[sflag:s18] =	ssyncadd.s32 @!p0 $0xFFFFF060;
	s18 =	sadd.s32 @!p0 $0x500, s7  }
0x91: {  	[tilespmem:s20], [sflag:$0x3] =	stream.indirect.gather @!p0 [hbm4b:s2+s4], $0x20, s18, s4, $0xb8;
	[tilespmem:$0x11D00] =	vst v63  }
0x92: {  	s18 =	simm.s32 @!p0 $0x6  }
0x93: {  	_ =	swait.ge @!p0 [sflag:s18], $0xFA0  }
0x94: {  	[sflag:s18] =	ssyncset.done @!p0 $0x0  }
0x95: {  	s20 =	simm.s32 @!p0 $0x9E20;
	[sflag:s18] =	ssyncadd.s32 @!p0 $0xFFFFF060;
	s18 =	sadd.s32 @!p0 $0x2A80, s7  }
0x96: {  	[spmem:s3] =	stream.indirect.scatter.add.f32 @!p0 [tilespmem:s20], [sflag:$0xE], $0x20, s18, s4, $0xb8;
	[tilespmem:$0x11D00] =	vst v63  }
0x97: {  	s18 =	simm.s32 @!p0 $0xC  }
0x98: {  	_ =	swait.ge @!p0 [sflag:s18], $0xFA0  }
0x99: {  	[sflag:s18] =	ssyncset.done @!p0 $0x0  }
0x9a: {  	[sflag:s18] =	ssyncadd.s32 @!p0 $0xFFFFF060;
	s18 =	sadd.s32 @!p0 $0x580, s7  }
0x9b: {  	[tilespmem:s22], [sflag:$0x4] =	stream.indirect.gather @!p0 [hbm4b:s2+s4], $0x20, s18, s4, $0xb8;
	[tilespmem:$0x11D00] =	vst v63  }
0x9c: {  	s18 =	simm.s32 @!p0 $0x7  }
0x9d: {  	_ =	swait.ge @!p0 [sflag:s18], $0xFA0  }
0x9e: {  	[sflag:s18] =	ssyncset.done @!p0 $0x0  }
0x9f: {  	s20 =	simm.s32 @!p0 $0xADC0;
	[sflag:s18] =	ssyncadd.s32 @!p0 $0xFFFFF060;
	s18 =	sadd.s32 @!p0 $0x2B00, s7  }
0xa0: {  	[spmem:s3] =	stream.indirect.scatter.add.f32 @!p0 [tilespmem:s20], [sflag:$0xF], $0x20, s18, s4, $0xb8;
	[tilespmem:$0x11D00] =	vst v63  }
0xa1: {  	s18 =	simm.s32 @!p0 $0xD  }
0xa2: {  	_ =	swait.ge @!p0 [sflag:s18], $0xFA0  }
0xa3: {  	[sflag:s18] =	ssyncset.done @!p0 $0x0  }
0xa4: {  	s7 =	sadd.s32 @!p0 $0x600, s7;
	[sflag:s18] =	ssyncadd.s32 @!p0 $0xFFFFF060;
	s18 =	simm.s32 @!p0 $0x8E80  }
0xa5: {  	[tilespmem:s18], [sflag:$0x5] =	stream.indirect.gather @!p0 [hbm4b:s2+s4], $0x20, s7, s4, $0xb8;
	[tilespmem:$0x11D00] =	vst v63  }
.Ltmp2:
0xa6: {  	_ = 	snop;
	(pc) =	sbr.rel @p0 .LBB2_4-.Ltmp2, $4  }
0xa7: {  	_ =	swait.ge [sflag:s16], $0xFA0  }
0xa8: {  	[sflag:s16] =	ssyncset.done $0x0  }
0xa9: {  	s24 =	sadd.s32 $0x2B80, s10;
	[sflag:s16] =	ssyncadd.s32 $0xFFFFF060  }
0xaa: {  	[spmem:s3] =	stream.indirect.scatter.add.f32 [tilespmem:s30], [sflag:$0x10], $0x20, s24, s14, $0xb8;
	[tilespmem:$0x11D00] =	vst v63  }
.Ltmp3:
0xab: {  	(pc) =	sbr.rel .LBB2_2-.Ltmp3, $4  }
0xac: {  	_ =	swait.ge [sflag:s26], $0xFA0  }
0xad: {  	s4 =	sadd.s32 $0x680, s10;
	[sflag:s26] =	ssyncset.done $0x0  }
0xae: {  	s9 =	sadd.s32 $0x1000, s9;
	s8 =	sadd.s32 $0x8, s8;
	[sflag:s26] =	ssyncadd.s32 $0xFFFFF060  }
0xaf: {  	[tilespmem:s25], [sflag:$0x6] =	stream.indirect.gather [hbm4b:s2+s14], $0x20, s4, s14, $0xb8;
	[tilespmem:$0x11D00] =	vst v63  }
.LBB2_5:
0xb0: {  	_ =	sfence.sel $0x180000  }
0xb1: {  	[bflag:$0x0] =	sbarrier.arrive $0xFFFF  }
0xb2: {  	_ =	strace $0x9000004A  }
0xb3: {  	s0 =	stileid.u32;
	[bflag:$0x2] =	sbarrier.arrive $0xFFFF  }
0xb4: {  	p0 =	sne.s32 s0, $0x0;
	s0 =	rddreg [dreg:$0x3]  }
0xb5: {  	s0 =	sadd.s32 @!p0 $0x100000, s0  }
0xb6: {  	[sflag:s0] =	ssyncadd.tile.s32 @!p0 $0x1;
	_ =	shalt  }
.Lfunc_end2:
_tile_overlayer_lowered:
.L_overlay_start_2:
0xb7: {  	(tag) =	ssettag $0x2  }
0xb8: {  	s0 =	rddreg [dreg:$0x0];
	s2 =	stileid.u32  }
0xb9: {  	s1 =	rddreg [dreg:$0x1];
	p0 =	sne.s32 s2, $0x0  }
0xba: {  	s3 =	rddreg [dreg:$0x2];
	[bflag:$0x3] =	sbarrier.arrive $0xFFFF;
	s2 =	simm.s32 @!p0 $0x1C11  }
0xbb: {  	[timem:s3], [sflag:s2] =	dma.local @!p0 [hbm:s0], s1  }
0xbc: {  	s0 =	simm.s32 @!p0 $0x11  }
0xbd: {  	_ =	swait.ge @!p0 [sflag:s0], s1  }
0xbe: {  	s1 =	ssub.s32 @!p0 $0x0, s1;
	[sflag:s0] =	ssyncset.done @!p0 $0x0  }
0xbf: {  	[sflag:s0] =	ssyncadd.s32 @!p0 s1  }
0xc0: {  	[bflag:$0x3] =	sbarrier.arrive $0xFFFF  }
0xc1: {  	_ =	shalt  }

// kernel: kernel.14.cloned.1.call-start
scs
__scs_entry_jumppad:
0x0: {  	(pc) =	sbr.rel $0x88, $3  }
0x1: {  	(tag) =	ssettag $0x0;
	lr =	simm.s32 $0x1  }
0x2: {  	[smem:$0x3F92] =	sst lr;
	_ =	strace $0xD0000000  }
0x3: {  	_ = 	snop  }
0x4: {  	_ = 	snop  }
0x5: {  	_ = 	snop  }
0x6: {  	_ = 	snop  }
0x7: {  	_ = 	snop  }
__scs_overlays_trampoline_lowered:
0x8: {  	[smem:$0x3FA1] =	sst s0  }
0x9: {  	[smem:$0x3FA2] =	sst s1  }
0xa: {  	[smem:$0x3FA3] =	sst s2  }
0xb: {  	[smem:$0x3FA4] =	sst s3  }
0xc: {  	[smem:$0x3FA5] =	sst s4  }
0xd: {  	[smem:$0x3FA6] =	sst s5  }
0xe: {  	[smem:$0x3FA7] =	sst s6  }
0xf: {  	[smem:$0x3FA8] =	sst s7  }
0x10: {  	[smem:$0x3FA9] =	sst s8  }
0x11: {  	[smem:$0x3FAA] =	sst s9;
	s0 =	simm.s32 @!p0 $0x0  }
0x12: {  	s1 =	sld [smem:$0x3F90];
	s0 =	simm.s32 @p0 $0x1  }
0x13: {  	[smem:$0x3FAB] =	sst s0;
	s0 =	simm.s32 @!p1 $0x0  }
0x14: {  	s2 =	sld [smem:$0x3F8F];
	s0 =	simm.s32 @p1 $0x1  }
0x15: {  	[smem:$0x3FAC] =	sst s0;
	s0 =	simm.s32 @!p2 $0x0  }
0x16: {  	s3 =	sld [smem:$0x3FDB];
	s0 =	simm.s32 @p2 $0x1  }
0x17: {  	s4 =	simm.s32 $0x1BF5;
	[smem:$0x3FAE] =	sst s0  }
0x18: {  	s0 =	sld [smem:$0x3F91];
	_ =	swait.ge [sflag:s4], $0x0  }
0x19: {  	s7 =	sld [smem:$0x3F92]  }
0x1a: {  	s8 =	sadd.s32 $0xFFFFE003, lr  }
0x1b: {  	s9 =	sadd.s32 $0xFFFFFEF7, lr;
	s5 =	simm.s32 $0xFFFFFFFF;
	p2 =	slt.u32 s8, $0xFFFFF086  }
0x1c: {  	p1 =	slt.u32 s9, $0xF7A;
	s5 =	simm.s32 @!p2 $0x0  }
0x1d: {  	s5 =	simm.s32 @p1 $0x1;
	p0 =	seq.s32 s7, s2  }
0x1e: {  	s7 =	smul.u32 @!p0 $0xF7A, s2;
	p2 =	seq.s32 @!p0 s5, $0x0  }
0x1f: {  	s9 =	smul.u32 $0xF7A, s1;
	s8 =	simm.s32 @!p0 $0x1BF5;
	p2 =	por !p2, p0  }
0x20: {  	[sflag:s8] =	ssyncset.s32 @!p0 $0xFFFFF086;
	s6 =	sadd.s32 @!p0 s3, s7;
	s7 =	simm.s32 @!p0 $0x108  }
0x21: {  	s3 =	sadd.s32 s3, s9;
	s6 =	sadd.s32 @!p0 $0x88, s6;
	s7 =	simm.s32 @p2 $0x1082  }
0x22: {  	[simem:s7], [sflag:s8] =	dma.local @!p0 [hbm:s6], $0xF7A  }
0x23: {  	s9 =	sor.u32 $0xD0000000, s2;
	s6 =	simm.s32 $0x108;
	_ =	swait.ge @!p0 [sflag:s8], $0x0  }
0x24: {  	s3 =	sadd.s32 $0x88, s3;
	s6 =	simm.s32 @!p1 $0x1082;
	[sflag:s4] =	ssyncset.s32 $0xFFFFF086  }
0x25: {  	[simem:s6], [sflag:s4] =	dma.local [hbm:s3], $0xF7A  }
0x26: {  	[smem:$0x3F92] =	sst s1;
	(tag) =	ssettag s2;
	_ =	strace s9  }
0x27: {  	s1 =	sld [smem:$0x3FA2]  }
0x28: {  	s2 =	sld [smem:$0x3FA3]  }
0x29: {  	s4 =	sld [smem:$0x3FA5]  }
0x2a: {  	p0 =	seq.s32 s5, $0x0;
	s5 =	sld [smem:$0x3FA6]  }
0x2b: {  	s6 =	sld [smem:$0x3FA7]  }
0x2c: {  	s7 =	sld [smem:$0x3FA8]  }
0x2d: {  	s3 =	simm.s32 $0x108;
	s8 =	sld [smem:$0x3FA9]  }
0x2e: {  	s3 =	simm.s32 @!p0 $0x1082;
	s9 =	sld [smem:$0x3FAA]  }
0x2f: {  	lr =	sadd.s32 s0, s3;
	s0 =	sld [smem:$0x3FA1]  }
0x30: {  	s3 =	sld [smem:$0x3FA4]  }
0x31: {  	[smem:$0x3FAD] =	sst s10  }
0x32: {  	s10 =	sld [smem:$0x3FAB];
	_ =	sdelay $0x3  }
0x33: {  	p0 =	seq.s32 s10, $0x1;
	s10 =	sld [smem:$0x3FAD];
	_ =	sdelay $0x3  }
0x34: {  	[smem:$0x3FAD] =	sst s10  }
0x35: {  	s10 =	sld [smem:$0x3FAC];
	_ =	sdelay $0x3  }
0x36: {  	p1 =	seq.s32 s10, $0x1;
	s10 =	sld [smem:$0x3FAD];
	_ =	sdelay $0x3  }
0x37: {  	[smem:$0x3FAD] =	sst s10  }
0x38: {  	s10 =	sld [smem:$0x3FAE]  }
0x39: {  	_ = 	snop;
	(pc) =	sbr.ind lr, $3  }
0x3a: {  	_ = 	snop  }
0x3b: {  	_ = 	snop  }
0x3c: {  	p2 =	seq.s32 s10, $0x1;
	s10 =	sld [smem:$0x3FAD]  }
0x3d: {  	_ =	shalt  }
0x3e: {  	_ =	shalt  }
0x3f: {  	_ =	shalt  }
0x40: {  	_ =	shalt  }
0x41: {  	_ =	shalt  }
0x42: {  	_ =	shalt  }
0x43: {  	_ =	shalt  }
0x44: {  	_ =	shalt  }
0x45: {  	_ =	shalt  }
0x46: {  	_ =	shalt  }
0x47: {  	_ =	shalt  }
0x48: {  	_ =	shalt  }
0x49: {  	_ =	shalt  }
0x4a: {  	_ =	shalt  }
0x4b: {  	_ =	shalt  }
0x4c: {  	_ =	shalt  }
0x4d: {  	_ =	shalt  }
0x4e: {  	_ =	shalt  }
0x4f: {  	_ =	shalt  }
0x50: {  	_ =	shalt  }
0x51: {  	_ =	shalt  }
0x52: {  	_ =	shalt  }
0x53: {  	_ =	shalt  }
0x54: {  	_ =	shalt  }
0x55: {  	_ =	shalt  }
0x56: {  	_ =	shalt  }
0x57: {  	_ =	shalt  }
0x58: {  	_ =	shalt  }
0x59: {  	_ =	shalt  }
0x5a: {  	_ =	shalt  }
0x5b: {  	_ =	shalt  }
0x5c: {  	_ =	shalt  }
0x5d: {  	_ =	shalt  }
0x5e: {  	_ =	shalt  }
0x5f: {  	_ =	shalt  }
0x60: {  	_ =	shalt  }
0x61: {  	_ =	shalt  }
0x62: {  	_ =	shalt  }
0x63: {  	_ =	shalt  }
0x64: {  	_ =	shalt  }
0x65: {  	_ =	shalt  }
0x66: {  	_ =	shalt  }
0x67: {  	_ =	shalt  }
0x68: {  	_ =	shalt  }
0x69: {  	_ =	shalt  }
0x6a: {  	_ =	shalt  }
0x6b: {  	_ =	shalt  }
0x6c: {  	_ =	shalt  }
0x6d: {  	_ =	shalt  }
0x6e: {  	_ =	shalt  }
0x6f: {  	_ =	shalt  }
0x70: {  	_ =	shalt  }
0x71: {  	_ =	shalt  }
0x72: {  	_ =	shalt  }
0x73: {  	_ =	shalt  }
0x74: {  	_ =	shalt  }
0x75: {  	_ =	shalt  }
0x76: {  	_ =	shalt  }
0x77: {  	_ =	shalt  }
0x78: {  	_ =	shalt  }
0x79: {  	_ =	shalt  }
0x7a: {  	_ =	shalt  }
0x7b: {  	_ =	shalt  }
0x7c: {  	_ =	shalt  }
0x7d: {  	_ =	shalt  }
0x7e: {  	_ =	shalt  }
0x7f: {  	_ =	shalt  }
0x80: {  	_ =	shalt  }
0x81: {  	_ =	shalt  }
0x82: {  	_ =	shalt  }
0x83: {  	_ =	shalt  }
0x84: {  	_ =	shalt  }
0x85: {  	_ =	shalt  }
0x86: {  	_ =	shalt  }
0x87: {  	_ =	shalt  }
.Lfunc_end0:
.L_simem_size_0:
called_computation.2_lowered:
.L_overlay_start_0:
0x88: {  	s2 =	sld [smem:$0x3FD9]  }
0x89: {  	s3 =	sld [smem:$0x3FFE];
	_ =	sdelay $0x1  }
0x8a: {  	s1 =	srdreg.scid  }
0x8b: {  	s0 =	sand.u32 $0x1, s1  }
0x8c: {  	s16 =	sshll.u32 s0, $0xA;
	s2 =	sadd.s32 s3, s2  }
0x8d: {  	s2 =	sadd.s32 s2, s16  }
0x8e: {  	[smem:$0x3FB9] =	sst s2  }
0x8f: {  	_ = 	snop  }
0x90: {  	(tm) =	ssettm $0x1  }
0x91: {  	s17 =	sld [smem:$0x3FFB];
	_ =	sdelay $0x3  }
0x92: {  	_ =	strace s17  }
0x93: {  	s2 =	sld [smem:$0x3FFC];
	_ =	sdelay $0x3  }
0x94: {  	_ =	strace s2  }
0x95: {  	s2 =	sld [smem:$0x3FFD];
	_ =	sdelay $0x3  }
0x96: {  	_ =	strace s2  }
0x97: {  	_ =	strace $0x8FFFFFFF  }
0x98: {  	s18 =	sld [smem:$0x3FDB];
	_ =	sdelay $0x1  }
0x99: {  	s19 =	simm.s32 $_scs_section_size  }
0x9a: {  	s4 =	simm.s32 $_size__tile_overlayer_lowered;
	s5 =	simm.s32 $_tile_overlayer_lowered  }
0x9b: {  	s22 =	simm.s32 $0x1BFF;
	s21 =	sshll.u32 s5, $0x1;
	s2 =	sadd.s32 s19, s18  }
0x9c: {  	s6 =	simm.s32 $0x0;
	s20 =	sshll.u32 s4, $0x1;
	s4 =	sadd.s32 s21, s2  }
0x9d: {  	[timem:s6], [sflag:s22] =	dma.local [hbm:s4], s20  }
0x9e: {  	_ =	swait.ge [sflag:s22], s20  }
0x9f: {  	s3 =	ssub.s32 $0x0, s20;
	[sflag:s22] =	ssyncset.done $0x0  }
0xa0: {  	[sflag:s22] =	ssyncadd.s32 s3;
	_ =	sdelay $0x1  }
0xa1: {  	s23 =	simm.s32 $0x1B8B  }
0xa2: {  	_ =	swait.ge [sflag:s23], $0x1  }
0xa3: {  	[sflag:s23] =	ssyncset.done $0x0  }
0xa4: {  	s25 =	simm.s32 $0x1B8E;
	s24 =	sld [smem:$0x3FFE];
	[sflag:s23] =	ssyncadd.s32 $0xFFFFFFFF  }
0xa5: {  	s26 =	simm.s32 $execute0_lowered;
	[smem:$0x3FD2] =	sst s25  }
0xa6: {  	s4 =	sshll.u32 s26, $0x1;
	_ =	strace $0x8000004C;
	[dreg:$0x1] =	wrdreg $0xFFFFFFFF  }
0xa7: {  	s28 =	simm.s32 $_size_execute0_lowered;
	s2 =	sadd.s32 s2, s4;
	[dreg:$0x0] =	wrdreg $0x0  }
0xa8: {  	s4 =	sshll.u32 s28, $0x1;
	[dreg:$0x2] =	wrdreg s2  }
0xa9: {  	[dreg:$0x3] =	wrdreg s4  }
0xaa: {  	[dreg:$0x4] =	wrdreg $0xC0  }
0xab: {  	_ =	task [dreg:s6], $0x5FFFF  }
0xac: {  	[dreg:$0x1] =	wrdreg $0xFFFFFFFF  }
0xad: {  	[dreg:$0x0] =	wrdreg $0x60  }
0xae: {  	[dreg:$0x2] =	wrdreg s24  }
0xaf: {  	[dreg:$0x3] =	wrdreg $0x14A000  }
0xb0: {  	[dreg:$0x4] =	wrdreg $0x9  }
0xb1: {  	_ =	task.clear_ibuf [dreg:s6], $0x5FFFF;
	_ =	strace $0x9000004C  }
0xb2: {  	s29 =	simm.s32 $0x9;
	_ =	strace $0x8000004E  }
0xb3: {  	_ =	swait.ge [sflag:s29], $0x1  }
0xb4: {  	[sflag:s29] =	ssyncadd.s32 $0xFFFFFFFF  }
0xb5: {  	_ =	strace $0x9000004E  }
0xb6: {  	_ =	sfence  }
0xb7: {  	s30 =	sld [smem:$0x0];
	_ =	sdelay $0x2  }
0xb8: {  	s31 =	sshll.u32 s1, $0xD;
	s1 =	sshrl.u32 s1, $0x2  }
0xb9: {  	s3 =	sand.u32 $0x4000, s31;
	s1 =	sadd.s32 s1, s30  }
0xba: {  	s0 =	sor.u32 s3, s0;
	s1 =	sshll.u32 s1, $0x11  }
0xbb: {  	s0 =	sor.u32 s1, s0  }
0xbc: {  	s0 =	sadd.s32 $0x8F2B, s0  }
0xbd: {  	[sflag:s0] =	ssyncadd.remote.s32 $0x1  }
0xbe: {  	_ =	sfence.sel $0xFFFF  }
0xbf: {  	[dreg:$0x0] =	wrdreg $0xFFFFFFFF;
	(pc) =	sbr.abs _section_cstart, $3  }
0xc0: {  	[dreg:$0x1] =	wrdreg $0xFFFFFFFF  }
0xc1: {  	_ =	task.clear_ibuf [dreg:s6], $0x2FFFF;
	_ =	strace $0x9FFFFFFF  }
0xc2: {  	(tm) =	ssettm $0x7FFFFFFF  }
0xc3: {  	_ =	shalt  }
tec
execute0_lowered:
.L_overlay_start_1:
0x0: {  	(tag) =	ssettag $0x1  }
0x1: {  	s0 =	rddreg [dreg:$0x0]  }
0x2: {  	s2 =	rddreg [dreg:$0x1];
	s10 =	stileid.u32  }
0x3: {  	s3 =	srdreg.scid;
	s4 =	simm.s32 $0x0;
	s9 =	simm.s32 $0x4000  }
0x4: {  	s12 =	simm.s32 $0x11;
	s14 =	simm.s32 $0x7D;
	s15 =	simm.s32 $0x5000  }
0x5: {  	s17 =	simm.s32 $0x6F40;
	s19 =	simm.s32 $0x8E80;
	s30 =	simm.s32 $0x12AC0  }
0x6: {  	s31 =	simm.s32 $0x1;
	s13 =	simm.s32 $0x5;
	s16 =	simm.s32 $0x8  }
0x7: {  	s28 =	simm.s32 $0xF;
	s29 =	simm.s32 $0x10;
	s1 =	smul.u32 $0xA000, s10  }
0x8: {  	s3 =	sand.u32 $0x1, s3;
	s5 =	smul.u32 $0x1400, s10;
	[smem:$0x7FF] =	sst s4  }
0x9: {  	s4 =	sadd.s32 $0x8DA00, s0;
	s23 =	smul.u32 $0x2800, s10;
	s24 =	sshll.u32 s10, $0x6  }
0xa: {  	s6 =	smul.u32 $0x14000, s3;
	_ =	strace $0x8000004D;
	s22 =	ssub.s32 $0x2, s3  }
0xb: {  	p0 =	seq.s32 s3, $0x1;
	s7 =	sshrl.u32 s1, $0x3;
	s8 =	sshrl.u32 s22, $0x1  }
0xc: {  	s1 =	sadd.s32 s1, s2;
	s9 =	simm.s32 @!p0 $0xE000;
	s3 =	sshrl.u32 s23, $0x3  }
0xd: {  	s23 =	simm.s32 $0xCD00;
	s5 =	sadd.s32 s5, s6;
	s7 =	sadd.s32 s7, s0  }
0xe: {  	s8 =	ssub.s32 s22, s8;
	s6 =	sor.u32 $0x1C11, s24;
	s11 =	sshrl.u32 s1, $0x3  }
0xf: {  	s1 =	simm.s32 $0x3;
	s5 =	sadd.s32 s5, s0;
	s7 =	sadd.s32 $0x18000, s7  }
.Ltmp0:
0x10: {  	s26 =	smax.u32 s8, $0x1;
	[dreg:$0x3] =	wrdreg s7;
	(pc) =	sbr.rel .LBB2_1-.Ltmp0, $4  }
0x11: {  	s0 =	sadd.s32 s9, s0;
	s25 =	sadd.s32 $0xB4C00, s5;
	[dreg:$0x6] =	wrdreg s26  }
0x12: {  	s0 =	sadd.s32 s0, s3;
	s26 =	simm.s32 $0xE;
	[dreg:$0x5] =	wrdreg s25  }
0x13: {  	s5 =	simm.s32 $0x0;
	[dreg:$0x4] =	wrdreg s0;
	s0 =	sadd.s32 $0x5000, s0  }
0x14: {  	s25 =	simm.s32 $0xEC40;
	[dreg:$0x7] =	wrdreg s0;
	s0 =	simm.s32 $0x2  }
.LBB2_4:
0x15: {  	s3 =	simm.s32 $0x9  }
0x16: {  	_ =	swait.ge [sflag:s3], $0x1F40  }
0x17: {  	[sflag:s3] =	ssyncset.done $0x0  }
0x18: {  	s10 =	simm.s32 $0xA;
	[sflag:s3] =	ssyncadd.s32 $0xFFFFE0C0  }
0x19: {  	_ =	swait.ge [sflag:s10], $0x1F40  }
0x1a: {  	[sflag:s10] =	ssyncset.done $0x0  }
0x1b: {  	s18 =	simm.s32 $0xB;
	[sflag:s10] =	ssyncadd.s32 $0xFFFFE0C0  }
0x1c: {  	_ =	swait.ge [sflag:s18], $0x1F40  }
0x1d: {  	[sflag:s18] =	ssyncset.done $0x0  }
0x1e: {  	s20 =	simm.s32 $0xC;
	[sflag:s18] =	ssyncadd.s32 $0xFFFFE0C0  }
0x1f: {  	_ =	swait.ge [sflag:s20], $0x1F40  }
0x20: {  	[sflag:s20] =	ssyncset.done $0x0  }
0x21: {  	s21 =	simm.s32 $0xD;
	[sflag:s20] =	ssyncadd.s32 $0xFFFFE0C0  }
0x22: {  	_ =	swait.ge [sflag:s21], $0x1F40  }
0x23: {  	[sflag:s21] =	ssyncset.done $0x0  }
0x24: {  	[sflag:s21] =	ssyncadd.s32 $0xFFFFE0C0  }
0x25: {  	_ =	swait.ge [sflag:s26], $0x1F40  }
0x26: {  	[sflag:s26] =	ssyncset.done $0x0  }
0x27: {  	[sflag:s26] =	ssyncadd.s32 $0xFFFFE0C0  }
0x28: {  	_ =	swait.ge [sflag:s28], $0x1F40  }
0x29: {  	[sflag:s28] =	ssyncset.done $0x0  }
0x2a: {  	[sflag:s28] =	ssyncadd.s32 $0xFFFFE0C0  }
0x2b: {  	_ =	swait.ge [sflag:s29], $0x1F40  }
0x2c: {  	[sflag:s29] =	ssyncset.done $0x0  }
0x2d: {  	[sflag:s29] =	ssyncadd.s32 $0xFFFFE0C0  }
0x2e: {  	[bflag:$0x0] =	sbarrier.arrive $0xFFFF  }
0x2f: {  	s22 =	rddreg [dreg:$0x5]  }
0x30: {  	[hbm:s22], [sflag:s6] =	dma.local [spmem:s11], $0x1400  }
0x31: {  	_ =	swait.ge [sflag:s12], $0x1400  }
0x32: {  	s5 =	sadd.s32 $0x1, s5;
	s24 =	rddreg [dreg:$0x6]  }
0x33: {  	p0 =	sne.s32 s5, s24  }
.Ltmp1:
0x34: {  	_ = 	snop;
	(pc) =	sbr.rel @!p0 .LBB2_5-.Ltmp1, $3  }
0x35: {  	_ =	sdelay $0x1  }
0x36: {  	[sflag:s12] =	ssyncset.done $0x0  }
0x37: {  	[sflag:s12] =	ssyncadd.s32 $0xFFFFEC00  }
.LBB2_1:
0x38: {  	s3 =	rddreg [dreg:$0x3]  }
0x39: {  	[spmem:s11], [sflag:s6] =	dma.local [hbm:s3], $0x1400  }
0x3a: {  	_ =	swait.ge [sflag:s12], $0x1400  }
0x3b: {  	[sflag:s12] =	ssyncset.done $0x0  }
0x3c: {  	s22 =	simm.s32 $0x0;
	s7 =	rddreg [dreg:$0x4];
	[sflag:s12] =	ssyncadd.s32 $0xFFFFEC00  }
0x3d: {  	[tilespmem:s22], [sflag:$0x11] =	stream.linear.gather [hbm4b:s7+s22], $0x2800, $0x38;
	[tilespmem:$0x1EA00] =	vst v63  }
0x3e: {  	_ =	swait.ge [sflag:s12], $0x2800  }
0x3f: {  	[sflag:s12] =	ssyncset.done $0x0  }
0x40: {  	s8 =	simm.s32 $0x2800;
	s24 =	rddreg [dreg:$0x7];
	[sflag:s12] =	ssyncadd.s32 $0xFFFFD800  }
0x41: {  	[tilespmem:s8], [sflag:$0x11] =	stream.linear.gather [hbm4b:s24+s22], $0x2800, $0x38;
	[tilespmem:$0x1EA00] =	vst v63  }
0x42: {  	_ =	swait.ge [sflag:s12], $0x2800  }
0x43: {  	[sflag:s12] =	ssyncset.done $0x0  }
0x44: {  	[sflag:s12] =	ssyncadd.s32 $0xFFFFD800  }
0x45: {  	[bflag:$0x0] =	sbarrier.arrive $0xFFFF  }
0x46: {  	[tilespmem:s15], [sflag:$0x1] =	stream.indirect.gather [hbm4b:s4+s14], $0x40, s22, s14, $0xb8;
	[tilespmem:$0x1EA00] =	vst v63  }
0x47: {  	s7 =	simm.s32 $0x80  }
0x48: {  	[tilespmem:s17], [sflag:$0x2] =	stream.indirect.gather [hbm4b:s4+s14], $0x40, s7, s14, $0xb8;
	[tilespmem:$0x1EA00] =	vst v63  }
0x49: {  	s8 =	simm.s32 $0x100  }
0x4a: {  	[tilespmem:s19], [sflag:$0x3] =	stream.indirect.gather [hbm4b:s4+s14], $0x40, s8, s14, $0xb8;
	[tilespmem:$0x1EA00] =	vst v63  }
0x4b: {  	s9 =	simm.s32 $0x180;
	s10 =	simm.s32 $0xADC0  }
0x4c: {  	[tilespmem:s10], [sflag:$0x4] =	stream.indirect.gather [hbm4b:s4+s14], $0x40, s9, s14, $0xb8;
	[tilespmem:$0x1EA00] =	vst v63  }
0x4d: {  	s18 =	simm.s32 $0x200  }
0x4e: {  	[tilespmem:s23], [sflag:$0x5] =	stream.indirect.gather [hbm4b:s4+s14], $0x40, s18, s14, $0xb8;
	[tilespmem:$0x1EA00] =	vst v63  }
0x4f: {  	s20 =	simm.s32 $0x280  }
0x50: {  	[tilespmem:s25], [sflag:$0x6] =	stream.indirect.gather [hbm4b:s4+s14], $0x40, s20, s14, $0xb8;
	[tilespmem:$0x1EA00] =	vst v63  }
0x51: {  	s21 =	simm.s32 $0x300;
	s22 =	simm.s32 $0x10B80  }
0x52: {  	[tilespmem:s22], [sflag:$0x7] =	stream.indirect.gather [hbm4b:s4+s14], $0x40, s21, s14, $0xb8;
	[tilespmem:$0x1EA00] =	vst v63  }
0x53: {  	s24 =	simm.s32 $0x380;
	s8 =	simm.s32 $0xFFFFFFF8;
	s9 =	simm.s32 $0x0  }
0x54: {  	[tilespmem:s30], [sflag:$0x8] =	stream.indirect.gather [hbm4b:s4+s14], $0x40, s24, s14, $0xb8;
	[tilespmem:$0x1EA00] =	vst v63  }
.LBB2_2:
0x55: {  	_ =	swait.ge [sflag:s31], $0x1F40  }
0x56: {  	s10 =	sshra.s32 s9, $0x2;
	[sflag:s31] =	ssyncset.done $0x0  }
0x57: {  	p0 =	sgt.u32 s8, $0x47;
	s3 =	sadd.s32 $0x2800, s10;
	[sflag:s31] =	ssyncadd.s32 $0xFFFFE0C0  }
0x58: {  	[spmem:s2] =	stream.indirect.scatter.add.f32 [tilespmem:s15], [sflag:$0x9], $0x40, s3, s14, $0xb8;
	[tilespmem:$0x1EA00] =	vst v63  }
0x59: {  	s3 =	simm.s32 @!p0 $0xF  }
0x5a: {  	_ =	swait.ge @!p0 [sflag:s3], $0x1F40  }
0x5b: {  	[sflag:s3] =	ssyncset.done @!p0 $0x0  }
0x5c: {  	[sflag:s3] =	ssyncadd.s32 @!p0 $0xFFFFE0C0;
	s3 =	sshra.s32 @!p0 s9, $0x2  }
0x5d: {  	s7 =	simm.s32 @!p0 $0x7D;
	s18 =	simm.s32 @!p0 $0x10B80;
	s3 =	sadd.s32 @!p0 $0x300, s3  }
0x5e: {  	[tilespmem:s18], [sflag:$0x7] =	stream.indirect.gather @!p0 [hbm4b:s4+s7], $0x40, s3, s7, $0xb8;
	[tilespmem:$0x1EA00] =	vst v63  }
0x5f: {  	_ =	swait.ge [sflag:s0], $0x1F40  }
0x60: {  	p0 =	seq.s32 s9, $0x0;
	[sflag:s0] =	ssyncset.done $0x0  }
0x61: {  	s21 =	sadd.s32 $0x2880, s10;
	s3 =	simm.s32 @!p0 $0x10;
	[sflag:s0] =	ssyncadd.s32 $0xFFFFE0C0  }
0x62: {  	[spmem:s2] =	stream.indirect.scatter.add.f32 [tilespmem:s17], [sflag:$0xA], $0x40, s21, s14, $0xb8;
	[tilespmem:$0x1EA00] =	vst v63  }
0x63: {  	_ =	swait.ge @!p0 [sflag:s3], $0x1F40  }
0x64: {  	[sflag:s3] =	ssyncset.done @!p0 $0x0  }
0x65: {  	[sflag:s3] =	ssyncadd.s32 @!p0 $0xFFFFE0C0;
	s3 =	sshra.s32 @!p0 s9, $0x2  }
0x66: {  	s7 =	simm.s32 @!p0 $0x7D;
	s18 =	simm.s32 @!p0 $0x12AC0;
	s3 =	sadd.s32 @!p0 $0x380, s3  }
0x67: {  	[tilespmem:s18], [sflag:$0x8] =	stream.indirect.gather @!p0 [hbm4b:s4+s7], $0x40, s3, s7, $0xb8;
	[tilespmem:$0x1EA00] =	vst v63  }
0x68: {  	_ =	swait.ge [sflag:s1], $0x1F40  }
0x69: {  	p0 =	seq.s32 s9, $0x9000;
	[sflag:s1] =	ssyncset.done $0x0  }
0x6a: {  	s22 =	sadd.s32 $0x2900, s10;
	s3 =	simm.s32 @p0 $0x4;
	[sflag:s1] =	ssyncadd.s32 $0xFFFFE0C0  }
0x6b: {  	[spmem:s2] =	stream.indirect.scatter.add.f32 [tilespmem:s19], [sflag:$0xB], $0x40, s22, s14, $0xb8;
	[tilespmem:$0x1EA00] =	vst v63  }
0x6c: {  	_ =	swait.ge @p0 [sflag:s3], $0x1F40  }
0x6d: {  	s18 =	sshra.s32 @p0 s9, $0x2;
	s20 =	simm.s32 @p0 $0x7D;
	[sflag:s3] =	ssyncset.done @p0 $0x0  }
0x6e: {  	s7 =	simm.s32 @p0 $0xADC0;
	[sflag:s3] =	ssyncadd.s32 @p0 $0xFFFFE0C0;
	s3 =	sadd.s32 @p0 $0x2980, s18  }
0x6f: {  	[spmem:s2] =	stream.indirect.scatter.add.f32 @p0 [tilespmem:s7], [sflag:$0xC], $0x40, s3, s20, $0xb8;
	[tilespmem:$0x1EA00] =	vst v63  }
0x70: {  	s3 =	simm.s32 @!p0 $0x9  }
0x71: {  	_ =	swait.ge @!p0 [sflag:s3], $0x1F40  }
0x72: {  	s22 =	simm.s32 @!p0 $0x5000;
	s7 =	sshra.s32 @!p0 s9, $0x2;
	[sflag:s3] =	ssyncset.done @!p0 $0x0  }
0x73: {  	s21 =	sadd.s32 @!p0 $0x400, s7;
	[sflag:s3] =	ssyncadd.s32 @!p0 $0xFFFFE0C0;
	s3 =	simm.s32 @!p0 $0x7D  }
0x74: {  	[tilespmem:s22], [sflag:$0x1] =	stream.indirect.gather @!p0 [hbm4b:s4+s3], $0x40, s21, s3, $0xb8;
	[tilespmem:$0x1EA00] =	vst v63  }
0x75: {  	s21 =	simm.s32 @!p0 $0x4  }
0x76: {  	_ =	swait.ge @!p0 [sflag:s21], $0x1F40  }
0x77: {  	[sflag:s21] =	ssyncset.done @!p0 $0x0  }
0x78: {  	s22 =	simm.s32 @!p0 $0xADC0;
	[sflag:s21] =	ssyncadd.s32 @!p0 $0xFFFFE0C0;
	s21 =	sadd.s32 @!p0 $0x2980, s7  }
0x79: {  	[spmem:s2] =	stream.indirect.scatter.add.f32 @!p0 [tilespmem:s22], [sflag:$0xC], $0x40, s21, s3, $0xb8;
	[tilespmem:$0x1EA00] =	vst v63  }
0x7a: {  	s21 =	simm.s32 @!p0 $0xA  }
0x7b: {  	_ =	swait.ge @!p0 [sflag:s21], $0x1F40  }
0x7c: {  	[sflag:s21] =	ssyncset.done @!p0 $0x0  }
0x7d: {  	s24 =	simm.s32 @!p0 $0x6F40;
	[sflag:s21] =	ssyncadd.s32 @!p0 $0xFFFFE0C0;
	s21 =	sadd.s32 @!p0 $0x480, s7  }
0x7e: {  	[tilespmem:s24], [sflag:$0x2] =	stream.indirect.gather @!p0 [hbm4b:s4+s3], $0x40, s21, s3, $0xb8;
	[tilespmem:$0x1EA00] =	vst v63  }
0x7f: {  	_ =	swait.ge [sflag:s13], $0x1F40  }
0x80: {  	[sflag:s13] =	ssyncset.done $0x0  }
0x81: {  	s24 =	sadd.s32 $0x2A00, s10;
	s21 =	simm.s32 @p0 $0x6;
	[sflag:s13] =	ssyncadd.s32 $0xFFFFE0C0  }
0x82: {  	[spmem:s2] =	stream.indirect.scatter.add.f32 [tilespmem:s23], [sflag:$0xD], $0x40, s24, s14, $0xb8;
	[tilespmem:$0x1EA00] =	vst v63  }
0x83: {  	_ =	swait.ge @p0 [sflag:s21], $0x1F40  }
0x84: {  	[sflag:s21] =	ssyncset.done @p0 $0x0  }
0x85: {  	s18 =	sadd.s32 @p0 $0x2A80, s18;
	[sflag:s21] =	ssyncadd.s32 @p0 $0xFFFFE0C0;
	s21 =	simm.s32 @p0 $0xEC40  }
0x86: {  	[spmem:s2] =	stream.indirect.scatter.add.f32 @p0 [tilespmem:s21], [sflag:$0xE], $0x40, s18, s20, $0xb8;
	[tilespmem:$0x1EA00] =	vst v63  }
0x87: {  	s18 =	simm.s32 @p0 $0x7  }
0x88: {  	_ =	swait.ge @p0 [sflag:s18], $0x1F40  }
0x89: {  	[sflag:s18] =	ssyncset.done @p0 $0x0  }
0x8a: {  	s21 =	simm.s32 @p0 $0x10B80;
	[sflag:s18] =	ssyncadd.s32 @p0 $0xFFFFE0C0;
	s18 =	simm.s32 @p0 $0x4F00  }
0x8b: {  	[spmem:s2] =	stream.indirect.scatter.add.f32 @p0 [tilespmem:s21], [sflag:$0xF], $0x40, s18, s20, $0xb8;
	[tilespmem:$0x1EA00] =	vst v63  }
0x8c: {  	s18 =	simm.s32 @!p0 $0xB  }
0x8d: {  	_ =	swait.ge @!p0 [sflag:s18], $0x1F40  }
0x8e: {  	[sflag:s18] =	ssyncset.done @!p0 $0x0  }
0x8f: {  	s20 =	simm.s32 @!p0 $0x8E80;
	[sflag:s18] =	ssyncadd.s32 @!p0 $0xFFFFE0C0;
	s18 =	sadd.s32 @!p0 $0x500, s7  }
0x90: {  	[tilespmem:s20], [sflag:$0x3] =	stream.indirect.gather @!p0 [hbm4b:s4+s3], $0x40, s18, s3, $0xb8;
	[tilespmem:$0x1EA00] =	vst v63  }
0x91: {  	s18 =	simm.s32 @!p0 $0x6  }
0x92: {  	_ =	swait.ge @!p0 [sflag:s18], $0x1F40  }
0x93: {  	[sflag:s18] =	ssyncset.done @!p0 $0x0  }
0x94: {  	s20 =	simm.s32 @!p0 $0xEC40;
	[sflag:s18] =	ssyncadd.s32 @!p0 $0xFFFFE0C0;
	s18 =	sadd.s32 @!p0 $0x2A80, s7  }
0x95: {  	[spmem:s2] =	stream.indirect.scatter.add.f32 @!p0 [tilespmem:s20], [sflag:$0xE], $0x40, s18, s3, $0xb8;
	[tilespmem:$0x1EA00] =	vst v63  }
0x96: {  	s18 =	simm.s32 @!p0 $0xC  }
0x97: {  	_ =	swait.ge @!p0 [sflag:s18], $0x1F40  }
0x98: {  	[sflag:s18] =	ssyncset.done @!p0 $0x0  }
0x99: {  	[sflag:s18] =	ssyncadd.s32 @!p0 $0xFFFFE0C0;
	s18 =	sadd.s32 @!p0 $0x580, s7  }
0x9a: {  	[tilespmem:s22], [sflag:$0x4] =	stream.indirect.gather @!p0 [hbm4b:s4+s3], $0x40, s18, s3, $0xb8;
	[tilespmem:$0x1EA00] =	vst v63  }
0x9b: {  	s18 =	simm.s32 @!p0 $0x7  }
0x9c: {  	_ =	swait.ge @!p0 [sflag:s18], $0x1F40  }
0x9d: {  	[sflag:s18] =	ssyncset.done @!p0 $0x0  }
0x9e: {  	s20 =	simm.s32 @!p0 $0x10B80;
	[sflag:s18] =	ssyncadd.s32 @!p0 $0xFFFFE0C0;
	s18 =	sadd.s32 @!p0 $0x2B00, s7  }
0x9f: {  	[spmem:s2] =	stream.indirect.scatter.add.f32 @!p0 [tilespmem:s20], [sflag:$0xF], $0x40, s18, s3, $0xb8;
	[tilespmem:$0x1EA00] =	vst v63  }
0xa0: {  	s18 =	simm.s32 @!p0 $0xD  }
0xa1: {  	_ =	swait.ge @!p0 [sflag:s18], $0x1F40  }
0xa2: {  	[sflag:s18] =	ssyncset.done @!p0 $0x0  }
0xa3: {  	s7 =	sadd.s32 @!p0 $0x600, s7;
	[sflag:s18] =	ssyncadd.s32 @!p0 $0xFFFFE0C0;
	s18 =	simm.s32 @!p0 $0xCD00  }
0xa4: {  	[tilespmem:s18], [sflag:$0x5] =	stream.indirect.gather @!p0 [hbm4b:s4+s3], $0x40, s7, s3, $0xb8;
	[tilespmem:$0x1EA00] =	vst v63  }
.Ltmp2:
0xa5: {  	_ = 	snop;
	(pc) =	sbr.rel @p0 .LBB2_4-.Ltmp2, $4  }
0xa6: {  	_ =	swait.ge [sflag:s16], $0x1F40  }
0xa7: {  	[sflag:s16] =	ssyncset.done $0x0  }
0xa8: {  	s24 =	sadd.s32 $0x2B80, s10;
	[sflag:s16] =	ssyncadd.s32 $0xFFFFE0C0  }
0xa9: {  	[spmem:s2] =	stream.indirect.scatter.add.f32 [tilespmem:s30], [sflag:$0x10], $0x40, s24, s14, $0xb8;
	[tilespmem:$0x1EA00] =	vst v63  }
.Ltmp3:
0xaa: {  	(pc) =	sbr.rel .LBB2_2-.Ltmp3, $4  }
0xab: {  	_ =	swait.ge [sflag:s26], $0x1F40  }
0xac: {  	s3 =	sadd.s32 $0x680, s10;
	[sflag:s26] =	ssyncset.done $0x0  }
0xad: {  	s9 =	sadd.s32 $0x1000, s9;
	s8 =	sadd.s32 $0x8, s8;
	[sflag:s26] =	ssyncadd.s32 $0xFFFFE0C0  }
0xae: {  	[tilespmem:s25], [sflag:$0x6] =	stream.indirect.gather [hbm4b:s4+s14], $0x40, s3, s14, $0xb8;
	[tilespmem:$0x1EA00] =	vst v63  }
.LBB2_5:
0xaf: {  	_ =	sfence.sel $0x180000  }
0xb0: {  	[bflag:$0x0] =	sbarrier.arrive $0xFFFF  }
0xb1: {  	_ =	strace $0x9000004D  }
0xb2: {  	s0 =	stileid.u32;
	[bflag:$0x2] =	sbarrier.arrive $0xFFFF  }
0xb3: {  	p0 =	sne.s32 s0, $0x0;
	s0 =	rddreg [dreg:$0x2]  }
0xb4: {  	s0 =	sadd.s32 @!p0 $0x100000, s0  }
0xb5: {  	[sflag:s0] =	ssyncadd.tile.s32 @!p0 $0x1;
	_ =	shalt  }
.Lfunc_end2:
_tile_overlayer_lowered:
.L_overlay_start_2:
0xb6: {  	(tag) =	ssettag $0x2  }
0xb7: {  	s0 =	rddreg [dreg:$0x0];
	s2 =	stileid.u32  }
0xb8: {  	s1 =	rddreg [dreg:$0x1];
	p0 =	sne.s32 s2, $0x0  }
0xb9: {  	s3 =	rddreg [dreg:$0x2];
	[bflag:$0x3] =	sbarrier.arrive $0xFFFF;
	s2 =	simm.s32 @!p0 $0x1C11  }
0xba: {  	[timem:s3], [sflag:s2] =	dma.local @!p0 [hbm:s0], s1  }
0xbb: {  	s0 =	simm.s32 @!p0 $0x11  }
0xbc: {  	_ =	swait.ge @!p0 [sflag:s0], s1  }
0xbd: {  	s1 =	ssub.s32 @!p0 $0x0, s1;
	[sflag:s0] =	ssyncset.done @!p0 $0x0  }
0xbe: {  	[sflag:s0] =	ssyncadd.s32 @!p0 s1  }
0xbf: {  	[bflag:$0x3] =	sbarrier.arrive $0xFFFF  }
0xc0: {  	_ =	shalt  }

// kernel: kernel.8.cloned.1.call-start
scs
__scs_entry_jumppad:
0x0: {  	(pc) =	sbr.rel $0x88, $3  }
0x1: {  	(tag) =	ssettag $0x0;
	lr =	simm.s32 $0x1  }
0x2: {  	[smem:$0x3F92] =	sst lr;
	_ =	strace $0xD0000000  }
0x3: {  	_ = 	snop  }
0x4: {  	_ = 	snop  }
0x5: {  	_ = 	snop  }
0x6: {  	_ = 	snop  }
0x7: {  	_ = 	snop  }
__scs_overlays_trampoline_lowered:
0x8: {  	[smem:$0x3FA1] =	sst s0  }
0x9: {  	[smem:$0x3FA2] =	sst s1  }
0xa: {  	[smem:$0x3FA3] =	sst s2  }
0xb: {  	[smem:$0x3FA4] =	sst s3  }
0xc: {  	[smem:$0x3FA5] =	sst s4  }
0xd: {  	[smem:$0x3FA6] =	sst s5  }
0xe: {  	[smem:$0x3FA7] =	sst s6  }
0xf: {  	[smem:$0x3FA8] =	sst s7  }
0x10: {  	[smem:$0x3FA9] =	sst s8  }
0x11: {  	[smem:$0x3FAA] =	sst s9;
	s0 =	simm.s32 @!p0 $0x0  }
0x12: {  	s1 =	sld [smem:$0x3F90];
	s0 =	simm.s32 @p0 $0x1  }
0x13: {  	[smem:$0x3FAB] =	sst s0;
	s0 =	simm.s32 @!p1 $0x0  }
0x14: {  	s2 =	sld [smem:$0x3F8F];
	s0 =	simm.s32 @p1 $0x1  }
0x15: {  	[smem:$0x3FAC] =	sst s0;
	s0 =	simm.s32 @!p2 $0x0  }
0x16: {  	s3 =	sld [smem:$0x3FDB];
	s0 =	simm.s32 @p2 $0x1  }
0x17: {  	s4 =	simm.s32 $0x1BF5;
	[smem:$0x3FAE] =	sst s0  }
0x18: {  	s0 =	sld [smem:$0x3F91];
	_ =	swait.ge [sflag:s4], $0x0  }
0x19: {  	s7 =	sld [smem:$0x3F92]  }
0x1a: {  	s8 =	sadd.s32 $0xFFFFE003, lr  }
0x1b: {  	s9 =	sadd.s32 $0xFFFFFEF7, lr;
	s5 =	simm.s32 $0xFFFFFFFF;
	p2 =	slt.u32 s8, $0xFFFFF086  }
0x1c: {  	p1 =	slt.u32 s9, $0xF7A;
	s5 =	simm.s32 @!p2 $0x0  }
0x1d: {  	s5 =	simm.s32 @p1 $0x1;
	p0 =	seq.s32 s7, s2  }
0x1e: {  	s7 =	smul.u32 @!p0 $0xF7A, s2;
	p2 =	seq.s32 @!p0 s5, $0x0  }
0x1f: {  	s9 =	smul.u32 $0xF7A, s1;
	s8 =	simm.s32 @!p0 $0x1BF5;
	p2 =	por !p2, p0  }
0x20: {  	[sflag:s8] =	ssyncset.s32 @!p0 $0xFFFFF086;
	s6 =	sadd.s32 @!p0 s3, s7;
	s7 =	simm.s32 @!p0 $0x108  }
0x21: {  	s3 =	sadd.s32 s3, s9;
	s6 =	sadd.s32 @!p0 $0x88, s6;
	s7 =	simm.s32 @p2 $0x1082  }
0x22: {  	[simem:s7], [sflag:s8] =	dma.local @!p0 [hbm:s6], $0xF7A  }
0x23: {  	s9 =	sor.u32 $0xD0000000, s2;
	s6 =	simm.s32 $0x108;
	_ =	swait.ge @!p0 [sflag:s8], $0x0  }
0x24: {  	s3 =	sadd.s32 $0x88, s3;
	s6 =	simm.s32 @!p1 $0x1082;
	[sflag:s4] =	ssyncset.s32 $0xFFFFF086  }
0x25: {  	[simem:s6], [sflag:s4] =	dma.local [hbm:s3], $0xF7A  }
0x26: {  	[smem:$0x3F92] =	sst s1;
	(tag) =	ssettag s2;
	_ =	strace s9  }
0x27: {  	s1 =	sld [smem:$0x3FA2]  }
0x28: {  	s2 =	sld [smem:$0x3FA3]  }
0x29: {  	s4 =	sld [smem:$0x3FA5]  }
0x2a: {  	p0 =	seq.s32 s5, $0x0;
	s5 =	sld [smem:$0x3FA6]  }
0x2b: {  	s6 =	sld [smem:$0x3FA7]  }
0x2c: {  	s7 =	sld [smem:$0x3FA8]  }
0x2d: {  	s3 =	simm.s32 $0x108;
	s8 =	sld [smem:$0x3FA9]  }
0x2e: {  	s3 =	simm.s32 @!p0 $0x1082;
	s9 =	sld [smem:$0x3FAA]  }
0x2f: {  	lr =	sadd.s32 s0, s3;
	s0 =	sld [smem:$0x3FA1]  }
0x30: {  	s3 =	sld [smem:$0x3FA4]  }
0x31: {  	[smem:$0x3FAD] =	sst s10  }
0x32: {  	s10 =	sld [smem:$0x3FAB];
	_ =	sdelay $0x3  }
0x33: {  	p0 =	seq.s32 s10, $0x1;
	s10 =	sld [smem:$0x3FAD];
	_ =	sdelay $0x3  }
0x34: {  	[smem:$0x3FAD] =	sst s10  }
0x35: {  	s10 =	sld [smem:$0x3FAC];
	_ =	sdelay $0x3  }
0x36: {  	p1 =	seq.s32 s10, $0x1;
	s10 =	sld [smem:$0x3FAD];
	_ =	sdelay $0x3  }
0x37: {  	[smem:$0x3FAD] =	sst s10  }
0x38: {  	s10 =	sld [smem:$0x3FAE]  }
0x39: {  	_ = 	snop;
	(pc) =	sbr.ind lr, $3  }
0x3a: {  	_ = 	snop  }
0x3b: {  	_ = 	snop  }
0x3c: {  	p2 =	seq.s32 s10, $0x1;
	s10 =	sld [smem:$0x3FAD]  }
0x3d: {  	_ =	shalt  }
0x3e: {  	_ =	shalt  }
0x3f: {  	_ =	shalt  }
0x40: {  	_ =	shalt  }
0x41: {  	_ =	shalt  }
0x42: {  	_ =	shalt  }
0x43: {  	_ =	shalt  }
0x44: {  	_ =	shalt  }
0x45: {  	_ =	shalt  }
0x46: {  	_ =	shalt  }
0x47: {  	_ =	shalt  }
0x48: {  	_ =	shalt  }
0x49: {  	_ =	shalt  }
0x4a: {  	_ =	shalt  }
0x4b: {  	_ =	shalt  }
0x4c: {  	_ =	shalt  }
0x4d: {  	_ =	shalt  }
0x4e: {  	_ =	shalt  }
0x4f: {  	_ =	shalt  }
0x50: {  	_ =	shalt  }
0x51: {  	_ =	shalt  }
0x52: {  	_ =	shalt  }
0x53: {  	_ =	shalt  }
0x54: {  	_ =	shalt  }
0x55: {  	_ =	shalt  }
0x56: {  	_ =	shalt  }
0x57: {  	_ =	shalt  }
0x58: {  	_ =	shalt  }
0x59: {  	_ =	shalt  }
0x5a: {  	_ =	shalt  }
0x5b: {  	_ =	shalt  }
0x5c: {  	_ =	shalt  }
0x5d: {  	_ =	shalt  }
0x5e: {  	_ =	shalt  }
0x5f: {  	_ =	shalt  }
0x60: {  	_ =	shalt  }
0x61: {  	_ =	shalt  }
0x62: {  	_ =	shalt  }
0x63: {  	_ =	shalt  }
0x64: {  	_ =	shalt  }
0x65: {  	_ =	shalt  }
0x66: {  	_ =	shalt  }
0x67: {  	_ =	shalt  }
0x68: {  	_ =	shalt  }
0x69: {  	_ =	shalt  }
0x6a: {  	_ =	shalt  }
0x6b: {  	_ =	shalt  }
0x6c: {  	_ =	shalt  }
0x6d: {  	_ =	shalt  }
0x6e: {  	_ =	shalt  }
0x6f: {  	_ =	shalt  }
0x70: {  	_ =	shalt  }
0x71: {  	_ =	shalt  }
0x72: {  	_ =	shalt  }
0x73: {  	_ =	shalt  }
0x74: {  	_ =	shalt  }
0x75: {  	_ =	shalt  }
0x76: {  	_ =	shalt  }
0x77: {  	_ =	shalt  }
0x78: {  	_ =	shalt  }
0x79: {  	_ =	shalt  }
0x7a: {  	_ =	shalt  }
0x7b: {  	_ =	shalt  }
0x7c: {  	_ =	shalt  }
0x7d: {  	_ =	shalt  }
0x7e: {  	_ =	shalt  }
0x7f: {  	_ =	shalt  }
0x80: {  	_ =	shalt  }
0x81: {  	_ =	shalt  }
0x82: {  	_ =	shalt  }
0x83: {  	_ =	shalt  }
0x84: {  	_ =	shalt  }
0x85: {  	_ =	shalt  }
0x86: {  	_ =	shalt  }
0x87: {  	_ =	shalt  }
.Lfunc_end0:
.L_simem_size_0:
called_computation_lowered:
.L_overlay_start_0:
0x88: {  	s2 =	sld [smem:$0x3FD9]  }
0x89: {  	s3 =	sld [smem:$0x3FFE];
	_ =	sdelay $0x1  }
0x8a: {  	s1 =	srdreg.scid  }
0x8b: {  	s0 =	sand.u32 $0x1, s1  }
0x8c: {  	s16 =	sshll.u32 s0, $0xA;
	s2 =	sadd.s32 s3, s2  }
0x8d: {  	s2 =	sadd.s32 s2, s16  }
0x8e: {  	[smem:$0x3FB9] =	sst s2  }
0x8f: {  	_ = 	snop  }
0x90: {  	(tm) =	ssettm $0x1  }
0x91: {  	s17 =	sld [smem:$0x3FFB];
	_ =	sdelay $0x3  }
0x92: {  	_ =	strace s17  }
0x93: {  	s2 =	sld [smem:$0x3FFC];
	_ =	sdelay $0x3  }
0x94: {  	_ =	strace s2  }
0x95: {  	s2 =	sld [smem:$0x3FFD];
	_ =	sdelay $0x3  }
0x96: {  	_ =	strace s2  }
0x97: {  	_ =	strace $0x8FFFFFFF  }
0x98: {  	s18 =	sld [smem:$0x3FDB];
	_ =	sdelay $0x1  }
0x99: {  	s19 =	simm.s32 $_scs_section_size  }
0x9a: {  	s4 =	simm.s32 $_size__tile_overlayer_lowered;
	s5 =	simm.s32 $_tile_overlayer_lowered  }
0x9b: {  	s22 =	simm.s32 $0x1BFF;
	s21 =	sshll.u32 s5, $0x1;
	s2 =	sadd.s32 s19, s18  }
0x9c: {  	s6 =	simm.s32 $0x0;
	s20 =	sshll.u32 s4, $0x1;
	s4 =	sadd.s32 s21, s2  }
0x9d: {  	[timem:s6], [sflag:s22] =	dma.local [hbm:s4], s20  }
0x9e: {  	_ =	swait.ge [sflag:s22], s20  }
0x9f: {  	s3 =	ssub.s32 $0x0, s20;
	[sflag:s22] =	ssyncset.done $0x0  }
0xa0: {  	[sflag:s22] =	ssyncadd.s32 s3;
	_ =	sdelay $0x1  }
0xa1: {  	s23 =	simm.s32 $0x1B8B  }
0xa2: {  	_ =	swait.ge [sflag:s23], $0x1  }
0xa3: {  	[sflag:s23] =	ssyncset.done $0x0  }
0xa4: {  	s25 =	simm.s32 $0x1B8E;
	s24 =	sld [smem:$0x3FFE];
	[sflag:s23] =	ssyncadd.s32 $0xFFFFFFFF  }
0xa5: {  	s26 =	simm.s32 $execute0_lowered;
	[smem:$0x3FD2] =	sst s25  }
0xa6: {  	s4 =	sshll.u32 s26, $0x1;
	_ =	strace $0x80000046;
	[dreg:$0x1] =	wrdreg $0xFFFFFFFF  }
0xa7: {  	s28 =	simm.s32 $_size_execute0_lowered;
	s2 =	sadd.s32 s2, s4;
	[dreg:$0x0] =	wrdreg $0x0  }
0xa8: {  	s4 =	sshll.u32 s28, $0x1;
	[dreg:$0x2] =	wrdreg s2  }
0xa9: {  	[dreg:$0x3] =	wrdreg s4  }
0xaa: {  	[dreg:$0x4] =	wrdreg $0xC0  }
0xab: {  	_ =	task [dreg:s6], $0x5FFFF  }
0xac: {  	[dreg:$0x1] =	wrdreg $0xFFFFFFFF  }
0xad: {  	[dreg:$0x0] =	wrdreg $0x60  }
0xae: {  	[dreg:$0x2] =	wrdreg s24  }
0xaf: {  	[dreg:$0x3] =	wrdreg $0x2BE80  }
0xb0: {  	[dreg:$0x4] =	wrdreg $0x9  }
0xb1: {  	_ =	task.clear_ibuf [dreg:s6], $0x5FFFF;
	_ =	strace $0x90000046  }
0xb2: {  	s29 =	simm.s32 $0x9;
	_ =	strace $0x80000048  }
0xb3: {  	_ =	swait.ge [sflag:s29], $0x1  }
0xb4: {  	[sflag:s29] =	ssyncadd.s32 $0xFFFFFFFF  }
0xb5: {  	_ =	strace $0x90000048  }
0xb6: {  	_ =	sfence  }
0xb7: {  	s30 =	sld [smem:$0x0];
	_ =	sdelay $0x2  }
0xb8: {  	s31 =	sshll.u32 s1, $0xD;
	s1 =	sshrl.u32 s1, $0x2  }
0xb9: {  	s3 =	sand.u32 $0x4000, s31;
	s1 =	sadd.s32 s1, s30  }
0xba: {  	s0 =	sor.u32 s3, s0;
	s1 =	sshll.u32 s1, $0x11  }
0xbb: {  	s0 =	sor.u32 s1, s0  }
0xbc: {  	s0 =	sadd.s32 $0x8F2B, s0  }
0xbd: {  	[sflag:s0] =	ssyncadd.remote.s32 $0x1  }
0xbe: {  	_ =	sfence.sel $0xFFFF  }
0xbf: {  	[dreg:$0x0] =	wrdreg $0xFFFFFFFF;
	(pc) =	sbr.abs _section_cstart, $3  }
0xc0: {  	[dreg:$0x1] =	wrdreg $0xFFFFFFFF  }
0xc1: {  	_ =	task.clear_ibuf [dreg:s6], $0x2FFFF;
	_ =	strace $0x9FFFFFFF  }
0xc2: {  	(tm) =	ssettm $0x7FFFFFFF  }
0xc3: {  	_ =	shalt  }
tec
execute0_lowered:
.L_overlay_start_1:
0x0: {  	(tag) =	ssettag $0x1  }
0x1: {  	s5 =	rddreg [dreg:$0x0]  }
0x2: {  	s2 =	rddreg [dreg:$0x1]  }
0x3: {  	s1 =	stileid.u32;
	s0 =	rddreg [dreg:$0x2]  }
0x4: {  	s3 =	simm.s32 $0x0;
	s8 =	srdreg.scid;
	s12 =	simm.s32 $0x4000  }
0x5: {  	s14 =	simm.s32 $0x1;
	s15 =	simm.s32 $0x0;
	s6 =	smul.u32 $0x1400, s1  }
0x6: {  	[smem:$0x7FF] =	sst s3;
	s7 =	smul.u32 $0x280, s1;
	s8 =	sand.u32 $0x1, s8  }
0x7: {  	s11 =	smul.u32 $0x2800, s1;
	s31 =	sshll.u32 s1, $0x6;
	_ =	strace $0x80000047  }
0x8: {  	s10 =	ssub.s32 $0x2, s8;
	p0 =	seq.s32 s8, $0x1;
	s8 =	smul.u32 $0x2800, s8  }
0x9: {  	s4 =	sshrl.u32 s6, $0x3;
	s7 =	sadd.s32 s7, s5;
	s13 =	sshrl.u32 s10, $0x1  }
0xa: {  	s12 =	simm.s32 @!p0 $0xE000;
	s11 =	sshrl.u32 s11, $0x3;
	s29 =	sadd.s32 s6, s2  }
0xb: {  	s9 =	sadd.s32 s4, s5;
	s4 =	sadd.s32 $0x1A800, s5;
	s10 =	ssub.s32 s10, s13  }
0xc: {  	s5 =	sadd.s32 s12, s5;
	s30 =	sadd.s32 s8, s7;
	s12 =	sshrl.u32 s29, $0x3  }
0xd: {  	s13 =	simm.s32 $0x7D;
	s11 =	sadd.s32 s5, s11;
	s5 =	sadd.s32 $0x18000, s9  }
0xe: {  	s6 =	sadd.s32 $0x1AA00, s30;
	s7 =	smax.u32 s10, $0x1;
	s9 =	simm.s32 $0x2  }
0xf: {  	s10 =	simm.s32 $0x2800;
	s8 =	sadd.s32 $0x5000, s11;
	s11 =	sor.u32 $0x1C02, s31  }
.LBB2_1:
0x10: {  	[tilespmem:s3], [sflag:$0x2] =	stream.linear.gather [hbm4b:s8+s3], $0x2800, $0x38;
	[tilespmem:$0x3FE8] =	vst v63  }
0x11: {  	_ =	swait.ge [sflag:s9], $0x2800  }
0x12: {  	[sflag:s9] =	ssyncset.done $0x0  }
0x13: {  	[sflag:s9] =	ssyncadd.s32 $0xFFFFD800  }
0x14: {  	[tilespmem:s10], [sflag:$0x2] =	stream.linear.gather [hbm4b:s4+s3], $0x3E8, $0x38;
	[tilespmem:$0x3FE8] =	vst v63  }
0x15: {  	_ =	swait.ge [sflag:s9], $0x3E8  }
0x16: {  	[sflag:s9] =	ssyncset.done $0x0  }
0x17: {  	[sflag:s9] =	ssyncadd.s32 $0xFFFFFC18  }
0x18: {  	[spmem:s12], [sflag:s11] =	dma.local [hbm:s5], $0x280  }
0x19: {  	_ =	swait.ge [sflag:s9], $0x280  }
0x1a: {  	[sflag:s9] =	ssyncset.done $0x0  }
0x1b: {  	[sflag:s9] =	ssyncadd.s32 $0xFFFFFD80  }
0x1c: {  	s16 =	simm.s32 $0x0;
	[bflag:$0x0] =	sbarrier.arrive $0xFFFF  }
.LBB2_2:
0x1d: {  	p0 =	sne.s32 s16, $0x9E00  }
.Ltmp0:
0x1e: {  	_ = 	snop;
	(pc) =	sbr.rel @p0 .LBB2_2-.Ltmp0, $3  }
0x1f: {  	_ =	sdelay $0x1  }
0x20: {  	s17 =	sshra.s32 s16, $0x2;
	s16 =	sadd.s32 $0x200, s16  }
0x21: {  	[spmem:s2] =	stream.indirect.scatter.add.f32 [tilespmem:s10], [sflag:$0x1], $0x8, s17, s13, $0xb8;
	[tilespmem:$0x3FE8] =	vst v63  }
0x22: {  	_ =	swait.ge [sflag:s14], $0x3E8  }
0x23: {  	s16 =	simm.s32 $0x4F;
	[sflag:s14] =	ssyncset.done $0x0  }
.LBB2_4:
0x24: {  	p0 =	sne.s32 s16, $0x1;
	s16 =	sadd.s32 $0xFFFFFFFF, s16;
	[sflag:s14] =	ssyncadd.s32 $0xFFFFFC18  }
.Ltmp1:
0x25: {  	(pc) =	sbr.rel @p0 .LBB2_4-.Ltmp1, $3  }
0x26: {  	_ =	sdelay $0x1  }
0x27: {  	_ =	swait.ge [sflag:s14], $0x3E8  }
0x28: {  	[sflag:s14] =	ssyncset.done $0x0  }
0x29: {  	s15 =	sadd.s32 $0x1, s15  }
0x2a: {  	[sflag:s14] =	ssyncadd.s32 $0xFFFFFC18;
	p0 =	sne.s32 s15, s7  }
.Ltmp2:
0x2b: {  	[bflag:$0x0] =	sbarrier.arrive $0xFFFF;
	(pc) =	sbr.rel @p0 .LBB2_1-.Ltmp2, $4  }
0x2c: {  	[hbm:s6], [sflag:s11] =	dma.local [spmem:s12], $0x280  }
0x2d: {  	_ =	swait.ge [sflag:s9], $0x280  }
0x2e: {  	[sflag:s9] =	ssyncset.done $0x0  }
0x2f: {  	[sflag:s9] =	ssyncadd.s32 $0xFFFFFD80  }
0x30: {  	_ =	sfence.sel $0x180000  }
0x31: {  	[bflag:$0x0] =	sbarrier.arrive $0xFFFF  }
0x32: {  	p0 =	sne.s32 s1, $0x0;
	_ =	strace $0x90000047  }
0x33: {  	s0 =	sadd.s32 @!p0 $0x100000, s0;
	[bflag:$0x2] =	sbarrier.arrive $0xFFFF  }
0x34: {  	[sflag:s0] =	ssyncadd.tile.s32 @!p0 $0x1;
	_ =	shalt  }
.Lfunc_end2:
_tile_overlayer_lowered:
.L_overlay_start_2:
0x35: {  	(tag) =	ssettag $0x2  }
0x36: {  	s0 =	rddreg [dreg:$0x0];
	s2 =	stileid.u32  }
0x37: {  	s1 =	rddreg [dreg:$0x1];
	p0 =	sne.s32 s2, $0x0  }
0x38: {  	s3 =	rddreg [dreg:$0x2];
	[bflag:$0x3] =	sbarrier.arrive $0xFFFF;
	s2 =	simm.s32 @!p0 $0x1C02  }
0x39: {  	[timem:s3], [sflag:s2] =	dma.local @!p0 [hbm:s0], s1  }
0x3a: {  	s0 =	simm.s32 @!p0 $0x2  }
0x3b: {  	_ =	swait.ge @!p0 [sflag:s0], s1  }
0x3c: {  	s1 =	ssub.s32 @!p0 $0x0, s1;
	[sflag:s0] =	ssyncset.done @!p0 $0x0  }
0x3d: {  	[sflag:s0] =	ssyncadd.s32 @!p0 s1  }
0x3e: {  	[bflag:$0x3] =	sbarrier.arrive $0xFFFF  }
0x3f: {  	_ =	shalt  }

</sc_bundles>
